<compile_context>
chip_gen: v7x
topology: tpu7x:2x2x1
jax: 0.10.2.dev20260603
libtpu: 0.0.44.dev20260713+nightly
codegen_flags: <defaults>
</compile_context>

<pallas_src>
import functools

import jax
import jax.numpy as jnp
from jax import lax
from jax.experimental import pallas as pl
from jax.experimental.pallas import tpu as pltpu
from jax.experimental.pallas import tpu_sc as plsc

N = 10000
E = 320000
D = 128
H = 128

BN = 2000
BE = 2000

CH = 2
E2 = E // CH
NW = 32
EPW = E2 // NW
GC = 128
NFULL = EPW // GC
REM = EPW - NFULL * GC


def _silu(x):
    return x * jax.nn.sigmoid(x)



def _pre_body(h_ref, wa_ref, wb_ref, a_ref, b_ref):
    h = h_ref[...]
    a_ref[...] = jnp.dot(h, wa_ref[...], preferred_element_type=jnp.float32)
    b_ref[...] = jnp.dot(h, wb_ref[...], preferred_element_type=jnp.float32)


def _precompute_ab(h, WaT, WbT):
    grid = (N // BN,)
    return pl.pallas_call(
        _pre_body,
        grid=grid,
        in_specs=[
            pl.BlockSpec((BN, D), lambda i: (i, 0)),
            pl.BlockSpec((D, H), lambda i: (0, 0)),
            pl.BlockSpec((D, H), lambda i: (0, 0)),
        ],
        out_specs=[
            pl.BlockSpec((BN, H), lambda i: (i, 0)),
            pl.BlockSpec((BN, H), lambda i: (i, 0)),
        ],
        out_shape=[
            jax.ShapeDtypeStruct((N, H), jnp.float32),
            jax.ShapeDtypeStruct((N, H), jnp.float32),
        ],
    )(h, WaT, WbT)



def _sc_gather_body(a_t, b_t, c_t, rowi, coli, g1, g2, c1, c2,
                    idx1_l, idx2_l, g1_v, g2_v, c1_v, c2_v,
                    sem1, sem2, sem3, sem4, sem5, sem6, sem7, sem8,
                    sem9, sem10, sem11, sem12, sem13, sem14, sem15, sem16):
    wid = lax.axis_index("c") * 16 + lax.axis_index("s")
    base = wid * EPW

    pltpu.sync_copy(rowi.at[pl.ds(base, EPW)], idx1_l)
    pltpu.sync_copy(coli.at[pl.ds(base, EPW)], idx2_l)

    def gather_issue(i, slot, sems, n):
        off = i * GC
        i1 = idx1_l.at[pl.ds(off, n)]
        i2 = idx2_l.at[pl.ds(off, n)]
        return (
            pltpu.async_copy(a_t.at[i1], g1_v.at[slot].at[pl.ds(0, n)], sems[0]),
            pltpu.async_copy(b_t.at[i2], g2_v.at[slot].at[pl.ds(0, n)], sems[1]),
            pltpu.async_copy(c_t.at[i1], c1_v.at[slot].at[pl.ds(0, n)], sems[2]),
            pltpu.async_copy(c_t.at[i2], c2_v.at[slot].at[pl.ds(0, n)], sems[3]),
        )

    def wb_issue(i, slot, sems, n):
        off = base + i * GC
        return (
            pltpu.async_copy(g1_v.at[slot].at[pl.ds(0, n)], g1.at[pl.ds(off, n)], sems[0]),
            pltpu.async_copy(g2_v.at[slot].at[pl.ds(0, n)], g2.at[pl.ds(off, n)], sems[1]),
            pltpu.async_copy(c1_v.at[slot].at[pl.ds(0, n)], c1.at[pl.ds(off, n)], sems[2]),
            pltpu.async_copy(c2_v.at[slot].at[pl.ds(0, n)], c2.at[pl.ds(off, n)], sems[3]),
        )

    ga_sems = (sem1, sem2, sem3, sem4)
    gb_sems = (sem5, sem6, sem7, sem8)
    wa_sems = (sem9, sem10, sem11, sem12)
    wb_sems = (sem13, sem14, sem15, sem16)

    def pair(j, carry):
        i0 = 2 * j
        i1 = i0 + 1
        ga = gather_issue(i0, 0, ga_sems, GC)
        gb = gather_issue(i1, 1, gb_sems, GC)
        for cp in ga:
            cp.wait()
        wa = wb_issue(i0, 0, wa_sems, GC)
        for cp in gb:
            cp.wait()
        wb = wb_issue(i1, 1, wb_sems, GC)
        for cp in wa:
            cp.wait()
        for cp in wb:
            cp.wait()
        return carry

    lax.fori_loop(0, NFULL // 2, pair, 0)

    for i, n in ([(NFULL - 1, GC)] if NFULL % 2 else []) + [(NFULL, REM)]:
        ga = gather_issue(i, 0, ga_sems, n)
        for cp in ga:
            cp.wait()
        wa = wb_issue(i, 0, wa_sems, n)
        for cp in wa:
            cp.wait()


@functools.cache
def _sc_gather():
    return functools.partial(
        pl.kernel,
        out_type=[jax.ShapeDtypeStruct((E2, H), jnp.float32),
                  jax.ShapeDtypeStruct((E2, H), jnp.float32),
                  jax.ShapeDtypeStruct((E2, 16), jnp.float32),
                  jax.ShapeDtypeStruct((E2, 16), jnp.float32)],
        mesh=plsc.VectorSubcoreMesh(core_axis_name="c", subcore_axis_name="s"),
        compiler_params=pltpu.CompilerParams(use_tc_tiling_on_sc=False),
        scratch_types=[
            pltpu.VMEM((EPW,), jnp.int32),
            pltpu.VMEM((EPW,), jnp.int32),
            pltpu.VMEM((2, GC, H), jnp.float32),
            pltpu.VMEM((2, GC, H), jnp.float32),
            pltpu.VMEM((2, GC, 16), jnp.float32),
            pltpu.VMEM((2, GC, 16), jnp.float32),
        ] + [pltpu.SemaphoreType.DMA] * 16,
    )(_sc_gather_body)



def _edge_body(g1_ref, g2_ref, c1_ref, c2_ref, w2_ref, wc1_ref, wc2_ref,
               we1r_ref, be1_ref, be2_ref, bc1_ref, ef_ref, tr_ref):
    cd = c1_ref[...] - c2_ref[...]
    lane = lax.broadcasted_iota(jnp.int32, cd.shape, 1)
    radial = jnp.sum(cd * cd, axis=1, keepdims=True)
    m = _silu(g1_ref[...] + g2_ref[...] + radial * we1r_ref[...] + be1_ref[...])
    ef = _silu(jnp.dot(m, w2_ref[...], preferred_element_type=jnp.float32)
               + be2_ref[...])
    p = _silu(jnp.dot(ef, wc1_ref[...], preferred_element_type=jnp.float32)
              + bc1_ref[...])
    scale = jnp.sum(p * wc2_ref[...], axis=1, keepdims=True)
    tr = cd * scale
    tr_ref[...] = jnp.where(lane == 3, 1.0, tr)
    ef_ref[...] = ef


def _edge_mlp(G1, G2, C1, C2, We2T, Wc1T, wc2row, we1rr, be1r, be2r, bc1r):
    grid = (E2 // BE,)
    return pl.pallas_call(
        _edge_body,
        grid=grid,
        in_specs=[
            pl.BlockSpec((BE, H), lambda i: (i, 0)),
            pl.BlockSpec((BE, H), lambda i: (i, 0)),
            pl.BlockSpec((BE, 16), lambda i: (i, 0)),
            pl.BlockSpec((BE, 16), lambda i: (i, 0)),
            pl.BlockSpec((H, H), lambda i: (0, 0)),
            pl.BlockSpec((H, H), lambda i: (0, 0)),
            pl.BlockSpec((1, H), lambda i: (0, 0)),
            pl.BlockSpec((1, H), lambda i: (0, 0)),
            pl.BlockSpec((1, H), lambda i: (0, 0)),
            pl.BlockSpec((1, H), lambda i: (0, 0)),
            pl.BlockSpec((1, H), lambda i: (0, 0)),
        ],
        out_specs=[
            pl.BlockSpec((BE, H), lambda i: (i, 0)),
            pl.BlockSpec((BE, 16), lambda i: (i, 0)),
        ],
        out_shape=[
            jax.ShapeDtypeStruct((E2, H), jnp.float32),
            jax.ShapeDtypeStruct((E2, 16), jnp.float32),
        ],
    )(G1, G2, C1, C2, We2T, Wc1T, wc2row, we1rr, be1r, be2r, bc1r)



NPS = N // 16


def _sc_scatter_body(ef, tr, rowi, zh, zt, agg_o, trn_o,
                     idx_l, ef_v, tr_v, agg_sh, trn_sh):
    c = lax.axis_index("c")
    s = lax.axis_index("s")
    wid = c * 16 + s
    base = wid * EPW

    pltpu.sync_copy(rowi.at[pl.ds(base, EPW)], idx_l)
    pltpu.sync_copy(zh.at[c].at[pl.ds(s * NPS, NPS)],
                    agg_sh.at[pl.ds(s * NPS, NPS)])
    pltpu.sync_copy(zt.at[c].at[pl.ds(s * NPS, NPS)],
                    trn_sh.at[pl.ds(s * NPS, NPS)])
    plsc.subcore_barrier()

    def chunk(i, carry):
        off = i * GC
        idx = idx_l.at[pl.ds(off, GC)]
        pltpu.sync_copy(ef.at[pl.ds(base + off, GC)], ef_v)
        pltpu.sync_copy(tr.at[pl.ds(base + off, GC)], tr_v)
        pltpu.sync_copy(ef_v, agg_sh.at[idx], add=True)
        pltpu.sync_copy(tr_v, trn_sh.at[idx], add=True)
        return carry

    lax.fori_loop(0, NFULL, chunk, 0)

    off = NFULL * GC
    idx = idx_l.at[pl.ds(off, REM)]
    pltpu.sync_copy(ef.at[pl.ds(base + off, REM)], ef_v.at[pl.ds(0, REM)])
    pltpu.sync_copy(tr.at[pl.ds(base + off, REM)], tr_v.at[pl.ds(0, REM)])
    pltpu.sync_copy(ef_v.at[pl.ds(0, REM)], agg_sh.at[idx], add=True)
    pltpu.sync_copy(tr_v.at[pl.ds(0, REM)], trn_sh.at[idx], add=True)
    plsc.subcore_barrier()

    pltpu.sync_copy(agg_sh.at[pl.ds(s * NPS, NPS)],
                    agg_o.at[c].at[pl.ds(s * NPS, NPS)])
    pltpu.sync_copy(trn_sh.at[pl.ds(s * NPS, NPS)],
                    trn_o.at[c].at[pl.ds(s * NPS, NPS)])


@functools.cache
def _sc_scatter():
    return functools.partial(
        pl.kernel,
        out_type=[jax.ShapeDtypeStruct((2, N, H), jnp.float32),
                  jax.ShapeDtypeStruct((2, N, 16), jnp.float32)],
        mesh=plsc.VectorSubcoreMesh(core_axis_name="c", subcore_axis_name="s"),
        compiler_params=pltpu.CompilerParams(use_tc_tiling_on_sc=False),
        scratch_types=[
            pltpu.VMEM((EPW,), jnp.int32),
            pltpu.VMEM((GC, H), jnp.float32),
            pltpu.VMEM((GC, 16), jnp.float32),
            pltpu.VMEM_SHARED((N, H), jnp.float32),
            pltpu.VMEM_SHARED((N, 16), jnp.float32),
        ],
    )(_sc_scatter_body)



def _node_body(h_ref, agg_ref, tr_ref, cp_ref, wn1a_ref, wn1b_ref, wn2_ref,
               bn1_ref, bn2_ref, ho_ref, co_ref):
    h = h_ref[...]
    agg = jnp.sum(agg_ref[...], axis=0)
    o = _silu(jnp.dot(h, wn1a_ref[...], preferred_element_type=jnp.float32)
              + jnp.dot(agg, wn1b_ref[...], preferred_element_type=jnp.float32)
              + bn1_ref[...])
    ho_ref[...] = h + jnp.dot(o, wn2_ref[...], preferred_element_type=jnp.float32) \
        + bn2_ref[...]
    tr = jnp.sum(tr_ref[...], axis=0)
    cnt = jnp.clip(tr[:, 3:4], 1.0, None)
    co_ref[...] = cp_ref[...] + tr / cnt


def _node_mlp(h, agg, tr, coordp, Wn1aT, Wn1bT, Wn2T, bn1r, bn2r):
    grid = (N // BN,)
    return pl.pallas_call(
        _node_body,
        grid=grid,
        in_specs=[
            pl.BlockSpec((BN, D), lambda i: (i, 0)),
            pl.BlockSpec((2, BN, H), lambda i: (0, i, 0)),
            pl.BlockSpec((2, BN, 16), lambda i: (0, i, 0)),
            pl.BlockSpec((BN, 16), lambda i: (i, 0)),
            pl.BlockSpec((D, H), lambda i: (0, 0)),
            pl.BlockSpec((H, H), lambda i: (0, 0)),
            pl.BlockSpec((H, D), lambda i: (0, 0)),
            pl.BlockSpec((1, H), lambda i: (0, 0)),
            pl.BlockSpec((1, D), lambda i: (0, 0)),
        ],
        out_specs=[
            pl.BlockSpec((BN, D), lambda i: (i, 0)),
            pl.BlockSpec((BN, 16), lambda i: (i, 0)),
        ],
        out_shape=[
            jax.ShapeDtypeStruct((N, D), jnp.float32),
            jax.ShapeDtypeStruct((N, 16), jnp.float32),
        ],
    )(h, agg, tr, coordp, Wn1aT, Wn1bT, Wn2T, bn1r, bn2r)



def kernel(h, coord, edge_index, We1, be1, We2, be2, Wn1, bn1, Wn2, bn2,
           Wc1, bc1, Wc2):
    row, col = edge_index[0], edge_index[1]
    WaT = We1[:, :D].T
    WbT = We1[:, D:2 * D].T
    we1r = We1[:, 2 * D]

    A, B = _precompute_ab(h, WaT, WbT)

    coordp = jnp.pad(coord, ((0, 0), (0, 13)))

    aggp = jnp.zeros((2, N, H), jnp.float32)
    trnp = jnp.zeros((2, N, 16), jnp.float32)
    for k in range(CH):
        rk = lax.slice_in_dim(row, k * E2, (k + 1) * E2)
        ck = lax.slice_in_dim(col, k * E2, (k + 1) * E2)
        G1, G2, C1, C2 = _sc_gather()(A, B, coordp, rk, ck)
        ef, tr = _edge_mlp(G1, G2, C1, C2, We2.T, Wc1.T, Wc2.reshape(1, H),
                           we1r.reshape(1, H), be1.reshape(1, H),
                           be2.reshape(1, H), bc1.reshape(1, H))
        aggp, trnp = _sc_scatter()(ef, tr, rk, aggp, trnp)

    h_out, co16 = _node_mlp(h, aggp, trnp, coordp, Wn1[:, :D].T, Wn1[:, D:].T,
                            Wn2.T, bn1.reshape(1, H), bn2.reshape(1, D))
    return (h_out, co16[:, :3])

# --- scband reference (transcript-rebuilt; emitter-appended) ---
"""Pipeline reference for scband-e-gcl-18339510354274 (READ-ONLY COPY).

The authoritative reference and input builder live on the scoring server;
editing this copy changes nothing except your own understanding.
"""

import jax, jax.numpy as jnp
import numpy as np

N = 10000
E = 320000
D = 128
H = 128


def _lin(x, W, b=None):
    y = x @ W.T
    return y if b is None else y + b


def setup_inputs(seed: int = 0):
    key = jax.random.key(seed)
    ks = jax.random.split(key, 16)

    def w(k, o, i):
        return (jax.random.normal(k, (o, i), dtype=jnp.float32) / np.sqrt(i)).astype(jnp.float32)

    inp = {
        "h": jax.random.normal(ks[0], (N, D), dtype=jnp.float32),
        "coord": jax.random.normal(ks[1], (N, 3), dtype=jnp.float32),
        "edge_index": jax.random.randint(ks[2], (2, E), 0, N, dtype=jnp.int32),
        "We1": w(ks[3], H, 2 * D + 1), "be1": jnp.zeros((H,), jnp.float32),
        "We2": w(ks[4], H, H), "be2": jnp.zeros((H,), jnp.float32),
        "Wn1": w(ks[5], H, H + D), "bn1": jnp.zeros((H,), jnp.float32),
        "Wn2": w(ks[6], D, H), "bn2": jnp.zeros((D,), jnp.float32),
        "Wc1": w(ks[7], H, H), "bc1": jnp.zeros((H,), jnp.float32),
        "Wc2": w(ks[8], 1, H),
    }
    return inp


def reference(h, coord, edge_index, We1, be1, We2, be2, Wn1, bn1, Wn2, bn2, Wc1, bc1, Wc2):
    row, col = edge_index[0], edge_index[1]
    # radial / coord_diff
    coord_diff = coord[row] - coord[col]
    radial = jnp.sum(coord_diff ** 2, axis=1, keepdims=True)
    # edge_model (edge_attr=None, attention=False)
    edge_in = jnp.concatenate([h[row], h[col], radial], axis=1)
    m = jax.nn.silu(_lin(edge_in, We1, be1))
    edge_feat = jax.nn.silu(_lin(m, We2, be2))
    # coord_model: trans = coord_diff * coord_mlp(edge_feat); unsorted_segment_mean over row
    scale = _lin(jax.nn.silu(_lin(edge_feat, Wc1, bc1)), Wc2)
    trans = coord_diff * scale
    seg = jax.ops.segment_sum(trans, row, num_segments=N)
    cnt = jax.ops.segment_sum(jnp.ones((E, 1), jnp.float32), row, num_segments=N)
    coord_out = coord + seg / jnp.clip(cnt, 1.0, None)
    # node_model: unsorted_segment_sum over row, residual
    agg = jax.ops.segment_sum(edge_feat, row, num_segments=N)
    out = jax.nn.silu(_lin(jnp.concatenate([h, agg], axis=1), Wn1, bn1))
    out = _lin(out, Wn2, bn2)
    h_out = h + out
    return (h_out, coord_out)

if __name__ == "__main__":
    import jax
    _d = setup_inputs()
    print(jax.jit(kernel)(*tuple(_d.values())))

</pallas_src>

<mosaic_0001>
#map = affine_map<(d0, d1) -> (0, 0)>
#map1 = affine_map<(d0, d1) -> (0)>
#map2 = affine_map<(d0, d1) -> (0, 0, 0)>
module attributes {stable_mosaic.version = 14 : i64} {
  func.func @_sc_scatter_body(%arg0: i32, %arg1: i32, %arg2: memref<160000x128xf32, #tpu.memory_space<hbm>>, %arg3: memref<160000x16xf32, #tpu.memory_space<hbm>>, %arg4: memref<160000xi32, #tpu.memory_space<hbm>>, %arg5: memref<2x10000x128xf32, #tpu.memory_space<hbm>>, %arg6: memref<2x10000x16xf32, #tpu.memory_space<hbm>>, %arg7: memref<2x10000x128xf32, #tpu.memory_space<hbm>>, %arg8: memref<2x10000x16xf32, #tpu.memory_space<hbm>>, %arg9: memref<5000xi32, #tpu.memory_space<vmem>>, %arg10: memref<128x128xf32, #tpu.memory_space<vmem>>, %arg11: memref<128x16xf32, #tpu.memory_space<vmem>>, %arg12: memref<10000x128xf32, #tpu.memory_space<vmem_shared>>, %arg13: memref<10000x16xf32, #tpu.memory_space<vmem_shared>>) attributes {dimension_semantics = [#tpu.dimension_semantics<core_parallel>, #tpu.dimension_semantics<subcore_parallel>], iteration_bounds = array<i64: 2, 16>, scalar_prefetch = 0 : i64, scratch_operands = 5 : i64, tpu.core_type = #tpu.core_type<sc_vector_subcore>, window_params = [{transform_indices = #map}, {transform_indices = #map}, {transform_indices = #map1}, {transform_indices = #map2}, {transform_indices = #map2}, {transform_indices = #map2}, {transform_indices = #map2}]} {
    %mul3A = arith.constant 16 : i32
    %mul3A_0 = arith.muli %arg0, %mul3A : i32
    %add3A = arith.addi %mul3A_0, %arg1 : i32
    %mul3A_1 = arith.constant 5000 : i32
    %mul3A_2 = arith.muli %add3A, %mul3A_1 : i32
    "tpu.region"() ({
      %run_scoped3A = tpu.sem_alloc : memref<!tpu.dma_semaphore, #tpu.memory_space<semaphore_mem>>
      %dma_start3A = tpu.memref_slice %arg4[%mul3A_2] : memref<160000xi32, #tpu.memory_space<hbm>> -> memref<5000xi32, #tpu.memory_space<hbm>>
      %dma_start3A_29 = tpu.memref_slice %arg4[%mul3A_2] : memref<160000xi32, #tpu.memory_space<hbm>> -> memref<5000xi32, #tpu.memory_space<hbm>>
      tpu.enqueue_dma source(%dma_start3A_29 : memref<5000xi32, #tpu.memory_space<hbm>>) target(%arg9 : memref<5000xi32, #tpu.memory_space<vmem>>) target_semaphore(%run_scoped3A : memref<!tpu.dma_semaphore, #tpu.memory_space<semaphore_mem>>)
      %dma_wait3A = tpu.memref_slice %arg4[%mul3A_2] : memref<160000xi32, #tpu.memory_space<hbm>> -> memref<5000xi32, #tpu.memory_space<hbm>>
      %dma_wait3A_30 = tpu.memref_slice %arg4[%mul3A_2] : memref<160000xi32, #tpu.memory_space<hbm>> -> memref<5000xi32, #tpu.memory_space<hbm>>
      tpu.wait_dma2 semaphore(%run_scoped3A : memref<!tpu.dma_semaphore, #tpu.memory_space<semaphore_mem>>) src(%dma_wait3A_30 : memref<5000xi32, #tpu.memory_space<hbm>>) dst(%arg9 : memref<5000xi32, #tpu.memory_space<vmem>>)
      tpu.yield
    }) : () -> ()
    %mul3A_3 = arith.constant 625 : i32
    %mul3A_4 = arith.muli %arg1, %mul3A_3 : i32
    %mul3A_5 = arith.constant 625 : i32
    %mul3A_6 = arith.muli %arg1, %mul3A_5 : i32
    "tpu.region"() ({
      %run_scoped3A = tpu.sem_alloc : memref<!tpu.dma_semaphore, #tpu.memory_space<semaphore_mem>>
      %dma_start3A = arith.constant 0 : i32
      %dma_start3A_29 = tpu.memref_slice %arg12[%mul3A_6, %dma_start3A] : memref<10000x128xf32, #tpu.memory_space<vmem_shared>> -> memref<625x128xf32, #tpu.memory_space<vmem_shared>>
      %dma_start3A_30 = arith.constant 0 : i32
      %dma_start3A_31 = arith.constant 0 : i32
      %dma_start3A_32 = tpu.memref_slice %arg5[%arg0, %dma_start3A_30, %dma_start3A_31] : memref<2x10000x128xf32, #tpu.memory_space<hbm>> -> memref<1x10000x128xf32, #tpu.memory_space<hbm>>
      %dma_start3A_33 = tpu.memref_squeeze %dma_start3A_32 : memref<1x10000x128xf32, #tpu.memory_space<hbm>> -> memref<10000x128xf32, #tpu.memory_space<hbm>>
      %dma_start3A_34 = arith.constant 0 : i32
      %dma_start3A_35 = tpu.memref_slice %dma_start3A_33[%mul3A_4, %dma_start3A_34] : memref<10000x128xf32, #tpu.memory_space<hbm>> -> memref<625x128xf32, #tpu.memory_space<hbm>>
      tpu.enqueue_dma source(%dma_start3A_35 : memref<625x128xf32, #tpu.memory_space<hbm>>) target(%dma_start3A_29 : memref<625x128xf32, #tpu.memory_space<vmem_shared>>) target_semaphore(%run_scoped3A : memref<!tpu.dma_semaphore, #tpu.memory_space<semaphore_mem>>)
      %dma_wait3A = arith.constant 0 : i32
      %dma_wait3A_36 = tpu.memref_slice %arg12[%mul3A_6, %dma_wait3A] : memref<10000x128xf32, #tpu.memory_space<vmem_shared>> -> memref<625x128xf32, #tpu.memory_space<vmem_shared>>
      %dma_wait3A_37 = arith.constant 0 : i32
      %dma_wait3A_38 = arith.constant 0 : i32
      %dma_wait3A_39 = tpu.memref_slice %arg5[%arg0, %dma_wait3A_37, %dma_wait3A_38] : memref<2x10000x128xf32, #tpu.memory_space<hbm>> -> memref<1x10000x128xf32, #tpu.memory_space<hbm>>
      %dma_wait3A_40 = tpu.memref_squeeze %dma_wait3A_39 : memref<1x10000x128xf32, #tpu.memory_space<hbm>> -> memref<10000x128xf32, #tpu.memory_space<hbm>>
      %dma_wait3A_41 = arith.constant 0 : i32
      %dma_wait3A_42 = tpu.memref_slice %dma_wait3A_40[%mul3A_4, %dma_wait3A_41] : memref<10000x128xf32, #tpu.memory_space<hbm>> -> memref<625x128xf32, #tpu.memory_space<hbm>>
      tpu.wait_dma2 semaphore(%run_scoped3A : memref<!tpu.dma_semaphore, #tpu.memory_space<semaphore_mem>>) src(%dma_wait3A_42 : memref<625x128xf32, #tpu.memory_space<hbm>>) dst(%dma_wait3A_36 : memref<625x128xf32, #tpu.memory_space<vmem_shared>>)
      tpu.yield
    }) : () -> ()
    %mul3A_7 = arith.constant 625 : i32
    %mul3A_8 = arith.muli %arg1, %mul3A_7 : i32
    %mul3A_9 = arith.constant 625 : i32
    %mul3A_10 = arith.muli %arg1, %mul3A_9 : i32
    "tpu.region"() ({
      %run_scoped3A = tpu.sem_alloc : memref<!tpu.dma_semaphore, #tpu.memory_space<semaphore_mem>>
      %dma_start3A = arith.constant 0 : i32
      %dma_start3A_29 = tpu.memref_slice %arg13[%mul3A_10, %dma_start3A] : memref<10000x16xf32, #tpu.memory_space<vmem_shared>> -> memref<625x16xf32, #tpu.memory_space<vmem_shared>>
      %dma_start3A_30 = arith.constant 0 : i32
      %dma_start3A_31 = arith.constant 0 : i32
      %dma_start3A_32 = tpu.memref_slice %arg6[%arg0, %dma_start3A_30, %dma_start3A_31] : memref<2x10000x16xf32, #tpu.memory_space<hbm>> -> memref<1x10000x16xf32, #tpu.memory_space<hbm>>
      %dma_start3A_33 = tpu.memref_squeeze %dma_start3A_32 : memref<1x10000x16xf32, #tpu.memory_space<hbm>> -> memref<10000x16xf32, #tpu.memory_space<hbm>>
      %dma_start3A_34 = arith.constant 0 : i32
      %dma_start3A_35 = tpu.memref_slice %dma_start3A_33[%mul3A_8, %dma_start3A_34] : memref<10000x16xf32, #tpu.memory_space<hbm>> -> memref<625x16xf32, #tpu.memory_space<hbm>>
      tpu.enqueue_dma source(%dma_start3A_35 : memref<625x16xf32, #tpu.memory_space<hbm>>) target(%dma_start3A_29 : memref<625x16xf32, #tpu.memory_space<vmem_shared>>) target_semaphore(%run_scoped3A : memref<!tpu.dma_semaphore, #tpu.memory_space<semaphore_mem>>)
      %dma_wait3A = arith.constant 0 : i32
      %dma_wait3A_36 = tpu.memref_slice %arg13[%mul3A_10, %dma_wait3A] : memref<10000x16xf32, #tpu.memory_space<vmem_shared>> -> memref<625x16xf32, #tpu.memory_space<vmem_shared>>
      %dma_wait3A_37 = arith.constant 0 : i32
      %dma_wait3A_38 = arith.constant 0 : i32
      %dma_wait3A_39 = tpu.memref_slice %arg6[%arg0, %dma_wait3A_37, %dma_wait3A_38] : memref<2x10000x16xf32, #tpu.memory_space<hbm>> -> memref<1x10000x16xf32, #tpu.memory_space<hbm>>
      %dma_wait3A_40 = tpu.memref_squeeze %dma_wait3A_39 : memref<1x10000x16xf32, #tpu.memory_space<hbm>> -> memref<10000x16xf32, #tpu.memory_space<hbm>>
      %dma_wait3A_41 = arith.constant 0 : i32
      %dma_wait3A_42 = tpu.memref_slice %dma_wait3A_40[%mul3A_8, %dma_wait3A_41] : memref<10000x16xf32, #tpu.memory_space<hbm>> -> memref<625x16xf32, #tpu.memory_space<hbm>>
      tpu.wait_dma2 semaphore(%run_scoped3A : memref<!tpu.dma_semaphore, #tpu.memory_space<semaphore_mem>>) src(%dma_wait3A_42 : memref<625x16xf32, #tpu.memory_space<hbm>>) dst(%dma_wait3A_36 : memref<625x16xf32, #tpu.memory_space<vmem_shared>>)
      tpu.yield
    }) : () -> ()
    %barrier3A = arith.constant 0 : index
    tpu.barrier barrier_id(%barrier3A)
    %scan3A = arith.constant 0 : i32
    %scan3A_11 = arith.constant 0 : i32
    %scan3A_12 = arith.constant 39 : i32
    %scan3A_13 = arith.addi %scan3A_11, %scan3A_12 : i32
    %scan3A_14 = arith.constant 1 : i32
    scf.for %scan3A_29 = %scan3A_11 to %scan3A_13 step %scan3A_14  : i32 {
      %mul3A_30 = arith.constant 128 : i32
      %mul3A_31 = arith.muli %scan3A_29, %mul3A_30 : i32
      %add3A_32 = arith.addi %mul3A_2, %mul3A_31 : i32
      "tpu.region"() ({
        %run_scoped3A = tpu.sem_alloc : memref<!tpu.dma_semaphore, #tpu.memory_space<semaphore_mem>>
        %dma_start3A = arith.constant 0 : i32
        %dma_start3A_34 = tpu.memref_slice %arg2[%add3A_32, %dma_start3A] : memref<160000x128xf32, #tpu.memory_space<hbm>> -> memref<128x128xf32, #tpu.memory_space<hbm>>
        %dma_start3A_35 = arith.constant 0 : i32
        %dma_start3A_36 = tpu.memref_slice %arg2[%add3A_32, %dma_start3A_35] : memref<160000x128xf32, #tpu.memory_space<hbm>> -> memref<128x128xf32, #tpu.memory_space<hbm>>
        tpu.enqueue_dma source(%dma_start3A_36 : memref<128x128xf32, #tpu.memory_space<hbm>>) target(%arg10 : memref<128x128xf32, #tpu.memory_space<vmem>>) target_semaphore(%run_scoped3A : memref<!tpu.dma_semaphore, #tpu.memory_space<semaphore_mem>>)
        %dma_wait3A = arith.constant 0 : i32
        %dma_wait3A_37 = tpu.memref_slice %arg2[%add3A_32, %dma_wait3A] : memref<160000x128xf32, #tpu.memory_space<hbm>> -> memref<128x128xf32, #tpu.memory_space<hbm>>
        %dma_wait3A_38 = arith.constant 0 : i32
        %dma_wait3A_39 = tpu.memref_slice %arg2[%add3A_32, %dma_wait3A_38] : memref<160000x128xf32, #tpu.memory_space<hbm>> -> memref<128x128xf32, #tpu.memory_space<hbm>>
        tpu.wait_dma2 semaphore(%run_scoped3A : memref<!tpu.dma_semaphore, #tpu.memory_space<semaphore_mem>>) src(%dma_wait3A_39 : memref<128x128xf32, #tpu.memory_space<hbm>>) dst(%arg10 : memref<128x128xf32, #tpu.memory_space<vmem>>)
        tpu.yield
      }) : () -> ()
      %add3A_33 = arith.addi %mul3A_2, %mul3A_31 : i32
      "tpu.region"() ({
        %run_scoped3A = tpu.sem_alloc : memref<!tpu.dma_semaphore, #tpu.memory_space<semaphore_mem>>
        %dma_start3A = arith.constant 0 : i32
        %dma_start3A_34 = tpu.memref_slice %arg3[%add3A_33, %dma_start3A] : memref<160000x16xf32, #tpu.memory_space<hbm>> -> memref<128x16xf32, #tpu.memory_space<hbm>>
        %dma_start3A_35 = arith.constant 0 : i32
        %dma_start3A_36 = tpu.memref_slice %arg3[%add3A_33, %dma_start3A_35] : memref<160000x16xf32, #tpu.memory_space<hbm>> -> memref<128x16xf32, #tpu.memory_space<hbm>>
        tpu.enqueue_dma source(%dma_start3A_36 : memref<128x16xf32, #tpu.memory_space<hbm>>) target(%arg11 : memref<128x16xf32, #tpu.memory_space<vmem>>) target_semaphore(%run_scoped3A : memref<!tpu.dma_semaphore, #tpu.memory_space<semaphore_mem>>)
        %dma_wait3A = arith.constant 0 : i32
        %dma_wait3A_37 = tpu.memref_slice %arg3[%add3A_33, %dma_wait3A] : memref<160000x16xf32, #tpu.memory_space<hbm>> -> memref<128x16xf32, #tpu.memory_space<hbm>>
        %dma_wait3A_38 = arith.constant 0 : i32
        %dma_wait3A_39 = tpu.memref_slice %arg3[%add3A_33, %dma_wait3A_38] : memref<160000x16xf32, #tpu.memory_space<hbm>> -> memref<128x16xf32, #tpu.memory_space<hbm>>
        tpu.wait_dma2 semaphore(%run_scoped3A : memref<!tpu.dma_semaphore, #tpu.memory_space<semaphore_mem>>) src(%dma_wait3A_39 : memref<128x16xf32, #tpu.memory_space<hbm>>) dst(%arg11 : memref<128x16xf32, #tpu.memory_space<vmem>>)
        tpu.yield
      }) : () -> ()
      "tpu.region"() ({
        %run_scoped3A = tpu.sem_alloc : memref<!tpu.dma_semaphore, #tpu.memory_space<semaphore_mem>>
        %dma_start3A = tpu.memref_slice %arg9[%mul3A_31] : memref<5000xi32, #tpu.memory_space<vmem>> -> memref<128xi32, #tpu.memory_space<vmem>>
        %dma_start3A_34 = arith.constant 0 : i32
        %dma_start3A_35 = arith.constant 0 : i32
        %dma_start3A_36 = tpu.memref_slice %arg12[%dma_start3A_34, %dma_start3A_35] : memref<10000x128xf32, #tpu.memory_space<vmem_shared>> -> memref<10000x128xf32, #tpu.memory_space<vmem_shared>>
        tpu.enqueue_indirect_dma source(%arg10 : memref<128x128xf32, #tpu.memory_space<vmem>>) target(%dma_start3A_36 : memref<10000x128xf32, #tpu.memory_space<vmem_shared>>) offsets(%dma_start3A : memref<128xi32, #tpu.memory_space<vmem>>) semaphore(%run_scoped3A : memref<!tpu.dma_semaphore, #tpu.memory_space<semaphore_mem>>) {add = true}
        %dma_wait3A = tpu.memref_slice %arg9[%mul3A_31] : memref<5000xi32, #tpu.memory_space<vmem>> -> memref<128xi32, #tpu.memory_space<vmem>>
        %dma_wait3A_37 = arith.constant 0 : i32
        %dma_wait3A_38 = arith.constant 0 : i32
        %dma_wait3A_39 = tpu.memref_slice %arg12[%dma_wait3A_37, %dma_wait3A_38] : memref<10000x128xf32, #tpu.memory_space<vmem_shared>> -> memref<10000x128xf32, #tpu.memory_space<vmem_shared>>
        tpu.wait_indirect_dma semaphore(%run_scoped3A : memref<!tpu.dma_semaphore, #tpu.memory_space<semaphore_mem>>) src(%arg10 : memref<128x128xf32, #tpu.memory_space<vmem>>) dst(%dma_wait3A_39 : memref<10000x128xf32, #tpu.memory_space<vmem_shared>>)
        tpu.yield
      }) : () -> ()
      "tpu.region"() ({
        %run_scoped3A = tpu.sem_alloc : memref<!tpu.dma_semaphore, #tpu.memory_space<semaphore_mem>>
        %dma_start3A = tpu.memref_slice %arg9[%mul3A_31] : memref<5000xi32, #tpu.memory_space<vmem>> -> memref<128xi32, #tpu.memory_space<vmem>>
        %dma_start3A_34 = arith.constant 0 : i32
        %dma_start3A_35 = arith.constant 0 : i32
        %dma_start3A_36 = tpu.memref_slice %arg13[%dma_start3A_34, %dma_start3A_35] : memref<10000x16xf32, #tpu.memory_space<vmem_shared>> -> memref<10000x16xf32, #tpu.memory_space<vmem_shared>>
        tpu.enqueue_indirect_dma source(%arg11 : memref<128x16xf32, #tpu.memory_space<vmem>>) target(%dma_start3A_36 : memref<10000x16xf32, #tpu.memory_space<vmem_shared>>) offsets(%dma_start3A : memref<128xi32, #tpu.memory_space<vmem>>) semaphore(%run_scoped3A : memref<!tpu.dma_semaphore, #tpu.memory_space<semaphore_mem>>) {add = true}
        %dma_wait3A = tpu.memref_slice %arg9[%mul3A_31] : memref<5000xi32, #tpu.memory_space<vmem>> -> memref<128xi32, #tpu.memory_space<vmem>>
        %dma_wait3A_37 = arith.constant 0 : i32
        %dma_wait3A_38 = arith.constant 0 : i32
        %dma_wait3A_39 = tpu.memref_slice %arg13[%dma_wait3A_37, %dma_wait3A_38] : memref<10000x16xf32, #tpu.memory_space<vmem_shared>> -> memref<10000x16xf32, #tpu.memory_space<vmem_shared>>
        tpu.wait_indirect_dma semaphore(%run_scoped3A : memref<!tpu.dma_semaphore, #tpu.memory_space<semaphore_mem>>) src(%arg11 : memref<128x16xf32, #tpu.memory_space<vmem>>) dst(%dma_wait3A_39 : memref<10000x16xf32, #tpu.memory_space<vmem_shared>>)
        tpu.yield
      }) : () -> ()
    }
    %scan3A_15 = arith.constant 39 : i32
    %add3A_16 = arith.constant 4992 : i32
    %add3A_17 = arith.addi %mul3A_2, %add3A_16 : i32
    "tpu.region"() ({
      %run_scoped3A = tpu.sem_alloc : memref<!tpu.dma_semaphore, #tpu.memory_space<semaphore_mem>>
      %dma_start3A = arith.constant 0 : i32
      %dma_start3A_29 = arith.constant 0 : i32
      %dma_start3A_30 = tpu.memref_slice %arg10[%dma_start3A, %dma_start3A_29] : memref<128x128xf32, #tpu.memory_space<vmem>> -> memref<8x128xf32, #tpu.memory_space<vmem>>
      %dma_start3A_31 = arith.constant 0 : i32
      %dma_start3A_32 = tpu.memref_slice %arg2[%add3A_17, %dma_start3A_31] : memref<160000x128xf32, #tpu.memory_space<hbm>> -> memref<8x128xf32, #tpu.memory_space<hbm>>
      %dma_start3A_33 = arith.constant 0 : i32
      %dma_start3A_34 = arith.constant 0 : i32
      %dma_start3A_35 = tpu.memref_slice %arg10[%dma_start3A_33, %dma_start3A_34] : memref<128x128xf32, #tpu.memory_space<vmem>> -> memref<8x128xf32, #tpu.memory_space<vmem>>
      %dma_start3A_36 = arith.constant 0 : i32
      %dma_start3A_37 = tpu.memref_slice %arg2[%add3A_17, %dma_start3A_36] : memref<160000x128xf32, #tpu.memory_space<hbm>> -> memref<8x128xf32, #tpu.memory_space<hbm>>
      tpu.enqueue_dma source(%dma_start3A_37 : memref<8x128xf32, #tpu.memory_space<hbm>>) target(%dma_start3A_35 : memref<8x128xf32, #tpu.memory_space<vmem>>) target_semaphore(%run_scoped3A : memref<!tpu.dma_semaphore, #tpu.memory_space<semaphore_mem>>)
      %dma_wait3A = arith.constant 0 : i32
      %dma_wait3A_38 = arith.constant 0 : i32
      %dma_wait3A_39 = tpu.memref_slice %arg10[%dma_wait3A, %dma_wait3A_38] : memref<128x128xf32, #tpu.memory_space<vmem>> -> memref<8x128xf32, #tpu.memory_space<vmem>>
      %dma_wait3A_40 = arith.constant 0 : i32
      %dma_wait3A_41 = tpu.memref_slice %arg2[%add3A_17, %dma_wait3A_40] : memref<160000x128xf32, #tpu.memory_space<hbm>> -> memref<8x128xf32, #tpu.memory_space<hbm>>
      %dma_wait3A_42 = arith.constant 0 : i32
      %dma_wait3A_43 = arith.constant 0 : i32
      %dma_wait3A_44 = tpu.memref_slice %arg10[%dma_wait3A_42, %dma_wait3A_43] : memref<128x128xf32, #tpu.memory_space<vmem>> -> memref<8x128xf32, #tpu.memory_space<vmem>>
      %dma_wait3A_45 = arith.constant 0 : i32
      %dma_wait3A_46 = tpu.memref_slice %arg2[%add3A_17, %dma_wait3A_45] : memref<160000x128xf32, #tpu.memory_space<hbm>> -> memref<8x128xf32, #tpu.memory_space<hbm>>
      tpu.wait_dma2 semaphore(%run_scoped3A : memref<!tpu.dma_semaphore, #tpu.memory_space<semaphore_mem>>) src(%dma_wait3A_46 : memref<8x128xf32, #tpu.memory_space<hbm>>) dst(%dma_wait3A_44 : memref<8x128xf32, #tpu.memory_space<vmem>>)
      tpu.yield
    }) : () -> ()
    %add3A_18 = arith.constant 4992 : i32
    %add3A_19 = arith.addi %mul3A_2, %add3A_18 : i32
    "tpu.region"() ({
      %run_scoped3A = tpu.sem_alloc : memref<!tpu.dma_semaphore, #tpu.memory_space<semaphore_mem>>
      %dma_start3A = arith.constant 0 : i32
      %dma_start3A_29 = arith.constant 0 : i32
      %dma_start3A_30 = tpu.memref_slice %arg11[%dma_start3A, %dma_start3A_29] : memref<128x16xf32, #tpu.memory_space<vmem>> -> memref<8x16xf32, #tpu.memory_space<vmem>>
      %dma_start3A_31 = arith.constant 0 : i32
      %dma_start3A_32 = tpu.memref_slice %arg3[%add3A_19, %dma_start3A_31] : memref<160000x16xf32, #tpu.memory_space<hbm>> -> memref<8x16xf32, #tpu.memory_space<hbm>>
      %dma_start3A_33 = arith.constant 0 : i32
      %dma_start3A_34 = arith.constant 0 : i32
      %dma_start3A_35 = tpu.memref_slice %arg11[%dma_start3A_33, %dma_start3A_34] : memref<128x16xf32, #tpu.memory_space<vmem>> -> memref<8x16xf32, #tpu.memory_space<vmem>>
      %dma_start3A_36 = arith.constant 0 : i32
      %dma_start3A_37 = tpu.memref_slice %arg3[%add3A_19, %dma_start3A_36] : memref<160000x16xf32, #tpu.memory_space<hbm>> -> memref<8x16xf32, #tpu.memory_space<hbm>>
      tpu.enqueue_dma source(%dma_start3A_37 : memref<8x16xf32, #tpu.memory_space<hbm>>) target(%dma_start3A_35 : memref<8x16xf32, #tpu.memory_space<vmem>>) target_semaphore(%run_scoped3A : memref<!tpu.dma_semaphore, #tpu.memory_space<semaphore_mem>>)
      %dma_wait3A = arith.constant 0 : i32
      %dma_wait3A_38 = arith.constant 0 : i32
      %dma_wait3A_39 = tpu.memref_slice %arg11[%dma_wait3A, %dma_wait3A_38] : memref<128x16xf32, #tpu.memory_space<vmem>> -> memref<8x16xf32, #tpu.memory_space<vmem>>
      %dma_wait3A_40 = arith.constant 0 : i32
      %dma_wait3A_41 = tpu.memref_slice %arg3[%add3A_19, %dma_wait3A_40] : memref<160000x16xf32, #tpu.memory_space<hbm>> -> memref<8x16xf32, #tpu.memory_space<hbm>>
      %dma_wait3A_42 = arith.constant 0 : i32
      %dma_wait3A_43 = arith.constant 0 : i32
      %dma_wait3A_44 = tpu.memref_slice %arg11[%dma_wait3A_42, %dma_wait3A_43] : memref<128x16xf32, #tpu.memory_space<vmem>> -> memref<8x16xf32, #tpu.memory_space<vmem>>
      %dma_wait3A_45 = arith.constant 0 : i32
      %dma_wait3A_46 = tpu.memref_slice %arg3[%add3A_19, %dma_wait3A_45] : memref<160000x16xf32, #tpu.memory_space<hbm>> -> memref<8x16xf32, #tpu.memory_space<hbm>>
      tpu.wait_dma2 semaphore(%run_scoped3A : memref<!tpu.dma_semaphore, #tpu.memory_space<semaphore_mem>>) src(%dma_wait3A_46 : memref<8x16xf32, #tpu.memory_space<hbm>>) dst(%dma_wait3A_44 : memref<8x16xf32, #tpu.memory_space<vmem>>)
      tpu.yield
    }) : () -> ()
    "tpu.region"() ({
      %run_scoped3A = tpu.sem_alloc : memref<!tpu.dma_semaphore, #tpu.memory_space<semaphore_mem>>
      %dma_start3A = arith.constant 0 : i32
      %dma_start3A_29 = arith.constant 0 : i32
      %dma_start3A_30 = tpu.memref_slice %arg10[%dma_start3A, %dma_start3A_29] : memref<128x128xf32, #tpu.memory_space<vmem>> -> memref<8x128xf32, #tpu.memory_space<vmem>>
      %dma_start3A_31 = arith.constant 4992 : i32
      %dma_start3A_32 = tpu.memref_slice %arg9[%dma_start3A_31] : memref<5000xi32, #tpu.memory_space<vmem>> -> memref<8xi32, #tpu.memory_space<vmem>>
      %dma_start3A_33 = arith.constant 0 : i32
      %dma_start3A_34 = arith.constant 0 : i32
      %dma_start3A_35 = tpu.memref_slice %arg12[%dma_start3A_33, %dma_start3A_34] : memref<10000x128xf32, #tpu.memory_space<vmem_shared>> -> memref<10000x128xf32, #tpu.memory_space<vmem_shared>>
      tpu.enqueue_indirect_dma source(%dma_start3A_30 : memref<8x128xf32, #tpu.memory_space<vmem>>) target(%dma_start3A_35 : memref<10000x128xf32, #tpu.memory_space<vmem_shared>>) offsets(%dma_start3A_32 : memref<8xi32, #tpu.memory_space<vmem>>) semaphore(%run_scoped3A : memref<!tpu.dma_semaphore, #tpu.memory_space<semaphore_mem>>) {add = true}
      %dma_wait3A = arith.constant 0 : i32
      %dma_wait3A_36 = arith.constant 0 : i32
      %dma_wait3A_37 = tpu.memref_slice %arg10[%dma_wait3A, %dma_wait3A_36] : memref<128x128xf32, #tpu.memory_space<vmem>> -> memref<8x128xf32, #tpu.memory_space<vmem>>
      %dma_wait3A_38 = arith.constant 4992 : i32
      %dma_wait3A_39 = tpu.memref_slice %arg9[%dma_wait3A_38] : memref<5000xi32, #tpu.memory_space<vmem>> -> memref<8xi32, #tpu.memory_space<vmem>>
      %dma_wait3A_40 = arith.constant 0 : i32
      %dma_wait3A_41 = arith.constant 0 : i32
      %dma_wait3A_42 = tpu.memref_slice %arg12[%dma_wait3A_40, %dma_wait3A_41] : memref<10000x128xf32, #tpu.memory_space<vmem_shared>> -> memref<10000x128xf32, #tpu.memory_space<vmem_shared>>
      tpu.wait_indirect_dma semaphore(%run_scoped3A : memref<!tpu.dma_semaphore, #tpu.memory_space<semaphore_mem>>) src(%dma_wait3A_37 : memref<8x128xf32, #tpu.memory_space<vmem>>) dst(%dma_wait3A_42 : memref<10000x128xf32, #tpu.memory_space<vmem_shared>>)
      tpu.yield
    }) : () -> ()
    "tpu.region"() ({
      %run_scoped3A = tpu.sem_alloc : memref<!tpu.dma_semaphore, #tpu.memory_space<semaphore_mem>>
      %dma_start3A = arith.constant 0 : i32
      %dma_start3A_29 = arith.constant 0 : i32
      %dma_start3A_30 = tpu.memref_slice %arg11[%dma_start3A, %dma_start3A_29] : memref<128x16xf32, #tpu.memory_space<vmem>> -> memref<8x16xf32, #tpu.memory_space<vmem>>
      %dma_start3A_31 = arith.constant 4992 : i32
      %dma_start3A_32 = tpu.memref_slice %arg9[%dma_start3A_31] : memref<5000xi32, #tpu.memory_space<vmem>> -> memref<8xi32, #tpu.memory_space<vmem>>
      %dma_start3A_33 = arith.constant 0 : i32
      %dma_start3A_34 = arith.constant 0 : i32
      %dma_start3A_35 = tpu.memref_slice %arg13[%dma_start3A_33, %dma_start3A_34] : memref<10000x16xf32, #tpu.memory_space<vmem_shared>> -> memref<10000x16xf32, #tpu.memory_space<vmem_shared>>
      tpu.enqueue_indirect_dma source(%dma_start3A_30 : memref<8x16xf32, #tpu.memory_space<vmem>>) target(%dma_start3A_35 : memref<10000x16xf32, #tpu.memory_space<vmem_shared>>) offsets(%dma_start3A_32 : memref<8xi32, #tpu.memory_space<vmem>>) semaphore(%run_scoped3A : memref<!tpu.dma_semaphore, #tpu.memory_space<semaphore_mem>>) {add = true}
      %dma_wait3A = arith.constant 0 : i32
      %dma_wait3A_36 = arith.constant 0 : i32
      %dma_wait3A_37 = tpu.memref_slice %arg11[%dma_wait3A, %dma_wait3A_36] : memref<128x16xf32, #tpu.memory_space<vmem>> -> memref<8x16xf32, #tpu.memory_space<vmem>>
      %dma_wait3A_38 = arith.constant 4992 : i32
      %dma_wait3A_39 = tpu.memref_slice %arg9[%dma_wait3A_38] : memref<5000xi32, #tpu.memory_space<vmem>> -> memref<8xi32, #tpu.memory_space<vmem>>
      %dma_wait3A_40 = arith.constant 0 : i32
      %dma_wait3A_41 = arith.constant 0 : i32
      %dma_wait3A_42 = tpu.memref_slice %arg13[%dma_wait3A_40, %dma_wait3A_41] : memref<10000x16xf32, #tpu.memory_space<vmem_shared>> -> memref<10000x16xf32, #tpu.memory_space<vmem_shared>>
      tpu.wait_indirect_dma semaphore(%run_scoped3A : memref<!tpu.dma_semaphore, #tpu.memory_space<semaphore_mem>>) src(%dma_wait3A_37 : memref<8x16xf32, #tpu.memory_space<vmem>>) dst(%dma_wait3A_42 : memref<10000x16xf32, #tpu.memory_space<vmem_shared>>)
      tpu.yield
    }) : () -> ()
    %barrier3A_20 = arith.constant 0 : index
    tpu.barrier barrier_id(%barrier3A_20)
    %mul3A_21 = arith.constant 625 : i32
    %mul3A_22 = arith.muli %arg1, %mul3A_21 : i32
    %mul3A_23 = arith.constant 625 : i32
    %mul3A_24 = arith.muli %arg1, %mul3A_23 : i32
    "tpu.region"() ({
      %run_scoped3A = tpu.sem_alloc : memref<!tpu.dma_semaphore, #tpu.memory_space<semaphore_mem>>
      %dma_start3A = arith.constant 0 : i32
      %dma_start3A_29 = arith.constant 0 : i32
      %dma_start3A_30 = tpu.memref_slice %arg7[%arg0, %dma_start3A, %dma_start3A_29] : memref<2x10000x128xf32, #tpu.memory_space<hbm>> -> memref<1x10000x128xf32, #tpu.memory_space<hbm>>
      %dma_start3A_31 = tpu.memref_squeeze %dma_start3A_30 : memref<1x10000x128xf32, #tpu.memory_space<hbm>> -> memref<10000x128xf32, #tpu.memory_space<hbm>>
      %dma_start3A_32 = arith.constant 0 : i32
      %dma_start3A_33 = tpu.memref_slice %dma_start3A_31[%mul3A_24, %dma_start3A_32] : memref<10000x128xf32, #tpu.memory_space<hbm>> -> memref<625x128xf32, #tpu.memory_space<hbm>>
      %dma_start3A_34 = arith.constant 0 : i32
      %dma_start3A_35 = tpu.memref_slice %arg12[%mul3A_22, %dma_start3A_34] : memref<10000x128xf32, #tpu.memory_space<vmem_shared>> -> memref<625x128xf32, #tpu.memory_space<vmem_shared>>
      tpu.enqueue_dma source(%dma_start3A_35 : memref<625x128xf32, #tpu.memory_space<vmem_shared>>) target(%dma_start3A_33 : memref<625x128xf32, #tpu.memory_space<hbm>>) target_semaphore(%run_scoped3A : memref<!tpu.dma_semaphore, #tpu.memory_space<semaphore_mem>>)
      %dma_wait3A = arith.constant 0 : i32
      %dma_wait3A_36 = arith.constant 0 : i32
      %dma_wait3A_37 = tpu.memref_slice %arg7[%arg0, %dma_wait3A, %dma_wait3A_36] : memref<2x10000x128xf32, #tpu.memory_space<hbm>> -> memref<1x10000x128xf32, #tpu.memory_space<hbm>>
      %dma_wait3A_38 = tpu.memref_squeeze %dma_wait3A_37 : memref<1x10000x128xf32, #tpu.memory_space<hbm>> -> memref<10000x128xf32, #tpu.memory_space<hbm>>
      %dma_wait3A_39 = arith.constant 0 : i32
      %dma_wait3A_40 = tpu.memref_slice %dma_wait3A_38[%mul3A_24, %dma_wait3A_39] : memref<10000x128xf32, #tpu.memory_space<hbm>> -> memref<625x128xf32, #tpu.memory_space<hbm>>
      %dma_wait3A_41 = arith.constant 0 : i32
      %dma_wait3A_42 = tpu.memref_slice %arg12[%mul3A_22, %dma_wait3A_41] : memref<10000x128xf32, #tpu.memory_space<vmem_shared>> -> memref<625x128xf32, #tpu.memory_space<vmem_shared>>
      tpu.wait_dma2 semaphore(%run_scoped3A : memref<!tpu.dma_semaphore, #tpu.memory_space<semaphore_mem>>) src(%dma_wait3A_42 : memref<625x128xf32, #tpu.memory_space<vmem_shared>>) dst(%dma_wait3A_40 : memref<625x128xf32, #tpu.memory_space<hbm>>)
      tpu.yield
    }) : () -> ()
    %mul3A_25 = arith.constant 625 : i32
    %mul3A_26 = arith.muli %arg1, %mul3A_25 : i32
    %mul3A_27 = arith.constant 625 : i32
    %mul3A_28 = arith.muli %arg1, %mul3A_27 : i32
    "tpu.region"() ({
      %run_scoped3A = tpu.sem_alloc : memref<!tpu.dma_semaphore, #tpu.memory_space<semaphore_mem>>
      %dma_start3A = arith.constant 0 : i32
      %dma_start3A_29 = arith.constant 0 : i32
      %dma_start3A_30 = tpu.memref_slice %arg8[%arg0, %dma_start3A, %dma_start3A_29] : memref<2x10000x16xf32, #tpu.memory_space<hbm>> -> memref<1x10000x16xf32, #tpu.memory_space<hbm>>
      %dma_start3A_31 = tpu.memref_squeeze %dma_start3A_30 : memref<1x10000x16xf32, #tpu.memory_space<hbm>> -> memref<10000x16xf32, #tpu.memory_space<hbm>>
      %dma_start3A_32 = arith.constant 0 : i32
      %dma_start3A_33 = tpu.memref_slice %dma_start3A_31[%mul3A_28, %dma_start3A_32] : memref<10000x16xf32, #tpu.memory_space<hbm>> -> memref<625x16xf32, #tpu.memory_space<hbm>>
      %dma_start3A_34 = arith.constant 0 : i32
      %dma_start3A_35 = tpu.memref_slice %arg13[%mul3A_26, %dma_start3A_34] : memref<10000x16xf32, #tpu.memory_space<vmem_shared>> -> memref<625x16xf32, #tpu.memory_space<vmem_shared>>
      tpu.enqueue_dma source(%dma_start3A_35 : memref<625x16xf32, #tpu.memory_space<vmem_shared>>) target(%dma_start3A_33 : memref<625x16xf32, #tpu.memory_space<hbm>>) target_semaphore(%run_scoped3A : memref<!tpu.dma_semaphore, #tpu.memory_space<semaphore_mem>>)
      %dma_wait3A = arith.constant 0 : i32
      %dma_wait3A_36 = arith.constant 0 : i32
      %dma_wait3A_37 = tpu.memref_slice %arg8[%arg0, %dma_wait3A, %dma_wait3A_36] : memref<2x10000x16xf32, #tpu.memory_space<hbm>> -> memref<1x10000x16xf32, #tpu.memory_space<hbm>>
      %dma_wait3A_38 = tpu.memref_squeeze %dma_wait3A_37 : memref<1x10000x16xf32, #tpu.memory_space<hbm>> -> memref<10000x16xf32, #tpu.memory_space<hbm>>
      %dma_wait3A_39 = arith.constant 0 : i32
      %dma_wait3A_40 = tpu.memref_slice %dma_wait3A_38[%mul3A_28, %dma_wait3A_39] : memref<10000x16xf32, #tpu.memory_space<hbm>> -> memref<625x16xf32, #tpu.memory_space<hbm>>
      %dma_wait3A_41 = arith.constant 0 : i32
      %dma_wait3A_42 = tpu.memref_slice %arg13[%mul3A_26, %dma_wait3A_41] : memref<10000x16xf32, #tpu.memory_space<vmem_shared>> -> memref<625x16xf32, #tpu.memory_space<vmem_shared>>
      tpu.wait_dma2 semaphore(%run_scoped3A : memref<!tpu.dma_semaphore, #tpu.memory_space<semaphore_mem>>) src(%dma_wait3A_42 : memref<625x16xf32, #tpu.memory_space<vmem_shared>>) dst(%dma_wait3A_40 : memref<625x16xf32, #tpu.memory_space<hbm>>)
      tpu.yield
    }) : () -> ()
    return
  }
}

#map = affine_map<(d0, d1) -> (0, 0)>
#map1 = affine_map<(d0, d1) -> (0)>
module attributes {stable_mosaic.version = 14 : i64} {
  func.func @_sc_gather_body(%arg0: i32, %arg1: i32, %arg2: memref<10000x128xf32, #tpu.memory_space<hbm>>, %arg3: memref<10000x128xf32, #tpu.memory_space<hbm>>, %arg4: memref<10000x16xf32, #tpu.memory_space<hbm>>, %arg5: memref<160000xi32, #tpu.memory_space<hbm>>, %arg6: memref<160000xi32, #tpu.memory_space<hbm>>, %arg7: memref<160000x128xf32, #tpu.memory_space<hbm>>, %arg8: memref<160000x128xf32, #tpu.memory_space<hbm>>, %arg9: memref<160000x16xf32, #tpu.memory_space<hbm>>, %arg10: memref<160000x16xf32, #tpu.memory_space<hbm>>, %arg11: memref<5000xi32, #tpu.memory_space<vmem>>, %arg12: memref<5000xi32, #tpu.memory_space<vmem>>, %arg13: memref<2x128x128xf32, #tpu.memory_space<vmem>>, %arg14: memref<2x128x128xf32, #tpu.memory_space<vmem>>, %arg15: memref<2x128x16xf32, #tpu.memory_space<vmem>>, %arg16: memref<2x128x16xf32, #tpu.memory_space<vmem>>, %arg17: memref<!tpu.dma_semaphore, #tpu.memory_space<semaphore_mem>>, %arg18: memref<!tpu.dma_semaphore, #tpu.memory_space<semaphore_mem>>, %arg19: memref<!tpu.dma_semaphore, #tpu.memory_space<semaphore_mem>>, %arg20: memref<!tpu.dma_semaphore, #tpu.memory_space<semaphore_mem>>, %arg21: memref<!tpu.dma_semaphore, #tpu.memory_space<semaphore_mem>>, %arg22: memref<!tpu.dma_semaphore, #tpu.memory_space<semaphore_mem>>, %arg23: memref<!tpu.dma_semaphore, #tpu.memory_space<semaphore_mem>>, %arg24: memref<!tpu.dma_semaphore, #tpu.memory_space<semaphore_mem>>, %arg25: memref<!tpu.dma_semaphore, #tpu.memory_space<semaphore_mem>>, %arg26: memref<!tpu.dma_semaphore, #tpu.memory_space<semaphore_mem>>, %arg27: memref<!tpu.dma_semaphore, #tpu.memory_space<semaphore_mem>>, %arg28: memref<!tpu.dma_semaphore, #tpu.memory_space<semaphore_mem>>, %arg29: memref<!tpu.dma_semaphore, #tpu.memory_space<semaphore_mem>>, %arg30: memref<!tpu.dma_semaphore, #tpu.memory_space<semaphore_mem>>, %arg31: memref<!tpu.dma_semaphore, #tpu.memory_space<semaphore_mem>>, %arg32: memref<!tpu.dma_semaphore, #tpu.memory_space<semaphore_mem>>) attributes {dimension_semantics = [#tpu.dimension_semantics<core_parallel>, #tpu.dimension_semantics<subcore_parallel>], iteration_bounds = array<i64: 2, 16>, scalar_prefetch = 0 : i64, scratch_operands = 22 : i64, tpu.core_type = #tpu.core_type<sc_vector_subcore>, window_params = [{transform_indices = #map}, {transform_indices = #map}, {transform_indices = #map}, {transform_indices = #map1}, {transform_indices = #map1}, {transform_indices = #map}, {transform_indices = #map}, {transform_indices = #map}, {transform_indices = #map}]} {
    %mul3A = arith.constant 16 : i32
    %mul3A_0 = arith.muli %arg0, %mul3A : i32
    %add3A = arith.addi %mul3A_0, %arg1 : i32
    %mul3A_1 = arith.constant 5000 : i32
    %mul3A_2 = arith.muli %add3A, %mul3A_1 : i32
    "tpu.region"() ({
      %run_scoped3A = tpu.sem_alloc : memref<!tpu.dma_semaphore, #tpu.memory_space<semaphore_mem>>
      %dma_start3A_522 = tpu.memref_slice %arg5[%mul3A_2] : memref<160000xi32, #tpu.memory_space<hbm>> -> memref<5000xi32, #tpu.memory_space<hbm>>
      %dma_start3A_523 = tpu.memref_slice %arg5[%mul3A_2] : memref<160000xi32, #tpu.memory_space<hbm>> -> memref<5000xi32, #tpu.memory_space<hbm>>
      tpu.enqueue_dma source(%dma_start3A_523 : memref<5000xi32, #tpu.memory_space<hbm>>) target(%arg11 : memref<5000xi32, #tpu.memory_space<vmem>>) target_semaphore(%run_scoped3A : memref<!tpu.dma_semaphore, #tpu.memory_space<semaphore_mem>>)
      %dma_wait3A_524 = tpu.memref_slice %arg5[%mul3A_2] : memref<160000xi32, #tpu.memory_space<hbm>> -> memref<5000xi32, #tpu.memory_space<hbm>>
      %dma_wait3A_525 = tpu.memref_slice %arg5[%mul3A_2] : memref<160000xi32, #tpu.memory_space<hbm>> -> memref<5000xi32, #tpu.memory_space<hbm>>
      tpu.wait_dma2 semaphore(%run_scoped3A : memref<!tpu.dma_semaphore, #tpu.memory_space<semaphore_mem>>) src(%dma_wait3A_525 : memref<5000xi32, #tpu.memory_space<hbm>>) dst(%arg11 : memref<5000xi32, #tpu.memory_space<vmem>>)
      tpu.yield
    }) : () -> ()
    "tpu.region"() ({
      %run_scoped3A = tpu.sem_alloc : memref<!tpu.dma_semaphore, #tpu.memory_space<semaphore_mem>>
      %dma_start3A_522 = tpu.memref_slice %arg6[%mul3A_2] : memref<160000xi32, #tpu.memory_space<hbm>> -> memref<5000xi32, #tpu.memory_space<hbm>>
      %dma_start3A_523 = tpu.memref_slice %arg6[%mul3A_2] : memref<160000xi32, #tpu.memory_space<hbm>> -> memref<5000xi32, #tpu.memory_space<hbm>>
      tpu.enqueue_dma source(%dma_start3A_523 : memref<5000xi32, #tpu.memory_space<hbm>>) target(%arg12 : memref<5000xi32, #tpu.memory_space<vmem>>) target_semaphore(%run_scoped3A : memref<!tpu.dma_semaphore, #tpu.memory_space<semaphore_mem>>)
      %dma_wait3A_524 = tpu.memref_slice %arg6[%mul3A_2] : memref<160000xi32, #tpu.memory_space<hbm>> -> memref<5000xi32, #tpu.memory_space<hbm>>
      %dma_wait3A_525 = tpu.memref_slice %arg6[%mul3A_2] : memref<160000xi32, #tpu.memory_space<hbm>> -> memref<5000xi32, #tpu.memory_space<hbm>>
      tpu.wait_dma2 semaphore(%run_scoped3A : memref<!tpu.dma_semaphore, #tpu.memory_space<semaphore_mem>>) src(%dma_wait3A_525 : memref<5000xi32, #tpu.memory_space<hbm>>) dst(%arg12 : memref<5000xi32, #tpu.memory_space<vmem>>)
      tpu.yield
    }) : () -> ()
    %scan3A = arith.constant 0 : i32
    %scan3A_3 = arith.constant 0 : i32
    %scan3A_4 = arith.constant 19 : i32
    %scan3A_5 = arith.addi %scan3A_3, %scan3A_4 : i32
    %scan3A_6 = arith.constant 1 : i32
    scf.for %scan3A_522 = %scan3A_3 to %scan3A_5 step %scan3A_6  : i32 {
      %mul3A_523 = arith.constant 2 : i32
      %mul3A_524 = arith.muli %mul3A_523, %scan3A_522 : i32
      %add3A_525 = arith.constant 1 : i32
      %add3A_526 = arith.addi %mul3A_524, %add3A_525 : i32
      %mul3A_527 = arith.constant 128 : i32
      %mul3A_528 = arith.muli %mul3A_524, %mul3A_527 : i32
      %dma_start3A_529 = arith.constant 0 : i32
      %dma_start3A_530 = arith.constant 0 : i32
      %dma_start3A_531 = arith.constant 0 : i32
      %dma_start3A_532 = tpu.memref_slice %arg13[%dma_start3A_529, %dma_start3A_530, %dma_start3A_531] : memref<2x128x128xf32, #tpu.memory_space<vmem>> -> memref<1x128x128xf32, #tpu.memory_space<vmem>>
      %dma_start3A_533 = tpu.memref_squeeze %dma_start3A_532 : memref<1x128x128xf32, #tpu.memory_space<vmem>> -> memref<128x128xf32, #tpu.memory_space<vmem>>
      %dma_start3A_534 = arith.constant 0 : i32
      %dma_start3A_535 = arith.constant 0 : i32
      %dma_start3A_536 = tpu.memref_slice %dma_start3A_533[%dma_start3A_534, %dma_start3A_535] : memref<128x128xf32, #tpu.memory_space<vmem>> -> memref<128x128xf32, #tpu.memory_space<vmem>>
      %dma_start3A_537 = tpu.memref_slice %arg11[%mul3A_528] : memref<5000xi32, #tpu.memory_space<vmem>> -> memref<128xi32, #tpu.memory_space<vmem>>
      %dma_start3A_538 = arith.constant 0 : i32
      %dma_start3A_539 = arith.constant 0 : i32
      %dma_start3A_540 = tpu.memref_slice %arg2[%dma_start3A_538, %dma_start3A_539] : memref<10000x128xf32, #tpu.memory_space<hbm>> -> memref<10000x128xf32, #tpu.memory_space<hbm>>
      tpu.enqueue_indirect_dma source(%dma_start3A_540 : memref<10000x128xf32, #tpu.memory_space<hbm>>) target(%dma_start3A_536 : memref<128x128xf32, #tpu.memory_space<vmem>>) offsets(%dma_start3A_537 : memref<128xi32, #tpu.memory_space<vmem>>) semaphore(%arg17 : memref<!tpu.dma_semaphore, #tpu.memory_space<semaphore_mem>>)
      %dma_start3A_541 = arith.constant 0 : i32
      %dma_start3A_542 = arith.constant 0 : i32
      %dma_start3A_543 = arith.constant 0 : i32
      %dma_start3A_544 = tpu.memref_slice %arg14[%dma_start3A_541, %dma_start3A_542, %dma_start3A_543] : memref<2x128x128xf32, #tpu.memory_space<vmem>> -> memref<1x128x128xf32, #tpu.memory_space<vmem>>
      %dma_start3A_545 = tpu.memref_squeeze %dma_start3A_544 : memref<1x128x128xf32, #tpu.memory_space<vmem>> -> memref<128x128xf32, #tpu.memory_space<vmem>>
      %dma_start3A_546 = arith.constant 0 : i32
      %dma_start3A_547 = arith.constant 0 : i32
      %dma_start3A_548 = tpu.memref_slice %dma_start3A_545[%dma_start3A_546, %dma_start3A_547] : memref<128x128xf32, #tpu.memory_space<vmem>> -> memref<128x128xf32, #tpu.memory_space<vmem>>
      %dma_start3A_549 = tpu.memref_slice %arg12[%mul3A_528] : memref<5000xi32, #tpu.memory_space<vmem>> -> memref<128xi32, #tpu.memory_space<vmem>>
      %dma_start3A_550 = arith.constant 0 : i32
      %dma_start3A_551 = arith.constant 0 : i32
      %dma_start3A_552 = tpu.memref_slice %arg3[%dma_start3A_550, %dma_start3A_551] : memref<10000x128xf32, #tpu.memory_space<hbm>> -> memref<10000x128xf32, #tpu.memory_space<hbm>>
      tpu.enqueue_indirect_dma source(%dma_start3A_552 : memref<10000x128xf32, #tpu.memory_space<hbm>>) target(%dma_start3A_548 : memref<128x128xf32, #tpu.memory_space<vmem>>) offsets(%dma_start3A_549 : memref<128xi32, #tpu.memory_space<vmem>>) semaphore(%arg18 : memref<!tpu.dma_semaphore, #tpu.memory_space<semaphore_mem>>)
      %dma_start3A_553 = arith.constant 0 : i32
      %dma_start3A_554 = arith.constant 0 : i32
      %dma_start3A_555 = arith.constant 0 : i32
      %dma_start3A_556 = tpu.memref_slice %arg15[%dma_start3A_553, %dma_start3A_554, %dma_start3A_555] : memref<2x128x16xf32, #tpu.memory_space<vmem>> -> memref<1x128x16xf32, #tpu.memory_space<vmem>>
      %dma_start3A_557 = tpu.memref_squeeze %dma_start3A_556 : memref<1x128x16xf32, #tpu.memory_space<vmem>> -> memref<128x16xf32, #tpu.memory_space<vmem>>
      %dma_start3A_558 = arith.constant 0 : i32
      %dma_start3A_559 = arith.constant 0 : i32
      %dma_start3A_560 = tpu.memref_slice %dma_start3A_557[%dma_start3A_558, %dma_start3A_559] : memref<128x16xf32, #tpu.memory_space<vmem>> -> memref<128x16xf32, #tpu.memory_space<vmem>>
      %dma_start3A_561 = tpu.memref_slice %arg11[%mul3A_528] : memref<5000xi32, #tpu.memory_space<vmem>> -> memref<128xi32, #tpu.memory_space<vmem>>
      %dma_start3A_562 = arith.constant 0 : i32
      %dma_start3A_563 = arith.constant 0 : i32
      %dma_start3A_564 = tpu.memref_slice %arg4[%dma_start3A_562, %dma_start3A_563] : memref<10000x16xf32, #tpu.memory_space<hbm>> -> memref<10000x16xf32, #tpu.memory_space<hbm>>
      tpu.enqueue_indirect_dma source(%dma_start3A_564 : memref<10000x16xf32, #tpu.memory_space<hbm>>) target(%dma_start3A_560 : memref<128x16xf32, #tpu.memory_space<vmem>>) offsets(%dma_start3A_561 : memref<128xi32, #tpu.memory_space<vmem>>) semaphore(%arg19 : memref<!tpu.dma_semaphore, #tpu.memory_space<semaphore_mem>>)
      %dma_start3A_565 = arith.constant 0 : i32
      %dma_start3A_566 = arith.constant 0 : i32
      %dma_start3A_567 = arith.constant 0 : i32
      %dma_start3A_568 = tpu.memref_slice %arg16[%dma_start3A_565, %dma_start3A_566, %dma_start3A_567] : memref<2x128x16xf32, #tpu.memory_space<vmem>> -> memref<1x128x16xf32, #tpu.memory_space<vmem>>
      %dma_start3A_569 = tpu.memref_squeeze %dma_start3A_568 : memref<1x128x16xf32, #tpu.memory_space<vmem>> -> memref<128x16xf32, #tpu.memory_space<vmem>>
      %dma_start3A_570 = arith.constant 0 : i32
      %dma_start3A_571 = arith.constant 0 : i32
      %dma_start3A_572 = tpu.memref_slice %dma_start3A_569[%dma_start3A_570, %dma_start3A_571] : memref<128x16xf32, #tpu.memory_space<vmem>> -> memref<128x16xf32, #tpu.memory_space<vmem>>
      %dma_start3A_573 = tpu.memref_slice %arg12[%mul3A_528] : memref<5000xi32, #tpu.memory_space<vmem>> -> memref<128xi32, #tpu.memory_space<vmem>>
      %dma_start3A_574 = arith.constant 0 : i32
      %dma_start3A_575 = arith.constant 0 : i32
      %dma_start3A_576 = tpu.memref_slice %arg4[%dma_start3A_574, %dma_start3A_575] : memref<10000x16xf32, #tpu.memory_space<hbm>> -> memref<10000x16xf32, #tpu.memory_space<hbm>>
      tpu.enqueue_indirect_dma source(%dma_start3A_576 : memref<10000x16xf32, #tpu.memory_space<hbm>>) target(%dma_start3A_572 : memref<128x16xf32, #tpu.memory_space<vmem>>) offsets(%dma_start3A_573 : memref<128xi32, #tpu.memory_space<vmem>>) semaphore(%arg20 : memref<!tpu.dma_semaphore, #tpu.memory_space<semaphore_mem>>)
      %mul3A_577 = arith.constant 128 : i32
      %mul3A_578 = arith.muli %add3A_526, %mul3A_577 : i32
      %dma_start3A_579 = arith.constant 1 : i32
      %dma_start3A_580 = arith.constant 0 : i32
      %dma_start3A_581 = arith.constant 0 : i32
      %dma_start3A_582 = tpu.memref_slice %arg13[%dma_start3A_579, %dma_start3A_580, %dma_start3A_581] : memref<2x128x128xf32, #tpu.memory_space<vmem>> -> memref<1x128x128xf32, #tpu.memory_space<vmem>>
      %dma_start3A_583 = tpu.memref_squeeze %dma_start3A_582 : memref<1x128x128xf32, #tpu.memory_space<vmem>> -> memref<128x128xf32, #tpu.memory_space<vmem>>
      %dma_start3A_584 = arith.constant 0 : i32
      %dma_start3A_585 = arith.constant 0 : i32
      %dma_start3A_586 = tpu.memref_slice %dma_start3A_583[%dma_start3A_584, %dma_start3A_585] : memref<128x128xf32, #tpu.memory_space<vmem>> -> memref<128x128xf32, #tpu.memory_space<vmem>>
      %dma_start3A_587 = tpu.memref_slice %arg11[%mul3A_578] : memref<5000xi32, #tpu.memory_space<vmem>> -> memref<128xi32, #tpu.memory_space<vmem>>
      %dma_start3A_588 = arith.constant 0 : i32
      %dma_start3A_589 = arith.constant 0 : i32
      %dma_start3A_590 = tpu.memref_slice %arg2[%dma_start3A_588, %dma_start3A_589] : memref<10000x128xf32, #tpu.memory_space<hbm>> -> memref<10000x128xf32, #tpu.memory_space<hbm>>
      tpu.enqueue_indirect_dma source(%dma_start3A_590 : memref<10000x128xf32, #tpu.memory_space<hbm>>) target(%dma_start3A_586 : memref<128x128xf32, #tpu.memory_space<vmem>>) offsets(%dma_start3A_587 : memref<128xi32, #tpu.memory_space<vmem>>) semaphore(%arg21 : memref<!tpu.dma_semaphore, #tpu.memory_space<semaphore_mem>>)
      %dma_start3A_591 = arith.constant 1 : i32
      %dma_start3A_592 = arith.constant 0 : i32
      %dma_start3A_593 = arith.constant 0 : i32
      %dma_start3A_594 = tpu.memref_slice %arg14[%dma_start3A_591, %dma_start3A_592, %dma_start3A_593] : memref<2x128x128xf32, #tpu.memory_space<vmem>> -> memref<1x128x128xf32, #tpu.memory_space<vmem>>
      %dma_start3A_595 = tpu.memref_squeeze %dma_start3A_594 : memref<1x128x128xf32, #tpu.memory_space<vmem>> -> memref<128x128xf32, #tpu.memory_space<vmem>>
      %dma_start3A_596 = arith.constant 0 : i32
      %dma_start3A_597 = arith.constant 0 : i32
      %dma_start3A_598 = tpu.memref_slice %dma_start3A_595[%dma_start3A_596, %dma_start3A_597] : memref<128x128xf32, #tpu.memory_space<vmem>> -> memref<128x128xf32, #tpu.memory_space<vmem>>
      %dma_start3A_599 = tpu.memref_slice %arg12[%mul3A_578] : memref<5000xi32, #tpu.memory_space<vmem>> -> memref<128xi32, #tpu.memory_space<vmem>>
      %dma_start3A_600 = arith.constant 0 : i32
      %dma_start3A_601 = arith.constant 0 : i32
      %dma_start3A_602 = tpu.memref_slice %arg3[%dma_start3A_600, %dma_start3A_601] : memref<10000x128xf32, #tpu.memory_space<hbm>> -> memref<10000x128xf32, #tpu.memory_space<hbm>>
      tpu.enqueue_indirect_dma source(%dma_start3A_602 : memref<10000x128xf32, #tpu.memory_space<hbm>>) target(%dma_start3A_598 : memref<128x128xf32, #tpu.memory_space<vmem>>) offsets(%dma_start3A_599 : memref<128xi32, #tpu.memory_space<vmem>>) semaphore(%arg22 : memref<!tpu.dma_semaphore, #tpu.memory_space<semaphore_mem>>)
      %dma_start3A_603 = arith.constant 1 : i32
      %dma_start3A_604 = arith.constant 0 : i32
      %dma_start3A_605 = arith.constant 0 : i32
      %dma_start3A_606 = tpu.memref_slice %arg15[%dma_start3A_603, %dma_start3A_604, %dma_start3A_605] : memref<2x128x16xf32, #tpu.memory_space<vmem>> -> memref<1x128x16xf32, #tpu.memory_space<vmem>>
      %dma_start3A_607 = tpu.memref_squeeze %dma_start3A_606 : memref<1x128x16xf32, #tpu.memory_space<vmem>> -> memref<128x16xf32, #tpu.memory_space<vmem>>
      %dma_start3A_608 = arith.constant 0 : i32
      %dma_start3A_609 = arith.constant 0 : i32
      %dma_start3A_610 = tpu.memref_slice %dma_start3A_607[%dma_start3A_608, %dma_start3A_609] : memref<128x16xf32, #tpu.memory_space<vmem>> -> memref<128x16xf32, #tpu.memory_space<vmem>>
      %dma_start3A_611 = tpu.memref_slice %arg11[%mul3A_578] : memref<5000xi32, #tpu.memory_space<vmem>> -> memref<128xi32, #tpu.memory_space<vmem>>
      %dma_start3A_612 = arith.constant 0 : i32
      %dma_start3A_613 = arith.constant 0 : i32
      %dma_start3A_614 = tpu.memref_slice %arg4[%dma_start3A_612, %dma_start3A_613] : memref<10000x16xf32, #tpu.memory_space<hbm>> -> memref<10000x16xf32, #tpu.memory_space<hbm>>
      tpu.enqueue_indirect_dma source(%dma_start3A_614 : memref<10000x16xf32, #tpu.memory_space<hbm>>) target(%dma_start3A_610 : memref<128x16xf32, #tpu.memory_space<vmem>>) offsets(%dma_start3A_611 : memref<128xi32, #tpu.memory_space<vmem>>) semaphore(%arg23 : memref<!tpu.dma_semaphore, #tpu.memory_space<semaphore_mem>>)
      %dma_start3A_615 = arith.constant 1 : i32
      %dma_start3A_616 = arith.constant 0 : i32
      %dma_start3A_617 = arith.constant 0 : i32
      %dma_start3A_618 = tpu.memref_slice %arg16[%dma_start3A_615, %dma_start3A_616, %dma_start3A_617] : memref<2x128x16xf32, #tpu.memory_space<vmem>> -> memref<1x128x16xf32, #tpu.memory_space<vmem>>
      %dma_start3A_619 = tpu.memref_squeeze %dma_start3A_618 : memref<1x128x16xf32, #tpu.memory_space<vmem>> -> memref<128x16xf32, #tpu.memory_space<vmem>>
      %dma_start3A_620 = arith.constant 0 : i32
      %dma_start3A_621 = arith.constant 0 : i32
      %dma_start3A_622 = tpu.memref_slice %dma_start3A_619[%dma_start3A_620, %dma_start3A_621] : memref<128x16xf32, #tpu.memory_space<vmem>> -> memref<128x16xf32, #tpu.memory_space<vmem>>
      %dma_start3A_623 = tpu.memref_slice %arg12[%mul3A_578] : memref<5000xi32, #tpu.memory_space<vmem>> -> memref<128xi32, #tpu.memory_space<vmem>>
      %dma_start3A_624 = arith.constant 0 : i32
      %dma_start3A_625 = arith.constant 0 : i32
      %dma_start3A_626 = tpu.memref_slice %arg4[%dma_start3A_624, %dma_start3A_625] : memref<10000x16xf32, #tpu.memory_space<hbm>> -> memref<10000x16xf32, #tpu.memory_space<hbm>>
      tpu.enqueue_indirect_dma source(%dma_start3A_626 : memref<10000x16xf32, #tpu.memory_space<hbm>>) target(%dma_start3A_622 : memref<128x16xf32, #tpu.memory_space<vmem>>) offsets(%dma_start3A_623 : memref<128xi32, #tpu.memory_space<vmem>>) semaphore(%arg24 : memref<!tpu.dma_semaphore, #tpu.memory_space<semaphore_mem>>)
      %dma_wait3A_627 = arith.constant 0 : i32
      %dma_wait3A_628 = arith.constant 0 : i32
      %dma_wait3A_629 = arith.constant 0 : i32
      %dma_wait3A_630 = tpu.memref_slice %arg13[%dma_wait3A_627, %dma_wait3A_628, %dma_wait3A_629] : memref<2x128x128xf32, #tpu.memory_space<vmem>> -> memref<1x128x128xf32, #tpu.memory_space<vmem>>
      %dma_wait3A_631 = tpu.memref_squeeze %dma_wait3A_630 : memref<1x128x128xf32, #tpu.memory_space<vmem>> -> memref<128x128xf32, #tpu.memory_space<vmem>>
      %dma_wait3A_632 = arith.constant 0 : i32
      %dma_wait3A_633 = arith.constant 0 : i32
      %dma_wait3A_634 = tpu.memref_slice %dma_wait3A_631[%dma_wait3A_632, %dma_wait3A_633] : memref<128x128xf32, #tpu.memory_space<vmem>> -> memref<128x128xf32, #tpu.memory_space<vmem>>
      %dma_wait3A_635 = tpu.memref_slice %arg11[%mul3A_528] : memref<5000xi32, #tpu.memory_space<vmem>> -> memref<128xi32, #tpu.memory_space<vmem>>
      %dma_wait3A_636 = arith.constant 0 : i32
      %dma_wait3A_637 = arith.constant 0 : i32
      %dma_wait3A_638 = tpu.memref_slice %arg2[%dma_wait3A_636, %dma_wait3A_637] : memref<10000x128xf32, #tpu.memory_space<hbm>> -> memref<10000x128xf32, #tpu.memory_space<hbm>>
      tpu.wait_indirect_dma semaphore(%arg17 : memref<!tpu.dma_semaphore, #tpu.memory_space<semaphore_mem>>) src(%dma_wait3A_638 : memref<10000x128xf32, #tpu.memory_space<hbm>>) dst(%dma_wait3A_634 : memref<128x128xf32, #tpu.memory_space<vmem>>)
      %dma_wait3A_639 = arith.constant 0 : i32
      %dma_wait3A_640 = arith.constant 0 : i32
      %dma_wait3A_641 = arith.constant 0 : i32
      %dma_wait3A_642 = tpu.memref_slice %arg14[%dma_wait3A_639, %dma_wait3A_640, %dma_wait3A_641] : memref<2x128x128xf32, #tpu.memory_space<vmem>> -> memref<1x128x128xf32, #tpu.memory_space<vmem>>
      %dma_wait3A_643 = tpu.memref_squeeze %dma_wait3A_642 : memref<1x128x128xf32, #tpu.memory_space<vmem>> -> memref<128x128xf32, #tpu.memory_space<vmem>>
      %dma_wait3A_644 = arith.constant 0 : i32
      %dma_wait3A_645 = arith.constant 0 : i32
      %dma_wait3A_646 = tpu.memref_slice %dma_wait3A_643[%dma_wait3A_644, %dma_wait3A_645] : memref<128x128xf32, #tpu.memory_space<vmem>> -> memref<128x128xf32, #tpu.memory_space<vmem>>
      %dma_wait3A_647 = tpu.memref_slice %arg12[%mul3A_528] : memref<5000xi32, #tpu.memory_space<vmem>> -> memref<128xi32, #tpu.memory_space<vmem>>
      %dma_wait3A_648 = arith.constant 0 : i32
      %dma_wait3A_649 = arith.constant 0 : i32
      %dma_wait3A_650 = tpu.memref_slice %arg3[%dma_wait3A_648, %dma_wait3A_649] : memref<10000x128xf32, #tpu.memory_space<hbm>> -> memref<10000x128xf32, #tpu.memory_space<hbm>>
      tpu.wait_indirect_dma semaphore(%arg18 : memref<!tpu.dma_semaphore, #tpu.memory_space<semaphore_mem>>) src(%dma_wait3A_650 : memref<10000x128xf32, #tpu.memory_space<hbm>>) dst(%dma_wait3A_646 : memref<128x128xf32, #tpu.memory_space<vmem>>)
      %dma_wait3A_651 = arith.constant 0 : i32
      %dma_wait3A_652 = arith.constant 0 : i32
      %dma_wait3A_653 = arith.constant 0 : i32
      %dma_wait3A_654 = tpu.memref_slice %arg15[%dma_wait3A_651, %dma_wait3A_652, %dma_wait3A_653] : memref<2x128x16xf32, #tpu.memory_space<vmem>> -> memref<1x128x16xf32, #tpu.memory_space<vmem>>
      %dma_wait3A_655 = tpu.memref_squeeze %dma_wait3A_654 : memref<1x128x16xf32, #tpu.memory_space<vmem>> -> memref<128x16xf32, #tpu.memory_space<vmem>>
      %dma_wait3A_656 = arith.constant 0 : i32
      %dma_wait3A_657 = arith.constant 0 : i32
      %dma_wait3A_658 = tpu.memref_slice %dma_wait3A_655[%dma_wait3A_656, %dma_wait3A_657] : memref<128x16xf32, #tpu.memory_space<vmem>> -> memref<128x16xf32, #tpu.memory_space<vmem>>
      %dma_wait3A_659 = tpu.memref_slice %arg11[%mul3A_528] : memref<5000xi32, #tpu.memory_space<vmem>> -> memref<128xi32, #tpu.memory_space<vmem>>
      %dma_wait3A_660 = arith.constant 0 : i32
      %dma_wait3A_661 = arith.constant 0 : i32
      %dma_wait3A_662 = tpu.memref_slice %arg4[%dma_wait3A_660, %dma_wait3A_661] : memref<10000x16xf32, #tpu.memory_space<hbm>> -> memref<10000x16xf32, #tpu.memory_space<hbm>>
      tpu.wait_indirect_dma semaphore(%arg19 : memref<!tpu.dma_semaphore, #tpu.memory_space<semaphore_mem>>) src(%dma_wait3A_662 : memref<10000x16xf32, #tpu.memory_space<hbm>>) dst(%dma_wait3A_658 : memref<128x16xf32, #tpu.memory_space<vmem>>)
      %dma_wait3A_663 = arith.constant 0 : i32
      %dma_wait3A_664 = arith.constant 0 : i32
      %dma_wait3A_665 = arith.constant 0 : i32
      %dma_wait3A_666 = tpu.memref_slice %arg16[%dma_wait3A_663, %dma_wait3A_664, %dma_wait3A_665] : memref<2x128x16xf32, #tpu.memory_space<vmem>> -> memref<1x128x16xf32, #tpu.memory_space<vmem>>
      %dma_wait3A_667 = tpu.memref_squeeze %dma_wait3A_666 : memref<1x128x16xf32, #tpu.memory_space<vmem>> -> memref<128x16xf32, #tpu.memory_space<vmem>>
      %dma_wait3A_668 = arith.constant 0 : i32
      %dma_wait3A_669 = arith.constant 0 : i32
      %dma_wait3A_670 = tpu.memref_slice %dma_wait3A_667[%dma_wait3A_668, %dma_wait3A_669] : memref<128x16xf32, #tpu.memory_space<vmem>> -> memref<128x16xf32, #tpu.memory_space<vmem>>
      %dma_wait3A_671 = tpu.memref_slice %arg12[%mul3A_528] : memref<5000xi32, #tpu.memory_space<vmem>> -> memref<128xi32, #tpu.memory_space<vmem>>
      %dma_wait3A_672 = arith.constant 0 : i32
      %dma_wait3A_673 = arith.constant 0 : i32
      %dma_wait3A_674 = tpu.memref_slice %arg4[%dma_wait3A_672, %dma_wait3A_673] : memref<10000x16xf32, #tpu.memory_space<hbm>> -> memref<10000x16xf32, #tpu.memory_space<hbm>>
      tpu.wait_indirect_dma semaphore(%arg20 : memref<!tpu.dma_semaphore, #tpu.memory_space<semaphore_mem>>) src(%dma_wait3A_674 : memref<10000x16xf32, #tpu.memory_space<hbm>>) dst(%dma_wait3A_670 : memref<128x16xf32, #tpu.memory_space<vmem>>)
      %mul3A_675 = arith.constant 128 : i32
      %mul3A_676 = arith.muli %mul3A_524, %mul3A_675 : i32
      %add3A_677 = arith.addi %mul3A_2, %mul3A_676 : i32
      %dma_start3A_678 = arith.constant 0 : i32
      %dma_start3A_679 = arith.constant 0 : i32
      %dma_start3A_680 = arith.constant 0 : i32
      %dma_start3A_681 = tpu.memref_slice %arg13[%dma_start3A_678, %dma_start3A_679, %dma_start3A_680] : memref<2x128x128xf32, #tpu.memory_space<vmem>> -> memref<1x128x128xf32, #tpu.memory_space<vmem>>
      %dma_start3A_682 = tpu.memref_squeeze %dma_start3A_681 : memref<1x128x128xf32, #tpu.memory_space<vmem>> -> memref<128x128xf32, #tpu.memory_space<vmem>>
      %dma_start3A_683 = arith.constant 0 : i32
      %dma_start3A_684 = arith.constant 0 : i32
      %dma_start3A_685 = tpu.memref_slice %dma_start3A_682[%dma_start3A_683, %dma_start3A_684] : memref<128x128xf32, #tpu.memory_space<vmem>> -> memref<128x128xf32, #tpu.memory_space<vmem>>
      %dma_start3A_686 = arith.constant 0 : i32
      %dma_start3A_687 = tpu.memref_slice %arg7[%add3A_677, %dma_start3A_686] : memref<160000x128xf32, #tpu.memory_space<hbm>> -> memref<128x128xf32, #tpu.memory_space<hbm>>
      %dma_start3A_688 = arith.constant 0 : i32
      %dma_start3A_689 = tpu.memref_slice %arg7[%add3A_677, %dma_start3A_688] : memref<160000x128xf32, #tpu.memory_space<hbm>> -> memref<128x128xf32, #tpu.memory_space<hbm>>
      %dma_start3A_690 = arith.constant 0 : i32
      %dma_start3A_691 = arith.constant 0 : i32
      %dma_start3A_692 = tpu.memref_slice %arg13[%dma_start3A_678, %dma_start3A_690, %dma_start3A_691] : memref<2x128x128xf32, #tpu.memory_space<vmem>> -> memref<1x128x128xf32, #tpu.memory_space<vmem>>
      %dma_start3A_693 = tpu.memref_squeeze %dma_start3A_692 : memref<1x128x128xf32, #tpu.memory_space<vmem>> -> memref<128x128xf32, #tpu.memory_space<vmem>>
      %dma_start3A_694 = arith.constant 0 : i32
      %dma_start3A_695 = arith.constant 0 : i32
      %dma_start3A_696 = tpu.memref_slice %dma_start3A_693[%dma_start3A_694, %dma_start3A_695] : memref<128x128xf32, #tpu.memory_space<vmem>> -> memref<128x128xf32, #tpu.memory_space<vmem>>
      tpu.enqueue_dma source(%dma_start3A_696 : memref<128x128xf32, #tpu.memory_space<vmem>>) target(%dma_start3A_689 : memref<128x128xf32, #tpu.memory_space<hbm>>) target_semaphore(%arg25 : memref<!tpu.dma_semaphore, #tpu.memory_space<semaphore_mem>>)
      %dma_start3A_697 = arith.constant 0 : i32
      %dma_start3A_698 = arith.constant 0 : i32
      %dma_start3A_699 = arith.constant 0 : i32
      %dma_start3A_700 = tpu.memref_slice %arg14[%dma_start3A_697, %dma_start3A_698, %dma_start3A_699] : memref<2x128x128xf32, #tpu.memory_space<vmem>> -> memref<1x128x128xf32, #tpu.memory_space<vmem>>
      %dma_start3A_701 = tpu.memref_squeeze %dma_start3A_700 : memref<1x128x128xf32, #tpu.memory_space<vmem>> -> memref<128x128xf32, #tpu.memory_space<vmem>>
      %dma_start3A_702 = arith.constant 0 : i32
      %dma_start3A_703 = arith.constant 0 : i32
      %dma_start3A_704 = tpu.memref_slice %dma_start3A_701[%dma_start3A_702, %dma_start3A_703] : memref<128x128xf32, #tpu.memory_space<vmem>> -> memref<128x128xf32, #tpu.memory_space<vmem>>
      %dma_start3A_705 = arith.constant 0 : i32
      %dma_start3A_706 = tpu.memref_slice %arg8[%add3A_677, %dma_start3A_705] : memref<160000x128xf32, #tpu.memory_space<hbm>> -> memref<128x128xf32, #tpu.memory_space<hbm>>
      %dma_start3A_707 = arith.constant 0 : i32
      %dma_start3A_708 = tpu.memref_slice %arg8[%add3A_677, %dma_start3A_707] : memref<160000x128xf32, #tpu.memory_space<hbm>> -> memref<128x128xf32, #tpu.memory_space<hbm>>
      %dma_start3A_709 = arith.constant 0 : i32
      %dma_start3A_710 = arith.constant 0 : i32
      %dma_start3A_711 = tpu.memref_slice %arg14[%dma_start3A_697, %dma_start3A_709, %dma_start3A_710] : memref<2x128x128xf32, #tpu.memory_space<vmem>> -> memref<1x128x128xf32, #tpu.memory_space<vmem>>
      %dma_start3A_712 = tpu.memref_squeeze %dma_start3A_711 : memref<1x128x128xf32, #tpu.memory_space<vmem>> -> memref<128x128xf32, #tpu.memory_space<vmem>>
      %dma_start3A_713 = arith.constant 0 : i32
      %dma_start3A_714 = arith.constant 0 : i32
      %dma_start3A_715 = tpu.memref_slice %dma_start3A_712[%dma_start3A_713, %dma_start3A_714] : memref<128x128xf32, #tpu.memory_space<vmem>> -> memref<128x128xf32, #tpu.memory_space<vmem>>
      tpu.enqueue_dma source(%dma_start3A_715 : memref<128x128xf32, #tpu.memory_space<vmem>>) target(%dma_start3A_708 : memref<128x128xf32, #tpu.memory_space<hbm>>) target_semaphore(%arg26 : memref<!tpu.dma_semaphore, #tpu.memory_space<semaphore_mem>>)
      %dma_start3A_716 = arith.constant 0 : i32
      %dma_start3A_717 = arith.constant 0 : i32
      %dma_start3A_718 = arith.constant 0 : i32
      %dma_start3A_719 = tpu.memref_slice %arg15[%dma_start3A_716, %dma_start3A_717, %dma_start3A_718] : memref<2x128x16xf32, #tpu.memory_space<vmem>> -> memref<1x128x16xf32, #tpu.memory_space<vmem>>
      %dma_start3A_720 = tpu.memref_squeeze %dma_start3A_719 : memref<1x128x16xf32, #tpu.memory_space<vmem>> -> memref<128x16xf32, #tpu.memory_space<vmem>>
      %dma_start3A_721 = arith.constant 0 : i32
      %dma_start3A_722 = arith.constant 0 : i32
      %dma_start3A_723 = tpu.memref_slice %dma_start3A_720[%dma_start3A_721, %dma_start3A_722] : memref<128x16xf32, #tpu.memory_space<vmem>> -> memref<128x16xf32, #tpu.memory_space<vmem>>
      %dma_start3A_724 = arith.constant 0 : i32
      %dma_start3A_725 = tpu.memref_slice %arg9[%add3A_677, %dma_start3A_724] : memref<160000x16xf32, #tpu.memory_space<hbm>> -> memref<128x16xf32, #tpu.memory_space<hbm>>
      %dma_start3A_726 = arith.constant 0 : i32
      %dma_start3A_727 = tpu.memref_slice %arg9[%add3A_677, %dma_start3A_726] : memref<160000x16xf32, #tpu.memory_space<hbm>> -> memref<128x16xf32, #tpu.memory_space<hbm>>
      %dma_start3A_728 = arith.constant 0 : i32
      %dma_start3A_729 = arith.constant 0 : i32
      %dma_start3A_730 = tpu.memref_slice %arg15[%dma_start3A_716, %dma_start3A_728, %dma_start3A_729] : memref<2x128x16xf32, #tpu.memory_space<vmem>> -> memref<1x128x16xf32, #tpu.memory_space<vmem>>
      %dma_start3A_731 = tpu.memref_squeeze %dma_start3A_730 : memref<1x128x16xf32, #tpu.memory_space<vmem>> -> memref<128x16xf32, #tpu.memory_space<vmem>>
      %dma_start3A_732 = arith.constant 0 : i32
      %dma_start3A_733 = arith.constant 0 : i32
      %dma_start3A_734 = tpu.memref_slice %dma_start3A_731[%dma_start3A_732, %dma_start3A_733] : memref<128x16xf32, #tpu.memory_space<vmem>> -> memref<128x16xf32, #tpu.memory_space<vmem>>
      tpu.enqueue_dma source(%dma_start3A_734 : memref<128x16xf32, #tpu.memory_space<vmem>>) target(%dma_start3A_727 : memref<128x16xf32, #tpu.memory_space<hbm>>) target_semaphore(%arg27 : memref<!tpu.dma_semaphore, #tpu.memory_space<semaphore_mem>>)
      %dma_start3A_735 = arith.constant 0 : i32
      %dma_start3A_736 = arith.constant 0 : i32
      %dma_start3A_737 = arith.constant 0 : i32
      %dma_start3A_738 = tpu.memref_slice %arg16[%dma_start3A_735, %dma_start3A_736, %dma_start3A_737] : memref<2x128x16xf32, #tpu.memory_space<vmem>> -> memref<1x128x16xf32, #tpu.memory_space<vmem>>
      %dma_start3A_739 = tpu.memref_squeeze %dma_start3A_738 : memref<1x128x16xf32, #tpu.memory_space<vmem>> -> memref<128x16xf32, #tpu.memory_space<vmem>>
      %dma_start3A_740 = arith.constant 0 : i32
      %dma_start3A_741 = arith.constant 0 : i32
      %dma_start3A_742 = tpu.memref_slice %dma_start3A_739[%dma_start3A_740, %dma_start3A_741] : memref<128x16xf32, #tpu.memory_space<vmem>> -> memref<128x16xf32, #tpu.memory_space<vmem>>
      %dma_start3A_743 = arith.constant 0 : i32
      %dma_start3A_744 = tpu.memref_slice %arg10[%add3A_677, %dma_start3A_743] : memref<160000x16xf32, #tpu.memory_space<hbm>> -> memref<128x16xf32, #tpu.memory_space<hbm>>
      %dma_start3A_745 = arith.constant 0 : i32
      %dma_start3A_746 = tpu.memref_slice %arg10[%add3A_677, %dma_start3A_745] : memref<160000x16xf32, #tpu.memory_space<hbm>> -> memref<128x16xf32, #tpu.memory_space<hbm>>
      %dma_start3A_747 = arith.constant 0 : i32
      %dma_start3A_748 = arith.constant 0 : i32
      %dma_start3A_749 = tpu.memref_slice %arg16[%dma_start3A_735, %dma_start3A_747, %dma_start3A_748] : memref<2x128x16xf32, #tpu.memory_space<vmem>> -> memref<1x128x16xf32, #tpu.memory_space<vmem>>
      %dma_start3A_750 = tpu.memref_squeeze %dma_start3A_749 : memref<1x128x16xf32, #tpu.memory_space<vmem>> -> memref<128x16xf32, #tpu.memory_space<vmem>>
      %dma_start3A_751 = arith.constant 0 : i32
      %dma_start3A_752 = arith.constant 0 : i32
      %dma_start3A_753 = tpu.memref_slice %dma_start3A_750[%dma_start3A_751, %dma_start3A_752] : memref<128x16xf32, #tpu.memory_space<vmem>> -> memref<128x16xf32, #tpu.memory_space<vmem>>
      tpu.enqueue_dma source(%dma_start3A_753 : memref<128x16xf32, #tpu.memory_space<vmem>>) target(%dma_start3A_746 : memref<128x16xf32, #tpu.memory_space<hbm>>) target_semaphore(%arg28 : memref<!tpu.dma_semaphore, #tpu.memory_space<semaphore_mem>>)
      %dma_wait3A_754 = arith.constant 1 : i32
      %dma_wait3A_755 = arith.constant 0 : i32
      %dma_wait3A_756 = arith.constant 0 : i32
      %dma_wait3A_757 = tpu.memref_slice %arg13[%dma_wait3A_754, %dma_wait3A_755, %dma_wait3A_756] : memref<2x128x128xf32, #tpu.memory_space<vmem>> -> memref<1x128x128xf32, #tpu.memory_space<vmem>>
      %dma_wait3A_758 = tpu.memref_squeeze %dma_wait3A_757 : memref<1x128x128xf32, #tpu.memory_space<vmem>> -> memref<128x128xf32, #tpu.memory_space<vmem>>
      %dma_wait3A_759 = arith.constant 0 : i32
      %dma_wait3A_760 = arith.constant 0 : i32
      %dma_wait3A_761 = tpu.memref_slice %dma_wait3A_758[%dma_wait3A_759, %dma_wait3A_760] : memref<128x128xf32, #tpu.memory_space<vmem>> -> memref<128x128xf32, #tpu.memory_space<vmem>>
      %dma_wait3A_762 = tpu.memref_slice %arg11[%mul3A_578] : memref<5000xi32, #tpu.memory_space<vmem>> -> memref<128xi32, #tpu.memory_space<vmem>>
      %dma_wait3A_763 = arith.constant 0 : i32
      %dma_wait3A_764 = arith.constant 0 : i32
      %dma_wait3A_765 = tpu.memref_slice %arg2[%dma_wait3A_763, %dma_wait3A_764] : memref<10000x128xf32, #tpu.memory_space<hbm>> -> memref<10000x128xf32, #tpu.memory_space<hbm>>
      tpu.wait_indirect_dma semaphore(%arg21 : memref<!tpu.dma_semaphore, #tpu.memory_space<semaphore_mem>>) src(%dma_wait3A_765 : memref<10000x128xf32, #tpu.memory_space<hbm>>) dst(%dma_wait3A_761 : memref<128x128xf32, #tpu.memory_space<vmem>>)
      %dma_wait3A_766 = arith.constant 1 : i32
      %dma_wait3A_767 = arith.constant 0 : i32
      %dma_wait3A_768 = arith.constant 0 : i32
      %dma_wait3A_769 = tpu.memref_slice %arg14[%dma_wait3A_766, %dma_wait3A_767, %dma_wait3A_768] : memref<2x128x128xf32, #tpu.memory_space<vmem>> -> memref<1x128x128xf32, #tpu.memory_space<vmem>>
      %dma_wait3A_770 = tpu.memref_squeeze %dma_wait3A_769 : memref<1x128x128xf32, #tpu.memory_space<vmem>> -> memref<128x128xf32, #tpu.memory_space<vmem>>
      %dma_wait3A_771 = arith.constant 0 : i32
      %dma_wait3A_772 = arith.constant 0 : i32
      %dma_wait3A_773 = tpu.memref_slice %dma_wait3A_770[%dma_wait3A_771, %dma_wait3A_772] : memref<128x128xf32, #tpu.memory_space<vmem>> -> memref<128x128xf32, #tpu.memory_space<vmem>>
      %dma_wait3A_774 = tpu.memref_slice %arg12[%mul3A_578] : memref<5000xi32, #tpu.memory_space<vmem>> -> memref<128xi32, #tpu.memory_space<vmem>>
      %dma_wait3A_775 = arith.constant 0 : i32
      %dma_wait3A_776 = arith.constant 0 : i32
      %dma_wait3A_777 = tpu.memref_slice %arg3[%dma_wait3A_775, %dma_wait3A_776] : memref<10000x128xf32, #tpu.memory_space<hbm>> -> memref<10000x128xf32, #tpu.memory_space<hbm>>
      tpu.wait_indirect_dma semaphore(%arg22 : memref<!tpu.dma_semaphore, #tpu.memory_space<semaphore_mem>>) src(%dma_wait3A_777 : memref<10000x128xf32, #tpu.memory_space<hbm>>) dst(%dma_wait3A_773 : memref<128x128xf32, #tpu.memory_space<vmem>>)
      %dma_wait3A_778 = arith.constant 1 : i32
      %dma_wait3A_779 = arith.constant 0 : i32
      %dma_wait3A_780 = arith.constant 0 : i32
      %dma_wait3A_781 = tpu.memref_slice %arg15[%dma_wait3A_778, %dma_wait3A_779, %dma_wait3A_780] : memref<2x128x16xf32, #tpu.memory_space<vmem>> -> memref<1x128x16xf32, #tpu.memory_space<vmem>>
      %dma_wait3A_782 = tpu.memref_squeeze %dma_wait3A_781 : memref<1x128x16xf32, #tpu.memory_space<vmem>> -> memref<128x16xf32, #tpu.memory_space<vmem>>
      %dma_wait3A_783 = arith.constant 0 : i32
      %dma_wait3A_784 = arith.constant 0 : i32
      %dma_wait3A_785 = tpu.memref_slice %dma_wait3A_782[%dma_wait3A_783, %dma_wait3A_784] : memref<128x16xf32, #tpu.memory_space<vmem>> -> memref<128x16xf32, #tpu.memory_space<vmem>>
      %dma_wait3A_786 = tpu.memref_slice %arg11[%mul3A_578] : memref<5000xi32, #tpu.memory_space<vmem>> -> memref<128xi32, #tpu.memory_space<vmem>>
      %dma_wait3A_787 = arith.constant 0 : i32
      %dma_wait3A_788 = arith.constant 0 : i32
      %dma_wait3A_789 = tpu.memref_slice %arg4[%dma_wait3A_787, %dma_wait3A_788] : memref<10000x16xf32, #tpu.memory_space<hbm>> -> memref<10000x16xf32, #tpu.memory_space<hbm>>
      tpu.wait_indirect_dma semaphore(%arg23 : memref<!tpu.dma_semaphore, #tpu.memory_space<semaphore_mem>>) src(%dma_wait3A_789 : memref<10000x16xf32, #tpu.memory_space<hbm>>) dst(%dma_wait3A_785 : memref<128x16xf32, #tpu.memory_space<vmem>>)
      %dma_wait3A_790 = arith.constant 1 : i32
      %dma_wait3A_791 = arith.constant 0 : i32
      %dma_wait3A_792 = arith.constant 0 : i32
      %dma_wait3A_793 = tpu.memref_slice %arg16[%dma_wait3A_790, %dma_wait3A_791, %dma_wait3A_792] : memref<2x128x16xf32, #tpu.memory_space<vmem>> -> memref<1x128x16xf32, #tpu.memory_space<vmem>>
      %dma_wait3A_794 = tpu.memref_squeeze %dma_wait3A_793 : memref<1x128x16xf32, #tpu.memory_space<vmem>> -> memref<128x16xf32, #tpu.memory_space<vmem>>
      %dma_wait3A_795 = arith.constant 0 : i32
      %dma_wait3A_796 = arith.constant 0 : i32
      %dma_wait3A_797 = tpu.memref_slice %dma_wait3A_794[%dma_wait3A_795, %dma_wait3A_796] : memref<128x16xf32, #tpu.memory_space<vmem>> -> memref<128x16xf32, #tpu.memory_space<vmem>>
      %dma_wait3A_798 = tpu.memref_slice %arg12[%mul3A_578] : memref<5000xi32, #tpu.memory_space<vmem>> -> memref<128xi32, #tpu.memory_space<vmem>>
      %dma_wait3A_799 = arith.constant 0 : i32
      %dma_wait3A_800 = arith.constant 0 : i32
      %dma_wait3A_801 = tpu.memref_slice %arg4[%dma_wait3A_799, %dma_wait3A_800] : memref<10000x16xf32, #tpu.memory_space<hbm>> -> memref<10000x16xf32, #tpu.memory_space<hbm>>
      tpu.wait_indirect_dma semaphore(%arg24 : memref<!tpu.dma_semaphore, #tpu.memory_space<semaphore_mem>>) src(%dma_wait3A_801 : memref<10000x16xf32, #tpu.memory_space<hbm>>) dst(%dma_wait3A_797 : memref<128x16xf32, #tpu.memory_space<vmem>>)
      %mul3A_802 = arith.constant 128 : i32
      %mul3A_803 = arith.muli %add3A_526, %mul3A_802 : i32
      %add3A_804 = arith.addi %mul3A_2, %mul3A_803 : i32
      %dma_start3A_805 = arith.constant 1 : i32
      %dma_start3A_806 = arith.constant 0 : i32
      %dma_start3A_807 = arith.constant 0 : i32
      %dma_start3A_808 = tpu.memref_slice %arg13[%dma_start3A_805, %dma_start3A_806, %dma_start3A_807] : memref<2x128x128xf32, #tpu.memory_space<vmem>> -> memref<1x128x128xf32, #tpu.memory_space<vmem>>
      %dma_start3A_809 = tpu.memref_squeeze %dma_start3A_808 : memref<1x128x128xf32, #tpu.memory_space<vmem>> -> memref<128x128xf32, #tpu.memory_space<vmem>>
      %dma_start3A_810 = arith.constant 0 : i32
      %dma_start3A_811 = arith.constant 0 : i32
      %dma_start3A_812 = tpu.memref_slice %dma_start3A_809[%dma_start3A_810, %dma_start3A_811] : memref<128x128xf32, #tpu.memory_space<vmem>> -> memref<128x128xf32, #tpu.memory_space<vmem>>
      %dma_start3A_813 = arith.constant 0 : i32
      %dma_start3A_814 = tpu.memref_slice %arg7[%add3A_804, %dma_start3A_813] : memref<160000x128xf32, #tpu.memory_space<hbm>> -> memref<128x128xf32, #tpu.memory_space<hbm>>
      %dma_start3A_815 = arith.constant 0 : i32
      %dma_start3A_816 = tpu.memref_slice %arg7[%add3A_804, %dma_start3A_815] : memref<160000x128xf32, #tpu.memory_space<hbm>> -> memref<128x128xf32, #tpu.memory_space<hbm>>
      %dma_start3A_817 = arith.constant 0 : i32
      %dma_start3A_818 = arith.constant 0 : i32
      %dma_start3A_819 = tpu.memref_slice %arg13[%dma_start3A_805, %dma_start3A_817, %dma_start3A_818] : memref<2x128x128xf32, #tpu.memory_space<vmem>> -> memref<1x128x128xf32, #tpu.memory_space<vmem>>
      %dma_start3A_820 = tpu.memref_squeeze %dma_start3A_819 : memref<1x128x128xf32, #tpu.memory_space<vmem>> -> memref<128x128xf32, #tpu.memory_space<vmem>>
      %dma_start3A_821 = arith.constant 0 : i32
      %dma_start3A_822 = arith.constant 0 : i32
      %dma_start3A_823 = tpu.memref_slice %dma_start3A_820[%dma_start3A_821, %dma_start3A_822] : memref<128x128xf32, #tpu.memory_space<vmem>> -> memref<128x128xf32, #tpu.memory_space<vmem>>
      tpu.enqueue_dma source(%dma_start3A_823 : memref<128x128xf32, #tpu.memory_space<vmem>>) target(%dma_start3A_816 : memref<128x128xf32, #tpu.memory_space<hbm>>) target_semaphore(%arg29 : memref<!tpu.dma_semaphore, #tpu.memory_space<semaphore_mem>>)
      %dma_start3A_824 = arith.constant 1 : i32
      %dma_start3A_825 = arith.constant 0 : i32
      %dma_start3A_826 = arith.constant 0 : i32
      %dma_start3A_827 = tpu.memref_slice %arg14[%dma_start3A_824, %dma_start3A_825, %dma_start3A_826] : memref<2x128x128xf32, #tpu.memory_space<vmem>> -> memref<1x128x128xf32, #tpu.memory_space<vmem>>
      %dma_start3A_828 = tpu.memref_squeeze %dma_start3A_827 : memref<1x128x128xf32, #tpu.memory_space<vmem>> -> memref<128x128xf32, #tpu.memory_space<vmem>>
      %dma_start3A_829 = arith.constant 0 : i32
      %dma_start3A_830 = arith.constant 0 : i32
      %dma_start3A_831 = tpu.memref_slice %dma_start3A_828[%dma_start3A_829, %dma_start3A_830] : memref<128x128xf32, #tpu.memory_space<vmem>> -> memref<128x128xf32, #tpu.memory_space<vmem>>
      %dma_start3A_832 = arith.constant 0 : i32
      %dma_start3A_833 = tpu.memref_slice %arg8[%add3A_804, %dma_start3A_832] : memref<160000x128xf32, #tpu.memory_space<hbm>> -> memref<128x128xf32, #tpu.memory_space<hbm>>
      %dma_start3A_834 = arith.constant 0 : i32
      %dma_start3A_835 = tpu.memref_slice %arg8[%add3A_804, %dma_start3A_834] : memref<160000x128xf32, #tpu.memory_space<hbm>> -> memref<128x128xf32, #tpu.memory_space<hbm>>
      %dma_start3A_836 = arith.constant 0 : i32
      %dma_start3A_837 = arith.constant 0 : i32
      %dma_start3A_838 = tpu.memref_slice %arg14[%dma_start3A_824, %dma_start3A_836, %dma_start3A_837] : memref<2x128x128xf32, #tpu.memory_space<vmem>> -> memref<1x128x128xf32, #tpu.memory_space<vmem>>
      %dma_start3A_839 = tpu.memref_squeeze %dma_start3A_838 : memref<1x128x128xf32, #tpu.memory_space<vmem>> -> memref<128x128xf32, #tpu.memory_space<vmem>>
      %dma_start3A_840 = arith.constant 0 : i32
      %dma_start3A_841 = arith.constant 0 : i32
      %dma_start3A_842 = tpu.memref_slice %dma_start3A_839[%dma_start3A_840, %dma_start3A_841] : memref<128x128xf32, #tpu.memory_space<vmem>> -> memref<128x128xf32, #tpu.memory_space<vmem>>
      tpu.enqueue_dma source(%dma_start3A_842 : memref<128x128xf32, #tpu.memory_space<vmem>>) target(%dma_start3A_835 : memref<128x128xf32, #tpu.memory_space<hbm>>) target_semaphore(%arg30 : memref<!tpu.dma_semaphore, #tpu.memory_space<semaphore_mem>>)
      %dma_start3A_843 = arith.constant 1 : i32
      %dma_start3A_844 = arith.constant 0 : i32
      %dma_start3A_845 = arith.constant 0 : i32
      %dma_start3A_846 = tpu.memref_slice %arg15[%dma_start3A_843, %dma_start3A_844, %dma_start3A_845] : memref<2x128x16xf32, #tpu.memory_space<vmem>> -> memref<1x128x16xf32, #tpu.memory_space<vmem>>
      %dma_start3A_847 = tpu.memref_squeeze %dma_start3A_846 : memref<1x128x16xf32, #tpu.memory_space<vmem>> -> memref<128x16xf32, #tpu.memory_space<vmem>>
      %dma_start3A_848 = arith.constant 0 : i32
      %dma_start3A_849 = arith.constant 0 : i32
      %dma_start3A_850 = tpu.memref_slice %dma_start3A_847[%dma_start3A_848, %dma_start3A_849] : memref<128x16xf32, #tpu.memory_space<vmem>> -> memref<128x16xf32, #tpu.memory_space<vmem>>
      %dma_start3A_851 = arith.constant 0 : i32
      %dma_start3A_852 = tpu.memref_slice %arg9[%add3A_804, %dma_start3A_851] : memref<160000x16xf32, #tpu.memory_space<hbm>> -> memref<128x16xf32, #tpu.memory_space<hbm>>
      %dma_start3A_853 = arith.constant 0 : i32
      %dma_start3A_854 = tpu.memref_slice %arg9[%add3A_804, %dma_start3A_853] : memref<160000x16xf32, #tpu.memory_space<hbm>> -> memref<128x16xf32, #tpu.memory_space<hbm>>
      %dma_start3A_855 = arith.constant 0 : i32
      %dma_start3A_856 = arith.constant 0 : i32
      %dma_start3A_857 = tpu.memref_slice %arg15[%dma_start3A_843, %dma_start3A_855, %dma_start3A_856] : memref<2x128x16xf32, #tpu.memory_space<vmem>> -> memref<1x128x16xf32, #tpu.memory_space<vmem>>
      %dma_start3A_858 = tpu.memref_squeeze %dma_start3A_857 : memref<1x128x16xf32, #tpu.memory_space<vmem>> -> memref<128x16xf32, #tpu.memory_space<vmem>>
      %dma_start3A_859 = arith.constant 0 : i32
      %dma_start3A_860 = arith.constant 0 : i32
      %dma_start3A_861 = tpu.memref_slice %dma_start3A_858[%dma_start3A_859, %dma_start3A_860] : memref<128x16xf32, #tpu.memory_space<vmem>> -> memref<128x16xf32, #tpu.memory_space<vmem>>
      tpu.enqueue_dma source(%dma_start3A_861 : memref<128x16xf32, #tpu.memory_space<vmem>>) target(%dma_start3A_854 : memref<128x16xf32, #tpu.memory_space<hbm>>) target_semaphore(%arg31 : memref<!tpu.dma_semaphore, #tpu.memory_space<semaphore_mem>>)
      %dma_start3A_862 = arith.constant 1 : i32
      %dma_start3A_863 = arith.constant 0 : i32
      %dma_start3A_864 = arith.constant 0 : i32
      %dma_start3A_865 = tpu.memref_slice %arg16[%dma_start3A_862, %dma_start3A_863, %dma_start3A_864] : memref<2x128x16xf32, #tpu.memory_space<vmem>> -> memref<1x128x16xf32, #tpu.memory_space<vmem>>
      %dma_start3A_866 = tpu.memref_squeeze %dma_start3A_865 : memref<1x128x16xf32, #tpu.memory_space<vmem>> -> memref<128x16xf32, #tpu.memory_space<vmem>>
      %dma_start3A_867 = arith.constant 0 : i32
      %dma_start3A_868 = arith.constant 0 : i32
      %dma_start3A_869 = tpu.memref_slice %dma_start3A_866[%dma_start3A_867, %dma_start3A_868] : memref<128x16xf32, #tpu.memory_space<vmem>> -> memref<128x16xf32, #tpu.memory_space<vmem>>
      %dma_start3A_870 = arith.constant 0 : i32
      %dma_start3A_871 = tpu.memref_slice %arg10[%add3A_804, %dma_start3A_870] : memref<160000x16xf32, #tpu.memory_space<hbm>> -> memref<128x16xf32, #tpu.memory_space<hbm>>
      %dma_start3A_872 = arith.constant 0 : i32
      %dma_start3A_873 = tpu.memref_slice %arg10[%add3A_804, %dma_start3A_872] : memref<160000x16xf32, #tpu.memory_space<hbm>> -> memref<128x16xf32, #tpu.memory_space<hbm>>
      %dma_start3A_874 = arith.constant 0 : i32
      %dma_start3A_875 = arith.constant 0 : i32
      %dma_start3A_876 = tpu.memref_slice %arg16[%dma_start3A_862, %dma_start3A_874, %dma_start3A_875] : memref<2x128x16xf32, #tpu.memory_space<vmem>> -> memref<1x128x16xf32, #tpu.memory_space<vmem>>
      %dma_start3A_877 = tpu.memref_squeeze %dma_start3A_876 : memref<1x128x16xf32, #tpu.memory_space<vmem>> -> memref<128x16xf32, #tpu.memory_space<vmem>>
      %dma_start3A_878 = arith.constant 0 : i32
      %dma_start3A_879 = arith.constant 0 : i32
      %dma_start3A_880 = tpu.memref_slice %dma_start3A_877[%dma_start3A_878, %dma_start3A_879] : memref<128x16xf32, #tpu.memory_space<vmem>> -> memref<128x16xf32, #tpu.memory_space<vmem>>
      tpu.enqueue_dma source(%dma_start3A_880 : memref<128x16xf32, #tpu.memory_space<vmem>>) target(%dma_start3A_873 : memref<128x16xf32, #tpu.memory_space<hbm>>) target_semaphore(%arg32 : memref<!tpu.dma_semaphore, #tpu.memory_space<semaphore_mem>>)
      %dma_wait3A_881 = arith.constant 0 : i32
      %dma_wait3A_882 = arith.constant 0 : i32
      %dma_wait3A_883 = arith.constant 0 : i32
      %dma_wait3A_884 = tpu.memref_slice %arg13[%dma_wait3A_881, %dma_wait3A_882, %dma_wait3A_883] : memref<2x128x128xf32, #tpu.memory_space<vmem>> -> memref<1x128x128xf32, #tpu.memory_space<vmem>>
      %dma_wait3A_885 = tpu.memref_squeeze %dma_wait3A_884 : memref<1x128x128xf32, #tpu.memory_space<vmem>> -> memref<128x128xf32, #tpu.memory_space<vmem>>
      %dma_wait3A_886 = arith.constant 0 : i32
      %dma_wait3A_887 = arith.constant 0 : i32
      %dma_wait3A_888 = tpu.memref_slice %dma_wait3A_885[%dma_wait3A_886, %dma_wait3A_887] : memref<128x128xf32, #tpu.memory_space<vmem>> -> memref<128x128xf32, #tpu.memory_space<vmem>>
      %dma_wait3A_889 = arith.constant 0 : i32
      %dma_wait3A_890 = tpu.memref_slice %arg7[%add3A_677, %dma_wait3A_889] : memref<160000x128xf32, #tpu.memory_space<hbm>> -> memref<128x128xf32, #tpu.memory_space<hbm>>
      %dma_wait3A_891 = arith.constant 0 : i32
      %dma_wait3A_892 = tpu.memref_slice %arg7[%add3A_677, %dma_wait3A_891] : memref<160000x128xf32, #tpu.memory_space<hbm>> -> memref<128x128xf32, #tpu.memory_space<hbm>>
      %dma_wait3A_893 = arith.constant 0 : i32
      %dma_wait3A_894 = arith.constant 0 : i32
      %dma_wait3A_895 = tpu.memref_slice %arg13[%dma_wait3A_881, %dma_wait3A_893, %dma_wait3A_894] : memref<2x128x128xf32, #tpu.memory_space<vmem>> -> memref<1x128x128xf32, #tpu.memory_space<vmem>>
      %dma_wait3A_896 = tpu.memref_squeeze %dma_wait3A_895 : memref<1x128x128xf32, #tpu.memory_space<vmem>> -> memref<128x128xf32, #tpu.memory_space<vmem>>
      %dma_wait3A_897 = arith.constant 0 : i32
      %dma_wait3A_898 = arith.constant 0 : i32
      %dma_wait3A_899 = tpu.memref_slice %dma_wait3A_896[%dma_wait3A_897, %dma_wait3A_898] : memref<128x128xf32, #tpu.memory_space<vmem>> -> memref<128x128xf32, #tpu.memory_space<vmem>>
      tpu.wait_dma2 semaphore(%arg25 : memref<!tpu.dma_semaphore, #tpu.memory_space<semaphore_mem>>) src(%dma_wait3A_899 : memref<128x128xf32, #tpu.memory_space<vmem>>) dst(%dma_wait3A_892 : memref<128x128xf32, #tpu.memory_space<hbm>>)
      %dma_wait3A_900 = arith.constant 0 : i32
      %dma_wait3A_901 = arith.constant 0 : i32
      %dma_wait3A_902 = arith.constant 0 : i32
      %dma_wait3A_903 = tpu.memref_slice %arg14[%dma_wait3A_900, %dma_wait3A_901, %dma_wait3A_902] : memref<2x128x128xf32, #tpu.memory_space<vmem>> -> memref<1x128x128xf32, #tpu.memory_space<vmem>>
      %dma_wait3A_904 = tpu.memref_squeeze %dma_wait3A_903 : memref<1x128x128xf32, #tpu.memory_space<vmem>> -> memref<128x128xf32, #tpu.memory_space<vmem>>
      %dma_wait3A_905 = arith.constant 0 : i32
      %dma_wait3A_906 = arith.constant 0 : i32
      %dma_wait3A_907 = tpu.memref_slice %dma_wait3A_904[%dma_wait3A_905, %dma_wait3A_906] : memref<128x128xf32, #tpu.memory_space<vmem>> -> memref<128x128xf32, #tpu.memory_space<vmem>>
      %dma_wait3A_908 = arith.constant 0 : i32
      %dma_wait3A_909 = tpu.memref_slice %arg8[%add3A_677, %dma_wait3A_908] : memref<160000x128xf32, #tpu.memory_space<hbm>> -> memref<128x128xf32, #tpu.memory_space<hbm>>
      %dma_wait3A_910 = arith.constant 0 : i32
      %dma_wait3A_911 = tpu.memref_slice %arg8[%add3A_677, %dma_wait3A_910] : memref<160000x128xf32, #tpu.memory_space<hbm>> -> memref<128x128xf32, #tpu.memory_space<hbm>>
      %dma_wait3A_912 = arith.constant 0 : i32
      %dma_wait3A_913 = arith.constant 0 : i32
      %dma_wait3A_914 = tpu.memref_slice %arg14[%dma_wait3A_900, %dma_wait3A_912, %dma_wait3A_913] : memref<2x128x128xf32, #tpu.memory_space<vmem>> -> memref<1x128x128xf32, #tpu.memory_space<vmem>>
      %dma_wait3A_915 = tpu.memref_squeeze %dma_wait3A_914 : memref<1x128x128xf32, #tpu.memory_space<vmem>> -> memref<128x128xf32, #tpu.memory_space<vmem>>
      %dma_wait3A_916 = arith.constant 0 : i32
      %dma_wait3A_917 = arith.constant 0 : i32
      %dma_wait3A_918 = tpu.memref_slice %dma_wait3A_915[%dma_wait3A_916, %dma_wait3A_917] : memref<128x128xf32, #tpu.memory_space<vmem>> -> memref<128x128xf32, #tpu.memory_space<vmem>>
      tpu.wait_dma2 semaphore(%arg26 : memref<!tpu.dma_semaphore, #tpu.memory_space<semaphore_mem>>) src(%dma_wait3A_918 : memref<128x128xf32, #tpu.memory_space<vmem>>) dst(%dma_wait3A_911 : memref<128x128xf32, #tpu.memory_space<hbm>>)
      %dma_wait3A_919 = arith.constant 0 : i32
      %dma_wait3A_920 = arith.constant 0 : i32
      %dma_wait3A_921 = arith.constant 0 : i32
      %dma_wait3A_922 = tpu.memref_slice %arg15[%dma_wait3A_919, %dma_wait3A_920, %dma_wait3A_921] : memref<2x128x16xf32, #tpu.memory_space<vmem>> -> memref<1x128x16xf32, #tpu.memory_space<vmem>>
      %dma_wait3A_923 = tpu.memref_squeeze %dma_wait3A_922 : memref<1x128x16xf32, #tpu.memory_space<vmem>> -> memref<128x16xf32, #tpu.memory_space<vmem>>
      %dma_wait3A_924 = arith.constant 0 : i32
      %dma_wait3A_925 = arith.constant 0 : i32
      %dma_wait3A_926 = tpu.memref_slice %dma_wait3A_923[%dma_wait3A_924, %dma_wait3A_925] : memref<128x16xf32, #tpu.memory_space<vmem>> -> memref<128x16xf32, #tpu.memory_space<vmem>>
      %dma_wait3A_927 = arith.constant 0 : i32
      %dma_wait3A_928 = tpu.memref_slice %arg9[%add3A_677, %dma_wait3A_927] : memref<160000x16xf32, #tpu.memory_space<hbm>> -> memref<128x16xf32, #tpu.memory_space<hbm>>
      %dma_wait3A_929 = arith.constant 0 : i32
      %dma_wait3A_930 = tpu.memref_slice %arg9[%add3A_677, %dma_wait3A_929] : memref<160000x16xf32, #tpu.memory_space<hbm>> -> memref<128x16xf32, #tpu.memory_space<hbm>>
      %dma_wait3A_931 = arith.constant 0 : i32
      %dma_wait3A_932 = arith.constant 0 : i32
      %dma_wait3A_933 = tpu.memref_slice %arg15[%dma_wait3A_919, %dma_wait3A_931, %dma_wait3A_932] : memref<2x128x16xf32, #tpu.memory_space<vmem>> -> memref<1x128x16xf32, #tpu.memory_space<vmem>>
      %dma_wait3A_934 = tpu.memref_squeeze %dma_wait3A_933 : memref<1x128x16xf32, #tpu.memory_space<vmem>> -> memref<128x16xf32, #tpu.memory_space<vmem>>
      %dma_wait3A_935 = arith.constant 0 : i32
      %dma_wait3A_936 = arith.constant 0 : i32
      %dma_wait3A_937 = tpu.memref_slice %dma_wait3A_934[%dma_wait3A_935, %dma_wait3A_936] : memref<128x16xf32, #tpu.memory_space<vmem>> -> memref<128x16xf32, #tpu.memory_space<vmem>>
      tpu.wait_dma2 semaphore(%arg27 : memref<!tpu.dma_semaphore, #tpu.memory_space<semaphore_mem>>) src(%dma_wait3A_937 : memref<128x16xf32, #tpu.memory_space<vmem>>) dst(%dma_wait3A_930 : memref<128x16xf32, #tpu.memory_space<hbm>>)
      %dma_wait3A_938 = arith.constant 0 : i32
      %dma_wait3A_939 = arith.constant 0 : i32
      %dma_wait3A_940 = arith.constant 0 : i32
      %dma_wait3A_941 = tpu.memref_slice %arg16[%dma_wait3A_938, %dma_wait3A_939, %dma_wait3A_940] : memref<2x128x16xf32, #tpu.memory_space<vmem>> -> memref<1x128x16xf32, #tpu.memory_space<vmem>>
      %dma_wait3A_942 = tpu.memref_squeeze %dma_wait3A_941 : memref<1x128x16xf32, #tpu.memory_space<vmem>> -> memref<128x16xf32, #tpu.memory_space<vmem>>
      %dma_wait3A_943 = arith.constant 0 : i32
      %dma_wait3A_944 = arith.constant 0 : i32
      %dma_wait3A_945 = tpu.memref_slice %dma_wait3A_942[%dma_wait3A_943, %dma_wait3A_944] : memref<128x16xf32, #tpu.memory_space<vmem>> -> memref<128x16xf32, #tpu.memory_space<vmem>>
      %dma_wait3A_946 = arith.constant 0 : i32
      %dma_wait3A_947 = tpu.memref_slice %arg10[%add3A_677, %dma_wait3A_946] : memref<160000x16xf32, #tpu.memory_space<hbm>> -> memref<128x16xf32, #tpu.memory_space<hbm>>
      %dma_wait3A_948 = arith.constant 0 : i32
      %dma_wait3A_949 = tpu.memref_slice %arg10[%add3A_677, %dma_wait3A_948] : memref<160000x16xf32, #tpu.memory_space<hbm>> -> memref<128x16xf32, #tpu.memory_space<hbm>>
      %dma_wait3A_950 = arith.constant 0 : i32
      %dma_wait3A_951 = arith.constant 0 : i32
      %dma_wait3A_952 = tpu.memref_slice %arg16[%dma_wait3A_938, %dma_wait3A_950, %dma_wait3A_951] : memref<2x128x16xf32, #tpu.memory_space<vmem>> -> memref<1x128x16xf32, #tpu.memory_space<vmem>>
      %dma_wait3A_953 = tpu.memref_squeeze %dma_wait3A_952 : memref<1x128x16xf32, #tpu.memory_space<vmem>> -> memref<128x16xf32, #tpu.memory_space<vmem>>
      %dma_wait3A_954 = arith.constant 0 : i32
      %dma_wait3A_955 = arith.constant 0 : i32
      %dma_wait3A_956 = tpu.memref_slice %dma_wait3A_953[%dma_wait3A_954, %dma_wait3A_955] : memref<128x16xf32, #tpu.memory_space<vmem>> -> memref<128x16xf32, #tpu.memory_space<vmem>>
      tpu.wait_dma2 semaphore(%arg28 : memref<!tpu.dma_semaphore, #tpu.memory_space<semaphore_mem>>) src(%dma_wait3A_956 : memref<128x16xf32, #tpu.memory_space<vmem>>) dst(%dma_wait3A_949 : memref<128x16xf32, #tpu.memory_space<hbm>>)
      %dma_wait3A_957 = arith.constant 1 : i32
      %dma_wait3A_958 = arith.constant 0 : i32
      %dma_wait3A_959 = arith.constant 0 : i32
      %dma_wait3A_960 = tpu.memref_slice %arg13[%dma_wait3A_957, %dma_wait3A_958, %dma_wait3A_959] : memref<2x128x128xf32, #tpu.memory_space<vmem>> -> memref<1x128x128xf32, #tpu.memory_space<vmem>>
      %dma_wait3A_961 = tpu.memref_squeeze %dma_wait3A_960 : memref<1x128x128xf32, #tpu.memory_space<vmem>> -> memref<128x128xf32, #tpu.memory_space<vmem>>
      %dma_wait3A_962 = arith.constant 0 : i32
      %dma_wait3A_963 = arith.constant 0 : i32
      %dma_wait3A_964 = tpu.memref_slice %dma_wait3A_961[%dma_wait3A_962, %dma_wait3A_963] : memref<128x128xf32, #tpu.memory_space<vmem>> -> memref<128x128xf32, #tpu.memory_space<vmem>>
      %dma_wait3A_965 = arith.constant 0 : i32
      %dma_wait3A_966 = tpu.memref_slice %arg7[%add3A_804, %dma_wait3A_965] : memref<160000x128xf32, #tpu.memory_space<hbm>> -> memref<128x128xf32, #tpu.memory_space<hbm>>
      %dma_wait3A_967 = arith.constant 0 : i32
      %dma_wait3A_968 = tpu.memref_slice %arg7[%add3A_804, %dma_wait3A_967] : memref<160000x128xf32, #tpu.memory_space<hbm>> -> memref<128x128xf32, #tpu.memory_space<hbm>>
      %dma_wait3A_969 = arith.constant 0 : i32
      %dma_wait3A_970 = arith.constant 0 : i32
      %dma_wait3A_971 = tpu.memref_slice %arg13[%dma_wait3A_957, %dma_wait3A_969, %dma_wait3A_970] : memref<2x128x128xf32, #tpu.memory_space<vmem>> -> memref<1x128x128xf32, #tpu.memory_space<vmem>>
      %dma_wait3A_972 = tpu.memref_squeeze %dma_wait3A_971 : memref<1x128x128xf32, #tpu.memory_space<vmem>> -> memref<128x128xf32, #tpu.memory_space<vmem>>
      %dma_wait3A_973 = arith.constant 0 : i32
      %dma_wait3A_974 = arith.constant 0 : i32
      %dma_wait3A_975 = tpu.memref_slice %dma_wait3A_972[%dma_wait3A_973, %dma_wait3A_974] : memref<128x128xf32, #tpu.memory_space<vmem>> -> memref<128x128xf32, #tpu.memory_space<vmem>>
      tpu.wait_dma2 semaphore(%arg29 : memref<!tpu.dma_semaphore, #tpu.memory_space<semaphore_mem>>) src(%dma_wait3A_975 : memref<128x128xf32, #tpu.memory_space<vmem>>) dst(%dma_wait3A_968 : memref<128x128xf32, #tpu.memory_space<hbm>>)
      %dma_wait3A_976 = arith.constant 1 : i32
      %dma_wait3A_977 = arith.constant 0 : i32
      %dma_wait3A_978 = arith.constant 0 : i32
      %dma_wait3A_979 = tpu.memref_slice %arg14[%dma_wait3A_976, %dma_wait3A_977, %dma_wait3A_978] : memref<2x128x128xf32, #tpu.memory_space<vmem>> -> memref<1x128x128xf32, #tpu.memory_space<vmem>>
      %dma_wait3A_980 = tpu.memref_squeeze %dma_wait3A_979 : memref<1x128x128xf32, #tpu.memory_space<vmem>> -> memref<128x128xf32, #tpu.memory_space<vmem>>
      %dma_wait3A_981 = arith.constant 0 : i32
      %dma_wait3A_982 = arith.constant 0 : i32
      %dma_wait3A_983 = tpu.memref_slice %dma_wait3A_980[%dma_wait3A_981, %dma_wait3A_982] : memref<128x128xf32, #tpu.memory_space<vmem>> -> memref<128x128xf32, #tpu.memory_space<vmem>>
      %dma_wait3A_984 = arith.constant 0 : i32
      %dma_wait3A_985 = tpu.memref_slice %arg8[%add3A_804, %dma_wait3A_984] : memref<160000x128xf32, #tpu.memory_space<hbm>> -> memref<128x128xf32, #tpu.memory_space<hbm>>
      %dma_wait3A_986 = arith.constant 0 : i32
      %dma_wait3A_987 = tpu.memref_slice %arg8[%add3A_804, %dma_wait3A_986] : memref<160000x128xf32, #tpu.memory_space<hbm>> -> memref<128x128xf32, #tpu.memory_space<hbm>>
      %dma_wait3A_988 = arith.constant 0 : i32
      %dma_wait3A_989 = arith.constant 0 : i32
      %dma_wait3A_990 = tpu.memref_slice %arg14[%dma_wait3A_976, %dma_wait3A_988, %dma_wait3A_989] : memref<2x128x128xf32, #tpu.memory_space<vmem>> -> memref<1x128x128xf32, #tpu.memory_space<vmem>>
      %dma_wait3A_991 = tpu.memref_squeeze %dma_wait3A_990 : memref<1x128x128xf32, #tpu.memory_space<vmem>> -> memref<128x128xf32, #tpu.memory_space<vmem>>
      %dma_wait3A_992 = arith.constant 0 : i32
      %dma_wait3A_993 = arith.constant 0 : i32
      %dma_wait3A_994 = tpu.memref_slice %dma_wait3A_991[%dma_wait3A_992, %dma_wait3A_993] : memref<128x128xf32, #tpu.memory_space<vmem>> -> memref<128x128xf32, #tpu.memory_space<vmem>>
      tpu.wait_dma2 semaphore(%arg30 : memref<!tpu.dma_semaphore, #tpu.memory_space<semaphore_mem>>) src(%dma_wait3A_994 : memref<128x128xf32, #tpu.memory_space<vmem>>) dst(%dma_wait3A_987 : memref<128x128xf32, #tpu.memory_space<hbm>>)
      %dma_wait3A_995 = arith.constant 1 : i32
      %dma_wait3A_996 = arith.constant 0 : i32
      %dma_wait3A_997 = arith.constant 0 : i32
      %dma_wait3A_998 = tpu.memref_slice %arg15[%dma_wait3A_995, %dma_wait3A_996, %dma_wait3A_997] : memref<2x128x16xf32, #tpu.memory_space<vmem>> -> memref<1x128x16xf32, #tpu.memory_space<vmem>>
      %dma_wait3A_999 = tpu.memref_squeeze %dma_wait3A_998 : memref<1x128x16xf32, #tpu.memory_space<vmem>> -> memref<128x16xf32, #tpu.memory_space<vmem>>
      %dma_wait3A_1000 = arith.constant 0 : i32
      %dma_wait3A_1001 = arith.constant 0 : i32
      %dma_wait3A_1002 = tpu.memref_slice %dma_wait3A_999[%dma_wait3A_1000, %dma_wait3A_1001] : memref<128x16xf32, #tpu.memory_space<vmem>> -> memref<128x16xf32, #tpu.memory_space<vmem>>
      %dma_wait3A_1003 = arith.constant 0 : i32
      %dma_wait3A_1004 = tpu.memref_slice %arg9[%add3A_804, %dma_wait3A_1003] : memref<160000x16xf32, #tpu.memory_space<hbm>> -> memref<128x16xf32, #tpu.memory_space<hbm>>
      %dma_wait3A_1005 = arith.constant 0 : i32
      %dma_wait3A_1006 = tpu.memref_slice %arg9[%add3A_804, %dma_wait3A_1005] : memref<160000x16xf32, #tpu.memory_space<hbm>> -> memref<128x16xf32, #tpu.memory_space<hbm>>
      %dma_wait3A_1007 = arith.constant 0 : i32
      %dma_wait3A_1008 = arith.constant 0 : i32
      %dma_wait3A_1009 = tpu.memref_slice %arg15[%dma_wait3A_995, %dma_wait3A_1007, %dma_wait3A_1008] : memref<2x128x16xf32, #tpu.memory_space<vmem>> -> memref<1x128x16xf32, #tpu.memory_space<vmem>>
      %dma_wait3A_1010 = tpu.memref_squeeze %dma_wait3A_1009 : memref<1x128x16xf32, #tpu.memory_space<vmem>> -> memref<128x16xf32, #tpu.memory_space<vmem>>
      %dma_wait3A_1011 = arith.constant 0 : i32
      %dma_wait3A_1012 = arith.constant 0 : i32
      %dma_wait3A_1013 = tpu.memref_slice %dma_wait3A_1010[%dma_wait3A_1011, %dma_wait3A_1012] : memref<128x16xf32, #tpu.memory_space<vmem>> -> memref<128x16xf32, #tpu.memory_space<vmem>>
      tpu.wait_dma2 semaphore(%arg31 : memref<!tpu.dma_semaphore, #tpu.memory_space<semaphore_mem>>) src(%dma_wait3A_1013 : memref<128x16xf32, #tpu.memory_space<vmem>>) dst(%dma_wait3A_1006 : memref<128x16xf32, #tpu.memory_space<hbm>>)
      %dma_wait3A_1014 = arith.constant 1 : i32
      %dma_wait3A_1015 = arith.constant 0 : i32
      %dma_wait3A_1016 = arith.constant 0 : i32
      %dma_wait3A_1017 = tpu.memref_slice %arg16[%dma_wait3A_1014, %dma_wait3A_1015, %dma_wait3A_1016] : memref<2x128x16xf32, #tpu.memory_space<vmem>> -> memref<1x128x16xf32, #tpu.memory_space<vmem>>
      %dma_wait3A_1018 = tpu.memref_squeeze %dma_wait3A_1017 : memref<1x128x16xf32, #tpu.memory_space<vmem>> -> memref<128x16xf32, #tpu.memory_space<vmem>>
      %dma_wait3A_1019 = arith.constant 0 : i32
      %dma_wait3A_1020 = arith.constant 0 : i32
      %dma_wait3A_1021 = tpu.memref_slice %dma_wait3A_1018[%dma_wait3A_1019, %dma_wait3A_1020] : memref<128x16xf32, #tpu.memory_space<vmem>> -> memref<128x16xf32, #tpu.memory_space<vmem>>
      %dma_wait3A_1022 = arith.constant 0 : i32
      %dma_wait3A_1023 = tpu.memref_slice %arg10[%add3A_804, %dma_wait3A_1022] : memref<160000x16xf32, #tpu.memory_space<hbm>> -> memref<128x16xf32, #tpu.memory_space<hbm>>
      %dma_wait3A_1024 = arith.constant 0 : i32
      %dma_wait3A_1025 = tpu.memref_slice %arg10[%add3A_804, %dma_wait3A_1024] : memref<160000x16xf32, #tpu.memory_space<hbm>> -> memref<128x16xf32, #tpu.memory_space<hbm>>
      %dma_wait3A_1026 = arith.constant 0 : i32
      %dma_wait3A_1027 = arith.constant 0 : i32
      %dma_wait3A_1028 = tpu.memref_slice %arg16[%dma_wait3A_1014, %dma_wait3A_1026, %dma_wait3A_1027] : memref<2x128x16xf32, #tpu.memory_space<vmem>> -> memref<1x128x16xf32, #tpu.memory_space<vmem>>
      %dma_wait3A_1029 = tpu.memref_squeeze %dma_wait3A_1028 : memref<1x128x16xf32, #tpu.memory_space<vmem>> -> memref<128x16xf32, #tpu.memory_space<vmem>>
      %dma_wait3A_1030 = arith.constant 0 : i32
      %dma_wait3A_1031 = arith.constant 0 : i32
      %dma_wait3A_1032 = tpu.memref_slice %dma_wait3A_1029[%dma_wait3A_1030, %dma_wait3A_1031] : memref<128x16xf32, #tpu.memory_space<vmem>> -> memref<128x16xf32, #tpu.memory_space<vmem>>
      tpu.wait_dma2 semaphore(%arg32 : memref<!tpu.dma_semaphore, #tpu.memory_space<semaphore_mem>>) src(%dma_wait3A_1032 : memref<128x16xf32, #tpu.memory_space<vmem>>) dst(%dma_wait3A_1025 : memref<128x16xf32, #tpu.memory_space<hbm>>)
    }
    %scan3A_7 = arith.constant 19 : i32
    %dma_start3A = arith.constant 0 : i32
    %dma_start3A_8 = arith.constant 0 : i32
    %dma_start3A_9 = arith.constant 0 : i32
    %dma_start3A_10 = tpu.memref_slice %arg13[%dma_start3A, %dma_start3A_8, %dma_start3A_9] : memref<2x128x128xf32, #tpu.memory_space<vmem>> -> memref<1x128x128xf32, #tpu.memory_space<vmem>>
    %dma_start3A_11 = tpu.memref_squeeze %dma_start3A_10 : memref<1x128x128xf32, #tpu.memory_space<vmem>> -> memref<128x128xf32, #tpu.memory_space<vmem>>
    %dma_start3A_12 = arith.constant 0 : i32
    %dma_start3A_13 = arith.constant 0 : i32
    %dma_start3A_14 = tpu.memref_slice %dma_start3A_11[%dma_start3A_12, %dma_start3A_13] : memref<128x128xf32, #tpu.memory_space<vmem>> -> memref<128x128xf32, #tpu.memory_space<vmem>>
    %dma_start3A_15 = arith.constant 4864 : i32
    %dma_start3A_16 = tpu.memref_slice %arg11[%dma_start3A_15] : memref<5000xi32, #tpu.memory_space<vmem>> -> memref<128xi32, #tpu.memory_space<vmem>>
    %dma_start3A_17 = arith.constant 0 : i32
    %dma_start3A_18 = arith.constant 0 : i32
    %dma_start3A_19 = tpu.memref_slice %arg2[%dma_start3A_17, %dma_start3A_18] : memref<10000x128xf32, #tpu.memory_space<hbm>> -> memref<10000x128xf32, #tpu.memory_space<hbm>>
    tpu.enqueue_indirect_dma source(%dma_start3A_19 : memref<10000x128xf32, #tpu.memory_space<hbm>>) target(%dma_start3A_14 : memref<128x128xf32, #tpu.memory_space<vmem>>) offsets(%dma_start3A_16 : memref<128xi32, #tpu.memory_space<vmem>>) semaphore(%arg17 : memref<!tpu.dma_semaphore, #tpu.memory_space<semaphore_mem>>)
    %dma_start3A_20 = arith.constant 0 : i32
    %dma_start3A_21 = arith.constant 0 : i32
    %dma_start3A_22 = arith.constant 0 : i32
    %dma_start3A_23 = tpu.memref_slice %arg14[%dma_start3A_20, %dma_start3A_21, %dma_start3A_22] : memref<2x128x128xf32, #tpu.memory_space<vmem>> -> memref<1x128x128xf32, #tpu.memory_space<vmem>>
    %dma_start3A_24 = tpu.memref_squeeze %dma_start3A_23 : memref<1x128x128xf32, #tpu.memory_space<vmem>> -> memref<128x128xf32, #tpu.memory_space<vmem>>
    %dma_start3A_25 = arith.constant 0 : i32
    %dma_start3A_26 = arith.constant 0 : i32
    %dma_start3A_27 = tpu.memref_slice %dma_start3A_24[%dma_start3A_25, %dma_start3A_26] : memref<128x128xf32, #tpu.memory_space<vmem>> -> memref<128x128xf32, #tpu.memory_space<vmem>>
    %dma_start3A_28 = arith.constant 4864 : i32
    %dma_start3A_29 = tpu.memref_slice %arg12[%dma_start3A_28] : memref<5000xi32, #tpu.memory_space<vmem>> -> memref<128xi32, #tpu.memory_space<vmem>>
    %dma_start3A_30 = arith.constant 0 : i32
    %dma_start3A_31 = arith.constant 0 : i32
    %dma_start3A_32 = tpu.memref_slice %arg3[%dma_start3A_30, %dma_start3A_31] : memref<10000x128xf32, #tpu.memory_space<hbm>> -> memref<10000x128xf32, #tpu.memory_space<hbm>>
    tpu.enqueue_indirect_dma source(%dma_start3A_32 : memref<10000x128xf32, #tpu.memory_space<hbm>>) target(%dma_start3A_27 : memref<128x128xf32, #tpu.memory_space<vmem>>) offsets(%dma_start3A_29 : memref<128xi32, #tpu.memory_space<vmem>>) semaphore(%arg18 : memref<!tpu.dma_semaphore, #tpu.memory_space<semaphore_mem>>)
    %dma_start3A_33 = arith.constant 0 : i32
    %dma_start3A_34 = arith.constant 0 : i32
    %dma_start3A_35 = arith.constant 0 : i32
    %dma_start3A_36 = tpu.memref_slice %arg15[%dma_start3A_33, %dma_start3A_34, %dma_start3A_35] : memref<2x128x16xf32, #tpu.memory_space<vmem>> -> memref<1x128x16xf32, #tpu.memory_space<vmem>>
    %dma_start3A_37 = tpu.memref_squeeze %dma_start3A_36 : memref<1x128x16xf32, #tpu.memory_space<vmem>> -> memref<128x16xf32, #tpu.memory_space<vmem>>
    %dma_start3A_38 = arith.constant 0 : i32
    %dma_start3A_39 = arith.constant 0 : i32
    %dma_start3A_40 = tpu.memref_slice %dma_start3A_37[%dma_start3A_38, %dma_start3A_39] : memref<128x16xf32, #tpu.memory_space<vmem>> -> memref<128x16xf32, #tpu.memory_space<vmem>>
    %dma_start3A_41 = arith.constant 4864 : i32
    %dma_start3A_42 = tpu.memref_slice %arg11[%dma_start3A_41] : memref<5000xi32, #tpu.memory_space<vmem>> -> memref<128xi32, #tpu.memory_space<vmem>>
    %dma_start3A_43 = arith.constant 0 : i32
    %dma_start3A_44 = arith.constant 0 : i32
    %dma_start3A_45 = tpu.memref_slice %arg4[%dma_start3A_43, %dma_start3A_44] : memref<10000x16xf32, #tpu.memory_space<hbm>> -> memref<10000x16xf32, #tpu.memory_space<hbm>>
    tpu.enqueue_indirect_dma source(%dma_start3A_45 : memref<10000x16xf32, #tpu.memory_space<hbm>>) target(%dma_start3A_40 : memref<128x16xf32, #tpu.memory_space<vmem>>) offsets(%dma_start3A_42 : memref<128xi32, #tpu.memory_space<vmem>>) semaphore(%arg19 : memref<!tpu.dma_semaphore, #tpu.memory_space<semaphore_mem>>)
    %dma_start3A_46 = arith.constant 0 : i32
    %dma_start3A_47 = arith.constant 0 : i32
    %dma_start3A_48 = arith.constant 0 : i32
    %dma_start3A_49 = tpu.memref_slice %arg16[%dma_start3A_46, %dma_start3A_47, %dma_start3A_48] : memref<2x128x16xf32, #tpu.memory_space<vmem>> -> memref<1x128x16xf32, #tpu.memory_space<vmem>>
    %dma_start3A_50 = tpu.memref_squeeze %dma_start3A_49 : memref<1x128x16xf32, #tpu.memory_space<vmem>> -> memref<128x16xf32, #tpu.memory_space<vmem>>
    %dma_start3A_51 = arith.constant 0 : i32
    %dma_start3A_52 = arith.constant 0 : i32
    %dma_start3A_53 = tpu.memref_slice %dma_start3A_50[%dma_start3A_51, %dma_start3A_52] : memref<128x16xf32, #tpu.memory_space<vmem>> -> memref<128x16xf32, #tpu.memory_space<vmem>>
    %dma_start3A_54 = arith.constant 4864 : i32
    %dma_start3A_55 = tpu.memref_slice %arg12[%dma_start3A_54] : memref<5000xi32, #tpu.memory_space<vmem>> -> memref<128xi32, #tpu.memory_space<vmem>>
    %dma_start3A_56 = arith.constant 0 : i32
    %dma_start3A_57 = arith.constant 0 : i32
    %dma_start3A_58 = tpu.memref_slice %arg4[%dma_start3A_56, %dma_start3A_57] : memref<10000x16xf32, #tpu.memory_space<hbm>> -> memref<10000x16xf32, #tpu.memory_space<hbm>>
    tpu.enqueue_indirect_dma source(%dma_start3A_58 : memref<10000x16xf32, #tpu.memory_space<hbm>>) target(%dma_start3A_53 : memref<128x16xf32, #tpu.memory_space<vmem>>) offsets(%dma_start3A_55 : memref<128xi32, #tpu.memory_space<vmem>>) semaphore(%arg20 : memref<!tpu.dma_semaphore, #tpu.memory_space<semaphore_mem>>)
    %dma_wait3A = arith.constant 0 : i32
    %dma_wait3A_59 = arith.constant 0 : i32
    %dma_wait3A_60 = arith.constant 0 : i32
    %dma_wait3A_61 = tpu.memref_slice %arg13[%dma_wait3A, %dma_wait3A_59, %dma_wait3A_60] : memref<2x128x128xf32, #tpu.memory_space<vmem>> -> memref<1x128x128xf32, #tpu.memory_space<vmem>>
    %dma_wait3A_62 = tpu.memref_squeeze %dma_wait3A_61 : memref<1x128x128xf32, #tpu.memory_space<vmem>> -> memref<128x128xf32, #tpu.memory_space<vmem>>
    %dma_wait3A_63 = arith.constant 0 : i32
    %dma_wait3A_64 = arith.constant 0 : i32
    %dma_wait3A_65 = tpu.memref_slice %dma_wait3A_62[%dma_wait3A_63, %dma_wait3A_64] : memref<128x128xf32, #tpu.memory_space<vmem>> -> memref<128x128xf32, #tpu.memory_space<vmem>>
    %dma_wait3A_66 = arith.constant 4864 : i32
    %dma_wait3A_67 = tpu.memref_slice %arg11[%dma_wait3A_66] : memref<5000xi32, #tpu.memory_space<vmem>> -> memref<128xi32, #tpu.memory_space<vmem>>
    %dma_wait3A_68 = arith.constant 0 : i32
    %dma_wait3A_69 = arith.constant 0 : i32
    %dma_wait3A_70 = tpu.memref_slice %arg2[%dma_wait3A_68, %dma_wait3A_69] : memref<10000x128xf32, #tpu.memory_space<hbm>> -> memref<10000x128xf32, #tpu.memory_space<hbm>>
    tpu.wait_indirect_dma semaphore(%arg17 : memref<!tpu.dma_semaphore, #tpu.memory_space<semaphore_mem>>) src(%dma_wait3A_70 : memref<10000x128xf32, #tpu.memory_space<hbm>>) dst(%dma_wait3A_65 : memref<128x128xf32, #tpu.memory_space<vmem>>)
    %dma_wait3A_71 = arith.constant 0 : i32
    %dma_wait3A_72 = arith.constant 0 : i32
    %dma_wait3A_73 = arith.constant 0 : i32
    %dma_wait3A_74 = tpu.memref_slice %arg14[%dma_wait3A_71, %dma_wait3A_72, %dma_wait3A_73] : memref<2x128x128xf32, #tpu.memory_space<vmem>> -> memref<1x128x128xf32, #tpu.memory_space<vmem>>
    %dma_wait3A_75 = tpu.memref_squeeze %dma_wait3A_74 : memref<1x128x128xf32, #tpu.memory_space<vmem>> -> memref<128x128xf32, #tpu.memory_space<vmem>>
    %dma_wait3A_76 = arith.constant 0 : i32
    %dma_wait3A_77 = arith.constant 0 : i32
    %dma_wait3A_78 = tpu.memref_slice %dma_wait3A_75[%dma_wait3A_76, %dma_wait3A_77] : memref<128x128xf32, #tpu.memory_space<vmem>> -> memref<128x128xf32, #tpu.memory_space<vmem>>
    %dma_wait3A_79 = arith.constant 4864 : i32
    %dma_wait3A_80 = tpu.memref_slice %arg12[%dma_wait3A_79] : memref<5000xi32, #tpu.memory_space<vmem>> -> memref<128xi32, #tpu.memory_space<vmem>>
    %dma_wait3A_81 = arith.constant 0 : i32
    %dma_wait3A_82 = arith.constant 0 : i32
    %dma_wait3A_83 = tpu.memref_slice %arg3[%dma_wait3A_81, %dma_wait3A_82] : memref<10000x128xf32, #tpu.memory_space<hbm>> -> memref<10000x128xf32, #tpu.memory_space<hbm>>
    tpu.wait_indirect_dma semaphore(%arg18 : memref<!tpu.dma_semaphore, #tpu.memory_space<semaphore_mem>>) src(%dma_wait3A_83 : memref<10000x128xf32, #tpu.memory_space<hbm>>) dst(%dma_wait3A_78 : memref<128x128xf32, #tpu.memory_space<vmem>>)
    %dma_wait3A_84 = arith.constant 0 : i32
    %dma_wait3A_85 = arith.constant 0 : i32
    %dma_wait3A_86 = arith.constant 0 : i32
    %dma_wait3A_87 = tpu.memref_slice %arg15[%dma_wait3A_84, %dma_wait3A_85, %dma_wait3A_86] : memref<2x128x16xf32, #tpu.memory_space<vmem>> -> memref<1x128x16xf32, #tpu.memory_space<vmem>>
    %dma_wait3A_88 = tpu.memref_squeeze %dma_wait3A_87 : memref<1x128x16xf32, #tpu.memory_space<vmem>> -> memref<128x16xf32, #tpu.memory_space<vmem>>
    %dma_wait3A_89 = arith.constant 0 : i32
    %dma_wait3A_90 = arith.constant 0 : i32
    %dma_wait3A_91 = tpu.memref_slice %dma_wait3A_88[%dma_wait3A_89, %dma_wait3A_90] : memref<128x16xf32, #tpu.memory_space<vmem>> -> memref<128x16xf32, #tpu.memory_space<vmem>>
    %dma_wait3A_92 = arith.constant 4864 : i32
    %dma_wait3A_93 = tpu.memref_slice %arg11[%dma_wait3A_92] : memref<5000xi32, #tpu.memory_space<vmem>> -> memref<128xi32, #tpu.memory_space<vmem>>
    %dma_wait3A_94 = arith.constant 0 : i32
    %dma_wait3A_95 = arith.constant 0 : i32
    %dma_wait3A_96 = tpu.memref_slice %arg4[%dma_wait3A_94, %dma_wait3A_95] : memref<10000x16xf32, #tpu.memory_space<hbm>> -> memref<10000x16xf32, #tpu.memory_space<hbm>>
    tpu.wait_indirect_dma semaphore(%arg19 : memref<!tpu.dma_semaphore, #tpu.memory_space<semaphore_mem>>) src(%dma_wait3A_96 : memref<10000x16xf32, #tpu.memory_space<hbm>>) dst(%dma_wait3A_91 : memref<128x16xf32, #tpu.memory_space<vmem>>)
    %dma_wait3A_97 = arith.constant 0 : i32
    %dma_wait3A_98 = arith.constant 0 : i32
    %dma_wait3A_99 = arith.constant 0 : i32
    %dma_wait3A_100 = tpu.memref_slice %arg16[%dma_wait3A_97, %dma_wait3A_98, %dma_wait3A_99] : memref<2x128x16xf32, #tpu.memory_space<vmem>> -> memref<1x128x16xf32, #tpu.memory_space<vmem>>
    %dma_wait3A_101 = tpu.memref_squeeze %dma_wait3A_100 : memref<1x128x16xf32, #tpu.memory_space<vmem>> -> memref<128x16xf32, #tpu.memory_space<vmem>>
    %dma_wait3A_102 = arith.constant 0 : i32
    %dma_wait3A_103 = arith.constant 0 : i32
    %dma_wait3A_104 = tpu.memref_slice %dma_wait3A_101[%dma_wait3A_102, %dma_wait3A_103] : memref<128x16xf32, #tpu.memory_space<vmem>> -> memref<128x16xf32, #tpu.memory_space<vmem>>
    %dma_wait3A_105 = arith.constant 4864 : i32
    %dma_wait3A_106 = tpu.memref_slice %arg12[%dma_wait3A_105] : memref<5000xi32, #tpu.memory_space<vmem>> -> memref<128xi32, #tpu.memory_space<vmem>>
    %dma_wait3A_107 = arith.constant 0 : i32
    %dma_wait3A_108 = arith.constant 0 : i32
    %dma_wait3A_109 = tpu.memref_slice %arg4[%dma_wait3A_107, %dma_wait3A_108] : memref<10000x16xf32, #tpu.memory_space<hbm>> -> memref<10000x16xf32, #tpu.memory_space<hbm>>
    tpu.wait_indirect_dma semaphore(%arg20 : memref<!tpu.dma_semaphore, #tpu.memory_space<semaphore_mem>>) src(%dma_wait3A_109 : memref<10000x16xf32, #tpu.memory_space<hbm>>) dst(%dma_wait3A_104 : memref<128x16xf32, #tpu.memory_space<vmem>>)
    %add3A_110 = arith.constant 4864 : i32
    %add3A_111 = arith.addi %mul3A_2, %add3A_110 : i32
    %dma_start3A_112 = arith.constant 0 : i32
    %dma_start3A_113 = arith.constant 0 : i32
    %dma_start3A_114 = arith.constant 0 : i32
    %dma_start3A_115 = tpu.memref_slice %arg13[%dma_start3A_112, %dma_start3A_113, %dma_start3A_114] : memref<2x128x128xf32, #tpu.memory_space<vmem>> -> memref<1x128x128xf32, #tpu.memory_space<vmem>>
    %dma_start3A_116 = tpu.memref_squeeze %dma_start3A_115 : memref<1x128x128xf32, #tpu.memory_space<vmem>> -> memref<128x128xf32, #tpu.memory_space<vmem>>
    %dma_start3A_117 = arith.constant 0 : i32
    %dma_start3A_118 = arith.constant 0 : i32
    %dma_start3A_119 = tpu.memref_slice %dma_start3A_116[%dma_start3A_117, %dma_start3A_118] : memref<128x128xf32, #tpu.memory_space<vmem>> -> memref<128x128xf32, #tpu.memory_space<vmem>>
    %dma_start3A_120 = arith.constant 0 : i32
    %dma_start3A_121 = tpu.memref_slice %arg7[%add3A_111, %dma_start3A_120] : memref<160000x128xf32, #tpu.memory_space<hbm>> -> memref<128x128xf32, #tpu.memory_space<hbm>>
    %dma_start3A_122 = arith.constant 0 : i32
    %dma_start3A_123 = tpu.memref_slice %arg7[%add3A_111, %dma_start3A_122] : memref<160000x128xf32, #tpu.memory_space<hbm>> -> memref<128x128xf32, #tpu.memory_space<hbm>>
    %dma_start3A_124 = arith.constant 0 : i32
    %dma_start3A_125 = arith.constant 0 : i32
    %dma_start3A_126 = tpu.memref_slice %arg13[%dma_start3A_112, %dma_start3A_124, %dma_start3A_125] : memref<2x128x128xf32, #tpu.memory_space<vmem>> -> memref<1x128x128xf32, #tpu.memory_space<vmem>>
    %dma_start3A_127 = tpu.memref_squeeze %dma_start3A_126 : memref<1x128x128xf32, #tpu.memory_space<vmem>> -> memref<128x128xf32, #tpu.memory_space<vmem>>
    %dma_start3A_128 = arith.constant 0 : i32
    %dma_start3A_129 = arith.constant 0 : i32
    %dma_start3A_130 = tpu.memref_slice %dma_start3A_127[%dma_start3A_128, %dma_start3A_129] : memref<128x128xf32, #tpu.memory_space<vmem>> -> memref<128x128xf32, #tpu.memory_space<vmem>>
    tpu.enqueue_dma source(%dma_start3A_130 : memref<128x128xf32, #tpu.memory_space<vmem>>) target(%dma_start3A_123 : memref<128x128xf32, #tpu.memory_space<hbm>>) target_semaphore(%arg25 : memref<!tpu.dma_semaphore, #tpu.memory_space<semaphore_mem>>)
    %dma_start3A_131 = arith.constant 0 : i32
    %dma_start3A_132 = arith.constant 0 : i32
    %dma_start3A_133 = arith.constant 0 : i32
    %dma_start3A_134 = tpu.memref_slice %arg14[%dma_start3A_131, %dma_start3A_132, %dma_start3A_133] : memref<2x128x128xf32, #tpu.memory_space<vmem>> -> memref<1x128x128xf32, #tpu.memory_space<vmem>>
    %dma_start3A_135 = tpu.memref_squeeze %dma_start3A_134 : memref<1x128x128xf32, #tpu.memory_space<vmem>> -> memref<128x128xf32, #tpu.memory_space<vmem>>
    %dma_start3A_136 = arith.constant 0 : i32
    %dma_start3A_137 = arith.constant 0 : i32
    %dma_start3A_138 = tpu.memref_slice %dma_start3A_135[%dma_start3A_136, %dma_start3A_137] : memref<128x128xf32, #tpu.memory_space<vmem>> -> memref<128x128xf32, #tpu.memory_space<vmem>>
    %dma_start3A_139 = arith.constant 0 : i32
    %dma_start3A_140 = tpu.memref_slice %arg8[%add3A_111, %dma_start3A_139] : memref<160000x128xf32, #tpu.memory_space<hbm>> -> memref<128x128xf32, #tpu.memory_space<hbm>>
    %dma_start3A_141 = arith.constant 0 : i32
    %dma_start3A_142 = tpu.memref_slice %arg8[%add3A_111, %dma_start3A_141] : memref<160000x128xf32, #tpu.memory_space<hbm>> -> memref<128x128xf32, #tpu.memory_space<hbm>>
    %dma_start3A_143 = arith.constant 0 : i32
    %dma_start3A_144 = arith.constant 0 : i32
    %dma_start3A_145 = tpu.memref_slice %arg14[%dma_start3A_131, %dma_start3A_143, %dma_start3A_144] : memref<2x128x128xf32, #tpu.memory_space<vmem>> -> memref<1x128x128xf32, #tpu.memory_space<vmem>>
    %dma_start3A_146 = tpu.memref_squeeze %dma_start3A_145 : memref<1x128x128xf32, #tpu.memory_space<vmem>> -> memref<128x128xf32, #tpu.memory_space<vmem>>
    %dma_start3A_147 = arith.constant 0 : i32
    %dma_start3A_148 = arith.constant 0 : i32
    %dma_start3A_149 = tpu.memref_slice %dma_start3A_146[%dma_start3A_147, %dma_start3A_148] : memref<128x128xf32, #tpu.memory_space<vmem>> -> memref<128x128xf32, #tpu.memory_space<vmem>>
    tpu.enqueue_dma source(%dma_start3A_149 : memref<128x128xf32, #tpu.memory_space<vmem>>) target(%dma_start3A_142 : memref<128x128xf32, #tpu.memory_space<hbm>>) target_semaphore(%arg26 : memref<!tpu.dma_semaphore, #tpu.memory_space<semaphore_mem>>)
    %dma_start3A_150 = arith.constant 0 : i32
    %dma_start3A_151 = arith.constant 0 : i32
    %dma_start3A_152 = arith.constant 0 : i32
    %dma_start3A_153 = tpu.memref_slice %arg15[%dma_start3A_150, %dma_start3A_151, %dma_start3A_152] : memref<2x128x16xf32, #tpu.memory_space<vmem>> -> memref<1x128x16xf32, #tpu.memory_space<vmem>>
    %dma_start3A_154 = tpu.memref_squeeze %dma_start3A_153 : memref<1x128x16xf32, #tpu.memory_space<vmem>> -> memref<128x16xf32, #tpu.memory_space<vmem>>
    %dma_start3A_155 = arith.constant 0 : i32
    %dma_start3A_156 = arith.constant 0 : i32
    %dma_start3A_157 = tpu.memref_slice %dma_start3A_154[%dma_start3A_155, %dma_start3A_156] : memref<128x16xf32, #tpu.memory_space<vmem>> -> memref<128x16xf32, #tpu.memory_space<vmem>>
    %dma_start3A_158 = arith.constant 0 : i32
    %dma_start3A_159 = tpu.memref_slice %arg9[%add3A_111, %dma_start3A_158] : memref<160000x16xf32, #tpu.memory_space<hbm>> -> memref<128x16xf32, #tpu.memory_space<hbm>>
    %dma_start3A_160 = arith.constant 0 : i32
    %dma_start3A_161 = tpu.memref_slice %arg9[%add3A_111, %dma_start3A_160] : memref<160000x16xf32, #tpu.memory_space<hbm>> -> memref<128x16xf32, #tpu.memory_space<hbm>>
    %dma_start3A_162 = arith.constant 0 : i32
    %dma_start3A_163 = arith.constant 0 : i32
    %dma_start3A_164 = tpu.memref_slice %arg15[%dma_start3A_150, %dma_start3A_162, %dma_start3A_163] : memref<2x128x16xf32, #tpu.memory_space<vmem>> -> memref<1x128x16xf32, #tpu.memory_space<vmem>>
    %dma_start3A_165 = tpu.memref_squeeze %dma_start3A_164 : memref<1x128x16xf32, #tpu.memory_space<vmem>> -> memref<128x16xf32, #tpu.memory_space<vmem>>
    %dma_start3A_166 = arith.constant 0 : i32
    %dma_start3A_167 = arith.constant 0 : i32
    %dma_start3A_168 = tpu.memref_slice %dma_start3A_165[%dma_start3A_166, %dma_start3A_167] : memref<128x16xf32, #tpu.memory_space<vmem>> -> memref<128x16xf32, #tpu.memory_space<vmem>>
    tpu.enqueue_dma source(%dma_start3A_168 : memref<128x16xf32, #tpu.memory_space<vmem>>) target(%dma_start3A_161 : memref<128x16xf32, #tpu.memory_space<hbm>>) target_semaphore(%arg27 : memref<!tpu.dma_semaphore, #tpu.memory_space<semaphore_mem>>)
    %dma_start3A_169 = arith.constant 0 : i32
    %dma_start3A_170 = arith.constant 0 : i32
    %dma_start3A_171 = arith.constant 0 : i32
    %dma_start3A_172 = tpu.memref_slice %arg16[%dma_start3A_169, %dma_start3A_170, %dma_start3A_171] : memref<2x128x16xf32, #tpu.memory_space<vmem>> -> memref<1x128x16xf32, #tpu.memory_space<vmem>>
    %dma_start3A_173 = tpu.memref_squeeze %dma_start3A_172 : memref<1x128x16xf32, #tpu.memory_space<vmem>> -> memref<128x16xf32, #tpu.memory_space<vmem>>
    %dma_start3A_174 = arith.constant 0 : i32
    %dma_start3A_175 = arith.constant 0 : i32
    %dma_start3A_176 = tpu.memref_slice %dma_start3A_173[%dma_start3A_174, %dma_start3A_175] : memref<128x16xf32, #tpu.memory_space<vmem>> -> memref<128x16xf32, #tpu.memory_space<vmem>>
    %dma_start3A_177 = arith.constant 0 : i32
    %dma_start3A_178 = tpu.memref_slice %arg10[%add3A_111, %dma_start3A_177] : memref<160000x16xf32, #tpu.memory_space<hbm>> -> memref<128x16xf32, #tpu.memory_space<hbm>>
    %dma_start3A_179 = arith.constant 0 : i32
    %dma_start3A_180 = tpu.memref_slice %arg10[%add3A_111, %dma_start3A_179] : memref<160000x16xf32, #tpu.memory_space<hbm>> -> memref<128x16xf32, #tpu.memory_space<hbm>>
    %dma_start3A_181 = arith.constant 0 : i32
    %dma_start3A_182 = arith.constant 0 : i32
    %dma_start3A_183 = tpu.memref_slice %arg16[%dma_start3A_169, %dma_start3A_181, %dma_start3A_182] : memref<2x128x16xf32, #tpu.memory_space<vmem>> -> memref<1x128x16xf32, #tpu.memory_space<vmem>>
    %dma_start3A_184 = tpu.memref_squeeze %dma_start3A_183 : memref<1x128x16xf32, #tpu.memory_space<vmem>> -> memref<128x16xf32, #tpu.memory_space<vmem>>
    %dma_start3A_185 = arith.constant 0 : i32
    %dma_start3A_186 = arith.constant 0 : i32
    %dma_start3A_187 = tpu.memref_slice %dma_start3A_184[%dma_start3A_185, %dma_start3A_186] : memref<128x16xf32, #tpu.memory_space<vmem>> -> memref<128x16xf32, #tpu.memory_space<vmem>>
    tpu.enqueue_dma source(%dma_start3A_187 : memref<128x16xf32, #tpu.memory_space<vmem>>) target(%dma_start3A_180 : memref<128x16xf32, #tpu.memory_space<hbm>>) target_semaphore(%arg28 : memref<!tpu.dma_semaphore, #tpu.memory_space<semaphore_mem>>)
    %dma_wait3A_188 = arith.constant 0 : i32
    %dma_wait3A_189 = arith.constant 0 : i32
    %dma_wait3A_190 = arith.constant 0 : i32
    %dma_wait3A_191 = tpu.memref_slice %arg13[%dma_wait3A_188, %dma_wait3A_189, %dma_wait3A_190] : memref<2x128x128xf32, #tpu.memory_space<vmem>> -> memref<1x128x128xf32, #tpu.memory_space<vmem>>
    %dma_wait3A_192 = tpu.memref_squeeze %dma_wait3A_191 : memref<1x128x128xf32, #tpu.memory_space<vmem>> -> memref<128x128xf32, #tpu.memory_space<vmem>>
    %dma_wait3A_193 = arith.constant 0 : i32
    %dma_wait3A_194 = arith.constant 0 : i32
    %dma_wait3A_195 = tpu.memref_slice %dma_wait3A_192[%dma_wait3A_193, %dma_wait3A_194] : memref<128x128xf32, #tpu.memory_space<vmem>> -> memref<128x128xf32, #tpu.memory_space<vmem>>
    %dma_wait3A_196 = arith.constant 0 : i32
    %dma_wait3A_197 = tpu.memref_slice %arg7[%add3A_111, %dma_wait3A_196] : memref<160000x128xf32, #tpu.memory_space<hbm>> -> memref<128x128xf32, #tpu.memory_space<hbm>>
    %dma_wait3A_198 = arith.constant 0 : i32
    %dma_wait3A_199 = tpu.memref_slice %arg7[%add3A_111, %dma_wait3A_198] : memref<160000x128xf32, #tpu.memory_space<hbm>> -> memref<128x128xf32, #tpu.memory_space<hbm>>
    %dma_wait3A_200 = arith.constant 0 : i32
    %dma_wait3A_201 = arith.constant 0 : i32
    %dma_wait3A_202 = tpu.memref_slice %arg13[%dma_wait3A_188, %dma_wait3A_200, %dma_wait3A_201] : memref<2x128x128xf32, #tpu.memory_space<vmem>> -> memref<1x128x128xf32, #tpu.memory_space<vmem>>
    %dma_wait3A_203 = tpu.memref_squeeze %dma_wait3A_202 : memref<1x128x128xf32, #tpu.memory_space<vmem>> -> memref<128x128xf32, #tpu.memory_space<vmem>>
    %dma_wait3A_204 = arith.constant 0 : i32
    %dma_wait3A_205 = arith.constant 0 : i32
    %dma_wait3A_206 = tpu.memref_slice %dma_wait3A_203[%dma_wait3A_204, %dma_wait3A_205] : memref<128x128xf32, #tpu.memory_space<vmem>> -> memref<128x128xf32, #tpu.memory_space<vmem>>
    tpu.wait_dma2 semaphore(%arg25 : memref<!tpu.dma_semaphore, #tpu.memory_space<semaphore_mem>>) src(%dma_wait3A_206 : memref<128x128xf32, #tpu.memory_space<vmem>>) dst(%dma_wait3A_199 : memref<128x128xf32, #tpu.memory_space<hbm>>)
    %dma_wait3A_207 = arith.constant 0 : i32
    %dma_wait3A_208 = arith.constant 0 : i32
    %dma_wait3A_209 = arith.constant 0 : i32
    %dma_wait3A_210 = tpu.memref_slice %arg14[%dma_wait3A_207, %dma_wait3A_208, %dma_wait3A_209] : memref<2x128x128xf32, #tpu.memory_space<vmem>> -> memref<1x128x128xf32, #tpu.memory_space<vmem>>
    %dma_wait3A_211 = tpu.memref_squeeze %dma_wait3A_210 : memref<1x128x128xf32, #tpu.memory_space<vmem>> -> memref<128x128xf32, #tpu.memory_space<vmem>>
    %dma_wait3A_212 = arith.constant 0 : i32
    %dma_wait3A_213 = arith.constant 0 : i32
    %dma_wait3A_214 = tpu.memref_slice %dma_wait3A_211[%dma_wait3A_212, %dma_wait3A_213] : memref<128x128xf32, #tpu.memory_space<vmem>> -> memref<128x128xf32, #tpu.memory_space<vmem>>
    %dma_wait3A_215 = arith.constant 0 : i32
    %dma_wait3A_216 = tpu.memref_slice %arg8[%add3A_111, %dma_wait3A_215] : memref<160000x128xf32, #tpu.memory_space<hbm>> -> memref<128x128xf32, #tpu.memory_space<hbm>>
    %dma_wait3A_217 = arith.constant 0 : i32
    %dma_wait3A_218 = tpu.memref_slice %arg8[%add3A_111, %dma_wait3A_217] : memref<160000x128xf32, #tpu.memory_space<hbm>> -> memref<128x128xf32, #tpu.memory_space<hbm>>
    %dma_wait3A_219 = arith.constant 0 : i32
    %dma_wait3A_220 = arith.constant 0 : i32
    %dma_wait3A_221 = tpu.memref_slice %arg14[%dma_wait3A_207, %dma_wait3A_219, %dma_wait3A_220] : memref<2x128x128xf32, #tpu.memory_space<vmem>> -> memref<1x128x128xf32, #tpu.memory_space<vmem>>
    %dma_wait3A_222 = tpu.memref_squeeze %dma_wait3A_221 : memref<1x128x128xf32, #tpu.memory_space<vmem>> -> memref<128x128xf32, #tpu.memory_space<vmem>>
    %dma_wait3A_223 = arith.constant 0 : i32
    %dma_wait3A_224 = arith.constant 0 : i32
    %dma_wait3A_225 = tpu.memref_slice %dma_wait3A_222[%dma_wait3A_223, %dma_wait3A_224] : memref<128x128xf32, #tpu.memory_space<vmem>> -> memref<128x128xf32, #tpu.memory_space<vmem>>
    tpu.wait_dma2 semaphore(%arg26 : memref<!tpu.dma_semaphore, #tpu.memory_space<semaphore_mem>>) src(%dma_wait3A_225 : memref<128x128xf32, #tpu.memory_space<vmem>>) dst(%dma_wait3A_218 : memref<128x128xf32, #tpu.memory_space<hbm>>)
    %dma_wait3A_226 = arith.constant 0 : i32
    %dma_wait3A_227 = arith.constant 0 : i32
    %dma_wait3A_228 = arith.constant 0 : i32
    %dma_wait3A_229 = tpu.memref_slice %arg15[%dma_wait3A_226, %dma_wait3A_227, %dma_wait3A_228] : memref<2x128x16xf32, #tpu.memory_space<vmem>> -> memref<1x128x16xf32, #tpu.memory_space<vmem>>
    %dma_wait3A_230 = tpu.memref_squeeze %dma_wait3A_229 : memref<1x128x16xf32, #tpu.memory_space<vmem>> -> memref<128x16xf32, #tpu.memory_space<vmem>>
    %dma_wait3A_231 = arith.constant 0 : i32
    %dma_wait3A_232 = arith.constant 0 : i32
    %dma_wait3A_233 = tpu.memref_slice %dma_wait3A_230[%dma_wait3A_231, %dma_wait3A_232] : memref<128x16xf32, #tpu.memory_space<vmem>> -> memref<128x16xf32, #tpu.memory_space<vmem>>
    %dma_wait3A_234 = arith.constant 0 : i32
    %dma_wait3A_235 = tpu.memref_slice %arg9[%add3A_111, %dma_wait3A_234] : memref<160000x16xf32, #tpu.memory_space<hbm>> -> memref<128x16xf32, #tpu.memory_space<hbm>>
    %dma_wait3A_236 = arith.constant 0 : i32
    %dma_wait3A_237 = tpu.memref_slice %arg9[%add3A_111, %dma_wait3A_236] : memref<160000x16xf32, #tpu.memory_space<hbm>> -> memref<128x16xf32, #tpu.memory_space<hbm>>
    %dma_wait3A_238 = arith.constant 0 : i32
    %dma_wait3A_239 = arith.constant 0 : i32
    %dma_wait3A_240 = tpu.memref_slice %arg15[%dma_wait3A_226, %dma_wait3A_238, %dma_wait3A_239] : memref<2x128x16xf32, #tpu.memory_space<vmem>> -> memref<1x128x16xf32, #tpu.memory_space<vmem>>
    %dma_wait3A_241 = tpu.memref_squeeze %dma_wait3A_240 : memref<1x128x16xf32, #tpu.memory_space<vmem>> -> memref<128x16xf32, #tpu.memory_space<vmem>>
    %dma_wait3A_242 = arith.constant 0 : i32
    %dma_wait3A_243 = arith.constant 0 : i32
    %dma_wait3A_244 = tpu.memref_slice %dma_wait3A_241[%dma_wait3A_242, %dma_wait3A_243] : memref<128x16xf32, #tpu.memory_space<vmem>> -> memref<128x16xf32, #tpu.memory_space<vmem>>
    tpu.wait_dma2 semaphore(%arg27 : memref<!tpu.dma_semaphore, #tpu.memory_space<semaphore_mem>>) src(%dma_wait3A_244 : memref<128x16xf32, #tpu.memory_space<vmem>>) dst(%dma_wait3A_237 : memref<128x16xf32, #tpu.memory_space<hbm>>)
    %dma_wait3A_245 = arith.constant 0 : i32
    %dma_wait3A_246 = arith.constant 0 : i32
    %dma_wait3A_247 = arith.constant 0 : i32
    %dma_wait3A_248 = tpu.memref_slice %arg16[%dma_wait3A_245, %dma_wait3A_246, %dma_wait3A_247] : memref<2x128x16xf32, #tpu.memory_space<vmem>> -> memref<1x128x16xf32, #tpu.memory_space<vmem>>
    %dma_wait3A_249 = tpu.memref_squeeze %dma_wait3A_248 : memref<1x128x16xf32, #tpu.memory_space<vmem>> -> memref<128x16xf32, #tpu.memory_space<vmem>>
    %dma_wait3A_250 = arith.constant 0 : i32
    %dma_wait3A_251 = arith.constant 0 : i32
    %dma_wait3A_252 = tpu.memref_slice %dma_wait3A_249[%dma_wait3A_250, %dma_wait3A_251] : memref<128x16xf32, #tpu.memory_space<vmem>> -> memref<128x16xf32, #tpu.memory_space<vmem>>
    %dma_wait3A_253 = arith.constant 0 : i32
    %dma_wait3A_254 = tpu.memref_slice %arg10[%add3A_111, %dma_wait3A_253] : memref<160000x16xf32, #tpu.memory_space<hbm>> -> memref<128x16xf32, #tpu.memory_space<hbm>>
    %dma_wait3A_255 = arith.constant 0 : i32
    %dma_wait3A_256 = tpu.memref_slice %arg10[%add3A_111, %dma_wait3A_255] : memref<160000x16xf32, #tpu.memory_space<hbm>> -> memref<128x16xf32, #tpu.memory_space<hbm>>
    %dma_wait3A_257 = arith.constant 0 : i32
    %dma_wait3A_258 = arith.constant 0 : i32
    %dma_wait3A_259 = tpu.memref_slice %arg16[%dma_wait3A_245, %dma_wait3A_257, %dma_wait3A_258] : memref<2x128x16xf32, #tpu.memory_space<vmem>> -> memref<1x128x16xf32, #tpu.memory_space<vmem>>
    %dma_wait3A_260 = tpu.memref_squeeze %dma_wait3A_259 : memref<1x128x16xf32, #tpu.memory_space<vmem>> -> memref<128x16xf32, #tpu.memory_space<vmem>>
    %dma_wait3A_261 = arith.constant 0 : i32
    %dma_wait3A_262 = arith.constant 0 : i32
    %dma_wait3A_263 = tpu.memref_slice %dma_wait3A_260[%dma_wait3A_261, %dma_wait3A_262] : memref<128x16xf32, #tpu.memory_space<vmem>> -> memref<128x16xf32, #tpu.memory_space<vmem>>
    tpu.wait_dma2 semaphore(%arg28 : memref<!tpu.dma_semaphore, #tpu.memory_space<semaphore_mem>>) src(%dma_wait3A_263 : memref<128x16xf32, #tpu.memory_space<vmem>>) dst(%dma_wait3A_256 : memref<128x16xf32, #tpu.memory_space<hbm>>)
    %dma_start3A_264 = arith.constant 0 : i32
    %dma_start3A_265 = arith.constant 0 : i32
    %dma_start3A_266 = arith.constant 0 : i32
    %dma_start3A_267 = tpu.memref_slice %arg13[%dma_start3A_264, %dma_start3A_265, %dma_start3A_266] : memref<2x128x128xf32, #tpu.memory_space<vmem>> -> memref<1x128x128xf32, #tpu.memory_space<vmem>>
    %dma_start3A_268 = tpu.memref_squeeze %dma_start3A_267 : memref<1x128x128xf32, #tpu.memory_space<vmem>> -> memref<128x128xf32, #tpu.memory_space<vmem>>
    %dma_start3A_269 = arith.constant 0 : i32
    %dma_start3A_270 = arith.constant 0 : i32
    %dma_start3A_271 = tpu.memref_slice %dma_start3A_268[%dma_start3A_269, %dma_start3A_270] : memref<128x128xf32, #tpu.memory_space<vmem>> -> memref<8x128xf32, #tpu.memory_space<vmem>>
    %dma_start3A_272 = arith.constant 4992 : i32
    %dma_start3A_273 = tpu.memref_slice %arg11[%dma_start3A_272] : memref<5000xi32, #tpu.memory_space<vmem>> -> memref<8xi32, #tpu.memory_space<vmem>>
    %dma_start3A_274 = arith.constant 0 : i32
    %dma_start3A_275 = arith.constant 0 : i32
    %dma_start3A_276 = tpu.memref_slice %arg2[%dma_start3A_274, %dma_start3A_275] : memref<10000x128xf32, #tpu.memory_space<hbm>> -> memref<10000x128xf32, #tpu.memory_space<hbm>>
    tpu.enqueue_indirect_dma source(%dma_start3A_276 : memref<10000x128xf32, #tpu.memory_space<hbm>>) target(%dma_start3A_271 : memref<8x128xf32, #tpu.memory_space<vmem>>) offsets(%dma_start3A_273 : memref<8xi32, #tpu.memory_space<vmem>>) semaphore(%arg17 : memref<!tpu.dma_semaphore, #tpu.memory_space<semaphore_mem>>)
    %dma_start3A_277 = arith.constant 0 : i32
    %dma_start3A_278 = arith.constant 0 : i32
    %dma_start3A_279 = arith.constant 0 : i32
    %dma_start3A_280 = tpu.memref_slice %arg14[%dma_start3A_277, %dma_start3A_278, %dma_start3A_279] : memref<2x128x128xf32, #tpu.memory_space<vmem>> -> memref<1x128x128xf32, #tpu.memory_space<vmem>>
    %dma_start3A_281 = tpu.memref_squeeze %dma_start3A_280 : memref<1x128x128xf32, #tpu.memory_space<vmem>> -> memref<128x128xf32, #tpu.memory_space<vmem>>
    %dma_start3A_282 = arith.constant 0 : i32
    %dma_start3A_283 = arith.constant 0 : i32
    %dma_start3A_284 = tpu.memref_slice %dma_start3A_281[%dma_start3A_282, %dma_start3A_283] : memref<128x128xf32, #tpu.memory_space<vmem>> -> memref<8x128xf32, #tpu.memory_space<vmem>>
    %dma_start3A_285 = arith.constant 4992 : i32
    %dma_start3A_286 = tpu.memref_slice %arg12[%dma_start3A_285] : memref<5000xi32, #tpu.memory_space<vmem>> -> memref<8xi32, #tpu.memory_space<vmem>>
    %dma_start3A_287 = arith.constant 0 : i32
    %dma_start3A_288 = arith.constant 0 : i32
    %dma_start3A_289 = tpu.memref_slice %arg3[%dma_start3A_287, %dma_start3A_288] : memref<10000x128xf32, #tpu.memory_space<hbm>> -> memref<10000x128xf32, #tpu.memory_space<hbm>>
    tpu.enqueue_indirect_dma source(%dma_start3A_289 : memref<10000x128xf32, #tpu.memory_space<hbm>>) target(%dma_start3A_284 : memref<8x128xf32, #tpu.memory_space<vmem>>) offsets(%dma_start3A_286 : memref<8xi32, #tpu.memory_space<vmem>>) semaphore(%arg18 : memref<!tpu.dma_semaphore, #tpu.memory_space<semaphore_mem>>)
    %dma_start3A_290 = arith.constant 0 : i32
    %dma_start3A_291 = arith.constant 0 : i32
    %dma_start3A_292 = arith.constant 0 : i32
    %dma_start3A_293 = tpu.memref_slice %arg15[%dma_start3A_290, %dma_start3A_291, %dma_start3A_292] : memref<2x128x16xf32, #tpu.memory_space<vmem>> -> memref<1x128x16xf32, #tpu.memory_space<vmem>>
    %dma_start3A_294 = tpu.memref_squeeze %dma_start3A_293 : memref<1x128x16xf32, #tpu.memory_space<vmem>> -> memref<128x16xf32, #tpu.memory_space<vmem>>
    %dma_start3A_295 = arith.constant 0 : i32
    %dma_start3A_296 = arith.constant 0 : i32
    %dma_start3A_297 = tpu.memref_slice %dma_start3A_294[%dma_start3A_295, %dma_start3A_296] : memref<128x16xf32, #tpu.memory_space<vmem>> -> memref<8x16xf32, #tpu.memory_space<vmem>>
    %dma_start3A_298 = arith.constant 4992 : i32
    %dma_start3A_299 = tpu.memref_slice %arg11[%dma_start3A_298] : memref<5000xi32, #tpu.memory_space<vmem>> -> memref<8xi32, #tpu.memory_space<vmem>>
    %dma_start3A_300 = arith.constant 0 : i32
    %dma_start3A_301 = arith.constant 0 : i32
    %dma_start3A_302 = tpu.memref_slice %arg4[%dma_start3A_300, %dma_start3A_301] : memref<10000x16xf32, #tpu.memory_space<hbm>> -> memref<10000x16xf32, #tpu.memory_space<hbm>>
    tpu.enqueue_indirect_dma source(%dma_start3A_302 : memref<10000x16xf32, #tpu.memory_space<hbm>>) target(%dma_start3A_297 : memref<8x16xf32, #tpu.memory_space<vmem>>) offsets(%dma_start3A_299 : memref<8xi32, #tpu.memory_space<vmem>>) semaphore(%arg19 : memref<!tpu.dma_semaphore, #tpu.memory_space<semaphore_mem>>)
    %dma_start3A_303 = arith.constant 0 : i32
    %dma_start3A_304 = arith.constant 0 : i32
    %dma_start3A_305 = arith.constant 0 : i32
    %dma_start3A_306 = tpu.memref_slice %arg16[%dma_start3A_303, %dma_start3A_304, %dma_start3A_305] : memref<2x128x16xf32, #tpu.memory_space<vmem>> -> memref<1x128x16xf32, #tpu.memory_space<vmem>>
    %dma_start3A_307 = tpu.memref_squeeze %dma_start3A_306 : memref<1x128x16xf32, #tpu.memory_space<vmem>> -> memref<128x16xf32, #tpu.memory_space<vmem>>
    %dma_start3A_308 = arith.constant 0 : i32
    %dma_start3A_309 = arith.constant 0 : i32
    %dma_start3A_310 = tpu.memref_slice %dma_start3A_307[%dma_start3A_308, %dma_start3A_309] : memref<128x16xf32, #tpu.memory_space<vmem>> -> memref<8x16xf32, #tpu.memory_space<vmem>>
    %dma_start3A_311 = arith.constant 4992 : i32
    %dma_start3A_312 = tpu.memref_slice %arg12[%dma_start3A_311] : memref<5000xi32, #tpu.memory_space<vmem>> -> memref<8xi32, #tpu.memory_space<vmem>>
    %dma_start3A_313 = arith.constant 0 : i32
    %dma_start3A_314 = arith.constant 0 : i32
    %dma_start3A_315 = tpu.memref_slice %arg4[%dma_start3A_313, %dma_start3A_314] : memref<10000x16xf32, #tpu.memory_space<hbm>> -> memref<10000x16xf32, #tpu.memory_space<hbm>>
    tpu.enqueue_indirect_dma source(%dma_start3A_315 : memref<10000x16xf32, #tpu.memory_space<hbm>>) target(%dma_start3A_310 : memref<8x16xf32, #tpu.memory_space<vmem>>) offsets(%dma_start3A_312 : memref<8xi32, #tpu.memory_space<vmem>>) semaphore(%arg20 : memref<!tpu.dma_semaphore, #tpu.memory_space<semaphore_mem>>)
    %dma_wait3A_316 = arith.constant 0 : i32
    %dma_wait3A_317 = arith.constant 0 : i32
    %dma_wait3A_318 = arith.constant 0 : i32
    %dma_wait3A_319 = tpu.memref_slice %arg13[%dma_wait3A_316, %dma_wait3A_317, %dma_wait3A_318] : memref<2x128x128xf32, #tpu.memory_space<vmem>> -> memref<1x128x128xf32, #tpu.memory_space<vmem>>
    %dma_wait3A_320 = tpu.memref_squeeze %dma_wait3A_319 : memref<1x128x128xf32, #tpu.memory_space<vmem>> -> memref<128x128xf32, #tpu.memory_space<vmem>>
    %dma_wait3A_321 = arith.constant 0 : i32
    %dma_wait3A_322 = arith.constant 0 : i32
    %dma_wait3A_323 = tpu.memref_slice %dma_wait3A_320[%dma_wait3A_321, %dma_wait3A_322] : memref<128x128xf32, #tpu.memory_space<vmem>> -> memref<8x128xf32, #tpu.memory_space<vmem>>
    %dma_wait3A_324 = arith.constant 4992 : i32
    %dma_wait3A_325 = tpu.memref_slice %arg11[%dma_wait3A_324] : memref<5000xi32, #tpu.memory_space<vmem>> -> memref<8xi32, #tpu.memory_space<vmem>>
    %dma_wait3A_326 = arith.constant 0 : i32
    %dma_wait3A_327 = arith.constant 0 : i32
    %dma_wait3A_328 = tpu.memref_slice %arg2[%dma_wait3A_326, %dma_wait3A_327] : memref<10000x128xf32, #tpu.memory_space<hbm>> -> memref<10000x128xf32, #tpu.memory_space<hbm>>
    tpu.wait_indirect_dma semaphore(%arg17 : memref<!tpu.dma_semaphore, #tpu.memory_space<semaphore_mem>>) src(%dma_wait3A_328 : memref<10000x128xf32, #tpu.memory_space<hbm>>) dst(%dma_wait3A_323 : memref<8x128xf32, #tpu.memory_space<vmem>>)
    %dma_wait3A_329 = arith.constant 0 : i32
    %dma_wait3A_330 = arith.constant 0 : i32
    %dma_wait3A_331 = arith.constant 0 : i32
    %dma_wait3A_332 = tpu.memref_slice %arg14[%dma_wait3A_329, %dma_wait3A_330, %dma_wait3A_331] : memref<2x128x128xf32, #tpu.memory_space<vmem>> -> memref<1x128x128xf32, #tpu.memory_space<vmem>>
    %dma_wait3A_333 = tpu.memref_squeeze %dma_wait3A_332 : memref<1x128x128xf32, #tpu.memory_space<vmem>> -> memref<128x128xf32, #tpu.memory_space<vmem>>
    %dma_wait3A_334 = arith.constant 0 : i32
    %dma_wait3A_335 = arith.constant 0 : i32
    %dma_wait3A_336 = tpu.memref_slice %dma_wait3A_333[%dma_wait3A_334, %dma_wait3A_335] : memref<128x128xf32, #tpu.memory_space<vmem>> -> memref<8x128xf32, #tpu.memory_space<vmem>>
    %dma_wait3A_337 = arith.constant 4992 : i32
    %dma_wait3A_338 = tpu.memref_slice %arg12[%dma_wait3A_337] : memref<5000xi32, #tpu.memory_space<vmem>> -> memref<8xi32, #tpu.memory_space<vmem>>
    %dma_wait3A_339 = arith.constant 0 : i32
    %dma_wait3A_340 = arith.constant 0 : i32
    %dma_wait3A_341 = tpu.memref_slice %arg3[%dma_wait3A_339, %dma_wait3A_340] : memref<10000x128xf32, #tpu.memory_space<hbm>> -> memref<10000x128xf32, #tpu.memory_space<hbm>>
    tpu.wait_indirect_dma semaphore(%arg18 : memref<!tpu.dma_semaphore, #tpu.memory_space<semaphore_mem>>) src(%dma_wait3A_341 : memref<10000x128xf32, #tpu.memory_space<hbm>>) dst(%dma_wait3A_336 : memref<8x128xf32, #tpu.memory_space<vmem>>)
    %dma_wait3A_342 = arith.constant 0 : i32
    %dma_wait3A_343 = arith.constant 0 : i32
    %dma_wait3A_344 = arith.constant 0 : i32
    %dma_wait3A_345 = tpu.memref_slice %arg15[%dma_wait3A_342, %dma_wait3A_343, %dma_wait3A_344] : memref<2x128x16xf32, #tpu.memory_space<vmem>> -> memref<1x128x16xf32, #tpu.memory_space<vmem>>
    %dma_wait3A_346 = tpu.memref_squeeze %dma_wait3A_345 : memref<1x128x16xf32, #tpu.memory_space<vmem>> -> memref<128x16xf32, #tpu.memory_space<vmem>>
    %dma_wait3A_347 = arith.constant 0 : i32
    %dma_wait3A_348 = arith.constant 0 : i32
    %dma_wait3A_349 = tpu.memref_slice %dma_wait3A_346[%dma_wait3A_347, %dma_wait3A_348] : memref<128x16xf32, #tpu.memory_space<vmem>> -> memref<8x16xf32, #tpu.memory_space<vmem>>
    %dma_wait3A_350 = arith.constant 4992 : i32
    %dma_wait3A_351 = tpu.memref_slice %arg11[%dma_wait3A_350] : memref<5000xi32, #tpu.memory_space<vmem>> -> memref<8xi32, #tpu.memory_space<vmem>>
    %dma_wait3A_352 = arith.constant 0 : i32
    %dma_wait3A_353 = arith.constant 0 : i32
    %dma_wait3A_354 = tpu.memref_slice %arg4[%dma_wait3A_352, %dma_wait3A_353] : memref<10000x16xf32, #tpu.memory_space<hbm>> -> memref<10000x16xf32, #tpu.memory_space<hbm>>
    tpu.wait_indirect_dma semaphore(%arg19 : memref<!tpu.dma_semaphore, #tpu.memory_space<semaphore_mem>>) src(%dma_wait3A_354 : memref<10000x16xf32, #tpu.memory_space<hbm>>) dst(%dma_wait3A_349 : memref<8x16xf32, #tpu.memory_space<vmem>>)
    %dma_wait3A_355 = arith.constant 0 : i32
    %dma_wait3A_356 = arith.constant 0 : i32
    %dma_wait3A_357 = arith.constant 0 : i32
    %dma_wait3A_358 = tpu.memref_slice %arg16[%dma_wait3A_355, %dma_wait3A_356, %dma_wait3A_357] : memref<2x128x16xf32, #tpu.memory_space<vmem>> -> memref<1x128x16xf32, #tpu.memory_space<vmem>>
    %dma_wait3A_359 = tpu.memref_squeeze %dma_wait3A_358 : memref<1x128x16xf32, #tpu.memory_space<vmem>> -> memref<128x16xf32, #tpu.memory_space<vmem>>
    %dma_wait3A_360 = arith.constant 0 : i32
    %dma_wait3A_361 = arith.constant 0 : i32
    %dma_wait3A_362 = tpu.memref_slice %dma_wait3A_359[%dma_wait3A_360, %dma_wait3A_361] : memref<128x16xf32, #tpu.memory_space<vmem>> -> memref<8x16xf32, #tpu.memory_space<vmem>>
    %dma_wait3A_363 = arith.constant 4992 : i32
    %dma_wait3A_364 = tpu.memref_slice %arg12[%dma_wait3A_363] : memref<5000xi32, #tpu.memory_space<vmem>> -> memref<8xi32, #tpu.memory_space<vmem>>
    %dma_wait3A_365 = arith.constant 0 : i32
    %dma_wait3A_366 = arith.constant 0 : i32
    %dma_wait3A_367 = tpu.memref_slice %arg4[%dma_wait3A_365, %dma_wait3A_366] : memref<10000x16xf32, #tpu.memory_space<hbm>> -> memref<10000x16xf32, #tpu.memory_space<hbm>>
    tpu.wait_indirect_dma semaphore(%arg20 : memref<!tpu.dma_semaphore, #tpu.memory_space<semaphore_mem>>) src(%dma_wait3A_367 : memref<10000x16xf32, #tpu.memory_space<hbm>>) dst(%dma_wait3A_362 : memref<8x16xf32, #tpu.memory_space<vmem>>)
    %add3A_368 = arith.constant 4992 : i32
    %add3A_369 = arith.addi %mul3A_2, %add3A_368 : i32
    %dma_start3A_370 = arith.constant 0 : i32
    %dma_start3A_371 = arith.constant 0 : i32
    %dma_start3A_372 = arith.constant 0 : i32
    %dma_start3A_373 = tpu.memref_slice %arg13[%dma_start3A_370, %dma_start3A_371, %dma_start3A_372] : memref<2x128x128xf32, #tpu.memory_space<vmem>> -> memref<1x128x128xf32, #tpu.memory_space<vmem>>
    %dma_start3A_374 = tpu.memref_squeeze %dma_start3A_373 : memref<1x128x128xf32, #tpu.memory_space<vmem>> -> memref<128x128xf32, #tpu.memory_space<vmem>>
    %dma_start3A_375 = arith.constant 0 : i32
    %dma_start3A_376 = arith.constant 0 : i32
    %dma_start3A_377 = tpu.memref_slice %dma_start3A_374[%dma_start3A_375, %dma_start3A_376] : memref<128x128xf32, #tpu.memory_space<vmem>> -> memref<8x128xf32, #tpu.memory_space<vmem>>
    %dma_start3A_378 = arith.constant 0 : i32
    %dma_start3A_379 = tpu.memref_slice %arg7[%add3A_369, %dma_start3A_378] : memref<160000x128xf32, #tpu.memory_space<hbm>> -> memref<8x128xf32, #tpu.memory_space<hbm>>
    %dma_start3A_380 = arith.constant 0 : i32
    %dma_start3A_381 = tpu.memref_slice %arg7[%add3A_369, %dma_start3A_380] : memref<160000x128xf32, #tpu.memory_space<hbm>> -> memref<8x128xf32, #tpu.memory_space<hbm>>
    %dma_start3A_382 = arith.constant 0 : i32
    %dma_start3A_383 = arith.constant 0 : i32
    %dma_start3A_384 = tpu.memref_slice %arg13[%dma_start3A_370, %dma_start3A_382, %dma_start3A_383] : memref<2x128x128xf32, #tpu.memory_space<vmem>> -> memref<1x128x128xf32, #tpu.memory_space<vmem>>
    %dma_start3A_385 = tpu.memref_squeeze %dma_start3A_384 : memref<1x128x128xf32, #tpu.memory_space<vmem>> -> memref<128x128xf32, #tpu.memory_space<vmem>>
    %dma_start3A_386 = arith.constant 0 : i32
    %dma_start3A_387 = arith.constant 0 : i32
    %dma_start3A_388 = tpu.memref_slice %dma_start3A_385[%dma_start3A_386, %dma_start3A_387] : memref<128x128xf32, #tpu.memory_space<vmem>> -> memref<8x128xf32, #tpu.memory_space<vmem>>
    tpu.enqueue_dma source(%dma_start3A_388 : memref<8x128xf32, #tpu.memory_space<vmem>>) target(%dma_start3A_381 : memref<8x128xf32, #tpu.memory_space<hbm>>) target_semaphore(%arg25 : memref<!tpu.dma_semaphore, #tpu.memory_space<semaphore_mem>>)
    %dma_start3A_389 = arith.constant 0 : i32
    %dma_start3A_390 = arith.constant 0 : i32
    %dma_start3A_391 = arith.constant 0 : i32
    %dma_start3A_392 = tpu.memref_slice %arg14[%dma_start3A_389, %dma_start3A_390, %dma_start3A_391] : memref<2x128x128xf32, #tpu.memory_space<vmem>> -> memref<1x128x128xf32, #tpu.memory_space<vmem>>
    %dma_start3A_393 = tpu.memref_squeeze %dma_start3A_392 : memref<1x128x128xf32, #tpu.memory_space<vmem>> -> memref<128x128xf32, #tpu.memory_space<vmem>>
    %dma_start3A_394 = arith.constant 0 : i32
    %dma_start3A_395 = arith.constant 0 : i32
    %dma_start3A_396 = tpu.memref_slice %dma_start3A_393[%dma_start3A_394, %dma_start3A_395] : memref<128x128xf32, #tpu.memory_space<vmem>> -> memref<8x128xf32, #tpu.memory_space<vmem>>
    %dma_start3A_397 = arith.constant 0 : i32
    %dma_start3A_398 = tpu.memref_slice %arg8[%add3A_369, %dma_start3A_397] : memref<160000x128xf32, #tpu.memory_space<hbm>> -> memref<8x128xf32, #tpu.memory_space<hbm>>
    %dma_start3A_399 = arith.constant 0 : i32
    %dma_start3A_400 = tpu.memref_slice %arg8[%add3A_369, %dma_start3A_399] : memref<160000x128xf32, #tpu.memory_space<hbm>> -> memref<8x128xf32, #tpu.memory_space<hbm>>
    %dma_start3A_401 = arith.constant 0 : i32
    %dma_start3A_402 = arith.constant 0 : i32
    %dma_start3A_403 = tpu.memref_slice %arg14[%dma_start3A_389, %dma_start3A_401, %dma_start3A_402] : memref<2x128x128xf32, #tpu.memory_space<vmem>> -> memref<1x128x128xf32, #tpu.memory_space<vmem>>
    %dma_start3A_404 = tpu.memref_squeeze %dma_start3A_403 : memref<1x128x128xf32, #tpu.memory_space<vmem>> -> memref<128x128xf32, #tpu.memory_space<vmem>>
    %dma_start3A_405 = arith.constant 0 : i32
    %dma_start3A_406 = arith.constant 0 : i32
    %dma_start3A_407 = tpu.memref_slice %dma_start3A_404[%dma_start3A_405, %dma_start3A_406] : memref<128x128xf32, #tpu.memory_space<vmem>> -> memref<8x128xf32, #tpu.memory_space<vmem>>
    tpu.enqueue_dma source(%dma_start3A_407 : memref<8x128xf32, #tpu.memory_space<vmem>>) target(%dma_start3A_400 : memref<8x128xf32, #tpu.memory_space<hbm>>) target_semaphore(%arg26 : memref<!tpu.dma_semaphore, #tpu.memory_space<semaphore_mem>>)
    %dma_start3A_408 = arith.constant 0 : i32
    %dma_start3A_409 = arith.constant 0 : i32
    %dma_start3A_410 = arith.constant 0 : i32
    %dma_start3A_411 = tpu.memref_slice %arg15[%dma_start3A_408, %dma_start3A_409, %dma_start3A_410] : memref<2x128x16xf32, #tpu.memory_space<vmem>> -> memref<1x128x16xf32, #tpu.memory_space<vmem>>
    %dma_start3A_412 = tpu.memref_squeeze %dma_start3A_411 : memref<1x128x16xf32, #tpu.memory_space<vmem>> -> memref<128x16xf32, #tpu.memory_space<vmem>>
    %dma_start3A_413 = arith.constant 0 : i32
    %dma_start3A_414 = arith.constant 0 : i32
    %dma_start3A_415 = tpu.memref_slice %dma_start3A_412[%dma_start3A_413, %dma_start3A_414] : memref<128x16xf32, #tpu.memory_space<vmem>> -> memref<8x16xf32, #tpu.memory_space<vmem>>
    %dma_start3A_416 = arith.constant 0 : i32
    %dma_start3A_417 = tpu.memref_slice %arg9[%add3A_369, %dma_start3A_416] : memref<160000x16xf32, #tpu.memory_space<hbm>> -> memref<8x16xf32, #tpu.memory_space<hbm>>
    %dma_start3A_418 = arith.constant 0 : i32
    %dma_start3A_419 = tpu.memref_slice %arg9[%add3A_369, %dma_start3A_418] : memref<160000x16xf32, #tpu.memory_space<hbm>> -> memref<8x16xf32, #tpu.memory_space<hbm>>
    %dma_start3A_420 = arith.constant 0 : i32
    %dma_start3A_421 = arith.constant 0 : i32
    %dma_start3A_422 = tpu.memref_slice %arg15[%dma_start3A_408, %dma_start3A_420, %dma_start3A_421] : memref<2x128x16xf32, #tpu.memory_space<vmem>> -> memref<1x128x16xf32, #tpu.memory_space<vmem>>
    %dma_start3A_423 = tpu.memref_squeeze %dma_start3A_422 : memref<1x128x16xf32, #tpu.memory_space<vmem>> -> memref<128x16xf32, #tpu.memory_space<vmem>>
    %dma_start3A_424 = arith.constant 0 : i32
    %dma_start3A_425 = arith.constant 0 : i32
    %dma_start3A_426 = tpu.memref_slice %dma_start3A_423[%dma_start3A_424, %dma_start3A_425] : memref<128x16xf32, #tpu.memory_space<vmem>> -> memref<8x16xf32, #tpu.memory_space<vmem>>
    tpu.enqueue_dma source(%dma_start3A_426 : memref<8x16xf32, #tpu.memory_space<vmem>>) target(%dma_start3A_419 : memref<8x16xf32, #tpu.memory_space<hbm>>) target_semaphore(%arg27 : memref<!tpu.dma_semaphore, #tpu.memory_space<semaphore_mem>>)
    %dma_start3A_427 = arith.constant 0 : i32
    %dma_start3A_428 = arith.constant 0 : i32
    %dma_start3A_429 = arith.constant 0 : i32
    %dma_start3A_430 = tpu.memref_slice %arg16[%dma_start3A_427, %dma_start3A_428, %dma_start3A_429] : memref<2x128x16xf32, #tpu.memory_space<vmem>> -> memref<1x128x16xf32, #tpu.memory_space<vmem>>
    %dma_start3A_431 = tpu.memref_squeeze %dma_start3A_430 : memref<1x128x16xf32, #tpu.memory_space<vmem>> -> memref<128x16xf32, #tpu.memory_space<vmem>>
    %dma_start3A_432 = arith.constant 0 : i32
    %dma_start3A_433 = arith.constant 0 : i32
    %dma_start3A_434 = tpu.memref_slice %dma_start3A_431[%dma_start3A_432, %dma_start3A_433] : memref<128x16xf32, #tpu.memory_space<vmem>> -> memref<8x16xf32, #tpu.memory_space<vmem>>
    %dma_start3A_435 = arith.constant 0 : i32
    %dma_start3A_436 = tpu.memref_slice %arg10[%add3A_369, %dma_start3A_435] : memref<160000x16xf32, #tpu.memory_space<hbm>> -> memref<8x16xf32, #tpu.memory_space<hbm>>
    %dma_start3A_437 = arith.constant 0 : i32
    %dma_start3A_438 = tpu.memref_slice %arg10[%add3A_369, %dma_start3A_437] : memref<160000x16xf32, #tpu.memory_space<hbm>> -> memref<8x16xf32, #tpu.memory_space<hbm>>
    %dma_start3A_439 = arith.constant 0 : i32
    %dma_start3A_440 = arith.constant 0 : i32
    %dma_start3A_441 = tpu.memref_slice %arg16[%dma_start3A_427, %dma_start3A_439, %dma_start3A_440] : memref<2x128x16xf32, #tpu.memory_space<vmem>> -> memref<1x128x16xf32, #tpu.memory_space<vmem>>
    %dma_start3A_442 = tpu.memref_squeeze %dma_start3A_441 : memref<1x128x16xf32, #tpu.memory_space<vmem>> -> memref<128x16xf32, #tpu.memory_space<vmem>>
    %dma_start3A_443 = arith.constant 0 : i32
    %dma_start3A_444 = arith.constant 0 : i32
    %dma_start3A_445 = tpu.memref_slice %dma_start3A_442[%dma_start3A_443, %dma_start3A_444] : memref<128x16xf32, #tpu.memory_space<vmem>> -> memref<8x16xf32, #tpu.memory_space<vmem>>
    tpu.enqueue_dma source(%dma_start3A_445 : memref<8x16xf32, #tpu.memory_space<vmem>>) target(%dma_start3A_438 : memref<8x16xf32, #tpu.memory_space<hbm>>) target_semaphore(%arg28 : memref<!tpu.dma_semaphore, #tpu.memory_space<semaphore_mem>>)
    %dma_wait3A_446 = arith.constant 0 : i32
    %dma_wait3A_447 = arith.constant 0 : i32
    %dma_wait3A_448 = arith.constant 0 : i32
    %dma_wait3A_449 = tpu.memref_slice %arg13[%dma_wait3A_446, %dma_wait3A_447, %dma_wait3A_448] : memref<2x128x128xf32, #tpu.memory_space<vmem>> -> memref<1x128x128xf32, #tpu.memory_space<vmem>>
    %dma_wait3A_450 = tpu.memref_squeeze %dma_wait3A_449 : memref<1x128x128xf32, #tpu.memory_space<vmem>> -> memref<128x128xf32, #tpu.memory_space<vmem>>
    %dma_wait3A_451 = arith.constant 0 : i32
    %dma_wait3A_452 = arith.constant 0 : i32
    %dma_wait3A_453 = tpu.memref_slice %dma_wait3A_450[%dma_wait3A_451, %dma_wait3A_452] : memref<128x128xf32, #tpu.memory_space<vmem>> -> memref<8x128xf32, #tpu.memory_space<vmem>>
    %dma_wait3A_454 = arith.constant 0 : i32
    %dma_wait3A_455 = tpu.memref_slice %arg7[%add3A_369, %dma_wait3A_454] : memref<160000x128xf32, #tpu.memory_space<hbm>> -> memref<8x128xf32, #tpu.memory_space<hbm>>
    %dma_wait3A_456 = arith.constant 0 : i32
    %dma_wait3A_457 = tpu.memref_slice %arg7[%add3A_369, %dma_wait3A_456] : memref<160000x128xf32, #tpu.memory_space<hbm>> -> memref<8x128xf32, #tpu.memory_space<hbm>>
    %dma_wait3A_458 = arith.constant 0 : i32
    %dma_wait3A_459 = arith.constant 0 : i32
    %dma_wait3A_460 = tpu.memref_slice %arg13[%dma_wait3A_446, %dma_wait3A_458, %dma_wait3A_459] : memref<2x128x128xf32, #tpu.memory_space<vmem>> -> memref<1x128x128xf32, #tpu.memory_space<vmem>>
    %dma_wait3A_461 = tpu.memref_squeeze %dma_wait3A_460 : memref<1x128x128xf32, #tpu.memory_space<vmem>> -> memref<128x128xf32, #tpu.memory_space<vmem>>
    %dma_wait3A_462 = arith.constant 0 : i32
    %dma_wait3A_463 = arith.constant 0 : i32
    %dma_wait3A_464 = tpu.memref_slice %dma_wait3A_461[%dma_wait3A_462, %dma_wait3A_463] : memref<128x128xf32, #tpu.memory_space<vmem>> -> memref<8x128xf32, #tpu.memory_space<vmem>>
    tpu.wait_dma2 semaphore(%arg25 : memref<!tpu.dma_semaphore, #tpu.memory_space<semaphore_mem>>) src(%dma_wait3A_464 : memref<8x128xf32, #tpu.memory_space<vmem>>) dst(%dma_wait3A_457 : memref<8x128xf32, #tpu.memory_space<hbm>>)
    %dma_wait3A_465 = arith.constant 0 : i32
    %dma_wait3A_466 = arith.constant 0 : i32
    %dma_wait3A_467 = arith.constant 0 : i32
    %dma_wait3A_468 = tpu.memref_slice %arg14[%dma_wait3A_465, %dma_wait3A_466, %dma_wait3A_467] : memref<2x128x128xf32, #tpu.memory_space<vmem>> -> memref<1x128x128xf32, #tpu.memory_space<vmem>>
    %dma_wait3A_469 = tpu.memref_squeeze %dma_wait3A_468 : memref<1x128x128xf32, #tpu.memory_space<vmem>> -> memref<128x128xf32, #tpu.memory_space<vmem>>
    %dma_wait3A_470 = arith.constant 0 : i32
    %dma_wait3A_471 = arith.constant 0 : i32
    %dma_wait3A_472 = tpu.memref_slice %dma_wait3A_469[%dma_wait3A_470, %dma_wait3A_471] : memref<128x128xf32, #tpu.memory_space<vmem>> -> memref<8x128xf32, #tpu.memory_space<vmem>>
    %dma_wait3A_473 = arith.constant 0 : i32
    %dma_wait3A_474 = tpu.memref_slice %arg8[%add3A_369, %dma_wait3A_473] : memref<160000x128xf32, #tpu.memory_space<hbm>> -> memref<8x128xf32, #tpu.memory_space<hbm>>
    %dma_wait3A_475 = arith.constant 0 : i32
    %dma_wait3A_476 = tpu.memref_slice %arg8[%add3A_369, %dma_wait3A_475] : memref<160000x128xf32, #tpu.memory_space<hbm>> -> memref<8x128xf32, #tpu.memory_space<hbm>>
    %dma_wait3A_477 = arith.constant 0 : i32
    %dma_wait3A_478 = arith.constant 0 : i32
    %dma_wait3A_479 = tpu.memref_slice %arg14[%dma_wait3A_465, %dma_wait3A_477, %dma_wait3A_478] : memref<2x128x128xf32, #tpu.memory_space<vmem>> -> memref<1x128x128xf32, #tpu.memory_space<vmem>>
    %dma_wait3A_480 = tpu.memref_squeeze %dma_wait3A_479 : memref<1x128x128xf32, #tpu.memory_space<vmem>> -> memref<128x128xf32, #tpu.memory_space<vmem>>
    %dma_wait3A_481 = arith.constant 0 : i32
    %dma_wait3A_482 = arith.constant 0 : i32
    %dma_wait3A_483 = tpu.memref_slice %dma_wait3A_480[%dma_wait3A_481, %dma_wait3A_482] : memref<128x128xf32, #tpu.memory_space<vmem>> -> memref<8x128xf32, #tpu.memory_space<vmem>>
    tpu.wait_dma2 semaphore(%arg26 : memref<!tpu.dma_semaphore, #tpu.memory_space<semaphore_mem>>) src(%dma_wait3A_483 : memref<8x128xf32, #tpu.memory_space<vmem>>) dst(%dma_wait3A_476 : memref<8x128xf32, #tpu.memory_space<hbm>>)
    %dma_wait3A_484 = arith.constant 0 : i32
    %dma_wait3A_485 = arith.constant 0 : i32
    %dma_wait3A_486 = arith.constant 0 : i32
    %dma_wait3A_487 = tpu.memref_slice %arg15[%dma_wait3A_484, %dma_wait3A_485, %dma_wait3A_486] : memref<2x128x16xf32, #tpu.memory_space<vmem>> -> memref<1x128x16xf32, #tpu.memory_space<vmem>>
    %dma_wait3A_488 = tpu.memref_squeeze %dma_wait3A_487 : memref<1x128x16xf32, #tpu.memory_space<vmem>> -> memref<128x16xf32, #tpu.memory_space<vmem>>
    %dma_wait3A_489 = arith.constant 0 : i32
    %dma_wait3A_490 = arith.constant 0 : i32
    %dma_wait3A_491 = tpu.memref_slice %dma_wait3A_488[%dma_wait3A_489, %dma_wait3A_490] : memref<128x16xf32, #tpu.memory_space<vmem>> -> memref<8x16xf32, #tpu.memory_space<vmem>>
    %dma_wait3A_492 = arith.constant 0 : i32
    %dma_wait3A_493 = tpu.memref_slice %arg9[%add3A_369, %dma_wait3A_492] : memref<160000x16xf32, #tpu.memory_space<hbm>> -> memref<8x16xf32, #tpu.memory_space<hbm>>
    %dma_wait3A_494 = arith.constant 0 : i32
    %dma_wait3A_495 = tpu.memref_slice %arg9[%add3A_369, %dma_wait3A_494] : memref<160000x16xf32, #tpu.memory_space<hbm>> -> memref<8x16xf32, #tpu.memory_space<hbm>>
    %dma_wait3A_496 = arith.constant 0 : i32
    %dma_wait3A_497 = arith.constant 0 : i32
    %dma_wait3A_498 = tpu.memref_slice %arg15[%dma_wait3A_484, %dma_wait3A_496, %dma_wait3A_497] : memref<2x128x16xf32, #tpu.memory_space<vmem>> -> memref<1x128x16xf32, #tpu.memory_space<vmem>>
    %dma_wait3A_499 = tpu.memref_squeeze %dma_wait3A_498 : memref<1x128x16xf32, #tpu.memory_space<vmem>> -> memref<128x16xf32, #tpu.memory_space<vmem>>
    %dma_wait3A_500 = arith.constant 0 : i32
    %dma_wait3A_501 = arith.constant 0 : i32
    %dma_wait3A_502 = tpu.memref_slice %dma_wait3A_499[%dma_wait3A_500, %dma_wait3A_501] : memref<128x16xf32, #tpu.memory_space<vmem>> -> memref<8x16xf32, #tpu.memory_space<vmem>>
    tpu.wait_dma2 semaphore(%arg27 : memref<!tpu.dma_semaphore, #tpu.memory_space<semaphore_mem>>) src(%dma_wait3A_502 : memref<8x16xf32, #tpu.memory_space<vmem>>) dst(%dma_wait3A_495 : memref<8x16xf32, #tpu.memory_space<hbm>>)
    %dma_wait3A_503 = arith.constant 0 : i32
    %dma_wait3A_504 = arith.constant 0 : i32
    %dma_wait3A_505 = arith.constant 0 : i32
    %dma_wait3A_506 = tpu.memref_slice %arg16[%dma_wait3A_503, %dma_wait3A_504, %dma_wait3A_505] : memref<2x128x16xf32, #tpu.memory_space<vmem>> -> memref<1x128x16xf32, #tpu.memory_space<vmem>>
    %dma_wait3A_507 = tpu.memref_squeeze %dma_wait3A_506 : memref<1x128x16xf32, #tpu.memory_space<vmem>> -> memref<128x16xf32, #tpu.memory_space<vmem>>
    %dma_wait3A_508 = arith.constant 0 : i32
    %dma_wait3A_509 = arith.constant 0 : i32
    %dma_wait3A_510 = tpu.memref_slice %dma_wait3A_507[%dma_wait3A_508, %dma_wait3A_509] : memref<128x16xf32, #tpu.memory_space<vmem>> -> memref<8x16xf32, #tpu.memory_space<vmem>>
    %dma_wait3A_511 = arith.constant 0 : i32
    %dma_wait3A_512 = tpu.memref_slice %arg10[%add3A_369, %dma_wait3A_511] : memref<160000x16xf32, #tpu.memory_space<hbm>> -> memref<8x16xf32, #tpu.memory_space<hbm>>
    %dma_wait3A_513 = arith.constant 0 : i32
    %dma_wait3A_514 = tpu.memref_slice %arg10[%add3A_369, %dma_wait3A_513] : memref<160000x16xf32, #tpu.memory_space<hbm>> -> memref<8x16xf32, #tpu.memory_space<hbm>>
    %dma_wait3A_515 = arith.constant 0 : i32
    %dma_wait3A_516 = arith.constant 0 : i32
    %dma_wait3A_517 = tpu.memref_slice %arg16[%dma_wait3A_503, %dma_wait3A_515, %dma_wait3A_516] : memref<2x128x16xf32, #tpu.memory_space<vmem>> -> memref<1x128x16xf32, #tpu.memory_space<vmem>>
    %dma_wait3A_518 = tpu.memref_squeeze %dma_wait3A_517 : memref<1x128x16xf32, #tpu.memory_space<vmem>> -> memref<128x16xf32, #tpu.memory_space<vmem>>
    %dma_wait3A_519 = arith.constant 0 : i32
    %dma_wait3A_520 = arith.constant 0 : i32
    %dma_wait3A_521 = tpu.memref_slice %dma_wait3A_518[%dma_wait3A_519, %dma_wait3A_520] : memref<128x16xf32, #tpu.memory_space<vmem>> -> memref<8x16xf32, #tpu.memory_space<vmem>>
    tpu.wait_dma2 semaphore(%arg28 : memref<!tpu.dma_semaphore, #tpu.memory_space<semaphore_mem>>) src(%dma_wait3A_521 : memref<8x16xf32, #tpu.memory_space<vmem>>) dst(%dma_wait3A_514 : memref<8x16xf32, #tpu.memory_space<hbm>>)
    return
  }
}

#map = affine_map<(d0, d1) -> (0, 0)>
#map1 = affine_map<(d0, d1) -> (0)>
module attributes {stable_mosaic.version = 14 : i64} {
  func.func @_sc_gather_body(%arg0: i32, %arg1: i32, %arg2: memref<10000x128xf32, #tpu.memory_space<hbm>>, %arg3: memref<10000x128xf32, #tpu.memory_space<hbm>>, %arg4: memref<10000x16xf32, #tpu.memory_space<hbm>>, %arg5: memref<160000xi32, #tpu.memory_space<hbm>>, %arg6: memref<160000xi32, #tpu.memory_space<hbm>>, %arg7: memref<160000x128xf32, #tpu.memory_space<hbm>>, %arg8: memref<160000x128xf32, #tpu.memory_space<hbm>>, %arg9: memref<160000x16xf32, #tpu.memory_space<hbm>>, %arg10: memref<160000x16xf32, #tpu.memory_space<hbm>>, %arg11: memref<5000xi32, #tpu.memory_space<vmem>>, %arg12: memref<5000xi32, #tpu.memory_space<vmem>>, %arg13: memref<2x128x128xf32, #tpu.memory_space<vmem>>, %arg14: memref<2x128x128xf32, #tpu.memory_space<vmem>>, %arg15: memref<2x128x16xf32, #tpu.memory_space<vmem>>, %arg16: memref<2x128x16xf32, #tpu.memory_space<vmem>>, %arg17: memref<!tpu.dma_semaphore, #tpu.memory_space<semaphore_mem>>, %arg18: memref<!tpu.dma_semaphore, #tpu.memory_space<semaphore_mem>>, %arg19: memref<!tpu.dma_semaphore, #tpu.memory_space<semaphore_mem>>, %arg20: memref<!tpu.dma_semaphore, #tpu.memory_space<semaphore_mem>>, %arg21: memref<!tpu.dma_semaphore, #tpu.memory_space<semaphore_mem>>, %arg22: memref<!tpu.dma_semaphore, #tpu.memory_space<semaphore_mem>>, %arg23: memref<!tpu.dma_semaphore, #tpu.memory_space<semaphore_mem>>, %arg24: memref<!tpu.dma_semaphore, #tpu.memory_space<semaphore_mem>>, %arg25: memref<!tpu.dma_semaphore, #tpu.memory_space<semaphore_mem>>, %arg26: memref<!tpu.dma_semaphore, #tpu.memory_space<semaphore_mem>>, %arg27: memref<!tpu.dma_semaphore, #tpu.memory_space<semaphore_mem>>, %arg28: memref<!tpu.dma_semaphore, #tpu.memory_space<semaphore_mem>>, %arg29: memref<!tpu.dma_semaphore, #tpu.memory_space<semaphore_mem>>, %arg30: memref<!tpu.dma_semaphore, #tpu.memory_space<semaphore_mem>>, %arg31: memref<!tpu.dma_semaphore, #tpu.memory_space<semaphore_mem>>, %arg32: memref<!tpu.dma_semaphore, #tpu.memory_space<semaphore_mem>>) attributes {dimension_semantics = [#tpu.dimension_semantics<core_parallel>, #tpu.dimension_semantics<subcore_parallel>], iteration_bounds = array<i64: 2, 16>, scalar_prefetch = 0 : i64, scratch_operands = 22 : i64, tpu.core_type = #tpu.core_type<sc_vector_subcore>, window_params = [{transform_indices = #map}, {transform_indices = #map}, {transform_indices = #map}, {transform_indices = #map1}, {transform_indices = #map1}, {transform_indices = #map}, {transform_indices = #map}, {transform_indices = #map}, {transform_indices = #map}]} {
    %mul3A = arith.constant 16 : i32
    %mul3A_0 = arith.muli %arg0, %mul3A : i32
    %add3A = arith.addi %mul3A_0, %arg1 : i32
    %mul3A_1 = arith.constant 5000 : i32
    %mul3A_2 = arith.muli %add3A, %mul3A_1 : i32
    "tpu.region"() ({
      %run_scoped3A = tpu.sem_alloc : memref<!tpu.dma_semaphore, #tpu.memory_space<semaphore_mem>>
      %dma_start3A_522 = tpu.memref_slice %arg5[%mul3A_2] : memref<160000xi32, #tpu.memory_space<hbm>> -> memref<5000xi32, #tpu.memory_space<hbm>>
      %dma_start3A_523 = tpu.memref_slice %arg5[%mul3A_2] : memref<160000xi32, #tpu.memory_space<hbm>> -> memref<5000xi32, #tpu.memory_space<hbm>>
      tpu.enqueue_dma source(%dma_start3A_523 : memref<5000xi32, #tpu.memory_space<hbm>>) target(%arg11 : memref<5000xi32, #tpu.memory_space<vmem>>) target_semaphore(%run_scoped3A : memref<!tpu.dma_semaphore, #tpu.memory_space<semaphore_mem>>)
      %dma_wait3A_524 = tpu.memref_slice %arg5[%mul3A_2] : memref<160000xi32, #tpu.memory_space<hbm>> -> memref<5000xi32, #tpu.memory_space<hbm>>
      %dma_wait3A_525 = tpu.memref_slice %arg5[%mul3A_2] : memref<160000xi32, #tpu.memory_space<hbm>> -> memref<5000xi32, #tpu.memory_space<hbm>>
      tpu.wait_dma2 semaphore(%run_scoped3A : memref<!tpu.dma_semaphore, #tpu.memory_space<semaphore_mem>>) src(%dma_wait3A_525 : memref<5000xi32, #tpu.memory_space<hbm>>) dst(%arg11 : memref<5000xi32, #tpu.memory_space<vmem>>)
      tpu.yield
    }) : () -> ()
    "tpu.region"() ({
      %run_scoped3A = tpu.sem_alloc : memref<!tpu.dma_semaphore, #tpu.memory_space<semaphore_mem>>
      %dma_start3A_522 = tpu.memref_slice %arg6[%mul3A_2] : memref<160000xi32, #tpu.memory_space<hbm>> -> memref<5000xi32, #tpu.memory_space<hbm>>
      %dma_start3A_523 = tpu.memref_slice %arg6[%mul3A_2] : memref<160000xi32, #tpu.memory_space<hbm>> -> memref<5000xi32, #tpu.memory_space<hbm>>
      tpu.enqueue_dma source(%dma_start3A_523 : memref<5000xi32, #tpu.memory_space<hbm>>) target(%arg12 : memref<5000xi32, #tpu.memory_space<vmem>>) target_semaphore(%run_scoped3A : memref<!tpu.dma_semaphore, #tpu.memory_space<semaphore_mem>>)
      %dma_wait3A_524 = tpu.memref_slice %arg6[%mul3A_2] : memref<160000xi32, #tpu.memory_space<hbm>> -> memref<5000xi32, #tpu.memory_space<hbm>>
      %dma_wait3A_525 = tpu.memref_slice %arg6[%mul3A_2] : memref<160000xi32, #tpu.memory_space<hbm>> -> memref<5000xi32, #tpu.memory_space<hbm>>
      tpu.wait_dma2 semaphore(%run_scoped3A : memref<!tpu.dma_semaphore, #tpu.memory_space<semaphore_mem>>) src(%dma_wait3A_525 : memref<5000xi32, #tpu.memory_space<hbm>>) dst(%arg12 : memref<5000xi32, #tpu.memory_space<vmem>>)
      tpu.yield
    }) : () -> ()
    %scan3A = arith.constant 0 : i32
    %scan3A_3 = arith.constant 0 : i32
    %scan3A_4 = arith.constant 19 : i32
    %scan3A_5 = arith.addi %scan3A_3, %scan3A_4 : i32
    %scan3A_6 = arith.constant 1 : i32
    scf.for %scan3A_522 = %scan3A_3 to %scan3A_5 step %scan3A_6  : i32 {
      %mul3A_523 = arith.constant 2 : i32
      %mul3A_524 = arith.muli %mul3A_523, %scan3A_522 : i32
      %add3A_525 = arith.constant 1 : i32
      %add3A_526 = arith.addi %mul3A_524, %add3A_525 : i32
      %mul3A_527 = arith.constant 128 : i32
      %mul3A_528 = arith.muli %mul3A_524, %mul3A_527 : i32
      %dma_start3A_529 = arith.constant 0 : i32
      %dma_start3A_530 = arith.constant 0 : i32
      %dma_start3A_531 = arith.constant 0 : i32
      %dma_start3A_532 = tpu.memref_slice %arg13[%dma_start3A_529, %dma_start3A_530, %dma_start3A_531] : memref<2x128x128xf32, #tpu.memory_space<vmem>> -> memref<1x128x128xf32, #tpu.memory_space<vmem>>
      %dma_start3A_533 = tpu.memref_squeeze %dma_start3A_532 : memref<1x128x128xf32, #tpu.memory_space<vmem>> -> memref<128x128xf32, #tpu.memory_space<vmem>>
      %dma_start3A_534 = arith.constant 0 : i32
      %dma_start3A_535 = arith.constant 0 : i32
      %dma_start3A_536 = tpu.memref_slice %dma_start3A_533[%dma_start3A_534, %dma_start3A_535] : memref<128x128xf32, #tpu.memory_space<vmem>> -> memref<128x128xf32, #tpu.memory_space<vmem>>
      %dma_start3A_537 = tpu.memref_slice %arg11[%mul3A_528] : memref<5000xi32, #tpu.memory_space<vmem>> -> memref<128xi32, #tpu.memory_space<vmem>>
      %dma_start3A_538 = arith.constant 0 : i32
      %dma_start3A_539 = arith.constant 0 : i32
      %dma_start3A_540 = tpu.memref_slice %arg2[%dma_start3A_538, %dma_start3A_539] : memref<10000x128xf32, #tpu.memory_space<hbm>> -> memref<10000x128xf32, #tpu.memory_space<hbm>>
      tpu.enqueue_indirect_dma source(%dma_start3A_540 : memref<10000x128xf32, #tpu.memory_space<hbm>>) target(%dma_start3A_536 : memref<128x128xf32, #tpu.memory_space<vmem>>) offsets(%dma_start3A_537 : memref<128xi32, #tpu.memory_space<vmem>>) semaphore(%arg17 : memref<!tpu.dma_semaphore, #tpu.memory_space<semaphore_mem>>)
      %dma_start3A_541 = arith.constant 0 : i32
      %dma_start3A_542 = arith.constant 0 : i32
      %dma_start3A_543 = arith.constant 0 : i32
      %dma_start3A_544 = tpu.memref_slice %arg14[%dma_start3A_541, %dma_start3A_542, %dma_start3A_543] : memref<2x128x128xf32, #tpu.memory_space<vmem>> -> memref<1x128x128xf32, #tpu.memory_space<vmem>>
      %dma_start3A_545 = tpu.memref_squeeze %dma_start3A_544 : memref<1x128x128xf32, #tpu.memory_space<vmem>> -> memref<128x128xf32, #tpu.memory_space<vmem>>
      %dma_start3A_546 = arith.constant 0 : i32
      %dma_start3A_547 = arith.constant 0 : i32
      %dma_start3A_548 = tpu.memref_slice %dma_start3A_545[%dma_start3A_546, %dma_start3A_547] : memref<128x128xf32, #tpu.memory_space<vmem>> -> memref<128x128xf32, #tpu.memory_space<vmem>>
      %dma_start3A_549 = tpu.memref_slice %arg12[%mul3A_528] : memref<5000xi32, #tpu.memory_space<vmem>> -> memref<128xi32, #tpu.memory_space<vmem>>
      %dma_start3A_550 = arith.constant 0 : i32
      %dma_start3A_551 = arith.constant 0 : i32
      %dma_start3A_552 = tpu.memref_slice %arg3[%dma_start3A_550, %dma_start3A_551] : memref<10000x128xf32, #tpu.memory_space<hbm>> -> memref<10000x128xf32, #tpu.memory_space<hbm>>
      tpu.enqueue_indirect_dma source(%dma_start3A_552 : memref<10000x128xf32, #tpu.memory_space<hbm>>) target(%dma_start3A_548 : memref<128x128xf32, #tpu.memory_space<vmem>>) offsets(%dma_start3A_549 : memref<128xi32, #tpu.memory_space<vmem>>) semaphore(%arg18 : memref<!tpu.dma_semaphore, #tpu.memory_space<semaphore_mem>>)
      %dma_start3A_553 = arith.constant 0 : i32
      %dma_start3A_554 = arith.constant 0 : i32
      %dma_start3A_555 = arith.constant 0 : i32
      %dma_start3A_556 = tpu.memref_slice %arg15[%dma_start3A_553, %dma_start3A_554, %dma_start3A_555] : memref<2x128x16xf32, #tpu.memory_space<vmem>> -> memref<1x128x16xf32, #tpu.memory_space<vmem>>
      %dma_start3A_557 = tpu.memref_squeeze %dma_start3A_556 : memref<1x128x16xf32, #tpu.memory_space<vmem>> -> memref<128x16xf32, #tpu.memory_space<vmem>>
      %dma_start3A_558 = arith.constant 0 : i32
      %dma_start3A_559 = arith.constant 0 : i32
      %dma_start3A_560 = tpu.memref_slice %dma_start3A_557[%dma_start3A_558, %dma_start3A_559] : memref<128x16xf32, #tpu.memory_space<vmem>> -> memref<128x16xf32, #tpu.memory_space<vmem>>
      %dma_start3A_561 = tpu.memref_slice %arg11[%mul3A_528] : memref<5000xi32, #tpu.memory_space<vmem>> -> memref<128xi32, #tpu.memory_space<vmem>>
      %dma_start3A_562 = arith.constant 0 : i32
      %dma_start3A_563 = arith.constant 0 : i32
      %dma_start3A_564 = tpu.memref_slice %arg4[%dma_start3A_562, %dma_start3A_563] : memref<10000x16xf32, #tpu.memory_space<hbm>> -> memref<10000x16xf32, #tpu.memory_space<hbm>>
      tpu.enqueue_indirect_dma source(%dma_start3A_564 : memref<10000x16xf32, #tpu.memory_space<hbm>>) target(%dma_start3A_560 : memref<128x16xf32, #tpu.memory_space<vmem>>) offsets(%dma_start3A_561 : memref<128xi32, #tpu.memory_space<vmem>>) semaphore(%arg19 : memref<!tpu.dma_semaphore, #tpu.memory_space<semaphore_mem>>)
      %dma_start3A_565 = arith.constant 0 : i32
      %dma_start3A_566 = arith.constant 0 : i32
      %dma_start3A_567 = arith.constant 0 : i32
      %dma_start3A_568 = tpu.memref_slice %arg16[%dma_start3A_565, %dma_start3A_566, %dma_start3A_567] : memref<2x128x16xf32, #tpu.memory_space<vmem>> -> memref<1x128x16xf32, #tpu.memory_space<vmem>>
      %dma_start3A_569 = tpu.memref_squeeze %dma_start3A_568 : memref<1x128x16xf32, #tpu.memory_space<vmem>> -> memref<128x16xf32, #tpu.memory_space<vmem>>
      %dma_start3A_570 = arith.constant 0 : i32
      %dma_start3A_571 = arith.constant 0 : i32
      %dma_start3A_572 = tpu.memref_slice %dma_start3A_569[%dma_start3A_570, %dma_start3A_571] : memref<128x16xf32, #tpu.memory_space<vmem>> -> memref<128x16xf32, #tpu.memory_space<vmem>>
      %dma_start3A_573 = tpu.memref_slice %arg12[%mul3A_528] : memref<5000xi32, #tpu.memory_space<vmem>> -> memref<128xi32, #tpu.memory_space<vmem>>
      %dma_start3A_574 = arith.constant 0 : i32
      %dma_start3A_575 = arith.constant 0 : i32
      %dma_start3A_576 = tpu.memref_slice %arg4[%dma_start3A_574, %dma_start3A_575] : memref<10000x16xf32, #tpu.memory_space<hbm>> -> memref<10000x16xf32, #tpu.memory_space<hbm>>
      tpu.enqueue_indirect_dma source(%dma_start3A_576 : memref<10000x16xf32, #tpu.memory_space<hbm>>) target(%dma_start3A_572 : memref<128x16xf32, #tpu.memory_space<vmem>>) offsets(%dma_start3A_573 : memref<128xi32, #tpu.memory_space<vmem>>) semaphore(%arg20 : memref<!tpu.dma_semaphore, #tpu.memory_space<semaphore_mem>>)
      %mul3A_577 = arith.constant 128 : i32
      %mul3A_578 = arith.muli %add3A_526, %mul3A_577 : i32
      %dma_start3A_579 = arith.constant 1 : i32
      %dma_start3A_580 = arith.constant 0 : i32
      %dma_start3A_581 = arith.constant 0 : i32
      %dma_start3A_582 = tpu.memref_slice %arg13[%dma_start3A_579, %dma_start3A_580, %dma_start3A_581] : memref<2x128x128xf32, #tpu.memory_space<vmem>> -> memref<1x128x128xf32, #tpu.memory_space<vmem>>
      %dma_start3A_583 = tpu.memref_squeeze %dma_start3A_582 : memref<1x128x128xf32, #tpu.memory_space<vmem>> -> memref<128x128xf32, #tpu.memory_space<vmem>>
      %dma_start3A_584 = arith.constant 0 : i32
      %dma_start3A_585 = arith.constant 0 : i32
      %dma_start3A_586 = tpu.memref_slice %dma_start3A_583[%dma_start3A_584, %dma_start3A_585] : memref<128x128xf32, #tpu.memory_space<vmem>> -> memref<128x128xf32, #tpu.memory_space<vmem>>
      %dma_start3A_587 = tpu.memref_slice %arg11[%mul3A_578] : memref<5000xi32, #tpu.memory_space<vmem>> -> memref<128xi32, #tpu.memory_space<vmem>>
      %dma_start3A_588 = arith.constant 0 : i32
      %dma_start3A_589 = arith.constant 0 : i32
      %dma_start3A_590 = tpu.memref_slice %arg2[%dma_start3A_588, %dma_start3A_589] : memref<10000x128xf32, #tpu.memory_space<hbm>> -> memref<10000x128xf32, #tpu.memory_space<hbm>>
      tpu.enqueue_indirect_dma source(%dma_start3A_590 : memref<10000x128xf32, #tpu.memory_space<hbm>>) target(%dma_start3A_586 : memref<128x128xf32, #tpu.memory_space<vmem>>) offsets(%dma_start3A_587 : memref<128xi32, #tpu.memory_space<vmem>>) semaphore(%arg21 : memref<!tpu.dma_semaphore, #tpu.memory_space<semaphore_mem>>)
      %dma_start3A_591 = arith.constant 1 : i32
      %dma_start3A_592 = arith.constant 0 : i32
      %dma_start3A_593 = arith.constant 0 : i32
      %dma_start3A_594 = tpu.memref_slice %arg14[%dma_start3A_591, %dma_start3A_592, %dma_start3A_593] : memref<2x128x128xf32, #tpu.memory_space<vmem>> -> memref<1x128x128xf32, #tpu.memory_space<vmem>>
      %dma_start3A_595 = tpu.memref_squeeze %dma_start3A_594 : memref<1x128x128xf32, #tpu.memory_space<vmem>> -> memref<128x128xf32, #tpu.memory_space<vmem>>
      %dma_start3A_596 = arith.constant 0 : i32
      %dma_start3A_597 = arith.constant 0 : i32
      %dma_start3A_598 = tpu.memref_slice %dma_start3A_595[%dma_start3A_596, %dma_start3A_597] : memref<128x128xf32, #tpu.memory_space<vmem>> -> memref<128x128xf32, #tpu.memory_space<vmem>>
      %dma_start3A_599 = tpu.memref_slice %arg12[%mul3A_578] : memref<5000xi32, #tpu.memory_space<vmem>> -> memref<128xi32, #tpu.memory_space<vmem>>
      %dma_start3A_600 = arith.constant 0 : i32
      %dma_start3A_601 = arith.constant 0 : i32
      %dma_start3A_602 = tpu.memref_slice %arg3[%dma_start3A_600, %dma_start3A_601] : memref<10000x128xf32, #tpu.memory_space<hbm>> -> memref<10000x128xf32, #tpu.memory_space<hbm>>
      tpu.enqueue_indirect_dma source(%dma_start3A_602 : memref<10000x128xf32, #tpu.memory_space<hbm>>) target(%dma_start3A_598 : memref<128x128xf32, #tpu.memory_space<vmem>>) offsets(%dma_start3A_599 : memref<128xi32, #tpu.memory_space<vmem>>) semaphore(%arg22 : memref<!tpu.dma_semaphore, #tpu.memory_space<semaphore_mem>>)
      %dma_start3A_603 = arith.constant 1 : i32
      %dma_start3A_604 = arith.constant 0 : i32
      %dma_start3A_605 = arith.constant 0 : i32
      %dma_start3A_606 = tpu.memref_slice %arg15[%dma_start3A_603, %dma_start3A_604, %dma_start3A_605] : memref<2x128x16xf32, #tpu.memory_space<vmem>> -> memref<1x128x16xf32, #tpu.memory_space<vmem>>
      %dma_start3A_607 = tpu.memref_squeeze %dma_start3A_606 : memref<1x128x16xf32, #tpu.memory_space<vmem>> -> memref<128x16xf32, #tpu.memory_space<vmem>>
      %dma_start3A_608 = arith.constant 0 : i32
      %dma_start3A_609 = arith.constant 0 : i32
      %dma_start3A_610 = tpu.memref_slice %dma_start3A_607[%dma_start3A_608, %dma_start3A_609] : memref<128x16xf32, #tpu.memory_space<vmem>> -> memref<128x16xf32, #tpu.memory_space<vmem>>
      %dma_start3A_611 = tpu.memref_slice %arg11[%mul3A_578] : memref<5000xi32, #tpu.memory_space<vmem>> -> memref<128xi32, #tpu.memory_space<vmem>>
      %dma_start3A_612 = arith.constant 0 : i32
      %dma_start3A_613 = arith.constant 0 : i32
      %dma_start3A_614 = tpu.memref_slice %arg4[%dma_start3A_612, %dma_start3A_613] : memref<10000x16xf32, #tpu.memory_space<hbm>> -> memref<10000x16xf32, #tpu.memory_space<hbm>>
      tpu.enqueue_indirect_dma source(%dma_start3A_614 : memref<10000x16xf32, #tpu.memory_space<hbm>>) target(%dma_start3A_610 : memref<128x16xf32, #tpu.memory_space<vmem>>) offsets(%dma_start3A_611 : memref<128xi32, #tpu.memory_space<vmem>>) semaphore(%arg23 : memref<!tpu.dma_semaphore, #tpu.memory_space<semaphore_mem>>)
      %dma_start3A_615 = arith.constant 1 : i32
      %dma_start3A_616 = arith.constant 0 : i32
      %dma_start3A_617 = arith.constant 0 : i32
      %dma_start3A_618 = tpu.memref_slice %arg16[%dma_start3A_615, %dma_start3A_616, %dma_start3A_617] : memref<2x128x16xf32, #tpu.memory_space<vmem>> -> memref<1x128x16xf32, #tpu.memory_space<vmem>>
      %dma_start3A_619 = tpu.memref_squeeze %dma_start3A_618 : memref<1x128x16xf32, #tpu.memory_space<vmem>> -> memref<128x16xf32, #tpu.memory_space<vmem>>
      %dma_start3A_620 = arith.constant 0 : i32
      %dma_start3A_621 = arith.constant 0 : i32
      %dma_start3A_622 = tpu.memref_slice %dma_start3A_619[%dma_start3A_620, %dma_start3A_621] : memref<128x16xf32, #tpu.memory_space<vmem>> -> memref<128x16xf32, #tpu.memory_space<vmem>>
      %dma_start3A_623 = tpu.memref_slice %arg12[%mul3A_578] : memref<5000xi32, #tpu.memory_space<vmem>> -> memref<128xi32, #tpu.memory_space<vmem>>
      %dma_start3A_624 = arith.constant 0 : i32
      %dma_start3A_625 = arith.constant 0 : i32
      %dma_start3A_626 = tpu.memref_slice %arg4[%dma_start3A_624, %dma_start3A_625] : memref<10000x16xf32, #tpu.memory_space<hbm>> -> memref<10000x16xf32, #tpu.memory_space<hbm>>
      tpu.enqueue_indirect_dma source(%dma_start3A_626 : memref<10000x16xf32, #tpu.memory_space<hbm>>) target(%dma_start3A_622 : memref<128x16xf32, #tpu.memory_space<vmem>>) offsets(%dma_start3A_623 : memref<128xi32, #tpu.memory_space<vmem>>) semaphore(%arg24 : memref<!tpu.dma_semaphore, #tpu.memory_space<semaphore_mem>>)
      %dma_wait3A_627 = arith.constant 0 : i32
      %dma_wait3A_628 = arith.constant 0 : i32
      %dma_wait3A_629 = arith.constant 0 : i32
      %dma_wait3A_630 = tpu.memref_slice %arg13[%dma_wait3A_627, %dma_wait3A_628, %dma_wait3A_629] : memref<2x128x128xf32, #tpu.memory_space<vmem>> -> memref<1x128x128xf32, #tpu.memory_space<vmem>>
      %dma_wait3A_631 = tpu.memref_squeeze %dma_wait3A_630 : memref<1x128x128xf32, #tpu.memory_space<vmem>> -> memref<128x128xf32, #tpu.memory_space<vmem>>
      %dma_wait3A_632 = arith.constant 0 : i32
      %dma_wait3A_633 = arith.constant 0 : i32
      %dma_wait3A_634 = tpu.memref_slice %dma_wait3A_631[%dma_wait3A_632, %dma_wait3A_633] : memref<128x128xf32, #tpu.memory_space<vmem>> -> memref<128x128xf32, #tpu.memory_space<vmem>>
      %dma_wait3A_635 = tpu.memref_slice %arg11[%mul3A_528] : memref<5000xi32, #tpu.memory_space<vmem>> -> memref<128xi32, #tpu.memory_space<vmem>>
      %dma_wait3A_636 = arith.constant 0 : i32
      %dma_wait3A_637 = arith.constant 0 : i32
      %dma_wait3A_638 = tpu.memref_slice %arg2[%dma_wait3A_636, %dma_wait3A_637] : memref<10000x128xf32, #tpu.memory_space<hbm>> -> memref<10000x128xf32, #tpu.memory_space<hbm>>
      tpu.wait_indirect_dma semaphore(%arg17 : memref<!tpu.dma_semaphore, #tpu.memory_space<semaphore_mem>>) src(%dma_wait3A_638 : memref<10000x128xf32, #tpu.memory_space<hbm>>) dst(%dma_wait3A_634 : memref<128x128xf32, #tpu.memory_space<vmem>>)
      %dma_wait3A_639 = arith.constant 0 : i32
      %dma_wait3A_640 = arith.constant 0 : i32
      %dma_wait3A_641 = arith.constant 0 : i32
      %dma_wait3A_642 = tpu.memref_slice %arg14[%dma_wait3A_639, %dma_wait3A_640, %dma_wait3A_641] : memref<2x128x128xf32, #tpu.memory_space<vmem>> -> memref<1x128x128xf32, #tpu.memory_space<vmem>>
      %dma_wait3A_643 = tpu.memref_squeeze %dma_wait3A_642 : memref<1x128x128xf32, #tpu.memory_space<vmem>> -> memref<128x128xf32, #tpu.memory_space<vmem>>
      %dma_wait3A_644 = arith.constant 0 : i32
      %dma_wait3A_645 = arith.constant 0 : i32
      %dma_wait3A_646 = tpu.memref_slice %dma_wait3A_643[%dma_wait3A_644, %dma_wait3A_645] : memref<128x128xf32, #tpu.memory_space<vmem>> -> memref<128x128xf32, #tpu.memory_space<vmem>>
      %dma_wait3A_647 = tpu.memref_slice %arg12[%mul3A_528] : memref<5000xi32, #tpu.memory_space<vmem>> -> memref<128xi32, #tpu.memory_space<vmem>>
      %dma_wait3A_648 = arith.constant 0 : i32
      %dma_wait3A_649 = arith.constant 0 : i32
      %dma_wait3A_650 = tpu.memref_slice %arg3[%dma_wait3A_648, %dma_wait3A_649] : memref<10000x128xf32, #tpu.memory_space<hbm>> -> memref<10000x128xf32, #tpu.memory_space<hbm>>
      tpu.wait_indirect_dma semaphore(%arg18 : memref<!tpu.dma_semaphore, #tpu.memory_space<semaphore_mem>>) src(%dma_wait3A_650 : memref<10000x128xf32, #tpu.memory_space<hbm>>) dst(%dma_wait3A_646 : memref<128x128xf32, #tpu.memory_space<vmem>>)
      %dma_wait3A_651 = arith.constant 0 : i32
      %dma_wait3A_652 = arith.constant 0 : i32
      %dma_wait3A_653 = arith.constant 0 : i32
      %dma_wait3A_654 = tpu.memref_slice %arg15[%dma_wait3A_651, %dma_wait3A_652, %dma_wait3A_653] : memref<2x128x16xf32, #tpu.memory_space<vmem>> -> memref<1x128x16xf32, #tpu.memory_space<vmem>>
      %dma_wait3A_655 = tpu.memref_squeeze %dma_wait3A_654 : memref<1x128x16xf32, #tpu.memory_space<vmem>> -> memref<128x16xf32, #tpu.memory_space<vmem>>
      %dma_wait3A_656 = arith.constant 0 : i32
      %dma_wait3A_657 = arith.constant 0 : i32
      %dma_wait3A_658 = tpu.memref_slice %dma_wait3A_655[%dma_wait3A_656, %dma_wait3A_657] : memref<128x16xf32, #tpu.memory_space<vmem>> -> memref<128x16xf32, #tpu.memory_space<vmem>>
      %dma_wait3A_659 = tpu.memref_slice %arg11[%mul3A_528] : memref<5000xi32, #tpu.memory_space<vmem>> -> memref<128xi32, #tpu.memory_space<vmem>>
      %dma_wait3A_660 = arith.constant 0 : i32
      %dma_wait3A_661 = arith.constant 0 : i32
      %dma_wait3A_662 = tpu.memref_slice %arg4[%dma_wait3A_660, %dma_wait3A_661] : memref<10000x16xf32, #tpu.memory_space<hbm>> -> memref<10000x16xf32, #tpu.memory_space<hbm>>
      tpu.wait_indirect_dma semaphore(%arg19 : memref<!tpu.dma_semaphore, #tpu.memory_space<semaphore_mem>>) src(%dma_wait3A_662 : memref<10000x16xf32, #tpu.memory_space<hbm>>) dst(%dma_wait3A_658 : memref<128x16xf32, #tpu.memory_space<vmem>>)
      %dma_wait3A_663 = arith.constant 0 : i32
      %dma_wait3A_664 = arith.constant 0 : i32
      %dma_wait3A_665 = arith.constant 0 : i32
      %dma_wait3A_666 = tpu.memref_slice %arg16[%dma_wait3A_663, %dma_wait3A_664, %dma_wait3A_665] : memref<2x128x16xf32, #tpu.memory_space<vmem>> -> memref<1x128x16xf32, #tpu.memory_space<vmem>>
      %dma_wait3A_667 = tpu.memref_squeeze %dma_wait3A_666 : memref<1x128x16xf32, #tpu.memory_space<vmem>> -> memref<128x16xf32, #tpu.memory_space<vmem>>
      %dma_wait3A_668 = arith.constant 0 : i32
      %dma_wait3A_669 = arith.constant 0 : i32
      %dma_wait3A_670 = tpu.memref_slice %dma_wait3A_667[%dma_wait3A_668, %dma_wait3A_669] : memref<128x16xf32, #tpu.memory_space<vmem>> -> memref<128x16xf32, #tpu.memory_space<vmem>>
      %dma_wait3A_671 = tpu.memref_slice %arg12[%mul3A_528] : memref<5000xi32, #tpu.memory_space<vmem>> -> memref<128xi32, #tpu.memory_space<vmem>>
      %dma_wait3A_672 = arith.constant 0 : i32
      %dma_wait3A_673 = arith.constant 0 : i32
      %dma_wait3A_674 = tpu.memref_slice %arg4[%dma_wait3A_672, %dma_wait3A_673] : memref<10000x16xf32, #tpu.memory_space<hbm>> -> memref<10000x16xf32, #tpu.memory_space<hbm>>
      tpu.wait_indirect_dma semaphore(%arg20 : memref<!tpu.dma_semaphore, #tpu.memory_space<semaphore_mem>>) src(%dma_wait3A_674 : memref<10000x16xf32, #tpu.memory_space<hbm>>) dst(%dma_wait3A_670 : memref<128x16xf32, #tpu.memory_space<vmem>>)
      %mul3A_675 = arith.constant 128 : i32
      %mul3A_676 = arith.muli %mul3A_524, %mul3A_675 : i32
      %add3A_677 = arith.addi %mul3A_2, %mul3A_676 : i32
      %dma_start3A_678 = arith.constant 0 : i32
      %dma_start3A_679 = arith.constant 0 : i32
      %dma_start3A_680 = arith.constant 0 : i32
      %dma_start3A_681 = tpu.memref_slice %arg13[%dma_start3A_678, %dma_start3A_679, %dma_start3A_680] : memref<2x128x128xf32, #tpu.memory_space<vmem>> -> memref<1x128x128xf32, #tpu.memory_space<vmem>>
      %dma_start3A_682 = tpu.memref_squeeze %dma_start3A_681 : memref<1x128x128xf32, #tpu.memory_space<vmem>> -> memref<128x128xf32, #tpu.memory_space<vmem>>
      %dma_start3A_683 = arith.constant 0 : i32
      %dma_start3A_684 = arith.constant 0 : i32
      %dma_start3A_685 = tpu.memref_slice %dma_start3A_682[%dma_start3A_683, %dma_start3A_684] : memref<128x128xf32, #tpu.memory_space<vmem>> -> memref<128x128xf32, #tpu.memory_space<vmem>>
      %dma_start3A_686 = arith.constant 0 : i32
      %dma_start3A_687 = tpu.memref_slice %arg7[%add3A_677, %dma_start3A_686] : memref<160000x128xf32, #tpu.memory_space<hbm>> -> memref<128x128xf32, #tpu.memory_space<hbm>>
      %dma_start3A_688 = arith.constant 0 : i32
      %dma_start3A_689 = tpu.memref_slice %arg7[%add3A_677, %dma_start3A_688] : memref<160000x128xf32, #tpu.memory_space<hbm>> -> memref<128x128xf32, #tpu.memory_space<hbm>>
      %dma_start3A_690 = arith.constant 0 : i32
      %dma_start3A_691 = arith.constant 0 : i32
      %dma_start3A_692 = tpu.memref_slice %arg13[%dma_start3A_678, %dma_start3A_690, %dma_start3A_691] : memref<2x128x128xf32, #tpu.memory_space<vmem>> -> memref<1x128x128xf32, #tpu.memory_space<vmem>>
      %dma_start3A_693 = tpu.memref_squeeze %dma_start3A_692 : memref<1x128x128xf32, #tpu.memory_space<vmem>> -> memref<128x128xf32, #tpu.memory_space<vmem>>
      %dma_start3A_694 = arith.constant 0 : i32
      %dma_start3A_695 = arith.constant 0 : i32
      %dma_start3A_696 = tpu.memref_slice %dma_start3A_693[%dma_start3A_694, %dma_start3A_695] : memref<128x128xf32, #tpu.memory_space<vmem>> -> memref<128x128xf32, #tpu.memory_space<vmem>>
      tpu.enqueue_dma source(%dma_start3A_696 : memref<128x128xf32, #tpu.memory_space<vmem>>) target(%dma_start3A_689 : memref<128x128xf32, #tpu.memory_space<hbm>>) target_semaphore(%arg25 : memref<!tpu.dma_semaphore, #tpu.memory_space<semaphore_mem>>)
      %dma_start3A_697 = arith.constant 0 : i32
      %dma_start3A_698 = arith.constant 0 : i32
      %dma_start3A_699 = arith.constant 0 : i32
      %dma_start3A_700 = tpu.memref_slice %arg14[%dma_start3A_697, %dma_start3A_698, %dma_start3A_699] : memref<2x128x128xf32, #tpu.memory_space<vmem>> -> memref<1x128x128xf32, #tpu.memory_space<vmem>>
      %dma_start3A_701 = tpu.memref_squeeze %dma_start3A_700 : memref<1x128x128xf32, #tpu.memory_space<vmem>> -> memref<128x128xf32, #tpu.memory_space<vmem>>
      %dma_start3A_702 = arith.constant 0 : i32
      %dma_start3A_703 = arith.constant 0 : i32
      %dma_start3A_704 = tpu.memref_slice %dma_start3A_701[%dma_start3A_702, %dma_start3A_703] : memref<128x128xf32, #tpu.memory_space<vmem>> -> memref<128x128xf32, #tpu.memory_space<vmem>>
      %dma_start3A_705 = arith.constant 0 : i32
      %dma_start3A_706 = tpu.memref_slice %arg8[%add3A_677, %dma_start3A_705] : memref<160000x128xf32, #tpu.memory_space<hbm>> -> memref<128x128xf32, #tpu.memory_space<hbm>>
      %dma_start3A_707 = arith.constant 0 : i32
      %dma_start3A_708 = tpu.memref_slice %arg8[%add3A_677, %dma_start3A_707] : memref<160000x128xf32, #tpu.memory_space<hbm>> -> memref<128x128xf32, #tpu.memory_space<hbm>>
      %dma_start3A_709 = arith.constant 0 : i32
      %dma_start3A_710 = arith.constant 0 : i32
      %dma_start3A_711 = tpu.memref_slice %arg14[%dma_start3A_697, %dma_start3A_709, %dma_start3A_710] : memref<2x128x128xf32, #tpu.memory_space<vmem>> -> memref<1x128x128xf32, #tpu.memory_space<vmem>>
      %dma_start3A_712 = tpu.memref_squeeze %dma_start3A_711 : memref<1x128x128xf32, #tpu.memory_space<vmem>> -> memref<128x128xf32, #tpu.memory_space<vmem>>
      %dma_start3A_713 = arith.constant 0 : i32
      %dma_start3A_714 = arith.constant 0 : i32
      %dma_start3A_715 = tpu.memref_slice %dma_start3A_712[%dma_start3A_713, %dma_start3A_714] : memref<128x128xf32, #tpu.memory_space<vmem>> -> memref<128x128xf32, #tpu.memory_space<vmem>>
      tpu.enqueue_dma source(%dma_start3A_715 : memref<128x128xf32, #tpu.memory_space<vmem>>) target(%dma_start3A_708 : memref<128x128xf32, #tpu.memory_space<hbm>>) target_semaphore(%arg26 : memref<!tpu.dma_semaphore, #tpu.memory_space<semaphore_mem>>)
      %dma_start3A_716 = arith.constant 0 : i32
      %dma_start3A_717 = arith.constant 0 : i32
      %dma_start3A_718 = arith.constant 0 : i32
      %dma_start3A_719 = tpu.memref_slice %arg15[%dma_start3A_716, %dma_start3A_717, %dma_start3A_718] : memref<2x128x16xf32, #tpu.memory_space<vmem>> -> memref<1x128x16xf32, #tpu.memory_space<vmem>>
      %dma_start3A_720 = tpu.memref_squeeze %dma_start3A_719 : memref<1x128x16xf32, #tpu.memory_space<vmem>> -> memref<128x16xf32, #tpu.memory_space<vmem>>
      %dma_start3A_721 = arith.constant 0 : i32
      %dma_start3A_722 = arith.constant 0 : i32
      %dma_start3A_723 = tpu.memref_slice %dma_start3A_720[%dma_start3A_721, %dma_start3A_722] : memref<128x16xf32, #tpu.memory_space<vmem>> -> memref<128x16xf32, #tpu.memory_space<vmem>>
      %dma_start3A_724 = arith.constant 0 : i32
      %dma_start3A_725 = tpu.memref_slice %arg9[%add3A_677, %dma_start3A_724] : memref<160000x16xf32, #tpu.memory_space<hbm>> -> memref<128x16xf32, #tpu.memory_space<hbm>>
      %dma_start3A_726 = arith.constant 0 : i32
      %dma_start3A_727 = tpu.memref_slice %arg9[%add3A_677, %dma_start3A_726] : memref<160000x16xf32, #tpu.memory_space<hbm>> -> memref<128x16xf32, #tpu.memory_space<hbm>>
      %dma_start3A_728 = arith.constant 0 : i32
      %dma_start3A_729 = arith.constant 0 : i32
      %dma_start3A_730 = tpu.memref_slice %arg15[%dma_start3A_716, %dma_start3A_728, %dma_start3A_729] : memref<2x128x16xf32, #tpu.memory_space<vmem>> -> memref<1x128x16xf32, #tpu.memory_space<vmem>>
      %dma_start3A_731 = tpu.memref_squeeze %dma_start3A_730 : memref<1x128x16xf32, #tpu.memory_space<vmem>> -> memref<128x16xf32, #tpu.memory_space<vmem>>
      %dma_start3A_732 = arith.constant 0 : i32
      %dma_start3A_733 = arith.constant 0 : i32
      %dma_start3A_734 = tpu.memref_slice %dma_start3A_731[%dma_start3A_732, %dma_start3A_733] : memref<128x16xf32, #tpu.memory_space<vmem>> -> memref<128x16xf32, #tpu.memory_space<vmem>>
      tpu.enqueue_dma source(%dma_start3A_734 : memref<128x16xf32, #tpu.memory_space<vmem>>) target(%dma_start3A_727 : memref<128x16xf32, #tpu.memory_space<hbm>>) target_semaphore(%arg27 : memref<!tpu.dma_semaphore, #tpu.memory_space<semaphore_mem>>)
      %dma_start3A_735 = arith.constant 0 : i32
      %dma_start3A_736 = arith.constant 0 : i32
      %dma_start3A_737 = arith.constant 0 : i32
      %dma_start3A_738 = tpu.memref_slice %arg16[%dma_start3A_735, %dma_start3A_736, %dma_start3A_737] : memref<2x128x16xf32, #tpu.memory_space<vmem>> -> memref<1x128x16xf32, #tpu.memory_space<vmem>>
      %dma_start3A_739 = tpu.memref_squeeze %dma_start3A_738 : memref<1x128x16xf32, #tpu.memory_space<vmem>> -> memref<128x16xf32, #tpu.memory_space<vmem>>
      %dma_start3A_740 = arith.constant 0 : i32
      %dma_start3A_741 = arith.constant 0 : i32
      %dma_start3A_742 = tpu.memref_slice %dma_start3A_739[%dma_start3A_740, %dma_start3A_741] : memref<128x16xf32, #tpu.memory_space<vmem>> -> memref<128x16xf32, #tpu.memory_space<vmem>>
      %dma_start3A_743 = arith.constant 0 : i32
      %dma_start3A_744 = tpu.memref_slice %arg10[%add3A_677, %dma_start3A_743] : memref<160000x16xf32, #tpu.memory_space<hbm>> -> memref<128x16xf32, #tpu.memory_space<hbm>>
      %dma_start3A_745 = arith.constant 0 : i32
      %dma_start3A_746 = tpu.memref_slice %arg10[%add3A_677, %dma_start3A_745] : memref<160000x16xf32, #tpu.memory_space<hbm>> -> memref<128x16xf32, #tpu.memory_space<hbm>>
      %dma_start3A_747 = arith.constant 0 : i32
      %dma_start3A_748 = arith.constant 0 : i32
      %dma_start3A_749 = tpu.memref_slice %arg16[%dma_start3A_735, %dma_start3A_747, %dma_start3A_748] : memref<2x128x16xf32, #tpu.memory_space<vmem>> -> memref<1x128x16xf32, #tpu.memory_space<vmem>>
      %dma_start3A_750 = tpu.memref_squeeze %dma_start3A_749 : memref<1x128x16xf32, #tpu.memory_space<vmem>> -> memref<128x16xf32, #tpu.memory_space<vmem>>
      %dma_start3A_751 = arith.constant 0 : i32
      %dma_start3A_752 = arith.constant 0 : i32
      %dma_start3A_753 = tpu.memref_slice %dma_start3A_750[%dma_start3A_751, %dma_start3A_752] : memref<128x16xf32, #tpu.memory_space<vmem>> -> memref<128x16xf32, #tpu.memory_space<vmem>>
      tpu.enqueue_dma source(%dma_start3A_753 : memref<128x16xf32, #tpu.memory_space<vmem>>) target(%dma_start3A_746 : memref<128x16xf32, #tpu.memory_space<hbm>>) target_semaphore(%arg28 : memref<!tpu.dma_semaphore, #tpu.memory_space<semaphore_mem>>)
      %dma_wait3A_754 = arith.constant 1 : i32
      %dma_wait3A_755 = arith.constant 0 : i32
      %dma_wait3A_756 = arith.constant 0 : i32
      %dma_wait3A_757 = tpu.memref_slice %arg13[%dma_wait3A_754, %dma_wait3A_755, %dma_wait3A_756] : memref<2x128x128xf32, #tpu.memory_space<vmem>> -> memref<1x128x128xf32, #tpu.memory_space<vmem>>
      %dma_wait3A_758 = tpu.memref_squeeze %dma_wait3A_757 : memref<1x128x128xf32, #tpu.memory_space<vmem>> -> memref<128x128xf32, #tpu.memory_space<vmem>>
      %dma_wait3A_759 = arith.constant 0 : i32
      %dma_wait3A_760 = arith.constant 0 : i32
      %dma_wait3A_761 = tpu.memref_slice %dma_wait3A_758[%dma_wait3A_759, %dma_wait3A_760] : memref<128x128xf32, #tpu.memory_space<vmem>> -> memref<128x128xf32, #tpu.memory_space<vmem>>
      %dma_wait3A_762 = tpu.memref_slice %arg11[%mul3A_578] : memref<5000xi32, #tpu.memory_space<vmem>> -> memref<128xi32, #tpu.memory_space<vmem>>
      %dma_wait3A_763 = arith.constant 0 : i32
      %dma_wait3A_764 = arith.constant 0 : i32
      %dma_wait3A_765 = tpu.memref_slice %arg2[%dma_wait3A_763, %dma_wait3A_764] : memref<10000x128xf32, #tpu.memory_space<hbm>> -> memref<10000x128xf32, #tpu.memory_space<hbm>>
      tpu.wait_indirect_dma semaphore(%arg21 : memref<!tpu.dma_semaphore, #tpu.memory_space<semaphore_mem>>) src(%dma_wait3A_765 : memref<10000x128xf32, #tpu.memory_space<hbm>>) dst(%dma_wait3A_761 : memref<128x128xf32, #tpu.memory_space<vmem>>)
      %dma_wait3A_766 = arith.constant 1 : i32
      %dma_wait3A_767 = arith.constant 0 : i32
      %dma_wait3A_768 = arith.constant 0 : i32
      %dma_wait3A_769 = tpu.memref_slice %arg14[%dma_wait3A_766, %dma_wait3A_767, %dma_wait3A_768] : memref<2x128x128xf32, #tpu.memory_space<vmem>> -> memref<1x128x128xf32, #tpu.memory_space<vmem>>
      %dma_wait3A_770 = tpu.memref_squeeze %dma_wait3A_769 : memref<1x128x128xf32, #tpu.memory_space<vmem>> -> memref<128x128xf32, #tpu.memory_space<vmem>>
      %dma_wait3A_771 = arith.constant 0 : i32
      %dma_wait3A_772 = arith.constant 0 : i32
      %dma_wait3A_773 = tpu.memref_slice %dma_wait3A_770[%dma_wait3A_771, %dma_wait3A_772] : memref<128x128xf32, #tpu.memory_space<vmem>> -> memref<128x128xf32, #tpu.memory_space<vmem>>
      %dma_wait3A_774 = tpu.memref_slice %arg12[%mul3A_578] : memref<5000xi32, #tpu.memory_space<vmem>> -> memref<128xi32, #tpu.memory_space<vmem>>
      %dma_wait3A_775 = arith.constant 0 : i32
      %dma_wait3A_776 = arith.constant 0 : i32
      %dma_wait3A_777 = tpu.memref_slice %arg3[%dma_wait3A_775, %dma_wait3A_776] : memref<10000x128xf32, #tpu.memory_space<hbm>> -> memref<10000x128xf32, #tpu.memory_space<hbm>>
      tpu.wait_indirect_dma semaphore(%arg22 : memref<!tpu.dma_semaphore, #tpu.memory_space<semaphore_mem>>) src(%dma_wait3A_777 : memref<10000x128xf32, #tpu.memory_space<hbm>>) dst(%dma_wait3A_773 : memref<128x128xf32, #tpu.memory_space<vmem>>)
      %dma_wait3A_778 = arith.constant 1 : i32
      %dma_wait3A_779 = arith.constant 0 : i32
      %dma_wait3A_780 = arith.constant 0 : i32
      %dma_wait3A_781 = tpu.memref_slice %arg15[%dma_wait3A_778, %dma_wait3A_779, %dma_wait3A_780] : memref<2x128x16xf32, #tpu.memory_space<vmem>> -> memref<1x128x16xf32, #tpu.memory_space<vmem>>
      %dma_wait3A_782 = tpu.memref_squeeze %dma_wait3A_781 : memref<1x128x16xf32, #tpu.memory_space<vmem>> -> memref<128x16xf32, #tpu.memory_space<vmem>>
      %dma_wait3A_783 = arith.constant 0 : i32
      %dma_wait3A_784 = arith.constant 0 : i32
      %dma_wait3A_785 = tpu.memref_slice %dma_wait3A_782[%dma_wait3A_783, %dma_wait3A_784] : memref<128x16xf32, #tpu.memory_space<vmem>> -> memref<128x16xf32, #tpu.memory_space<vmem>>
      %dma_wait3A_786 = tpu.memref_slice %arg11[%mul3A_578] : memref<5000xi32, #tpu.memory_space<vmem>> -> memref<128xi32, #tpu.memory_space<vmem>>
      %dma_wait3A_787 = arith.constant 0 : i32
      %dma_wait3A_788 = arith.constant 0 : i32
      %dma_wait3A_789 = tpu.memref_slice %arg4[%dma_wait3A_787, %dma_wait3A_788] : memref<10000x16xf32, #tpu.memory_space<hbm>> -> memref<10000x16xf32, #tpu.memory_space<hbm>>
      tpu.wait_indirect_dma semaphore(%arg23 : memref<!tpu.dma_semaphore, #tpu.memory_space<semaphore_mem>>) src(%dma_wait3A_789 : memref<10000x16xf32, #tpu.memory_space<hbm>>) dst(%dma_wait3A_785 : memref<128x16xf32, #tpu.memory_space<vmem>>)
      %dma_wait3A_790 = arith.constant 1 : i32
      %dma_wait3A_791 = arith.constant 0 : i32
      %dma_wait3A_792 = arith.constant 0 : i32
      %dma_wait3A_793 = tpu.memref_slice %arg16[%dma_wait3A_790, %dma_wait3A_791, %dma_wait3A_792] : memref<2x128x16xf32, #tpu.memory_space<vmem>> -> memref<1x128x16xf32, #tpu.memory_space<vmem>>
      %dma_wait3A_794 = tpu.memref_squeeze %dma_wait3A_793 : memref<1x128x16xf32, #tpu.memory_space<vmem>> -> memref<128x16xf32, #tpu.memory_space<vmem>>
      %dma_wait3A_795 = arith.constant 0 : i32
      %dma_wait3A_796 = arith.constant 0 : i32
      %dma_wait3A_797 = tpu.memref_slice %dma_wait3A_794[%dma_wait3A_795, %dma_wait3A_796] : memref<128x16xf32, #tpu.memory_space<vmem>> -> memref<128x16xf32, #tpu.memory_space<vmem>>
      %dma_wait3A_798 = tpu.memref_slice %arg12[%mul3A_578] : memref<5000xi32, #tpu.memory_space<vmem>> -> memref<128xi32, #tpu.memory_space<vmem>>
      %dma_wait3A_799 = arith.constant 0 : i32
      %dma_wait3A_800 = arith.constant 0 : i32
      %dma_wait3A_801 = tpu.memref_slice %arg4[%dma_wait3A_799, %dma_wait3A_800] : memref<10000x16xf32, #tpu.memory_space<hbm>> -> memref<10000x16xf32, #tpu.memory_space<hbm>>
      tpu.wait_indirect_dma semaphore(%arg24 : memref<!tpu.dma_semaphore, #tpu.memory_space<semaphore_mem>>) src(%dma_wait3A_801 : memref<10000x16xf32, #tpu.memory_space<hbm>>) dst(%dma_wait3A_797 : memref<128x16xf32, #tpu.memory_space<vmem>>)
      %mul3A_802 = arith.constant 128 : i32
      %mul3A_803 = arith.muli %add3A_526, %mul3A_802 : i32
      %add3A_804 = arith.addi %mul3A_2, %mul3A_803 : i32
      %dma_start3A_805 = arith.constant 1 : i32
      %dma_start3A_806 = arith.constant 0 : i32
      %dma_start3A_807 = arith.constant 0 : i32
      %dma_start3A_808 = tpu.memref_slice %arg13[%dma_start3A_805, %dma_start3A_806, %dma_start3A_807] : memref<2x128x128xf32, #tpu.memory_space<vmem>> -> memref<1x128x128xf32, #tpu.memory_space<vmem>>
      %dma_start3A_809 = tpu.memref_squeeze %dma_start3A_808 : memref<1x128x128xf32, #tpu.memory_space<vmem>> -> memref<128x128xf32, #tpu.memory_space<vmem>>
      %dma_start3A_810 = arith.constant 0 : i32
      %dma_start3A_811 = arith.constant 0 : i32
      %dma_start3A_812 = tpu.memref_slice %dma_start3A_809[%dma_start3A_810, %dma_start3A_811] : memref<128x128xf32, #tpu.memory_space<vmem>> -> memref<128x128xf32, #tpu.memory_space<vmem>>
      %dma_start3A_813 = arith.constant 0 : i32
      %dma_start3A_814 = tpu.memref_slice %arg7[%add3A_804, %dma_start3A_813] : memref<160000x128xf32, #tpu.memory_space<hbm>> -> memref<128x128xf32, #tpu.memory_space<hbm>>
      %dma_start3A_815 = arith.constant 0 : i32
      %dma_start3A_816 = tpu.memref_slice %arg7[%add3A_804, %dma_start3A_815] : memref<160000x128xf32, #tpu.memory_space<hbm>> -> memref<128x128xf32, #tpu.memory_space<hbm>>
      %dma_start3A_817 = arith.constant 0 : i32
      %dma_start3A_818 = arith.constant 0 : i32
      %dma_start3A_819 = tpu.memref_slice %arg13[%dma_start3A_805, %dma_start3A_817, %dma_start3A_818] : memref<2x128x128xf32, #tpu.memory_space<vmem>> -> memref<1x128x128xf32, #tpu.memory_space<vmem>>
      %dma_start3A_820 = tpu.memref_squeeze %dma_start3A_819 : memref<1x128x128xf32, #tpu.memory_space<vmem>> -> memref<128x128xf32, #tpu.memory_space<vmem>>
      %dma_start3A_821 = arith.constant 0 : i32
      %dma_start3A_822 = arith.constant 0 : i32
      %dma_start3A_823 = tpu.memref_slice %dma_start3A_820[%dma_start3A_821, %dma_start3A_822] : memref<128x128xf32, #tpu.memory_space<vmem>> -> memref<128x128xf32, #tpu.memory_space<vmem>>
      tpu.enqueue_dma source(%dma_start3A_823 : memref<128x128xf32, #tpu.memory_space<vmem>>) target(%dma_start3A_816 : memref<128x128xf32, #tpu.memory_space<hbm>>) target_semaphore(%arg29 : memref<!tpu.dma_semaphore, #tpu.memory_space<semaphore_mem>>)
      %dma_start3A_824 = arith.constant 1 : i32
      %dma_start3A_825 = arith.constant 0 : i32
      %dma_start3A_826 = arith.constant 0 : i32
      %dma_start3A_827 = tpu.memref_slice %arg14[%dma_start3A_824, %dma_start3A_825, %dma_start3A_826] : memref<2x128x128xf32, #tpu.memory_space<vmem>> -> memref<1x128x128xf32, #tpu.memory_space<vmem>>
      %dma_start3A_828 = tpu.memref_squeeze %dma_start3A_827 : memref<1x128x128xf32, #tpu.memory_space<vmem>> -> memref<128x128xf32, #tpu.memory_space<vmem>>
      %dma_start3A_829 = arith.constant 0 : i32
      %dma_start3A_830 = arith.constant 0 : i32
      %dma_start3A_831 = tpu.memref_slice %dma_start3A_828[%dma_start3A_829, %dma_start3A_830] : memref<128x128xf32, #tpu.memory_space<vmem>> -> memref<128x128xf32, #tpu.memory_space<vmem>>
      %dma_start3A_832 = arith.constant 0 : i32
      %dma_start3A_833 = tpu.memref_slice %arg8[%add3A_804, %dma_start3A_832] : memref<160000x128xf32, #tpu.memory_space<hbm>> -> memref<128x128xf32, #tpu.memory_space<hbm>>
      %dma_start3A_834 = arith.constant 0 : i32
      %dma_start3A_835 = tpu.memref_slice %arg8[%add3A_804, %dma_start3A_834] : memref<160000x128xf32, #tpu.memory_space<hbm>> -> memref<128x128xf32, #tpu.memory_space<hbm>>
      %dma_start3A_836 = arith.constant 0 : i32
      %dma_start3A_837 = arith.constant 0 : i32
      %dma_start3A_838 = tpu.memref_slice %arg14[%dma_start3A_824, %dma_start3A_836, %dma_start3A_837] : memref<2x128x128xf32, #tpu.memory_space<vmem>> -> memref<1x128x128xf32, #tpu.memory_space<vmem>>
      %dma_start3A_839 = tpu.memref_squeeze %dma_start3A_838 : memref<1x128x128xf32, #tpu.memory_space<vmem>> -> memref<128x128xf32, #tpu.memory_space<vmem>>
      %dma_start3A_840 = arith.constant 0 : i32
      %dma_start3A_841 = arith.constant 0 : i32
      %dma_start3A_842 = tpu.memref_slice %dma_start3A_839[%dma_start3A_840, %dma_start3A_841] : memref<128x128xf32, #tpu.memory_space<vmem>> -> memref<128x128xf32, #tpu.memory_space<vmem>>
      tpu.enqueue_dma source(%dma_start3A_842 : memref<128x128xf32, #tpu.memory_space<vmem>>) target(%dma_start3A_835 : memref<128x128xf32, #tpu.memory_space<hbm>>) target_semaphore(%arg30 : memref<!tpu.dma_semaphore, #tpu.memory_space<semaphore_mem>>)
      %dma_start3A_843 = arith.constant 1 : i32
      %dma_start3A_844 = arith.constant 0 : i32
      %dma_start3A_845 = arith.constant 0 : i32
      %dma_start3A_846 = tpu.memref_slice %arg15[%dma_start3A_843, %dma_start3A_844, %dma_start3A_845] : memref<2x128x16xf32, #tpu.memory_space<vmem>> -> memref<1x128x16xf32, #tpu.memory_space<vmem>>
      %dma_start3A_847 = tpu.memref_squeeze %dma_start3A_846 : memref<1x128x16xf32, #tpu.memory_space<vmem>> -> memref<128x16xf32, #tpu.memory_space<vmem>>
      %dma_start3A_848 = arith.constant 0 : i32
      %dma_start3A_849 = arith.constant 0 : i32
      %dma_start3A_850 = tpu.memref_slice %dma_start3A_847[%dma_start3A_848, %dma_start3A_849] : memref<128x16xf32, #tpu.memory_space<vmem>> -> memref<128x16xf32, #tpu.memory_space<vmem>>
      %dma_start3A_851 = arith.constant 0 : i32
      %dma_start3A_852 = tpu.memref_slice %arg9[%add3A_804, %dma_start3A_851] : memref<160000x16xf32, #tpu.memory_space<hbm>> -> memref<128x16xf32, #tpu.memory_space<hbm>>
      %dma_start3A_853 = arith.constant 0 : i32
      %dma_start3A_854 = tpu.memref_slice %arg9[%add3A_804, %dma_start3A_853] : memref<160000x16xf32, #tpu.memory_space<hbm>> -> memref<128x16xf32, #tpu.memory_space<hbm>>
      %dma_start3A_855 = arith.constant 0 : i32
      %dma_start3A_856 = arith.constant 0 : i32
      %dma_start3A_857 = tpu.memref_slice %arg15[%dma_start3A_843, %dma_start3A_855, %dma_start3A_856] : memref<2x128x16xf32, #tpu.memory_space<vmem>> -> memref<1x128x16xf32, #tpu.memory_space<vmem>>
      %dma_start3A_858 = tpu.memref_squeeze %dma_start3A_857 : memref<1x128x16xf32, #tpu.memory_space<vmem>> -> memref<128x16xf32, #tpu.memory_space<vmem>>
      %dma_start3A_859 = arith.constant 0 : i32
      %dma_start3A_860 = arith.constant 0 : i32
      %dma_start3A_861 = tpu.memref_slice %dma_start3A_858[%dma_start3A_859, %dma_start3A_860] : memref<128x16xf32, #tpu.memory_space<vmem>> -> memref<128x16xf32, #tpu.memory_space<vmem>>
      tpu.enqueue_dma source(%dma_start3A_861 : memref<128x16xf32, #tpu.memory_space<vmem>>) target(%dma_start3A_854 : memref<128x16xf32, #tpu.memory_space<hbm>>) target_semaphore(%arg31 : memref<!tpu.dma_semaphore, #tpu.memory_space<semaphore_mem>>)
      %dma_start3A_862 = arith.constant 1 : i32
      %dma_start3A_863 = arith.constant 0 : i32
      %dma_start3A_864 = arith.constant 0 : i32
      %dma_start3A_865 = tpu.memref_slice %arg16[%dma_start3A_862, %dma_start3A_863, %dma_start3A_864] : memref<2x128x16xf32, #tpu.memory_space<vmem>> -> memref<1x128x16xf32, #tpu.memory_space<vmem>>
      %dma_start3A_866 = tpu.memref_squeeze %dma_start3A_865 : memref<1x128x16xf32, #tpu.memory_space<vmem>> -> memref<128x16xf32, #tpu.memory_space<vmem>>
      %dma_start3A_867 = arith.constant 0 : i32
      %dma_start3A_868 = arith.constant 0 : i32
      %dma_start3A_869 = tpu.memref_slice %dma_start3A_866[%dma_start3A_867, %dma_start3A_868] : memref<128x16xf32, #tpu.memory_space<vmem>> -> memref<128x16xf32, #tpu.memory_space<vmem>>
      %dma_start3A_870 = arith.constant 0 : i32
      %dma_start3A_871 = tpu.memref_slice %arg10[%add3A_804, %dma_start3A_870] : memref<160000x16xf32, #tpu.memory_space<hbm>> -> memref<128x16xf32, #tpu.memory_space<hbm>>
      %dma_start3A_872 = arith.constant 0 : i32
      %dma_start3A_873 = tpu.memref_slice %arg10[%add3A_804, %dma_start3A_872] : memref<160000x16xf32, #tpu.memory_space<hbm>> -> memref<128x16xf32, #tpu.memory_space<hbm>>
      %dma_start3A_874 = arith.constant 0 : i32
      %dma_start3A_875 = arith.constant 0 : i32
      %dma_start3A_876 = tpu.memref_slice %arg16[%dma_start3A_862, %dma_start3A_874, %dma_start3A_875] : memref<2x128x16xf32, #tpu.memory_space<vmem>> -> memref<1x128x16xf32, #tpu.memory_space<vmem>>
      %dma_start3A_877 = tpu.memref_squeeze %dma_start3A_876 : memref<1x128x16xf32, #tpu.memory_space<vmem>> -> memref<128x16xf32, #tpu.memory_space<vmem>>
      %dma_start3A_878 = arith.constant 0 : i32
      %dma_start3A_879 = arith.constant 0 : i32
      %dma_start3A_880 = tpu.memref_slice %dma_start3A_877[%dma_start3A_878, %dma_start3A_879] : memref<128x16xf32, #tpu.memory_space<vmem>> -> memref<128x16xf32, #tpu.memory_space<vmem>>
      tpu.enqueue_dma source(%dma_start3A_880 : memref<128x16xf32, #tpu.memory_space<vmem>>) target(%dma_start3A_873 : memref<128x16xf32, #tpu.memory_space<hbm>>) target_semaphore(%arg32 : memref<!tpu.dma_semaphore, #tpu.memory_space<semaphore_mem>>)
      %dma_wait3A_881 = arith.constant 0 : i32
      %dma_wait3A_882 = arith.constant 0 : i32
      %dma_wait3A_883 = arith.constant 0 : i32
      %dma_wait3A_884 = tpu.memref_slice %arg13[%dma_wait3A_881, %dma_wait3A_882, %dma_wait3A_883] : memref<2x128x128xf32, #tpu.memory_space<vmem>> -> memref<1x128x128xf32, #tpu.memory_space<vmem>>
      %dma_wait3A_885 = tpu.memref_squeeze %dma_wait3A_884 : memref<1x128x128xf32, #tpu.memory_space<vmem>> -> memref<128x128xf32, #tpu.memory_space<vmem>>
      %dma_wait3A_886 = arith.constant 0 : i32
      %dma_wait3A_887 = arith.constant 0 : i32
      %dma_wait3A_888 = tpu.memref_slice %dma_wait3A_885[%dma_wait3A_886, %dma_wait3A_887] : memref<128x128xf32, #tpu.memory_space<vmem>> -> memref<128x128xf32, #tpu.memory_space<vmem>>
      %dma_wait3A_889 = arith.constant 0 : i32
      %dma_wait3A_890 = tpu.memref_slice %arg7[%add3A_677, %dma_wait3A_889] : memref<160000x128xf32, #tpu.memory_space<hbm>> -> memref<128x128xf32, #tpu.memory_space<hbm>>
      %dma_wait3A_891 = arith.constant 0 : i32
      %dma_wait3A_892 = tpu.memref_slice %arg7[%add3A_677, %dma_wait3A_891] : memref<160000x128xf32, #tpu.memory_space<hbm>> -> memref<128x128xf32, #tpu.memory_space<hbm>>
      %dma_wait3A_893 = arith.constant 0 : i32
      %dma_wait3A_894 = arith.constant 0 : i32
      %dma_wait3A_895 = tpu.memref_slice %arg13[%dma_wait3A_881, %dma_wait3A_893, %dma_wait3A_894] : memref<2x128x128xf32, #tpu.memory_space<vmem>> -> memref<1x128x128xf32, #tpu.memory_space<vmem>>
      %dma_wait3A_896 = tpu.memref_squeeze %dma_wait3A_895 : memref<1x128x128xf32, #tpu.memory_space<vmem>> -> memref<128x128xf32, #tpu.memory_space<vmem>>
      %dma_wait3A_897 = arith.constant 0 : i32
      %dma_wait3A_898 = arith.constant 0 : i32
      %dma_wait3A_899 = tpu.memref_slice %dma_wait3A_896[%dma_wait3A_897, %dma_wait3A_898] : memref<128x128xf32, #tpu.memory_space<vmem>> -> memref<128x128xf32, #tpu.memory_space<vmem>>
      tpu.wait_dma2 semaphore(%arg25 : memref<!tpu.dma_semaphore, #tpu.memory_space<semaphore_mem>>) src(%dma_wait3A_899 : memref<128x128xf32, #tpu.memory_space<vmem>>) dst(%dma_wait3A_892 : memref<128x128xf32, #tpu.memory_space<hbm>>)
      %dma_wait3A_900 = arith.constant 0 : i32
      %dma_wait3A_901 = arith.constant 0 : i32
      %dma_wait3A_902 = arith.constant 0 : i32
      %dma_wait3A_903 = tpu.memref_slice %arg14[%dma_wait3A_900, %dma_wait3A_901, %dma_wait3A_902] : memref<2x128x128xf32, #tpu.memory_space<vmem>> -> memref<1x128x128xf32, #tpu.memory_space<vmem>>
      %dma_wait3A_904 = tpu.memref_squeeze %dma_wait3A_903 : memref<1x128x128xf32, #tpu.memory_space<vmem>> -> memref<128x128xf32, #tpu.memory_space<vmem>>
      %dma_wait3A_905 = arith.constant 0 : i32
      %dma_wait3A_906 = arith.constant 0 : i32
      %dma_wait3A_907 = tpu.memref_slice %dma_wait3A_904[%dma_wait3A_905, %dma_wait3A_906] : memref<128x128xf32, #tpu.memory_space<vmem>> -> memref<128x128xf32, #tpu.memory_space<vmem>>
      %dma_wait3A_908 = arith.constant 0 : i32
      %dma_wait3A_909 = tpu.memref_slice %arg8[%add3A_677, %dma_wait3A_908] : memref<160000x128xf32, #tpu.memory_space<hbm>> -> memref<128x128xf32, #tpu.memory_space<hbm>>
      %dma_wait3A_910 = arith.constant 0 : i32
      %dma_wait3A_911 = tpu.memref_slice %arg8[%add3A_677, %dma_wait3A_910] : memref<160000x128xf32, #tpu.memory_space<hbm>> -> memref<128x128xf32, #tpu.memory_space<hbm>>
      %dma_wait3A_912 = arith.constant 0 : i32
      %dma_wait3A_913 = arith.constant 0 : i32
      %dma_wait3A_914 = tpu.memref_slice %arg14[%dma_wait3A_900, %dma_wait3A_912, %dma_wait3A_913] : memref<2x128x128xf32, #tpu.memory_space<vmem>> -> memref<1x128x128xf32, #tpu.memory_space<vmem>>
      %dma_wait3A_915 = tpu.memref_squeeze %dma_wait3A_914 : memref<1x128x128xf32, #tpu.memory_space<vmem>> -> memref<128x128xf32, #tpu.memory_space<vmem>>
      %dma_wait3A_916 = arith.constant 0 : i32
      %dma_wait3A_917 = arith.constant 0 : i32
      %dma_wait3A_918 = tpu.memref_slice %dma_wait3A_915[%dma_wait3A_916, %dma_wait3A_917] : memref<128x128xf32, #tpu.memory_space<vmem>> -> memref<128x128xf32, #tpu.memory_space<vmem>>
      tpu.wait_dma2 semaphore(%arg26 : memref<!tpu.dma_semaphore, #tpu.memory_space<semaphore_mem>>) src(%dma_wait3A_918 : memref<128x128xf32, #tpu.memory_space<vmem>>) dst(%dma_wait3A_911 : memref<128x128xf32, #tpu.memory_space<hbm>>)
      %dma_wait3A_919 = arith.constant 0 : i32
      %dma_wait3A_920 = arith.constant 0 : i32
      %dma_wait3A_921 = arith.constant 0 : i32
      %dma_wait3A_922 = tpu.memref_slice %arg15[%dma_wait3A_919, %dma_wait3A_920, %dma_wait3A_921] : memref<2x128x16xf32, #tpu.memory_space<vmem>> -> memref<1x128x16xf32, #tpu.memory_space<vmem>>
      %dma_wait3A_923 = tpu.memref_squeeze %dma_wait3A_922 : memref<1x128x16xf32, #tpu.memory_space<vmem>> -> memref<128x16xf32, #tpu.memory_space<vmem>>
      %dma_wait3A_924 = arith.constant 0 : i32
      %dma_wait3A_925 = arith.constant 0 : i32
      %dma_wait3A_926 = tpu.memref_slice %dma_wait3A_923[%dma_wait3A_924, %dma_wait3A_925] : memref<128x16xf32, #tpu.memory_space<vmem>> -> memref<128x16xf32, #tpu.memory_space<vmem>>
      %dma_wait3A_927 = arith.constant 0 : i32
      %dma_wait3A_928 = tpu.memref_slice %arg9[%add3A_677, %dma_wait3A_927] : memref<160000x16xf32, #tpu.memory_space<hbm>> -> memref<128x16xf32, #tpu.memory_space<hbm>>
      %dma_wait3A_929 = arith.constant 0 : i32
      %dma_wait3A_930 = tpu.memref_slice %arg9[%add3A_677, %dma_wait3A_929] : memref<160000x16xf32, #tpu.memory_space<hbm>> -> memref<128x16xf32, #tpu.memory_space<hbm>>
      %dma_wait3A_931 = arith.constant 0 : i32
      %dma_wait3A_932 = arith.constant 0 : i32
      %dma_wait3A_933 = tpu.memref_slice %arg15[%dma_wait3A_919, %dma_wait3A_931, %dma_wait3A_932] : memref<2x128x16xf32, #tpu.memory_space<vmem>> -> memref<1x128x16xf32, #tpu.memory_space<vmem>>
      %dma_wait3A_934 = tpu.memref_squeeze %dma_wait3A_933 : memref<1x128x16xf32, #tpu.memory_space<vmem>> -> memref<128x16xf32, #tpu.memory_space<vmem>>
      %dma_wait3A_935 = arith.constant 0 : i32
      %dma_wait3A_936 = arith.constant 0 : i32
      %dma_wait3A_937 = tpu.memref_slice %dma_wait3A_934[%dma_wait3A_935, %dma_wait3A_936] : memref<128x16xf32, #tpu.memory_space<vmem>> -> memref<128x16xf32, #tpu.memory_space<vmem>>
      tpu.wait_dma2 semaphore(%arg27 : memref<!tpu.dma_semaphore, #tpu.memory_space<semaphore_mem>>) src(%dma_wait3A_937 : memref<128x16xf32, #tpu.memory_space<vmem>>) dst(%dma_wait3A_930 : memref<128x16xf32, #tpu.memory_space<hbm>>)
      %dma_wait3A_938 = arith.constant 0 : i32
      %dma_wait3A_939 = arith.constant 0 : i32
      %dma_wait3A_940 = arith.constant 0 : i32
      %dma_wait3A_941 = tpu.memref_slice %arg16[%dma_wait3A_938, %dma_wait3A_939, %dma_wait3A_940] : memref<2x128x16xf32, #tpu.memory_space<vmem>> -> memref<1x128x16xf32, #tpu.memory_space<vmem>>
      %dma_wait3A_942 = tpu.memref_squeeze %dma_wait3A_941 : memref<1x128x16xf32, #tpu.memory_space<vmem>> -> memref<128x16xf32, #tpu.memory_space<vmem>>
      %dma_wait3A_943 = arith.constant 0 : i32
      %dma_wait3A_944 = arith.constant 0 : i32
      %dma_wait3A_945 = tpu.memref_slice %dma_wait3A_942[%dma_wait3A_943, %dma_wait3A_944] : memref<128x16xf32, #tpu.memory_space<vmem>> -> memref<128x16xf32, #tpu.memory_space<vmem>>
      %dma_wait3A_946 = arith.constant 0 : i32
      %dma_wait3A_947 = tpu.memref_slice %arg10[%add3A_677, %dma_wait3A_946] : memref<160000x16xf32, #tpu.memory_space<hbm>> -> memref<128x16xf32, #tpu.memory_space<hbm>>
      %dma_wait3A_948 = arith.constant 0 : i32
      %dma_wait3A_949 = tpu.memref_slice %arg10[%add3A_677, %dma_wait3A_948] : memref<160000x16xf32, #tpu.memory_space<hbm>> -> memref<128x16xf32, #tpu.memory_space<hbm>>
      %dma_wait3A_950 = arith.constant 0 : i32
      %dma_wait3A_951 = arith.constant 0 : i32
      %dma_wait3A_952 = tpu.memref_slice %arg16[%dma_wait3A_938, %dma_wait3A_950, %dma_wait3A_951] : memref<2x128x16xf32, #tpu.memory_space<vmem>> -> memref<1x128x16xf32, #tpu.memory_space<vmem>>
      %dma_wait3A_953 = tpu.memref_squeeze %dma_wait3A_952 : memref<1x128x16xf32, #tpu.memory_space<vmem>> -> memref<128x16xf32, #tpu.memory_space<vmem>>
      %dma_wait3A_954 = arith.constant 0 : i32
      %dma_wait3A_955 = arith.constant 0 : i32
      %dma_wait3A_956 = tpu.memref_slice %dma_wait3A_953[%dma_wait3A_954, %dma_wait3A_955] : memref<128x16xf32, #tpu.memory_space<vmem>> -> memref<128x16xf32, #tpu.memory_space<vmem>>
      tpu.wait_dma2 semaphore(%arg28 : memref<!tpu.dma_semaphore, #tpu.memory_space<semaphore_mem>>) src(%dma_wait3A_956 : memref<128x16xf32, #tpu.memory_space<vmem>>) dst(%dma_wait3A_949 : memref<128x16xf32, #tpu.memory_space<hbm>>)
      %dma_wait3A_957 = arith.constant 1 : i32
      %dma_wait3A_958 = arith.constant 0 : i32
      %dma_wait3A_959 = arith.constant 0 : i32
      %dma_wait3A_960 = tpu.memref_slice %arg13[%dma_wait3A_957, %dma_wait3A_958, %dma_wait3A_959] : memref<2x128x128xf32, #tpu.memory_space<vmem>> -> memref<1x128x128xf32, #tpu.memory_space<vmem>>
      %dma_wait3A_961 = tpu.memref_squeeze %dma_wait3A_960 : memref<1x128x128xf32, #tpu.memory_space<vmem>> -> memref<128x128xf32, #tpu.memory_space<vmem>>
      %dma_wait3A_962 = arith.constant 0 : i32
      %dma_wait3A_963 = arith.constant 0 : i32
      %dma_wait3A_964 = tpu.memref_slice %dma_wait3A_961[%dma_wait3A_962, %dma_wait3A_963] : memref<128x128xf32, #tpu.memory_space<vmem>> -> memref<128x128xf32, #tpu.memory_space<vmem>>
      %dma_wait3A_965 = arith.constant 0 : i32
      %dma_wait3A_966 = tpu.memref_slice %arg7[%add3A_804, %dma_wait3A_965] : memref<160000x128xf32, #tpu.memory_space<hbm>> -> memref<128x128xf32, #tpu.memory_space<hbm>>
      %dma_wait3A_967 = arith.constant 0 : i32
      %dma_wait3A_968 = tpu.memref_slice %arg7[%add3A_804, %dma_wait3A_967] : memref<160000x128xf32, #tpu.memory_space<hbm>> -> memref<128x128xf32, #tpu.memory_space<hbm>>
      %dma_wait3A_969 = arith.constant 0 : i32
      %dma_wait3A_970 = arith.constant 0 : i32
      %dma_wait3A_971 = tpu.memref_slice %arg13[%dma_wait3A_957, %dma_wait3A_969, %dma_wait3A_970] : memref<2x128x128xf32, #tpu.memory_space<vmem>> -> memref<1x128x128xf32, #tpu.memory_space<vmem>>
      %dma_wait3A_972 = tpu.memref_squeeze %dma_wait3A_971 : memref<1x128x128xf32, #tpu.memory_space<vmem>> -> memref<128x128xf32, #tpu.memory_space<vmem>>
      %dma_wait3A_973 = arith.constant 0 : i32
      %dma_wait3A_974 = arith.constant 0 : i32
      %dma_wait3A_975 = tpu.memref_slice %dma_wait3A_972[%dma_wait3A_973, %dma_wait3A_974] : memref<128x128xf32, #tpu.memory_space<vmem>> -> memref<128x128xf32, #tpu.memory_space<vmem>>
      tpu.wait_dma2 semaphore(%arg29 : memref<!tpu.dma_semaphore, #tpu.memory_space<semaphore_mem>>) src(%dma_wait3A_975 : memref<128x128xf32, #tpu.memory_space<vmem>>) dst(%dma_wait3A_968 : memref<128x128xf32, #tpu.memory_space<hbm>>)
      %dma_wait3A_976 = arith.constant 1 : i32
      %dma_wait3A_977 = arith.constant 0 : i32
      %dma_wait3A_978 = arith.constant 0 : i32
      %dma_wait3A_979 = tpu.memref_slice %arg14[%dma_wait3A_976, %dma_wait3A_977, %dma_wait3A_978] : memref<2x128x128xf32, #tpu.memory_space<vmem>> -> memref<1x128x128xf32, #tpu.memory_space<vmem>>
      %dma_wait3A_980 = tpu.memref_squeeze %dma_wait3A_979 : memref<1x128x128xf32, #tpu.memory_space<vmem>> -> memref<128x128xf32, #tpu.memory_space<vmem>>
      %dma_wait3A_981 = arith.constant 0 : i32
      %dma_wait3A_982 = arith.constant 0 : i32
      %dma_wait3A_983 = tpu.memref_slice %dma_wait3A_980[%dma_wait3A_981, %dma_wait3A_982] : memref<128x128xf32, #tpu.memory_space<vmem>> -> memref<128x128xf32, #tpu.memory_space<vmem>>
      %dma_wait3A_984 = arith.constant 0 : i32
      %dma_wait3A_985 = tpu.memref_slice %arg8[%add3A_804, %dma_wait3A_984] : memref<160000x128xf32, #tpu.memory_space<hbm>> -> memref<128x128xf32, #tpu.memory_space<hbm>>
      %dma_wait3A_986 = arith.constant 0 : i32
      %dma_wait3A_987 = tpu.memref_slice %arg8[%add3A_804, %dma_wait3A_986] : memref<160000x128xf32, #tpu.memory_space<hbm>> -> memref<128x128xf32, #tpu.memory_space<hbm>>
      %dma_wait3A_988 = arith.constant 0 : i32
      %dma_wait3A_989 = arith.constant 0 : i32
      %dma_wait3A_990 = tpu.memref_slice %arg14[%dma_wait3A_976, %dma_wait3A_988, %dma_wait3A_989] : memref<2x128x128xf32, #tpu.memory_space<vmem>> -> memref<1x128x128xf32, #tpu.memory_space<vmem>>
      %dma_wait3A_991 = tpu.memref_squeeze %dma_wait3A_990 : memref<1x128x128xf32, #tpu.memory_space<vmem>> -> memref<128x128xf32, #tpu.memory_space<vmem>>
      %dma_wait3A_992 = arith.constant 0 : i32
      %dma_wait3A_993 = arith.constant 0 : i32
      %dma_wait3A_994 = tpu.memref_slice %dma_wait3A_991[%dma_wait3A_992, %dma_wait3A_993] : memref<128x128xf32, #tpu.memory_space<vmem>> -> memref<128x128xf32, #tpu.memory_space<vmem>>
      tpu.wait_dma2 semaphore(%arg30 : memref<!tpu.dma_semaphore, #tpu.memory_space<semaphore_mem>>) src(%dma_wait3A_994 : memref<128x128xf32, #tpu.memory_space<vmem>>) dst(%dma_wait3A_987 : memref<128x128xf32, #tpu.memory_space<hbm>>)
      %dma_wait3A_995 = arith.constant 1 : i32
      %dma_wait3A_996 = arith.constant 0 : i32
      %dma_wait3A_997 = arith.constant 0 : i32
      %dma_wait3A_998 = tpu.memref_slice %arg15[%dma_wait3A_995, %dma_wait3A_996, %dma_wait3A_997] : memref<2x128x16xf32, #tpu.memory_space<vmem>> -> memref<1x128x16xf32, #tpu.memory_space<vmem>>
      %dma_wait3A_999 = tpu.memref_squeeze %dma_wait3A_998 : memref<1x128x16xf32, #tpu.memory_space<vmem>> -> memref<128x16xf32, #tpu.memory_space<vmem>>
      %dma_wait3A_1000 = arith.constant 0 : i32
      %dma_wait3A_1001 = arith.constant 0 : i32
      %dma_wait3A_1002 = tpu.memref_slice %dma_wait3A_999[%dma_wait3A_1000, %dma_wait3A_1001] : memref<128x16xf32, #tpu.memory_space<vmem>> -> memref<128x16xf32, #tpu.memory_space<vmem>>
      %dma_wait3A_1003 = arith.constant 0 : i32
      %dma_wait3A_1004 = tpu.memref_slice %arg9[%add3A_804, %dma_wait3A_1003] : memref<160000x16xf32, #tpu.memory_space<hbm>> -> memref<128x16xf32, #tpu.memory_space<hbm>>
      %dma_wait3A_1005 = arith.constant 0 : i32
      %dma_wait3A_1006 = tpu.memref_slice %arg9[%add3A_804, %dma_wait3A_1005] : memref<160000x16xf32, #tpu.memory_space<hbm>> -> memref<128x16xf32, #tpu.memory_space<hbm>>
      %dma_wait3A_1007 = arith.constant 0 : i32
      %dma_wait3A_1008 = arith.constant 0 : i32
      %dma_wait3A_1009 = tpu.memref_slice %arg15[%dma_wait3A_995, %dma_wait3A_1007, %dma_wait3A_1008] : memref<2x128x16xf32, #tpu.memory_space<vmem>> -> memref<1x128x16xf32, #tpu.memory_space<vmem>>
      %dma_wait3A_1010 = tpu.memref_squeeze %dma_wait3A_1009 : memref<1x128x16xf32, #tpu.memory_space<vmem>> -> memref<128x16xf32, #tpu.memory_space<vmem>>
      %dma_wait3A_1011 = arith.constant 0 : i32
      %dma_wait3A_1012 = arith.constant 0 : i32
      %dma_wait3A_1013 = tpu.memref_slice %dma_wait3A_1010[%dma_wait3A_1011, %dma_wait3A_1012] : memref<128x16xf32, #tpu.memory_space<vmem>> -> memref<128x16xf32, #tpu.memory_space<vmem>>
      tpu.wait_dma2 semaphore(%arg31 : memref<!tpu.dma_semaphore, #tpu.memory_space<semaphore_mem>>) src(%dma_wait3A_1013 : memref<128x16xf32, #tpu.memory_space<vmem>>) dst(%dma_wait3A_1006 : memref<128x16xf32, #tpu.memory_space<hbm>>)
      %dma_wait3A_1014 = arith.constant 1 : i32
      %dma_wait3A_1015 = arith.constant 0 : i32
      %dma_wait3A_1016 = arith.constant 0 : i32
      %dma_wait3A_1017 = tpu.memref_slice %arg16[%dma_wait3A_1014, %dma_wait3A_1015, %dma_wait3A_1016] : memref<2x128x16xf32, #tpu.memory_space<vmem>> -> memref<1x128x16xf32, #tpu.memory_space<vmem>>
      %dma_wait3A_1018 = tpu.memref_squeeze %dma_wait3A_1017 : memref<1x128x16xf32, #tpu.memory_space<vmem>> -> memref<128x16xf32, #tpu.memory_space<vmem>>
      %dma_wait3A_1019 = arith.constant 0 : i32
      %dma_wait3A_1020 = arith.constant 0 : i32
      %dma_wait3A_1021 = tpu.memref_slice %dma_wait3A_1018[%dma_wait3A_1019, %dma_wait3A_1020] : memref<128x16xf32, #tpu.memory_space<vmem>> -> memref<128x16xf32, #tpu.memory_space<vmem>>
      %dma_wait3A_1022 = arith.constant 0 : i32
      %dma_wait3A_1023 = tpu.memref_slice %arg10[%add3A_804, %dma_wait3A_1022] : memref<160000x16xf32, #tpu.memory_space<hbm>> -> memref<128x16xf32, #tpu.memory_space<hbm>>
      %dma_wait3A_1024 = arith.constant 0 : i32
      %dma_wait3A_1025 = tpu.memref_slice %arg10[%add3A_804, %dma_wait3A_1024] : memref<160000x16xf32, #tpu.memory_space<hbm>> -> memref<128x16xf32, #tpu.memory_space<hbm>>
      %dma_wait3A_1026 = arith.constant 0 : i32
      %dma_wait3A_1027 = arith.constant 0 : i32
      %dma_wait3A_1028 = tpu.memref_slice %arg16[%dma_wait3A_1014, %dma_wait3A_1026, %dma_wait3A_1027] : memref<2x128x16xf32, #tpu.memory_space<vmem>> -> memref<1x128x16xf32, #tpu.memory_space<vmem>>
      %dma_wait3A_1029 = tpu.memref_squeeze %dma_wait3A_1028 : memref<1x128x16xf32, #tpu.memory_space<vmem>> -> memref<128x16xf32, #tpu.memory_space<vmem>>
      %dma_wait3A_1030 = arith.constant 0 : i32
      %dma_wait3A_1031 = arith.constant 0 : i32
      %dma_wait3A_1032 = tpu.memref_slice %dma_wait3A_1029[%dma_wait3A_1030, %dma_wait3A_1031] : memref<128x16xf32, #tpu.memory_space<vmem>> -> memref<128x16xf32, #tpu.memory_space<vmem>>
      tpu.wait_dma2 semaphore(%arg32 : memref<!tpu.dma_semaphore, #tpu.memory_space<semaphore_mem>>) src(%dma_wait3A_1032 : memref<128x16xf32, #tpu.memory_space<vmem>>) dst(%dma_wait3A_1025 : memref<128x16xf32, #tpu.memory_space<hbm>>)
    }
    %scan3A_7 = arith.constant 19 : i32
    %dma_start3A = arith.constant 0 : i32
    %dma_start3A_8 = arith.constant 0 : i32
    %dma_start3A_9 = arith.constant 0 : i32
    %dma_start3A_10 = tpu.memref_slice %arg13[%dma_start3A, %dma_start3A_8, %dma_start3A_9] : memref<2x128x128xf32, #tpu.memory_space<vmem>> -> memref<1x128x128xf32, #tpu.memory_space<vmem>>
    %dma_start3A_11 = tpu.memref_squeeze %dma_start3A_10 : memref<1x128x128xf32, #tpu.memory_space<vmem>> -> memref<128x128xf32, #tpu.memory_space<vmem>>
    %dma_start3A_12 = arith.constant 0 : i32
    %dma_start3A_13 = arith.constant 0 : i32
    %dma_start3A_14 = tpu.memref_slice %dma_start3A_11[%dma_start3A_12, %dma_start3A_13] : memref<128x128xf32, #tpu.memory_space<vmem>> -> memref<128x128xf32, #tpu.memory_space<vmem>>
    %dma_start3A_15 = arith.constant 4864 : i32
    %dma_start3A_16 = tpu.memref_slice %arg11[%dma_start3A_15] : memref<5000xi32, #tpu.memory_space<vmem>> -> memref<128xi32, #tpu.memory_space<vmem>>
    %dma_start3A_17 = arith.constant 0 : i32
    %dma_start3A_18 = arith.constant 0 : i32
    %dma_start3A_19 = tpu.memref_slice %arg2[%dma_start3A_17, %dma_start3A_18] : memref<10000x128xf32, #tpu.memory_space<hbm>> -> memref<10000x128xf32, #tpu.memory_space<hbm>>
    tpu.enqueue_indirect_dma source(%dma_start3A_19 : memref<10000x128xf32, #tpu.memory_space<hbm>>) target(%dma_start3A_14 : memref<128x128xf32, #tpu.memory_space<vmem>>) offsets(%dma_start3A_16 : memref<128xi32, #tpu.memory_space<vmem>>) semaphore(%arg17 : memref<!tpu.dma_semaphore, #tpu.memory_space<semaphore_mem>>)
    %dma_start3A_20 = arith.constant 0 : i32
    %dma_start3A_21 = arith.constant 0 : i32
    %dma_start3A_22 = arith.constant 0 : i32
    %dma_start3A_23 = tpu.memref_slice %arg14[%dma_start3A_20, %dma_start3A_21, %dma_start3A_22] : memref<2x128x128xf32, #tpu.memory_space<vmem>> -> memref<1x128x128xf32, #tpu.memory_space<vmem>>
    %dma_start3A_24 = tpu.memref_squeeze %dma_start3A_23 : memref<1x128x128xf32, #tpu.memory_space<vmem>> -> memref<128x128xf32, #tpu.memory_space<vmem>>
    %dma_start3A_25 = arith.constant 0 : i32
    %dma_start3A_26 = arith.constant 0 : i32
    %dma_start3A_27 = tpu.memref_slice %dma_start3A_24[%dma_start3A_25, %dma_start3A_26] : memref<128x128xf32, #tpu.memory_space<vmem>> -> memref<128x128xf32, #tpu.memory_space<vmem>>
    %dma_start3A_28 = arith.constant 4864 : i32
    %dma_start3A_29 = tpu.memref_slice %arg12[%dma_start3A_28] : memref<5000xi32, #tpu.memory_space<vmem>> -> memref<128xi32, #tpu.memory_space<vmem>>
    %dma_start3A_30 = arith.constant 0 : i32
    %dma_start3A_31 = arith.constant 0 : i32
    %dma_start3A_32 = tpu.memref_slice %arg3[%dma_start3A_30, %dma_start3A_31] : memref<10000x128xf32, #tpu.memory_space<hbm>> -> memref<10000x128xf32, #tpu.memory_space<hbm>>
    tpu.enqueue_indirect_dma source(%dma_start3A_32 : memref<10000x128xf32, #tpu.memory_space<hbm>>) target(%dma_start3A_27 : memref<128x128xf32, #tpu.memory_space<vmem>>) offsets(%dma_start3A_29 : memref<128xi32, #tpu.memory_space<vmem>>) semaphore(%arg18 : memref<!tpu.dma_semaphore, #tpu.memory_space<semaphore_mem>>)
    %dma_start3A_33 = arith.constant 0 : i32
    %dma_start3A_34 = arith.constant 0 : i32
    %dma_start3A_35 = arith.constant 0 : i32
    %dma_start3A_36 = tpu.memref_slice %arg15[%dma_start3A_33, %dma_start3A_34, %dma_start3A_35] : memref<2x128x16xf32, #tpu.memory_space<vmem>> -> memref<1x128x16xf32, #tpu.memory_space<vmem>>
    %dma_start3A_37 = tpu.memref_squeeze %dma_start3A_36 : memref<1x128x16xf32, #tpu.memory_space<vmem>> -> memref<128x16xf32, #tpu.memory_space<vmem>>
    %dma_start3A_38 = arith.constant 0 : i32
    %dma_start3A_39 = arith.constant 0 : i32
    %dma_start3A_40 = tpu.memref_slice %dma_start3A_37[%dma_start3A_38, %dma_start3A_39] : memref<128x16xf32, #tpu.memory_space<vmem>> -> memref<128x16xf32, #tpu.memory_space<vmem>>
    %dma_start3A_41 = arith.constant 4864 : i32
    %dma_start3A_42 = tpu.memref_slice %arg11[%dma_start3A_41] : memref<5000xi32, #tpu.memory_space<vmem>> -> memref<128xi32, #tpu.memory_space<vmem>>
    %dma_start3A_43 = arith.constant 0 : i32
    %dma_start3A_44 = arith.constant 0 : i32
    %dma_start3A_45 = tpu.memref_slice %arg4[%dma_start3A_43, %dma_start3A_44] : memref<10000x16xf32, #tpu.memory_space<hbm>> -> memref<10000x16xf32, #tpu.memory_space<hbm>>
    tpu.enqueue_indirect_dma source(%dma_start3A_45 : memref<10000x16xf32, #tpu.memory_space<hbm>>) target(%dma_start3A_40 : memref<128x16xf32, #tpu.memory_space<vmem>>) offsets(%dma_start3A_42 : memref<128xi32, #tpu.memory_space<vmem>>) semaphore(%arg19 : memref<!tpu.dma_semaphore, #tpu.memory_space<semaphore_mem>>)
    %dma_start3A_46 = arith.constant 0 : i32
    %dma_start3A_47 = arith.constant 0 : i32
    %dma_start3A_48 = arith.constant 0 : i32
    %dma_start3A_49 = tpu.memref_slice %arg16[%dma_start3A_46, %dma_start3A_47, %dma_start3A_48] : memref<2x128x16xf32, #tpu.memory_space<vmem>> -> memref<1x128x16xf32, #tpu.memory_space<vmem>>
    %dma_start3A_50 = tpu.memref_squeeze %dma_start3A_49 : memref<1x128x16xf32, #tpu.memory_space<vmem>> -> memref<128x16xf32, #tpu.memory_space<vmem>>
    %dma_start3A_51 = arith.constant 0 : i32
    %dma_start3A_52 = arith.constant 0 : i32
    %dma_start3A_53 = tpu.memref_slice %dma_start3A_50[%dma_start3A_51, %dma_start3A_52] : memref<128x16xf32, #tpu.memory_space<vmem>> -> memref<128x16xf32, #tpu.memory_space<vmem>>
    %dma_start3A_54 = arith.constant 4864 : i32
    %dma_start3A_55 = tpu.memref_slice %arg12[%dma_start3A_54] : memref<5000xi32, #tpu.memory_space<vmem>> -> memref<128xi32, #tpu.memory_space<vmem>>
    %dma_start3A_56 = arith.constant 0 : i32
    %dma_start3A_57 = arith.constant 0 : i32
    %dma_start3A_58 = tpu.memref_slice %arg4[%dma_start3A_56, %dma_start3A_57] : memref<10000x16xf32, #tpu.memory_space<hbm>> -> memref<10000x16xf32, #tpu.memory_space<hbm>>
    tpu.enqueue_indirect_dma source(%dma_start3A_58 : memref<10000x16xf32, #tpu.memory_space<hbm>>) target(%dma_start3A_53 : memref<128x16xf32, #tpu.memory_space<vmem>>) offsets(%dma_start3A_55 : memref<128xi32, #tpu.memory_space<vmem>>) semaphore(%arg20 : memref<!tpu.dma_semaphore, #tpu.memory_space<semaphore_mem>>)
    %dma_wait3A = arith.constant 0 : i32
    %dma_wait3A_59 = arith.constant 0 : i32
    %dma_wait3A_60 = arith.constant 0 : i32
    %dma_wait3A_61 = tpu.memref_slice %arg13[%dma_wait3A, %dma_wait3A_59, %dma_wait3A_60] : memref<2x128x128xf32, #tpu.memory_space<vmem>> -> memref<1x128x128xf32, #tpu.memory_space<vmem>>
    %dma_wait3A_62 = tpu.memref_squeeze %dma_wait3A_61 : memref<1x128x128xf32, #tpu.memory_space<vmem>> -> memref<128x128xf32, #tpu.memory_space<vmem>>
    %dma_wait3A_63 = arith.constant 0 : i32
    %dma_wait3A_64 = arith.constant 0 : i32
    %dma_wait3A_65 = tpu.memref_slice %dma_wait3A_62[%dma_wait3A_63, %dma_wait3A_64] : memref<128x128xf32, #tpu.memory_space<vmem>> -> memref<128x128xf32, #tpu.memory_space<vmem>>
    %dma_wait3A_66 = arith.constant 4864 : i32
    %dma_wait3A_67 = tpu.memref_slice %arg11[%dma_wait3A_66] : memref<5000xi32, #tpu.memory_space<vmem>> -> memref<128xi32, #tpu.memory_space<vmem>>
    %dma_wait3A_68 = arith.constant 0 : i32
    %dma_wait3A_69 = arith.constant 0 : i32
    %dma_wait3A_70 = tpu.memref_slice %arg2[%dma_wait3A_68, %dma_wait3A_69] : memref<10000x128xf32, #tpu.memory_space<hbm>> -> memref<10000x128xf32, #tpu.memory_space<hbm>>
    tpu.wait_indirect_dma semaphore(%arg17 : memref<!tpu.dma_semaphore, #tpu.memory_space<semaphore_mem>>) src(%dma_wait3A_70 : memref<10000x128xf32, #tpu.memory_space<hbm>>) dst(%dma_wait3A_65 : memref<128x128xf32, #tpu.memory_space<vmem>>)
    %dma_wait3A_71 = arith.constant 0 : i32
    %dma_wait3A_72 = arith.constant 0 : i32
    %dma_wait3A_73 = arith.constant 0 : i32
    %dma_wait3A_74 = tpu.memref_slice %arg14[%dma_wait3A_71, %dma_wait3A_72, %dma_wait3A_73] : memref<2x128x128xf32, #tpu.memory_space<vmem>> -> memref<1x128x128xf32, #tpu.memory_space<vmem>>
    %dma_wait3A_75 = tpu.memref_squeeze %dma_wait3A_74 : memref<1x128x128xf32, #tpu.memory_space<vmem>> -> memref<128x128xf32, #tpu.memory_space<vmem>>
    %dma_wait3A_76 = arith.constant 0 : i32
    %dma_wait3A_77 = arith.constant 0 : i32
    %dma_wait3A_78 = tpu.memref_slice %dma_wait3A_75[%dma_wait3A_76, %dma_wait3A_77] : memref<128x128xf32, #tpu.memory_space<vmem>> -> memref<128x128xf32, #tpu.memory_space<vmem>>
    %dma_wait3A_79 = arith.constant 4864 : i32
    %dma_wait3A_80 = tpu.memref_slice %arg12[%dma_wait3A_79] : memref<5000xi32, #tpu.memory_space<vmem>> -> memref<128xi32, #tpu.memory_space<vmem>>
    %dma_wait3A_81 = arith.constant 0 : i32
    %dma_wait3A_82 = arith.constant 0 : i32
    %dma_wait3A_83 = tpu.memref_slice %arg3[%dma_wait3A_81, %dma_wait3A_82] : memref<10000x128xf32, #tpu.memory_space<hbm>> -> memref<10000x128xf32, #tpu.memory_space<hbm>>
    tpu.wait_indirect_dma semaphore(%arg18 : memref<!tpu.dma_semaphore, #tpu.memory_space<semaphore_mem>>) src(%dma_wait3A_83 : memref<10000x128xf32, #tpu.memory_space<hbm>>) dst(%dma_wait3A_78 : memref<128x128xf32, #tpu.memory_space<vmem>>)
    %dma_wait3A_84 = arith.constant 0 : i32
    %dma_wait3A_85 = arith.constant 0 : i32
    %dma_wait3A_86 = arith.constant 0 : i32
    %dma_wait3A_87 = tpu.memref_slice %arg15[%dma_wait3A_84, %dma_wait3A_85, %dma_wait3A_86] : memref<2x128x16xf32, #tpu.memory_space<vmem>> -> memref<1x128x16xf32, #tpu.memory_space<vmem>>
    %dma_wait3A_88 = tpu.memref_squeeze %dma_wait3A_87 : memref<1x128x16xf32, #tpu.memory_space<vmem>> -> memref<128x16xf32, #tpu.memory_space<vmem>>
    %dma_wait3A_89 = arith.constant 0 : i32
    %dma_wait3A_90 = arith.constant 0 : i32
    %dma_wait3A_91 = tpu.memref_slice %dma_wait3A_88[%dma_wait3A_89, %dma_wait3A_90] : memref<128x16xf32, #tpu.memory_space<vmem>> -> memref<128x16xf32, #tpu.memory_space<vmem>>
    %dma_wait3A_92 = arith.constant 4864 : i32
    %dma_wait3A_93 = tpu.memref_slice %arg11[%dma_wait3A_92] : memref<5000xi32, #tpu.memory_space<vmem>> -> memref<128xi32, #tpu.memory_space<vmem>>
    %dma_wait3A_94 = arith.constant 0 : i32
    %dma_wait3A_95 = arith.constant 0 : i32
    %dma_wait3A_96 = tpu.memref_slice %arg4[%dma_wait3A_94, %dma_wait3A_95] : memref<10000x16xf32, #tpu.memory_space<hbm>> -> memref<10000x16xf32, #tpu.memory_space<hbm>>
    tpu.wait_indirect_dma semaphore(%arg19 : memref<!tpu.dma_semaphore, #tpu.memory_space<semaphore_mem>>) src(%dma_wait3A_96 : memref<10000x16xf32, #tpu.memory_space<hbm>>) dst(%dma_wait3A_91 : memref<128x16xf32, #tpu.memory_space<vmem>>)
    %dma_wait3A_97 = arith.constant 0 : i32
    %dma_wait3A_98 = arith.constant 0 : i32
    %dma_wait3A_99 = arith.constant 0 : i32
    %dma_wait3A_100 = tpu.memref_slice %arg16[%dma_wait3A_97, %dma_wait3A_98, %dma_wait3A_99] : memref<2x128x16xf32, #tpu.memory_space<vmem>> -> memref<1x128x16xf32, #tpu.memory_space<vmem>>
    %dma_wait3A_101 = tpu.memref_squeeze %dma_wait3A_100 : memref<1x128x16xf32, #tpu.memory_space<vmem>> -> memref<128x16xf32, #tpu.memory_space<vmem>>
    %dma_wait3A_102 = arith.constant 0 : i32
    %dma_wait3A_103 = arith.constant 0 : i32
    %dma_wait3A_104 = tpu.memref_slice %dma_wait3A_101[%dma_wait3A_102, %dma_wait3A_103] : memref<128x16xf32, #tpu.memory_space<vmem>> -> memref<128x16xf32, #tpu.memory_space<vmem>>
    %dma_wait3A_105 = arith.constant 4864 : i32
    %dma_wait3A_106 = tpu.memref_slice %arg12[%dma_wait3A_105] : memref<5000xi32, #tpu.memory_space<vmem>> -> memref<128xi32, #tpu.memory_space<vmem>>
    %dma_wait3A_107 = arith.constant 0 : i32
    %dma_wait3A_108 = arith.constant 0 : i32
    %dma_wait3A_109 = tpu.memref_slice %arg4[%dma_wait3A_107, %dma_wait3A_108] : memref<10000x16xf32, #tpu.memory_space<hbm>> -> memref<10000x16xf32, #tpu.memory_space<hbm>>
    tpu.wait_indirect_dma semaphore(%arg20 : memref<!tpu.dma_semaphore, #tpu.memory_space<semaphore_mem>>) src(%dma_wait3A_109 : memref<10000x16xf32, #tpu.memory_space<hbm>>) dst(%dma_wait3A_104 : memref<128x16xf32, #tpu.memory_space<vmem>>)
    %add3A_110 = arith.constant 4864 : i32
    %add3A_111 = arith.addi %mul3A_2, %add3A_110 : i32
    %dma_start3A_112 = arith.constant 0 : i32
    %dma_start3A_113 = arith.constant 0 : i32
    %dma_start3A_114 = arith.constant 0 : i32
    %dma_start3A_115 = tpu.memref_slice %arg13[%dma_start3A_112, %dma_start3A_113, %dma_start3A_114] : memref<2x128x128xf32, #tpu.memory_space<vmem>> -> memref<1x128x128xf32, #tpu.memory_space<vmem>>
    %dma_start3A_116 = tpu.memref_squeeze %dma_start3A_115 : memref<1x128x128xf32, #tpu.memory_space<vmem>> -> memref<128x128xf32, #tpu.memory_space<vmem>>
    %dma_start3A_117 = arith.constant 0 : i32
    %dma_start3A_118 = arith.constant 0 : i32
    %dma_start3A_119 = tpu.memref_slice %dma_start3A_116[%dma_start3A_117, %dma_start3A_118] : memref<128x128xf32, #tpu.memory_space<vmem>> -> memref<128x128xf32, #tpu.memory_space<vmem>>
    %dma_start3A_120 = arith.constant 0 : i32
    %dma_start3A_121 = tpu.memref_slice %arg7[%add3A_111, %dma_start3A_120] : memref<160000x128xf32, #tpu.memory_space<hbm>> -> memref<128x128xf32, #tpu.memory_space<hbm>>
    %dma_start3A_122 = arith.constant 0 : i32
    %dma_start3A_123 = tpu.memref_slice %arg7[%add3A_111, %dma_start3A_122] : memref<160000x128xf32, #tpu.memory_space<hbm>> -> memref<128x128xf32, #tpu.memory_space<hbm>>
    %dma_start3A_124 = arith.constant 0 : i32
    %dma_start3A_125 = arith.constant 0 : i32
    %dma_start3A_126 = tpu.memref_slice %arg13[%dma_start3A_112, %dma_start3A_124, %dma_start3A_125] : memref<2x128x128xf32, #tpu.memory_space<vmem>> -> memref<1x128x128xf32, #tpu.memory_space<vmem>>
    %dma_start3A_127 = tpu.memref_squeeze %dma_start3A_126 : memref<1x128x128xf32, #tpu.memory_space<vmem>> -> memref<128x128xf32, #tpu.memory_space<vmem>>
    %dma_start3A_128 = arith.constant 0 : i32
    %dma_start3A_129 = arith.constant 0 : i32
    %dma_start3A_130 = tpu.memref_slice %dma_start3A_127[%dma_start3A_128, %dma_start3A_129] : memref<128x128xf32, #tpu.memory_space<vmem>> -> memref<128x128xf32, #tpu.memory_space<vmem>>
    tpu.enqueue_dma source(%dma_start3A_130 : memref<128x128xf32, #tpu.memory_space<vmem>>) target(%dma_start3A_123 : memref<128x128xf32, #tpu.memory_space<hbm>>) target_semaphore(%arg25 : memref<!tpu.dma_semaphore, #tpu.memory_space<semaphore_mem>>)
    %dma_start3A_131 = arith.constant 0 : i32
    %dma_start3A_132 = arith.constant 0 : i32
    %dma_start3A_133 = arith.constant 0 : i32
    %dma_start3A_134 = tpu.memref_slice %arg14[%dma_start3A_131, %dma_start3A_132, %dma_start3A_133] : memref<2x128x128xf32, #tpu.memory_space<vmem>> -> memref<1x128x128xf32, #tpu.memory_space<vmem>>
    %dma_start3A_135 = tpu.memref_squeeze %dma_start3A_134 : memref<1x128x128xf32, #tpu.memory_space<vmem>> -> memref<128x128xf32, #tpu.memory_space<vmem>>
    %dma_start3A_136 = arith.constant 0 : i32
    %dma_start3A_137 = arith.constant 0 : i32
    %dma_start3A_138 = tpu.memref_slice %dma_start3A_135[%dma_start3A_136, %dma_start3A_137] : memref<128x128xf32, #tpu.memory_space<vmem>> -> memref<128x128xf32, #tpu.memory_space<vmem>>
    %dma_start3A_139 = arith.constant 0 : i32
    %dma_start3A_140 = tpu.memref_slice %arg8[%add3A_111, %dma_start3A_139] : memref<160000x128xf32, #tpu.memory_space<hbm>> -> memref<128x128xf32, #tpu.memory_space<hbm>>
    %dma_start3A_141 = arith.constant 0 : i32
    %dma_start3A_142 = tpu.memref_slice %arg8[%add3A_111, %dma_start3A_141] : memref<160000x128xf32, #tpu.memory_space<hbm>> -> memref<128x128xf32, #tpu.memory_space<hbm>>
    %dma_start3A_143 = arith.constant 0 : i32
    %dma_start3A_144 = arith.constant 0 : i32
    %dma_start3A_145 = tpu.memref_slice %arg14[%dma_start3A_131, %dma_start3A_143, %dma_start3A_144] : memref<2x128x128xf32, #tpu.memory_space<vmem>> -> memref<1x128x128xf32, #tpu.memory_space<vmem>>
    %dma_start3A_146 = tpu.memref_squeeze %dma_start3A_145 : memref<1x128x128xf32, #tpu.memory_space<vmem>> -> memref<128x128xf32, #tpu.memory_space<vmem>>
    %dma_start3A_147 = arith.constant 0 : i32
    %dma_start3A_148 = arith.constant 0 : i32
    %dma_start3A_149 = tpu.memref_slice %dma_start3A_146[%dma_start3A_147, %dma_start3A_148] : memref<128x128xf32, #tpu.memory_space<vmem>> -> memref<128x128xf32, #tpu.memory_space<vmem>>
    tpu.enqueue_dma source(%dma_start3A_149 : memref<128x128xf32, #tpu.memory_space<vmem>>) target(%dma_start3A_142 : memref<128x128xf32, #tpu.memory_space<hbm>>) target_semaphore(%arg26 : memref<!tpu.dma_semaphore, #tpu.memory_space<semaphore_mem>>)
    %dma_start3A_150 = arith.constant 0 : i32
    %dma_start3A_151 = arith.constant 0 : i32
    %dma_start3A_152 = arith.constant 0 : i32
    %dma_start3A_153 = tpu.memref_slice %arg15[%dma_start3A_150, %dma_start3A_151, %dma_start3A_152] : memref<2x128x16xf32, #tpu.memory_space<vmem>> -> memref<1x128x16xf32, #tpu.memory_space<vmem>>
    %dma_start3A_154 = tpu.memref_squeeze %dma_start3A_153 : memref<1x128x16xf32, #tpu.memory_space<vmem>> -> memref<128x16xf32, #tpu.memory_space<vmem>>
    %dma_start3A_155 = arith.constant 0 : i32
    %dma_start3A_156 = arith.constant 0 : i32
    %dma_start3A_157 = tpu.memref_slice %dma_start3A_154[%dma_start3A_155, %dma_start3A_156] : memref<128x16xf32, #tpu.memory_space<vmem>> -> memref<128x16xf32, #tpu.memory_space<vmem>>
    %dma_start3A_158 = arith.constant 0 : i32
    %dma_start3A_159 = tpu.memref_slice %arg9[%add3A_111, %dma_start3A_158] : memref<160000x16xf32, #tpu.memory_space<hbm>> -> memref<128x16xf32, #tpu.memory_space<hbm>>
    %dma_start3A_160 = arith.constant 0 : i32
    %dma_start3A_161 = tpu.memref_slice %arg9[%add3A_111, %dma_start3A_160] : memref<160000x16xf32, #tpu.memory_space<hbm>> -> memref<128x16xf32, #tpu.memory_space<hbm>>
    %dma_start3A_162 = arith.constant 0 : i32
    %dma_start3A_163 = arith.constant 0 : i32
    %dma_start3A_164 = tpu.memref_slice %arg15[%dma_start3A_150, %dma_start3A_162, %dma_start3A_163] : memref<2x128x16xf32, #tpu.memory_space<vmem>> -> memref<1x128x16xf32, #tpu.memory_space<vmem>>
    %dma_start3A_165 = tpu.memref_squeeze %dma_start3A_164 : memref<1x128x16xf32, #tpu.memory_space<vmem>> -> memref<128x16xf32, #tpu.memory_space<vmem>>
    %dma_start3A_166 = arith.constant 0 : i32
    %dma_start3A_167 = arith.constant 0 : i32
    %dma_start3A_168 = tpu.memref_slice %dma_start3A_165[%dma_start3A_166, %dma_start3A_167] : memref<128x16xf32, #tpu.memory_space<vmem>> -> memref<128x16xf32, #tpu.memory_space<vmem>>
    tpu.enqueue_dma source(%dma_start3A_168 : memref<128x16xf32, #tpu.memory_space<vmem>>) target(%dma_start3A_161 : memref<128x16xf32, #tpu.memory_space<hbm>>) target_semaphore(%arg27 : memref<!tpu.dma_semaphore, #tpu.memory_space<semaphore_mem>>)
    %dma_start3A_169 = arith.constant 0 : i32
    %dma_start3A_170 = arith.constant 0 : i32
    %dma_start3A_171 = arith.constant 0 : i32
    %dma_start3A_172 = tpu.memref_slice %arg16[%dma_start3A_169, %dma_start3A_170, %dma_start3A_171] : memref<2x128x16xf32, #tpu.memory_space<vmem>> -> memref<1x128x16xf32, #tpu.memory_space<vmem>>
    %dma_start3A_173 = tpu.memref_squeeze %dma_start3A_172 : memref<1x128x16xf32, #tpu.memory_space<vmem>> -> memref<128x16xf32, #tpu.memory_space<vmem>>
    %dma_start3A_174 = arith.constant 0 : i32
    %dma_start3A_175 = arith.constant 0 : i32
    %dma_start3A_176 = tpu.memref_slice %dma_start3A_173[%dma_start3A_174, %dma_start3A_175] : memref<128x16xf32, #tpu.memory_space<vmem>> -> memref<128x16xf32, #tpu.memory_space<vmem>>
    %dma_start3A_177 = arith.constant 0 : i32
    %dma_start3A_178 = tpu.memref_slice %arg10[%add3A_111, %dma_start3A_177] : memref<160000x16xf32, #tpu.memory_space<hbm>> -> memref<128x16xf32, #tpu.memory_space<hbm>>
    %dma_start3A_179 = arith.constant 0 : i32
    %dma_start3A_180 = tpu.memref_slice %arg10[%add3A_111, %dma_start3A_179] : memref<160000x16xf32, #tpu.memory_space<hbm>> -> memref<128x16xf32, #tpu.memory_space<hbm>>
    %dma_start3A_181 = arith.constant 0 : i32
    %dma_start3A_182 = arith.constant 0 : i32
    %dma_start3A_183 = tpu.memref_slice %arg16[%dma_start3A_169, %dma_start3A_181, %dma_start3A_182] : memref<2x128x16xf32, #tpu.memory_space<vmem>> -> memref<1x128x16xf32, #tpu.memory_space<vmem>>
    %dma_start3A_184 = tpu.memref_squeeze %dma_start3A_183 : memref<1x128x16xf32, #tpu.memory_space<vmem>> -> memref<128x16xf32, #tpu.memory_space<vmem>>
    %dma_start3A_185 = arith.constant 0 : i32
    %dma_start3A_186 = arith.constant 0 : i32
    %dma_start3A_187 = tpu.memref_slice %dma_start3A_184[%dma_start3A_185, %dma_start3A_186] : memref<128x16xf32, #tpu.memory_space<vmem>> -> memref<128x16xf32, #tpu.memory_space<vmem>>
    tpu.enqueue_dma source(%dma_start3A_187 : memref<128x16xf32, #tpu.memory_space<vmem>>) target(%dma_start3A_180 : memref<128x16xf32, #tpu.memory_space<hbm>>) target_semaphore(%arg28 : memref<!tpu.dma_semaphore, #tpu.memory_space<semaphore_mem>>)
    %dma_wait3A_188 = arith.constant 0 : i32
    %dma_wait3A_189 = arith.constant 0 : i32
    %dma_wait3A_190 = arith.constant 0 : i32
    %dma_wait3A_191 = tpu.memref_slice %arg13[%dma_wait3A_188, %dma_wait3A_189, %dma_wait3A_190] : memref<2x128x128xf32, #tpu.memory_space<vmem>> -> memref<1x128x128xf32, #tpu.memory_space<vmem>>
    %dma_wait3A_192 = tpu.memref_squeeze %dma_wait3A_191 : memref<1x128x128xf32, #tpu.memory_space<vmem>> -> memref<128x128xf32, #tpu.memory_space<vmem>>
    %dma_wait3A_193 = arith.constant 0 : i32
    %dma_wait3A_194 = arith.constant 0 : i32
    %dma_wait3A_195 = tpu.memref_slice %dma_wait3A_192[%dma_wait3A_193, %dma_wait3A_194] : memref<128x128xf32, #tpu.memory_space<vmem>> -> memref<128x128xf32, #tpu.memory_space<vmem>>
    %dma_wait3A_196 = arith.constant 0 : i32
    %dma_wait3A_197 = tpu.memref_slice %arg7[%add3A_111, %dma_wait3A_196] : memref<160000x128xf32, #tpu.memory_space<hbm>> -> memref<128x128xf32, #tpu.memory_space<hbm>>
    %dma_wait3A_198 = arith.constant 0 : i32
    %dma_wait3A_199 = tpu.memref_slice %arg7[%add3A_111, %dma_wait3A_198] : memref<160000x128xf32, #tpu.memory_space<hbm>> -> memref<128x128xf32, #tpu.memory_space<hbm>>
    %dma_wait3A_200 = arith.constant 0 : i32
    %dma_wait3A_201 = arith.constant 0 : i32
    %dma_wait3A_202 = tpu.memref_slice %arg13[%dma_wait3A_188, %dma_wait3A_200, %dma_wait3A_201] : memref<2x128x128xf32, #tpu.memory_space<vmem>> -> memref<1x128x128xf32, #tpu.memory_space<vmem>>
    %dma_wait3A_203 = tpu.memref_squeeze %dma_wait3A_202 : memref<1x128x128xf32, #tpu.memory_space<vmem>> -> memref<128x128xf32, #tpu.memory_space<vmem>>
    %dma_wait3A_204 = arith.constant 0 : i32
    %dma_wait3A_205 = arith.constant 0 : i32
    %dma_wait3A_206 = tpu.memref_slice %dma_wait3A_203[%dma_wait3A_204, %dma_wait3A_205] : memref<128x128xf32, #tpu.memory_space<vmem>> -> memref<128x128xf32, #tpu.memory_space<vmem>>
    tpu.wait_dma2 semaphore(%arg25 : memref<!tpu.dma_semaphore, #tpu.memory_space<semaphore_mem>>) src(%dma_wait3A_206 : memref<128x128xf32, #tpu.memory_space<vmem>>) dst(%dma_wait3A_199 : memref<128x128xf32, #tpu.memory_space<hbm>>)
    %dma_wait3A_207 = arith.constant 0 : i32
    %dma_wait3A_208 = arith.constant 0 : i32
    %dma_wait3A_209 = arith.constant 0 : i32
    %dma_wait3A_210 = tpu.memref_slice %arg14[%dma_wait3A_207, %dma_wait3A_208, %dma_wait3A_209] : memref<2x128x128xf32, #tpu.memory_space<vmem>> -> memref<1x128x128xf32, #tpu.memory_space<vmem>>
    %dma_wait3A_211 = tpu.memref_squeeze %dma_wait3A_210 : memref<1x128x128xf32, #tpu.memory_space<vmem>> -> memref<128x128xf32, #tpu.memory_space<vmem>>
    %dma_wait3A_212 = arith.constant 0 : i32
    %dma_wait3A_213 = arith.constant 0 : i32
    %dma_wait3A_214 = tpu.memref_slice %dma_wait3A_211[%dma_wait3A_212, %dma_wait3A_213] : memref<128x128xf32, #tpu.memory_space<vmem>> -> memref<128x128xf32, #tpu.memory_space<vmem>>
    %dma_wait3A_215 = arith.constant 0 : i32
    %dma_wait3A_216 = tpu.memref_slice %arg8[%add3A_111, %dma_wait3A_215] : memref<160000x128xf32, #tpu.memory_space<hbm>> -> memref<128x128xf32, #tpu.memory_space<hbm>>
    %dma_wait3A_217 = arith.constant 0 : i32
    %dma_wait3A_218 = tpu.memref_slice %arg8[%add3A_111, %dma_wait3A_217] : memref<160000x128xf32, #tpu.memory_space<hbm>> -> memref<128x128xf32, #tpu.memory_space<hbm>>
    %dma_wait3A_219 = arith.constant 0 : i32
    %dma_wait3A_220 = arith.constant 0 : i32
    %dma_wait3A_221 = tpu.memref_slice %arg14[%dma_wait3A_207, %dma_wait3A_219, %dma_wait3A_220] : memref<2x128x128xf32, #tpu.memory_space<vmem>> -> memref<1x128x128xf32, #tpu.memory_space<vmem>>
    %dma_wait3A_222 = tpu.memref_squeeze %dma_wait3A_221 : memref<1x128x128xf32, #tpu.memory_space<vmem>> -> memref<128x128xf32, #tpu.memory_space<vmem>>
    %dma_wait3A_223 = arith.constant 0 : i32
    %dma_wait3A_224 = arith.constant 0 : i32
    %dma_wait3A_225 = tpu.memref_slice %dma_wait3A_222[%dma_wait3A_223, %dma_wait3A_224] : memref<128x128xf32, #tpu.memory_space<vmem>> -> memref<128x128xf32, #tpu.memory_space<vmem>>
    tpu.wait_dma2 semaphore(%arg26 : memref<!tpu.dma_semaphore, #tpu.memory_space<semaphore_mem>>) src(%dma_wait3A_225 : memref<128x128xf32, #tpu.memory_space<vmem>>) dst(%dma_wait3A_218 : memref<128x128xf32, #tpu.memory_space<hbm>>)
    %dma_wait3A_226 = arith.constant 0 : i32
    %dma_wait3A_227 = arith.constant 0 : i32
    %dma_wait3A_228 = arith.constant 0 : i32
    %dma_wait3A_229 = tpu.memref_slice %arg15[%dma_wait3A_226, %dma_wait3A_227, %dma_wait3A_228] : memref<2x128x16xf32, #tpu.memory_space<vmem>> -> memref<1x128x16xf32, #tpu.memory_space<vmem>>
    %dma_wait3A_230 = tpu.memref_squeeze %dma_wait3A_229 : memref<1x128x16xf32, #tpu.memory_space<vmem>> -> memref<128x16xf32, #tpu.memory_space<vmem>>
    %dma_wait3A_231 = arith.constant 0 : i32
    %dma_wait3A_232 = arith.constant 0 : i32
    %dma_wait3A_233 = tpu.memref_slice %dma_wait3A_230[%dma_wait3A_231, %dma_wait3A_232] : memref<128x16xf32, #tpu.memory_space<vmem>> -> memref<128x16xf32, #tpu.memory_space<vmem>>
    %dma_wait3A_234 = arith.constant 0 : i32
    %dma_wait3A_235 = tpu.memref_slice %arg9[%add3A_111, %dma_wait3A_234] : memref<160000x16xf32, #tpu.memory_space<hbm>> -> memref<128x16xf32, #tpu.memory_space<hbm>>
    %dma_wait3A_236 = arith.constant 0 : i32
    %dma_wait3A_237 = tpu.memref_slice %arg9[%add3A_111, %dma_wait3A_236] : memref<160000x16xf32, #tpu.memory_space<hbm>> -> memref<128x16xf32, #tpu.memory_space<hbm>>
    %dma_wait3A_238 = arith.constant 0 : i32
    %dma_wait3A_239 = arith.constant 0 : i32
    %dma_wait3A_240 = tpu.memref_slice %arg15[%dma_wait3A_226, %dma_wait3A_238, %dma_wait3A_239] : memref<2x128x16xf32, #tpu.memory_space<vmem>> -> memref<1x128x16xf32, #tpu.memory_space<vmem>>
    %dma_wait3A_241 = tpu.memref_squeeze %dma_wait3A_240 : memref<1x128x16xf32, #tpu.memory_space<vmem>> -> memref<128x16xf32, #tpu.memory_space<vmem>>
    %dma_wait3A_242 = arith.constant 0 : i32
    %dma_wait3A_243 = arith.constant 0 : i32
    %dma_wait3A_244 = tpu.memref_slice %dma_wait3A_241[%dma_wait3A_242, %dma_wait3A_243] : memref<128x16xf32, #tpu.memory_space<vmem>> -> memref<128x16xf32, #tpu.memory_space<vmem>>
    tpu.wait_dma2 semaphore(%arg27 : memref<!tpu.dma_semaphore, #tpu.memory_space<semaphore_mem>>) src(%dma_wait3A_244 : memref<128x16xf32, #tpu.memory_space<vmem>>) dst(%dma_wait3A_237 : memref<128x16xf32, #tpu.memory_space<hbm>>)
    %dma_wait3A_245 = arith.constant 0 : i32
    %dma_wait3A_246 = arith.constant 0 : i32
    %dma_wait3A_247 = arith.constant 0 : i32
    %dma_wait3A_248 = tpu.memref_slice %arg16[%dma_wait3A_245, %dma_wait3A_246, %dma_wait3A_247] : memref<2x128x16xf32, #tpu.memory_space<vmem>> -> memref<1x128x16xf32, #tpu.memory_space<vmem>>
    %dma_wait3A_249 = tpu.memref_squeeze %dma_wait3A_248 : memref<1x128x16xf32, #tpu.memory_space<vmem>> -> memref<128x16xf32, #tpu.memory_space<vmem>>
    %dma_wait3A_250 = arith.constant 0 : i32
    %dma_wait3A_251 = arith.constant 0 : i32
    %dma_wait3A_252 = tpu.memref_slice %dma_wait3A_249[%dma_wait3A_250, %dma_wait3A_251] : memref<128x16xf32, #tpu.memory_space<vmem>> -> memref<128x16xf32, #tpu.memory_space<vmem>>
    %dma_wait3A_253 = arith.constant 0 : i32
    %dma_wait3A_254 = tpu.memref_slice %arg10[%add3A_111, %dma_wait3A_253] : memref<160000x16xf32, #tpu.memory_space<hbm>> -> memref<128x16xf32, #tpu.memory_space<hbm>>
    %dma_wait3A_255 = arith.constant 0 : i32
    %dma_wait3A_256 = tpu.memref_slice %arg10[%add3A_111, %dma_wait3A_255] : memref<160000x16xf32, #tpu.memory_space<hbm>> -> memref<128x16xf32, #tpu.memory_space<hbm>>
    %dma_wait3A_257 = arith.constant 0 : i32
    %dma_wait3A_258 = arith.constant 0 : i32
    %dma_wait3A_259 = tpu.memref_slice %arg16[%dma_wait3A_245, %dma_wait3A_257, %dma_wait3A_258] : memref<2x128x16xf32, #tpu.memory_space<vmem>> -> memref<1x128x16xf32, #tpu.memory_space<vmem>>
    %dma_wait3A_260 = tpu.memref_squeeze %dma_wait3A_259 : memref<1x128x16xf32, #tpu.memory_space<vmem>> -> memref<128x16xf32, #tpu.memory_space<vmem>>
    %dma_wait3A_261 = arith.constant 0 : i32
    %dma_wait3A_262 = arith.constant 0 : i32
    %dma_wait3A_263 = tpu.memref_slice %dma_wait3A_260[%dma_wait3A_261, %dma_wait3A_262] : memref<128x16xf32, #tpu.memory_space<vmem>> -> memref<128x16xf32, #tpu.memory_space<vmem>>
    tpu.wait_dma2 semaphore(%arg28 : memref<!tpu.dma_semaphore, #tpu.memory_space<semaphore_mem>>) src(%dma_wait3A_263 : memref<128x16xf32, #tpu.memory_space<vmem>>) dst(%dma_wait3A_256 : memref<128x16xf32, #tpu.memory_space<hbm>>)
    %dma_start3A_264 = arith.constant 0 : i32
    %dma_start3A_265 = arith.constant 0 : i32
    %dma_start3A_266 = arith.constant 0 : i32
    %dma_start3A_267 = tpu.memref_slice %arg13[%dma_start3A_264, %dma_start3A_265, %dma_start3A_266] : memref<2x128x128xf32, #tpu.memory_space<vmem>> -> memref<1x128x128xf32, #tpu.memory_space<vmem>>
    %dma_start3A_268 = tpu.memref_squeeze %dma_start3A_267 : memref<1x128x128xf32, #tpu.memory_space<vmem>> -> memref<128x128xf32, #tpu.memory_space<vmem>>
    %dma_start3A_269 = arith.constant 0 : i32
    %dma_start3A_270 = arith.constant 0 : i32
    %dma_start3A_271 = tpu.memref_slice %dma_start3A_268[%dma_start3A_269, %dma_start3A_270] : memref<128x128xf32, #tpu.memory_space<vmem>> -> memref<8x128xf32, #tpu.memory_space<vmem>>
    %dma_start3A_272 = arith.constant 4992 : i32
    %dma_start3A_273 = tpu.memref_slice %arg11[%dma_start3A_272] : memref<5000xi32, #tpu.memory_space<vmem>> -> memref<8xi32, #tpu.memory_space<vmem>>
    %dma_start3A_274 = arith.constant 0 : i32
    %dma_start3A_275 = arith.constant 0 : i32
    %dma_start3A_276 = tpu.memref_slice %arg2[%dma_start3A_274, %dma_start3A_275] : memref<10000x128xf32, #tpu.memory_space<hbm>> -> memref<10000x128xf32, #tpu.memory_space<hbm>>
    tpu.enqueue_indirect_dma source(%dma_start3A_276 : memref<10000x128xf32, #tpu.memory_space<hbm>>) target(%dma_start3A_271 : memref<8x128xf32, #tpu.memory_space<vmem>>) offsets(%dma_start3A_273 : memref<8xi32, #tpu.memory_space<vmem>>) semaphore(%arg17 : memref<!tpu.dma_semaphore, #tpu.memory_space<semaphore_mem>>)
    %dma_start3A_277 = arith.constant 0 : i32
    %dma_start3A_278 = arith.constant 0 : i32
    %dma_start3A_279 = arith.constant 0 : i32
    %dma_start3A_280 = tpu.memref_slice %arg14[%dma_start3A_277, %dma_start3A_278, %dma_start3A_279] : memref<2x128x128xf32, #tpu.memory_space<vmem>> -> memref<1x128x128xf32, #tpu.memory_space<vmem>>
    %dma_start3A_281 = tpu.memref_squeeze %dma_start3A_280 : memref<1x128x128xf32, #tpu.memory_space<vmem>> -> memref<128x128xf32, #tpu.memory_space<vmem>>
    %dma_start3A_282 = arith.constant 0 : i32
    %dma_start3A_283 = arith.constant 0 : i32
    %dma_start3A_284 = tpu.memref_slice %dma_start3A_281[%dma_start3A_282, %dma_start3A_283] : memref<128x128xf32, #tpu.memory_space<vmem>> -> memref<8x128xf32, #tpu.memory_space<vmem>>
    %dma_start3A_285 = arith.constant 4992 : i32
    %dma_start3A_286 = tpu.memref_slice %arg12[%dma_start3A_285] : memref<5000xi32, #tpu.memory_space<vmem>> -> memref<8xi32, #tpu.memory_space<vmem>>
    %dma_start3A_287 = arith.constant 0 : i32
    %dma_start3A_288 = arith.constant 0 : i32
    %dma_start3A_289 = tpu.memref_slice %arg3[%dma_start3A_287, %dma_start3A_288] : memref<10000x128xf32, #tpu.memory_space<hbm>> -> memref<10000x128xf32, #tpu.memory_space<hbm>>
    tpu.enqueue_indirect_dma source(%dma_start3A_289 : memref<10000x128xf32, #tpu.memory_space<hbm>>) target(%dma_start3A_284 : memref<8x128xf32, #tpu.memory_space<vmem>>) offsets(%dma_start3A_286 : memref<8xi32, #tpu.memory_space<vmem>>) semaphore(%arg18 : memref<!tpu.dma_semaphore, #tpu.memory_space<semaphore_mem>>)
    %dma_start3A_290 = arith.constant 0 : i32
    %dma_start3A_291 = arith.constant 0 : i32
    %dma_start3A_292 = arith.constant 0 : i32
    %dma_start3A_293 = tpu.memref_slice %arg15[%dma_start3A_290, %dma_start3A_291, %dma_start3A_292] : memref<2x128x16xf32, #tpu.memory_space<vmem>> -> memref<1x128x16xf32, #tpu.memory_space<vmem>>
    %dma_start3A_294 = tpu.memref_squeeze %dma_start3A_293 : memref<1x128x16xf32, #tpu.memory_space<vmem>> -> memref<128x16xf32, #tpu.memory_space<vmem>>
    %dma_start3A_295 = arith.constant 0 : i32
    %dma_start3A_296 = arith.constant 0 : i32
    %dma_start3A_297 = tpu.memref_slice %dma_start3A_294[%dma_start3A_295, %dma_start3A_296] : memref<128x16xf32, #tpu.memory_space<vmem>> -> memref<8x16xf32, #tpu.memory_space<vmem>>
    %dma_start3A_298 = arith.constant 4992 : i32
    %dma_start3A_299 = tpu.memref_slice %arg11[%dma_start3A_298] : memref<5000xi32, #tpu.memory_space<vmem>> -> memref<8xi32, #tpu.memory_space<vmem>>
    %dma_start3A_300 = arith.constant 0 : i32
    %dma_start3A_301 = arith.constant 0 : i32
    %dma_start3A_302 = tpu.memref_slice %arg4[%dma_start3A_300, %dma_start3A_301] : memref<10000x16xf32, #tpu.memory_space<hbm>> -> memref<10000x16xf32, #tpu.memory_space<hbm>>
    tpu.enqueue_indirect_dma source(%dma_start3A_302 : memref<10000x16xf32, #tpu.memory_space<hbm>>) target(%dma_start3A_297 : memref<8x16xf32, #tpu.memory_space<vmem>>) offsets(%dma_start3A_299 : memref<8xi32, #tpu.memory_space<vmem>>) semaphore(%arg19 : memref<!tpu.dma_semaphore, #tpu.memory_space<semaphore_mem>>)
    %dma_start3A_303 = arith.constant 0 : i32
    %dma_start3A_304 = arith.constant 0 : i32
    %dma_start3A_305 = arith.constant 0 : i32
    %dma_start3A_306 = tpu.memref_slice %arg16[%dma_start3A_303, %dma_start3A_304, %dma_start3A_305] : memref<2x128x16xf32, #tpu.memory_space<vmem>> -> memref<1x128x16xf32, #tpu.memory_space<vmem>>
    %dma_start3A_307 = tpu.memref_squeeze %dma_start3A_306 : memref<1x128x16xf32, #tpu.memory_space<vmem>> -> memref<128x16xf32, #tpu.memory_space<vmem>>
    %dma_start3A_308 = arith.constant 0 : i32
    %dma_start3A_309 = arith.constant 0 : i32
    %dma_start3A_310 = tpu.memref_slice %dma_start3A_307[%dma_start3A_308, %dma_start3A_309] : memref<128x16xf32, #tpu.memory_space<vmem>> -> memref<8x16xf32, #tpu.memory_space<vmem>>
    %dma_start3A_311 = arith.constant 4992 : i32
    %dma_start3A_312 = tpu.memref_slice %arg12[%dma_start3A_311] : memref<5000xi32, #tpu.memory_space<vmem>> -> memref<8xi32, #tpu.memory_space<vmem>>
    %dma_start3A_313 = arith.constant 0 : i32
    %dma_start3A_314 = arith.constant 0 : i32
    %dma_start3A_315 = tpu.memref_slice %arg4[%dma_start3A_313, %dma_start3A_314] : memref<10000x16xf32, #tpu.memory_space<hbm>> -> memref<10000x16xf32, #tpu.memory_space<hbm>>
    tpu.enqueue_indirect_dma source(%dma_start3A_315 : memref<10000x16xf32, #tpu.memory_space<hbm>>) target(%dma_start3A_310 : memref<8x16xf32, #tpu.memory_space<vmem>>) offsets(%dma_start3A_312 : memref<8xi32, #tpu.memory_space<vmem>>) semaphore(%arg20 : memref<!tpu.dma_semaphore, #tpu.memory_space<semaphore_mem>>)
    %dma_wait3A_316 = arith.constant 0 : i32
    %dma_wait3A_317 = arith.constant 0 : i32
    %dma_wait3A_318 = arith.constant 0 : i32
    %dma_wait3A_319 = tpu.memref_slice %arg13[%dma_wait3A_316, %dma_wait3A_317, %dma_wait3A_318] : memref<2x128x128xf32, #tpu.memory_space<vmem>> -> memref<1x128x128xf32, #tpu.memory_space<vmem>>
    %dma_wait3A_320 = tpu.memref_squeeze %dma_wait3A_319 : memref<1x128x128xf32, #tpu.memory_space<vmem>> -> memref<128x128xf32, #tpu.memory_space<vmem>>
    %dma_wait3A_321 = arith.constant 0 : i32
    %dma_wait3A_322 = arith.constant 0 : i32
    %dma_wait3A_323 = tpu.memref_slice %dma_wait3A_320[%dma_wait3A_321, %dma_wait3A_322] : memref<128x128xf32, #tpu.memory_space<vmem>> -> memref<8x128xf32, #tpu.memory_space<vmem>>
    %dma_wait3A_324 = arith.constant 4992 : i32
    %dma_wait3A_325 = tpu.memref_slice %arg11[%dma_wait3A_324] : memref<5000xi32, #tpu.memory_space<vmem>> -> memref<8xi32, #tpu.memory_space<vmem>>
    %dma_wait3A_326 = arith.constant 0 : i32
    %dma_wait3A_327 = arith.constant 0 : i32
    %dma_wait3A_328 = tpu.memref_slice %arg2[%dma_wait3A_326, %dma_wait3A_327] : memref<10000x128xf32, #tpu.memory_space<hbm>> -> memref<10000x128xf32, #tpu.memory_space<hbm>>
    tpu.wait_indirect_dma semaphore(%arg17 : memref<!tpu.dma_semaphore, #tpu.memory_space<semaphore_mem>>) src(%dma_wait3A_328 : memref<10000x128xf32, #tpu.memory_space<hbm>>) dst(%dma_wait3A_323 : memref<8x128xf32, #tpu.memory_space<vmem>>)
    %dma_wait3A_329 = arith.constant 0 : i32
    %dma_wait3A_330 = arith.constant 0 : i32
    %dma_wait3A_331 = arith.constant 0 : i32
    %dma_wait3A_332 = tpu.memref_slice %arg14[%dma_wait3A_329, %dma_wait3A_330, %dma_wait3A_331] : memref<2x128x128xf32, #tpu.memory_space<vmem>> -> memref<1x128x128xf32, #tpu.memory_space<vmem>>
    %dma_wait3A_333 = tpu.memref_squeeze %dma_wait3A_332 : memref<1x128x128xf32, #tpu.memory_space<vmem>> -> memref<128x128xf32, #tpu.memory_space<vmem>>
    %dma_wait3A_334 = arith.constant 0 : i32
    %dma_wait3A_335 = arith.constant 0 : i32
    %dma_wait3A_336 = tpu.memref_slice %dma_wait3A_333[%dma_wait3A_334, %dma_wait3A_335] : memref<128x128xf32, #tpu.memory_space<vmem>> -> memref<8x128xf32, #tpu.memory_space<vmem>>
    %dma_wait3A_337 = arith.constant 4992 : i32
    %dma_wait3A_338 = tpu.memref_slice %arg12[%dma_wait3A_337] : memref<5000xi32, #tpu.memory_space<vmem>> -> memref<8xi32, #tpu.memory_space<vmem>>
    %dma_wait3A_339 = arith.constant 0 : i32
    %dma_wait3A_340 = arith.constant 0 : i32
    %dma_wait3A_341 = tpu.memref_slice %arg3[%dma_wait3A_339, %dma_wait3A_340] : memref<10000x128xf32, #tpu.memory_space<hbm>> -> memref<10000x128xf32, #tpu.memory_space<hbm>>
    tpu.wait_indirect_dma semaphore(%arg18 : memref<!tpu.dma_semaphore, #tpu.memory_space<semaphore_mem>>) src(%dma_wait3A_341 : memref<10000x128xf32, #tpu.memory_space<hbm>>) dst(%dma_wait3A_336 : memref<8x128xf32, #tpu.memory_space<vmem>>)
    %dma_wait3A_342 = arith.constant 0 : i32
    %dma_wait3A_343 = arith.constant 0 : i32
    %dma_wait3A_344 = arith.constant 0 : i32
    %dma_wait3A_345 = tpu.memref_slice %arg15[%dma_wait3A_342, %dma_wait3A_343, %dma_wait3A_344] : memref<2x128x16xf32, #tpu.memory_space<vmem>> -> memref<1x128x16xf32, #tpu.memory_space<vmem>>
    %dma_wait3A_346 = tpu.memref_squeeze %dma_wait3A_345 : memref<1x128x16xf32, #tpu.memory_space<vmem>> -> memref<128x16xf32, #tpu.memory_space<vmem>>
    %dma_wait3A_347 = arith.constant 0 : i32
    %dma_wait3A_348 = arith.constant 0 : i32
    %dma_wait3A_349 = tpu.memref_slice %dma_wait3A_346[%dma_wait3A_347, %dma_wait3A_348] : memref<128x16xf32, #tpu.memory_space<vmem>> -> memref<8x16xf32, #tpu.memory_space<vmem>>
    %dma_wait3A_350 = arith.constant 4992 : i32
    %dma_wait3A_351 = tpu.memref_slice %arg11[%dma_wait3A_350] : memref<5000xi32, #tpu.memory_space<vmem>> -> memref<8xi32, #tpu.memory_space<vmem>>
    %dma_wait3A_352 = arith.constant 0 : i32
    %dma_wait3A_353 = arith.constant 0 : i32
    %dma_wait3A_354 = tpu.memref_slice %arg4[%dma_wait3A_352, %dma_wait3A_353] : memref<10000x16xf32, #tpu.memory_space<hbm>> -> memref<10000x16xf32, #tpu.memory_space<hbm>>
    tpu.wait_indirect_dma semaphore(%arg19 : memref<!tpu.dma_semaphore, #tpu.memory_space<semaphore_mem>>) src(%dma_wait3A_354 : memref<10000x16xf32, #tpu.memory_space<hbm>>) dst(%dma_wait3A_349 : memref<8x16xf32, #tpu.memory_space<vmem>>)
    %dma_wait3A_355 = arith.constant 0 : i32
    %dma_wait3A_356 = arith.constant 0 : i32
    %dma_wait3A_357 = arith.constant 0 : i32
    %dma_wait3A_358 = tpu.memref_slice %arg16[%dma_wait3A_355, %dma_wait3A_356, %dma_wait3A_357] : memref<2x128x16xf32, #tpu.memory_space<vmem>> -> memref<1x128x16xf32, #tpu.memory_space<vmem>>
    %dma_wait3A_359 = tpu.memref_squeeze %dma_wait3A_358 : memref<1x128x16xf32, #tpu.memory_space<vmem>> -> memref<128x16xf32, #tpu.memory_space<vmem>>
    %dma_wait3A_360 = arith.constant 0 : i32
    %dma_wait3A_361 = arith.constant 0 : i32
    %dma_wait3A_362 = tpu.memref_slice %dma_wait3A_359[%dma_wait3A_360, %dma_wait3A_361] : memref<128x16xf32, #tpu.memory_space<vmem>> -> memref<8x16xf32, #tpu.memory_space<vmem>>
    %dma_wait3A_363 = arith.constant 4992 : i32
    %dma_wait3A_364 = tpu.memref_slice %arg12[%dma_wait3A_363] : memref<5000xi32, #tpu.memory_space<vmem>> -> memref<8xi32, #tpu.memory_space<vmem>>
    %dma_wait3A_365 = arith.constant 0 : i32
    %dma_wait3A_366 = arith.constant 0 : i32
    %dma_wait3A_367 = tpu.memref_slice %arg4[%dma_wait3A_365, %dma_wait3A_366] : memref<10000x16xf32, #tpu.memory_space<hbm>> -> memref<10000x16xf32, #tpu.memory_space<hbm>>
    tpu.wait_indirect_dma semaphore(%arg20 : memref<!tpu.dma_semaphore, #tpu.memory_space<semaphore_mem>>) src(%dma_wait3A_367 : memref<10000x16xf32, #tpu.memory_space<hbm>>) dst(%dma_wait3A_362 : memref<8x16xf32, #tpu.memory_space<vmem>>)
    %add3A_368 = arith.constant 4992 : i32
    %add3A_369 = arith.addi %mul3A_2, %add3A_368 : i32
    %dma_start3A_370 = arith.constant 0 : i32
    %dma_start3A_371 = arith.constant 0 : i32
    %dma_start3A_372 = arith.constant 0 : i32
    %dma_start3A_373 = tpu.memref_slice %arg13[%dma_start3A_370, %dma_start3A_371, %dma_start3A_372] : memref<2x128x128xf32, #tpu.memory_space<vmem>> -> memref<1x128x128xf32, #tpu.memory_space<vmem>>
    %dma_start3A_374 = tpu.memref_squeeze %dma_start3A_373 : memref<1x128x128xf32, #tpu.memory_space<vmem>> -> memref<128x128xf32, #tpu.memory_space<vmem>>
    %dma_start3A_375 = arith.constant 0 : i32
    %dma_start3A_376 = arith.constant 0 : i32
    %dma_start3A_377 = tpu.memref_slice %dma_start3A_374[%dma_start3A_375, %dma_start3A_376] : memref<128x128xf32, #tpu.memory_space<vmem>> -> memref<8x128xf32, #tpu.memory_space<vmem>>
    %dma_start3A_378 = arith.constant 0 : i32
    %dma_start3A_379 = tpu.memref_slice %arg7[%add3A_369, %dma_start3A_378] : memref<160000x128xf32, #tpu.memory_space<hbm>> -> memref<8x128xf32, #tpu.memory_space<hbm>>
    %dma_start3A_380 = arith.constant 0 : i32
    %dma_start3A_381 = tpu.memref_slice %arg7[%add3A_369, %dma_start3A_380] : memref<160000x128xf32, #tpu.memory_space<hbm>> -> memref<8x128xf32, #tpu.memory_space<hbm>>
    %dma_start3A_382 = arith.constant 0 : i32
    %dma_start3A_383 = arith.constant 0 : i32
    %dma_start3A_384 = tpu.memref_slice %arg13[%dma_start3A_370, %dma_start3A_382, %dma_start3A_383] : memref<2x128x128xf32, #tpu.memory_space<vmem>> -> memref<1x128x128xf32, #tpu.memory_space<vmem>>
    %dma_start3A_385 = tpu.memref_squeeze %dma_start3A_384 : memref<1x128x128xf32, #tpu.memory_space<vmem>> -> memref<128x128xf32, #tpu.memory_space<vmem>>
    %dma_start3A_386 = arith.constant 0 : i32
    %dma_start3A_387 = arith.constant 0 : i32
    %dma_start3A_388 = tpu.memref_slice %dma_start3A_385[%dma_start3A_386, %dma_start3A_387] : memref<128x128xf32, #tpu.memory_space<vmem>> -> memref<8x128xf32, #tpu.memory_space<vmem>>
    tpu.enqueue_dma source(%dma_start3A_388 : memref<8x128xf32, #tpu.memory_space<vmem>>) target(%dma_start3A_381 : memref<8x128xf32, #tpu.memory_space<hbm>>) target_semaphore(%arg25 : memref<!tpu.dma_semaphore, #tpu.memory_space<semaphore_mem>>)
    %dma_start3A_389 = arith.constant 0 : i32
    %dma_start3A_390 = arith.constant 0 : i32
    %dma_start3A_391 = arith.constant 0 : i32
    %dma_start3A_392 = tpu.memref_slice %arg14[%dma_start3A_389, %dma_start3A_390, %dma_start3A_391] : memref<2x128x128xf32, #tpu.memory_space<vmem>> -> memref<1x128x128xf32, #tpu.memory_space<vmem>>
    %dma_start3A_393 = tpu.memref_squeeze %dma_start3A_392 : memref<1x128x128xf32, #tpu.memory_space<vmem>> -> memref<128x128xf32, #tpu.memory_space<vmem>>
    %dma_start3A_394 = arith.constant 0 : i32
    %dma_start3A_395 = arith.constant 0 : i32
    %dma_start3A_396 = tpu.memref_slice %dma_start3A_393[%dma_start3A_394, %dma_start3A_395] : memref<128x128xf32, #tpu.memory_space<vmem>> -> memref<8x128xf32, #tpu.memory_space<vmem>>
    %dma_start3A_397 = arith.constant 0 : i32
    %dma_start3A_398 = tpu.memref_slice %arg8[%add3A_369, %dma_start3A_397] : memref<160000x128xf32, #tpu.memory_space<hbm>> -> memref<8x128xf32, #tpu.memory_space<hbm>>
    %dma_start3A_399 = arith.constant 0 : i32
    %dma_start3A_400 = tpu.memref_slice %arg8[%add3A_369, %dma_start3A_399] : memref<160000x128xf32, #tpu.memory_space<hbm>> -> memref<8x128xf32, #tpu.memory_space<hbm>>
    %dma_start3A_401 = arith.constant 0 : i32
    %dma_start3A_402 = arith.constant 0 : i32
    %dma_start3A_403 = tpu.memref_slice %arg14[%dma_start3A_389, %dma_start3A_401, %dma_start3A_402] : memref<2x128x128xf32, #tpu.memory_space<vmem>> -> memref<1x128x128xf32, #tpu.memory_space<vmem>>
    %dma_start3A_404 = tpu.memref_squeeze %dma_start3A_403 : memref<1x128x128xf32, #tpu.memory_space<vmem>> -> memref<128x128xf32, #tpu.memory_space<vmem>>
    %dma_start3A_405 = arith.constant 0 : i32
    %dma_start3A_406 = arith.constant 0 : i32
    %dma_start3A_407 = tpu.memref_slice %dma_start3A_404[%dma_start3A_405, %dma_start3A_406] : memref<128x128xf32, #tpu.memory_space<vmem>> -> memref<8x128xf32, #tpu.memory_space<vmem>>
    tpu.enqueue_dma source(%dma_start3A_407 : memref<8x128xf32, #tpu.memory_space<vmem>>) target(%dma_start3A_400 : memref<8x128xf32, #tpu.memory_space<hbm>>) target_semaphore(%arg26 : memref<!tpu.dma_semaphore, #tpu.memory_space<semaphore_mem>>)
    %dma_start3A_408 = arith.constant 0 : i32
    %dma_start3A_409 = arith.constant 0 : i32
    %dma_start3A_410 = arith.constant 0 : i32
    %dma_start3A_411 = tpu.memref_slice %arg15[%dma_start3A_408, %dma_start3A_409, %dma_start3A_410] : memref<2x128x16xf32, #tpu.memory_space<vmem>> -> memref<1x128x16xf32, #tpu.memory_space<vmem>>
    %dma_start3A_412 = tpu.memref_squeeze %dma_start3A_411 : memref<1x128x16xf32, #tpu.memory_space<vmem>> -> memref<128x16xf32, #tpu.memory_space<vmem>>
    %dma_start3A_413 = arith.constant 0 : i32
    %dma_start3A_414 = arith.constant 0 : i32
    %dma_start3A_415 = tpu.memref_slice %dma_start3A_412[%dma_start3A_413, %dma_start3A_414] : memref<128x16xf32, #tpu.memory_space<vmem>> -> memref<8x16xf32, #tpu.memory_space<vmem>>
    %dma_start3A_416 = arith.constant 0 : i32
    %dma_start3A_417 = tpu.memref_slice %arg9[%add3A_369, %dma_start3A_416] : memref<160000x16xf32, #tpu.memory_space<hbm>> -> memref<8x16xf32, #tpu.memory_space<hbm>>
    %dma_start3A_418 = arith.constant 0 : i32
    %dma_start3A_419 = tpu.memref_slice %arg9[%add3A_369, %dma_start3A_418] : memref<160000x16xf32, #tpu.memory_space<hbm>> -> memref<8x16xf32, #tpu.memory_space<hbm>>
    %dma_start3A_420 = arith.constant 0 : i32
    %dma_start3A_421 = arith.constant 0 : i32
    %dma_start3A_422 = tpu.memref_slice %arg15[%dma_start3A_408, %dma_start3A_420, %dma_start3A_421] : memref<2x128x16xf32, #tpu.memory_space<vmem>> -> memref<1x128x16xf32, #tpu.memory_space<vmem>>
    %dma_start3A_423 = tpu.memref_squeeze %dma_start3A_422 : memref<1x128x16xf32, #tpu.memory_space<vmem>> -> memref<128x16xf32, #tpu.memory_space<vmem>>
    %dma_start3A_424 = arith.constant 0 : i32
    %dma_start3A_425 = arith.constant 0 : i32
    %dma_start3A_426 = tpu.memref_slice %dma_start3A_423[%dma_start3A_424, %dma_start3A_425] : memref<128x16xf32, #tpu.memory_space<vmem>> -> memref<8x16xf32, #tpu.memory_space<vmem>>
    tpu.enqueue_dma source(%dma_start3A_426 : memref<8x16xf32, #tpu.memory_space<vmem>>) target(%dma_start3A_419 : memref<8x16xf32, #tpu.memory_space<hbm>>) target_semaphore(%arg27 : memref<!tpu.dma_semaphore, #tpu.memory_space<semaphore_mem>>)
    %dma_start3A_427 = arith.constant 0 : i32
    %dma_start3A_428 = arith.constant 0 : i32
    %dma_start3A_429 = arith.constant 0 : i32
    %dma_start3A_430 = tpu.memref_slice %arg16[%dma_start3A_427, %dma_start3A_428, %dma_start3A_429] : memref<2x128x16xf32, #tpu.memory_space<vmem>> -> memref<1x128x16xf32, #tpu.memory_space<vmem>>
    %dma_start3A_431 = tpu.memref_squeeze %dma_start3A_430 : memref<1x128x16xf32, #tpu.memory_space<vmem>> -> memref<128x16xf32, #tpu.memory_space<vmem>>
    %dma_start3A_432 = arith.constant 0 : i32
    %dma_start3A_433 = arith.constant 0 : i32
    %dma_start3A_434 = tpu.memref_slice %dma_start3A_431[%dma_start3A_432, %dma_start3A_433] : memref<128x16xf32, #tpu.memory_space<vmem>> -> memref<8x16xf32, #tpu.memory_space<vmem>>
    %dma_start3A_435 = arith.constant 0 : i32
    %dma_start3A_436 = tpu.memref_slice %arg10[%add3A_369, %dma_start3A_435] : memref<160000x16xf32, #tpu.memory_space<hbm>> -> memref<8x16xf32, #tpu.memory_space<hbm>>
    %dma_start3A_437 = arith.constant 0 : i32
    %dma_start3A_438 = tpu.memref_slice %arg10[%add3A_369, %dma_start3A_437] : memref<160000x16xf32, #tpu.memory_space<hbm>> -> memref<8x16xf32, #tpu.memory_space<hbm>>
    %dma_start3A_439 = arith.constant 0 : i32
    %dma_start3A_440 = arith.constant 0 : i32
    %dma_start3A_441 = tpu.memref_slice %arg16[%dma_start3A_427, %dma_start3A_439, %dma_start3A_440] : memref<2x128x16xf32, #tpu.memory_space<vmem>> -> memref<1x128x16xf32, #tpu.memory_space<vmem>>
    %dma_start3A_442 = tpu.memref_squeeze %dma_start3A_441 : memref<1x128x16xf32, #tpu.memory_space<vmem>> -> memref<128x16xf32, #tpu.memory_space<vmem>>
    %dma_start3A_443 = arith.constant 0 : i32
    %dma_start3A_444 = arith.constant 0 : i32
    %dma_start3A_445 = tpu.memref_slice %dma_start3A_442[%dma_start3A_443, %dma_start3A_444] : memref<128x16xf32, #tpu.memory_space<vmem>> -> memref<8x16xf32, #tpu.memory_space<vmem>>
    tpu.enqueue_dma source(%dma_start3A_445 : memref<8x16xf32, #tpu.memory_space<vmem>>) target(%dma_start3A_438 : memref<8x16xf32, #tpu.memory_space<hbm>>) target_semaphore(%arg28 : memref<!tpu.dma_semaphore, #tpu.memory_space<semaphore_mem>>)
    %dma_wait3A_446 = arith.constant 0 : i32
    %dma_wait3A_447 = arith.constant 0 : i32
    %dma_wait3A_448 = arith.constant 0 : i32
    %dma_wait3A_449 = tpu.memref_slice %arg13[%dma_wait3A_446, %dma_wait3A_447, %dma_wait3A_448] : memref<2x128x128xf32, #tpu.memory_space<vmem>> -> memref<1x128x128xf32, #tpu.memory_space<vmem>>
    %dma_wait3A_450 = tpu.memref_squeeze %dma_wait3A_449 : memref<1x128x128xf32, #tpu.memory_space<vmem>> -> memref<128x128xf32, #tpu.memory_space<vmem>>
    %dma_wait3A_451 = arith.constant 0 : i32
    %dma_wait3A_452 = arith.constant 0 : i32
    %dma_wait3A_453 = tpu.memref_slice %dma_wait3A_450[%dma_wait3A_451, %dma_wait3A_452] : memref<128x128xf32, #tpu.memory_space<vmem>> -> memref<8x128xf32, #tpu.memory_space<vmem>>
    %dma_wait3A_454 = arith.constant 0 : i32
    %dma_wait3A_455 = tpu.memref_slice %arg7[%add3A_369, %dma_wait3A_454] : memref<160000x128xf32, #tpu.memory_space<hbm>> -> memref<8x128xf32, #tpu.memory_space<hbm>>
    %dma_wait3A_456 = arith.constant 0 : i32
    %dma_wait3A_457 = tpu.memref_slice %arg7[%add3A_369, %dma_wait3A_456] : memref<160000x128xf32, #tpu.memory_space<hbm>> -> memref<8x128xf32, #tpu.memory_space<hbm>>
    %dma_wait3A_458 = arith.constant 0 : i32
    %dma_wait3A_459 = arith.constant 0 : i32
    %dma_wait3A_460 = tpu.memref_slice %arg13[%dma_wait3A_446, %dma_wait3A_458, %dma_wait3A_459] : memref<2x128x128xf32, #tpu.memory_space<vmem>> -> memref<1x128x128xf32, #tpu.memory_space<vmem>>
    %dma_wait3A_461 = tpu.memref_squeeze %dma_wait3A_460 : memref<1x128x128xf32, #tpu.memory_space<vmem>> -> memref<128x128xf32, #tpu.memory_space<vmem>>
    %dma_wait3A_462 = arith.constant 0 : i32
    %dma_wait3A_463 = arith.constant 0 : i32
    %dma_wait3A_464 = tpu.memref_slice %dma_wait3A_461[%dma_wait3A_462, %dma_wait3A_463] : memref<128x128xf32, #tpu.memory_space<vmem>> -> memref<8x128xf32, #tpu.memory_space<vmem>>
    tpu.wait_dma2 semaphore(%arg25 : memref<!tpu.dma_semaphore, #tpu.memory_space<semaphore_mem>>) src(%dma_wait3A_464 : memref<8x128xf32, #tpu.memory_space<vmem>>) dst(%dma_wait3A_457 : memref<8x128xf32, #tpu.memory_space<hbm>>)
    %dma_wait3A_465 = arith.constant 0 : i32
    %dma_wait3A_466 = arith.constant 0 : i32
    %dma_wait3A_467 = arith.constant 0 : i32
    %dma_wait3A_468 = tpu.memref_slice %arg14[%dma_wait3A_465, %dma_wait3A_466, %dma_wait3A_467] : memref<2x128x128xf32, #tpu.memory_space<vmem>> -> memref<1x128x128xf32, #tpu.memory_space<vmem>>
    %dma_wait3A_469 = tpu.memref_squeeze %dma_wait3A_468 : memref<1x128x128xf32, #tpu.memory_space<vmem>> -> memref<128x128xf32, #tpu.memory_space<vmem>>
    %dma_wait3A_470 = arith.constant 0 : i32
    %dma_wait3A_471 = arith.constant 0 : i32
    %dma_wait3A_472 = tpu.memref_slice %dma_wait3A_469[%dma_wait3A_470, %dma_wait3A_471] : memref<128x128xf32, #tpu.memory_space<vmem>> -> memref<8x128xf32, #tpu.memory_space<vmem>>
    %dma_wait3A_473 = arith.constant 0 : i32
    %dma_wait3A_474 = tpu.memref_slice %arg8[%add3A_369, %dma_wait3A_473] : memref<160000x128xf32, #tpu.memory_space<hbm>> -> memref<8x128xf32, #tpu.memory_space<hbm>>
    %dma_wait3A_475 = arith.constant 0 : i32
    %dma_wait3A_476 = tpu.memref_slice %arg8[%add3A_369, %dma_wait3A_475] : memref<160000x128xf32, #tpu.memory_space<hbm>> -> memref<8x128xf32, #tpu.memory_space<hbm>>
    %dma_wait3A_477 = arith.constant 0 : i32
    %dma_wait3A_478 = arith.constant 0 : i32
    %dma_wait3A_479 = tpu.memref_slice %arg14[%dma_wait3A_465, %dma_wait3A_477, %dma_wait3A_478] : memref<2x128x128xf32, #tpu.memory_space<vmem>> -> memref<1x128x128xf32, #tpu.memory_space<vmem>>
    %dma_wait3A_480 = tpu.memref_squeeze %dma_wait3A_479 : memref<1x128x128xf32, #tpu.memory_space<vmem>> -> memref<128x128xf32, #tpu.memory_space<vmem>>
    %dma_wait3A_481 = arith.constant 0 : i32
    %dma_wait3A_482 = arith.constant 0 : i32
    %dma_wait3A_483 = tpu.memref_slice %dma_wait3A_480[%dma_wait3A_481, %dma_wait3A_482] : memref<128x128xf32, #tpu.memory_space<vmem>> -> memref<8x128xf32, #tpu.memory_space<vmem>>
    tpu.wait_dma2 semaphore(%arg26 : memref<!tpu.dma_semaphore, #tpu.memory_space<semaphore_mem>>) src(%dma_wait3A_483 : memref<8x128xf32, #tpu.memory_space<vmem>>) dst(%dma_wait3A_476 : memref<8x128xf32, #tpu.memory_space<hbm>>)
    %dma_wait3A_484 = arith.constant 0 : i32
    %dma_wait3A_485 = arith.constant 0 : i32
    %dma_wait3A_486 = arith.constant 0 : i32
    %dma_wait3A_487 = tpu.memref_slice %arg15[%dma_wait3A_484, %dma_wait3A_485, %dma_wait3A_486] : memref<2x128x16xf32, #tpu.memory_space<vmem>> -> memref<1x128x16xf32, #tpu.memory_space<vmem>>
    %dma_wait3A_488 = tpu.memref_squeeze %dma_wait3A_487 : memref<1x128x16xf32, #tpu.memory_space<vmem>> -> memref<128x16xf32, #tpu.memory_space<vmem>>
    %dma_wait3A_489 = arith.constant 0 : i32
    %dma_wait3A_490 = arith.constant 0 : i32
    %dma_wait3A_491 = tpu.memref_slice %dma_wait3A_488[%dma_wait3A_489, %dma_wait3A_490] : memref<128x16xf32, #tpu.memory_space<vmem>> -> memref<8x16xf32, #tpu.memory_space<vmem>>
    %dma_wait3A_492 = arith.constant 0 : i32
    %dma_wait3A_493 = tpu.memref_slice %arg9[%add3A_369, %dma_wait3A_492] : memref<160000x16xf32, #tpu.memory_space<hbm>> -> memref<8x16xf32, #tpu.memory_space<hbm>>
    %dma_wait3A_494 = arith.constant 0 : i32
    %dma_wait3A_495 = tpu.memref_slice %arg9[%add3A_369, %dma_wait3A_494] : memref<160000x16xf32, #tpu.memory_space<hbm>> -> memref<8x16xf32, #tpu.memory_space<hbm>>
    %dma_wait3A_496 = arith.constant 0 : i32
    %dma_wait3A_497 = arith.constant 0 : i32
    %dma_wait3A_498 = tpu.memref_slice %arg15[%dma_wait3A_484, %dma_wait3A_496, %dma_wait3A_497] : memref<2x128x16xf32, #tpu.memory_space<vmem>> -> memref<1x128x16xf32, #tpu.memory_space<vmem>>
    %dma_wait3A_499 = tpu.memref_squeeze %dma_wait3A_498 : memref<1x128x16xf32, #tpu.memory_space<vmem>> -> memref<128x16xf32, #tpu.memory_space<vmem>>
    %dma_wait3A_500 = arith.constant 0 : i32
    %dma_wait3A_501 = arith.constant 0 : i32
    %dma_wait3A_502 = tpu.memref_slice %dma_wait3A_499[%dma_wait3A_500, %dma_wait3A_501] : memref<128x16xf32, #tpu.memory_space<vmem>> -> memref<8x16xf32, #tpu.memory_space<vmem>>
    tpu.wait_dma2 semaphore(%arg27 : memref<!tpu.dma_semaphore, #tpu.memory_space<semaphore_mem>>) src(%dma_wait3A_502 : memref<8x16xf32, #tpu.memory_space<vmem>>) dst(%dma_wait3A_495 : memref<8x16xf32, #tpu.memory_space<hbm>>)
    %dma_wait3A_503 = arith.constant 0 : i32
    %dma_wait3A_504 = arith.constant 0 : i32
    %dma_wait3A_505 = arith.constant 0 : i32
    %dma_wait3A_506 = tpu.memref_slice %arg16[%dma_wait3A_503, %dma_wait3A_504, %dma_wait3A_505] : memref<2x128x16xf32, #tpu.memory_space<vmem>> -> memref<1x128x16xf32, #tpu.memory_space<vmem>>
    %dma_wait3A_507 = tpu.memref_squeeze %dma_wait3A_506 : memref<1x128x16xf32, #tpu.memory_space<vmem>> -> memref<128x16xf32, #tpu.memory_space<vmem>>
    %dma_wait3A_508 = arith.constant 0 : i32
    %dma_wait3A_509 = arith.constant 0 : i32
    %dma_wait3A_510 = tpu.memref_slice %dma_wait3A_507[%dma_wait3A_508, %dma_wait3A_509] : memref<128x16xf32, #tpu.memory_space<vmem>> -> memref<8x16xf32, #tpu.memory_space<vmem>>
    %dma_wait3A_511 = arith.constant 0 : i32
    %dma_wait3A_512 = tpu.memref_slice %arg10[%add3A_369, %dma_wait3A_511] : memref<160000x16xf32, #tpu.memory_space<hbm>> -> memref<8x16xf32, #tpu.memory_space<hbm>>
    %dma_wait3A_513 = arith.constant 0 : i32
    %dma_wait3A_514 = tpu.memref_slice %arg10[%add3A_369, %dma_wait3A_513] : memref<160000x16xf32, #tpu.memory_space<hbm>> -> memref<8x16xf32, #tpu.memory_space<hbm>>
    %dma_wait3A_515 = arith.constant 0 : i32
    %dma_wait3A_516 = arith.constant 0 : i32
    %dma_wait3A_517 = tpu.memref_slice %arg16[%dma_wait3A_503, %dma_wait3A_515, %dma_wait3A_516] : memref<2x128x16xf32, #tpu.memory_space<vmem>> -> memref<1x128x16xf32, #tpu.memory_space<vmem>>
    %dma_wait3A_518 = tpu.memref_squeeze %dma_wait3A_517 : memref<1x128x16xf32, #tpu.memory_space<vmem>> -> memref<128x16xf32, #tpu.memory_space<vmem>>
    %dma_wait3A_519 = arith.constant 0 : i32
    %dma_wait3A_520 = arith.constant 0 : i32
    %dma_wait3A_521 = tpu.memref_slice %dma_wait3A_518[%dma_wait3A_519, %dma_wait3A_520] : memref<128x16xf32, #tpu.memory_space<vmem>> -> memref<8x16xf32, #tpu.memory_space<vmem>>
    tpu.wait_dma2 semaphore(%arg28 : memref<!tpu.dma_semaphore, #tpu.memory_space<semaphore_mem>>) src(%dma_wait3A_521 : memref<8x16xf32, #tpu.memory_space<vmem>>) dst(%dma_wait3A_514 : memref<8x16xf32, #tpu.memory_space<hbm>>)
    return
  }
}

#map = affine_map<(d0, d1) -> (0, 0)>
#map1 = affine_map<(d0, d1) -> (0)>
#map2 = affine_map<(d0, d1) -> (0, 0, 0)>
module attributes {stable_mosaic.version = 14 : i64} {
  func.func @_sc_scatter_body(%arg0: i32, %arg1: i32, %arg2: memref<160000x128xf32, #tpu.memory_space<hbm>>, %arg3: memref<160000x16xf32, #tpu.memory_space<hbm>>, %arg4: memref<160000xi32, #tpu.memory_space<hbm>>, %arg5: memref<2x10000x128xf32, #tpu.memory_space<hbm>>, %arg6: memref<2x10000x16xf32, #tpu.memory_space<hbm>>, %arg7: memref<2x10000x128xf32, #tpu.memory_space<hbm>>, %arg8: memref<2x10000x16xf32, #tpu.memory_space<hbm>>, %arg9: memref<5000xi32, #tpu.memory_space<vmem>>, %arg10: memref<128x128xf32, #tpu.memory_space<vmem>>, %arg11: memref<128x16xf32, #tpu.memory_space<vmem>>, %arg12: memref<10000x128xf32, #tpu.memory_space<vmem_shared>>, %arg13: memref<10000x16xf32, #tpu.memory_space<vmem_shared>>) attributes {dimension_semantics = [#tpu.dimension_semantics<core_parallel>, #tpu.dimension_semantics<subcore_parallel>], iteration_bounds = array<i64: 2, 16>, scalar_prefetch = 0 : i64, scratch_operands = 5 : i64, tpu.core_type = #tpu.core_type<sc_vector_subcore>, window_params = [{transform_indices = #map}, {transform_indices = #map}, {transform_indices = #map1}, {transform_indices = #map2}, {transform_indices = #map2}, {transform_indices = #map2}, {transform_indices = #map2}]} {
    %mul3A = arith.constant 16 : i32
    %mul3A_0 = arith.muli %arg0, %mul3A : i32
    %add3A = arith.addi %mul3A_0, %arg1 : i32
    %mul3A_1 = arith.constant 5000 : i32
    %mul3A_2 = arith.muli %add3A, %mul3A_1 : i32
    "tpu.region"() ({
      %run_scoped3A = tpu.sem_alloc : memref<!tpu.dma_semaphore, #tpu.memory_space<semaphore_mem>>
      %dma_start3A = tpu.memref_slice %arg4[%mul3A_2] : memref<160000xi32, #tpu.memory_space<hbm>> -> memref<5000xi32, #tpu.memory_space<hbm>>
      %dma_start3A_29 = tpu.memref_slice %arg4[%mul3A_2] : memref<160000xi32, #tpu.memory_space<hbm>> -> memref<5000xi32, #tpu.memory_space<hbm>>
      tpu.enqueue_dma source(%dma_start3A_29 : memref<5000xi32, #tpu.memory_space<hbm>>) target(%arg9 : memref<5000xi32, #tpu.memory_space<vmem>>) target_semaphore(%run_scoped3A : memref<!tpu.dma_semaphore, #tpu.memory_space<semaphore_mem>>)
      %dma_wait3A = tpu.memref_slice %arg4[%mul3A_2] : memref<160000xi32, #tpu.memory_space<hbm>> -> memref<5000xi32, #tpu.memory_space<hbm>>
      %dma_wait3A_30 = tpu.memref_slice %arg4[%mul3A_2] : memref<160000xi32, #tpu.memory_space<hbm>> -> memref<5000xi32, #tpu.memory_space<hbm>>
      tpu.wait_dma2 semaphore(%run_scoped3A : memref<!tpu.dma_semaphore, #tpu.memory_space<semaphore_mem>>) src(%dma_wait3A_30 : memref<5000xi32, #tpu.memory_space<hbm>>) dst(%arg9 : memref<5000xi32, #tpu.memory_space<vmem>>)
      tpu.yield
    }) : () -> ()
    %mul3A_3 = arith.constant 625 : i32
    %mul3A_4 = arith.muli %arg1, %mul3A_3 : i32
    %mul3A_5 = arith.constant 625 : i32
    %mul3A_6 = arith.muli %arg1, %mul3A_5 : i32
    "tpu.region"() ({
      %run_scoped3A = tpu.sem_alloc : memref<!tpu.dma_semaphore, #tpu.memory_space<semaphore_mem>>
      %dma_start3A = arith.constant 0 : i32
      %dma_start3A_29 = tpu.memref_slice %arg12[%mul3A_6, %dma_start3A] : memref<10000x128xf32, #tpu.memory_space<vmem_shared>> -> memref<625x128xf32, #tpu.memory_space<vmem_shared>>
      %dma_start3A_30 = arith.constant 0 : i32
      %dma_start3A_31 = arith.constant 0 : i32
      %dma_start3A_32 = tpu.memref_slice %arg5[%arg0, %dma_start3A_30, %dma_start3A_31] : memref<2x10000x128xf32, #tpu.memory_space<hbm>> -> memref<1x10000x128xf32, #tpu.memory_space<hbm>>
      %dma_start3A_33 = tpu.memref_squeeze %dma_start3A_32 : memref<1x10000x128xf32, #tpu.memory_space<hbm>> -> memref<10000x128xf32, #tpu.memory_space<hbm>>
      %dma_start3A_34 = arith.constant 0 : i32
      %dma_start3A_35 = tpu.memref_slice %dma_start3A_33[%mul3A_4, %dma_start3A_34] : memref<10000x128xf32, #tpu.memory_space<hbm>> -> memref<625x128xf32, #tpu.memory_space<hbm>>
      tpu.enqueue_dma source(%dma_start3A_35 : memref<625x128xf32, #tpu.memory_space<hbm>>) target(%dma_start3A_29 : memref<625x128xf32, #tpu.memory_space<vmem_shared>>) target_semaphore(%run_scoped3A : memref<!tpu.dma_semaphore, #tpu.memory_space<semaphore_mem>>)
      %dma_wait3A = arith.constant 0 : i32
      %dma_wait3A_36 = tpu.memref_slice %arg12[%mul3A_6, %dma_wait3A] : memref<10000x128xf32, #tpu.memory_space<vmem_shared>> -> memref<625x128xf32, #tpu.memory_space<vmem_shared>>
      %dma_wait3A_37 = arith.constant 0 : i32
      %dma_wait3A_38 = arith.constant 0 : i32
      %dma_wait3A_39 = tpu.memref_slice %arg5[%arg0, %dma_wait3A_37, %dma_wait3A_38] : memref<2x10000x128xf32, #tpu.memory_space<hbm>> -> memref<1x10000x128xf32, #tpu.memory_space<hbm>>
      %dma_wait3A_40 = tpu.memref_squeeze %dma_wait3A_39 : memref<1x10000x128xf32, #tpu.memory_space<hbm>> -> memref<10000x128xf32, #tpu.memory_space<hbm>>
      %dma_wait3A_41 = arith.constant 0 : i32
      %dma_wait3A_42 = tpu.memref_slice %dma_wait3A_40[%mul3A_4, %dma_wait3A_41] : memref<10000x128xf32, #tpu.memory_space<hbm>> -> memref<625x128xf32, #tpu.memory_space<hbm>>
      tpu.wait_dma2 semaphore(%run_scoped3A : memref<!tpu.dma_semaphore, #tpu.memory_space<semaphore_mem>>) src(%dma_wait3A_42 : memref<625x128xf32, #tpu.memory_space<hbm>>) dst(%dma_wait3A_36 : memref<625x128xf32, #tpu.memory_space<vmem_shared>>)
      tpu.yield
    }) : () -> ()
    %mul3A_7 = arith.constant 625 : i32
    %mul3A_8 = arith.muli %arg1, %mul3A_7 : i32
    %mul3A_9 = arith.constant 625 : i32
    %mul3A_10 = arith.muli %arg1, %mul3A_9 : i32
    "tpu.region"() ({
      %run_scoped3A = tpu.sem_alloc : memref<!tpu.dma_semaphore, #tpu.memory_space<semaphore_mem>>
      %dma_start3A = arith.constant 0 : i32
      %dma_start3A_29 = tpu.memref_slice %arg13[%mul3A_10, %dma_start3A] : memref<10000x16xf32, #tpu.memory_space<vmem_shared>> -> memref<625x16xf32, #tpu.memory_space<vmem_shared>>
      %dma_start3A_30 = arith.constant 0 : i32
      %dma_start3A_31 = arith.constant 0 : i32
      %dma_start3A_32 = tpu.memref_slice %arg6[%arg0, %dma_start3A_30, %dma_start3A_31] : memref<2x10000x16xf32, #tpu.memory_space<hbm>> -> memref<1x10000x16xf32, #tpu.memory_space<hbm>>
      %dma_start3A_33 = tpu.memref_squeeze %dma_start3A_32 : memref<1x10000x16xf32, #tpu.memory_space<hbm>> -> memref<10000x16xf32, #tpu.memory_space<hbm>>
      %dma_start3A_34 = arith.constant 0 : i32
      %dma_start3A_35 = tpu.memref_slice %dma_start3A_33[%mul3A_8, %dma_start3A_34] : memref<10000x16xf32, #tpu.memory_space<hbm>> -> memref<625x16xf32, #tpu.memory_space<hbm>>
      tpu.enqueue_dma source(%dma_start3A_35 : memref<625x16xf32, #tpu.memory_space<hbm>>) target(%dma_start3A_29 : memref<625x16xf32, #tpu.memory_space<vmem_shared>>) target_semaphore(%run_scoped3A : memref<!tpu.dma_semaphore, #tpu.memory_space<semaphore_mem>>)
      %dma_wait3A = arith.constant 0 : i32
      %dma_wait3A_36 = tpu.memref_slice %arg13[%mul3A_10, %dma_wait3A] : memref<10000x16xf32, #tpu.memory_space<vmem_shared>> -> memref<625x16xf32, #tpu.memory_space<vmem_shared>>
      %dma_wait3A_37 = arith.constant 0 : i32
      %dma_wait3A_38 = arith.constant 0 : i32
      %dma_wait3A_39 = tpu.memref_slice %arg6[%arg0, %dma_wait3A_37, %dma_wait3A_38] : memref<2x10000x16xf32, #tpu.memory_space<hbm>> -> memref<1x10000x16xf32, #tpu.memory_space<hbm>>
      %dma_wait3A_40 = tpu.memref_squeeze %dma_wait3A_39 : memref<1x10000x16xf32, #tpu.memory_space<hbm>> -> memref<10000x16xf32, #tpu.memory_space<hbm>>
      %dma_wait3A_41 = arith.constant 0 : i32
      %dma_wait3A_42 = tpu.memref_slice %dma_wait3A_40[%mul3A_8, %dma_wait3A_41] : memref<10000x16xf32, #tpu.memory_space<hbm>> -> memref<625x16xf32, #tpu.memory_space<hbm>>
      tpu.wait_dma2 semaphore(%run_scoped3A : memref<!tpu.dma_semaphore, #tpu.memory_space<semaphore_mem>>) src(%dma_wait3A_42 : memref<625x16xf32, #tpu.memory_space<hbm>>) dst(%dma_wait3A_36 : memref<625x16xf32, #tpu.memory_space<vmem_shared>>)
      tpu.yield
    }) : () -> ()
    %barrier3A = arith.constant 0 : index
    tpu.barrier barrier_id(%barrier3A)
    %scan3A = arith.constant 0 : i32
    %scan3A_11 = arith.constant 0 : i32
    %scan3A_12 = arith.constant 39 : i32
    %scan3A_13 = arith.addi %scan3A_11, %scan3A_12 : i32
    %scan3A_14 = arith.constant 1 : i32
    scf.for %scan3A_29 = %scan3A_11 to %scan3A_13 step %scan3A_14  : i32 {
      %mul3A_30 = arith.constant 128 : i32
      %mul3A_31 = arith.muli %scan3A_29, %mul3A_30 : i32
      %add3A_32 = arith.addi %mul3A_2, %mul3A_31 : i32
      "tpu.region"() ({
        %run_scoped3A = tpu.sem_alloc : memref<!tpu.dma_semaphore, #tpu.memory_space<semaphore_mem>>
        %dma_start3A = arith.constant 0 : i32
        %dma_start3A_34 = tpu.memref_slice %arg2[%add3A_32, %dma_start3A] : memref<160000x128xf32, #tpu.memory_space<hbm>> -> memref<128x128xf32, #tpu.memory_space<hbm>>
        %dma_start3A_35 = arith.constant 0 : i32
        %dma_start3A_36 = tpu.memref_slice %arg2[%add3A_32, %dma_start3A_35] : memref<160000x128xf32, #tpu.memory_space<hbm>> -> memref<128x128xf32, #tpu.memory_space<hbm>>
        tpu.enqueue_dma source(%dma_start3A_36 : memref<128x128xf32, #tpu.memory_space<hbm>>) target(%arg10 : memref<128x128xf32, #tpu.memory_space<vmem>>) target_semaphore(%run_scoped3A : memref<!tpu.dma_semaphore, #tpu.memory_space<semaphore_mem>>)
        %dma_wait3A = arith.constant 0 : i32
        %dma_wait3A_37 = tpu.memref_slice %arg2[%add3A_32, %dma_wait3A] : memref<160000x128xf32, #tpu.memory_space<hbm>> -> memref<128x128xf32, #tpu.memory_space<hbm>>
        %dma_wait3A_38 = arith.constant 0 : i32
        %dma_wait3A_39 = tpu.memref_slice %arg2[%add3A_32, %dma_wait3A_38] : memref<160000x128xf32, #tpu.memory_space<hbm>> -> memref<128x128xf32, #tpu.memory_space<hbm>>
        tpu.wait_dma2 semaphore(%run_scoped3A : memref<!tpu.dma_semaphore, #tpu.memory_space<semaphore_mem>>) src(%dma_wait3A_39 : memref<128x128xf32, #tpu.memory_space<hbm>>) dst(%arg10 : memref<128x128xf32, #tpu.memory_space<vmem>>)
        tpu.yield
      }) : () -> ()
      %add3A_33 = arith.addi %mul3A_2, %mul3A_31 : i32
      "tpu.region"() ({
        %run_scoped3A = tpu.sem_alloc : memref<!tpu.dma_semaphore, #tpu.memory_space<semaphore_mem>>
        %dma_start3A = arith.constant 0 : i32
        %dma_start3A_34 = tpu.memref_slice %arg3[%add3A_33, %dma_start3A] : memref<160000x16xf32, #tpu.memory_space<hbm>> -> memref<128x16xf32, #tpu.memory_space<hbm>>
        %dma_start3A_35 = arith.constant 0 : i32
        %dma_start3A_36 = tpu.memref_slice %arg3[%add3A_33, %dma_start3A_35] : memref<160000x16xf32, #tpu.memory_space<hbm>> -> memref<128x16xf32, #tpu.memory_space<hbm>>
        tpu.enqueue_dma source(%dma_start3A_36 : memref<128x16xf32, #tpu.memory_space<hbm>>) target(%arg11 : memref<128x16xf32, #tpu.memory_space<vmem>>) target_semaphore(%run_scoped3A : memref<!tpu.dma_semaphore, #tpu.memory_space<semaphore_mem>>)
        %dma_wait3A = arith.constant 0 : i32
        %dma_wait3A_37 = tpu.memref_slice %arg3[%add3A_33, %dma_wait3A] : memref<160000x16xf32, #tpu.memory_space<hbm>> -> memref<128x16xf32, #tpu.memory_space<hbm>>
        %dma_wait3A_38 = arith.constant 0 : i32
        %dma_wait3A_39 = tpu.memref_slice %arg3[%add3A_33, %dma_wait3A_38] : memref<160000x16xf32, #tpu.memory_space<hbm>> -> memref<128x16xf32, #tpu.memory_space<hbm>>
        tpu.wait_dma2 semaphore(%run_scoped3A : memref<!tpu.dma_semaphore, #tpu.memory_space<semaphore_mem>>) src(%dma_wait3A_39 : memref<128x16xf32, #tpu.memory_space<hbm>>) dst(%arg11 : memref<128x16xf32, #tpu.memory_space<vmem>>)
        tpu.yield
      }) : () -> ()
      "tpu.region"() ({
        %run_scoped3A = tpu.sem_alloc : memref<!tpu.dma_semaphore, #tpu.memory_space<semaphore_mem>>
        %dma_start3A = tpu.memref_slice %arg9[%mul3A_31] : memref<5000xi32, #tpu.memory_space<vmem>> -> memref<128xi32, #tpu.memory_space<vmem>>
        %dma_start3A_34 = arith.constant 0 : i32
        %dma_start3A_35 = arith.constant 0 : i32
        %dma_start3A_36 = tpu.memref_slice %arg12[%dma_start3A_34, %dma_start3A_35] : memref<10000x128xf32, #tpu.memory_space<vmem_shared>> -> memref<10000x128xf32, #tpu.memory_space<vmem_shared>>
        tpu.enqueue_indirect_dma source(%arg10 : memref<128x128xf32, #tpu.memory_space<vmem>>) target(%dma_start3A_36 : memref<10000x128xf32, #tpu.memory_space<vmem_shared>>) offsets(%dma_start3A : memref<128xi32, #tpu.memory_space<vmem>>) semaphore(%run_scoped3A : memref<!tpu.dma_semaphore, #tpu.memory_space<semaphore_mem>>) {add = true}
        %dma_wait3A = tpu.memref_slice %arg9[%mul3A_31] : memref<5000xi32, #tpu.memory_space<vmem>> -> memref<128xi32, #tpu.memory_space<vmem>>
        %dma_wait3A_37 = arith.constant 0 : i32
        %dma_wait3A_38 = arith.constant 0 : i32
        %dma_wait3A_39 = tpu.memref_slice %arg12[%dma_wait3A_37, %dma_wait3A_38] : memref<10000x128xf32, #tpu.memory_space<vmem_shared>> -> memref<10000x128xf32, #tpu.memory_space<vmem_shared>>
        tpu.wait_indirect_dma semaphore(%run_scoped3A : memref<!tpu.dma_semaphore, #tpu.memory_space<semaphore_mem>>) src(%arg10 : memref<128x128xf32, #tpu.memory_space<vmem>>) dst(%dma_wait3A_39 : memref<10000x128xf32, #tpu.memory_space<vmem_shared>>)
        tpu.yield
      }) : () -> ()
      "tpu.region"() ({
        %run_scoped3A = tpu.sem_alloc : memref<!tpu.dma_semaphore, #tpu.memory_space<semaphore_mem>>
        %dma_start3A = tpu.memref_slice %arg9[%mul3A_31] : memref<5000xi32, #tpu.memory_space<vmem>> -> memref<128xi32, #tpu.memory_space<vmem>>
        %dma_start3A_34 = arith.constant 0 : i32
        %dma_start3A_35 = arith.constant 0 : i32
        %dma_start3A_36 = tpu.memref_slice %arg13[%dma_start3A_34, %dma_start3A_35] : memref<10000x16xf32, #tpu.memory_space<vmem_shared>> -> memref<10000x16xf32, #tpu.memory_space<vmem_shared>>
        tpu.enqueue_indirect_dma source(%arg11 : memref<128x16xf32, #tpu.memory_space<vmem>>) target(%dma_start3A_36 : memref<10000x16xf32, #tpu.memory_space<vmem_shared>>) offsets(%dma_start3A : memref<128xi32, #tpu.memory_space<vmem>>) semaphore(%run_scoped3A : memref<!tpu.dma_semaphore, #tpu.memory_space<semaphore_mem>>) {add = true}
        %dma_wait3A = tpu.memref_slice %arg9[%mul3A_31] : memref<5000xi32, #tpu.memory_space<vmem>> -> memref<128xi32, #tpu.memory_space<vmem>>
        %dma_wait3A_37 = arith.constant 0 : i32
        %dma_wait3A_38 = arith.constant 0 : i32
        %dma_wait3A_39 = tpu.memref_slice %arg13[%dma_wait3A_37, %dma_wait3A_38] : memref<10000x16xf32, #tpu.memory_space<vmem_shared>> -> memref<10000x16xf32, #tpu.memory_space<vmem_shared>>
        tpu.wait_indirect_dma semaphore(%run_scoped3A : memref<!tpu.dma_semaphore, #tpu.memory_space<semaphore_mem>>) src(%arg11 : memref<128x16xf32, #tpu.memory_space<vmem>>) dst(%dma_wait3A_39 : memref<10000x16xf32, #tpu.memory_space<vmem_shared>>)
        tpu.yield
      }) : () -> ()
    }
    %scan3A_15 = arith.constant 39 : i32
    %add3A_16 = arith.constant 4992 : i32
    %add3A_17 = arith.addi %mul3A_2, %add3A_16 : i32
    "tpu.region"() ({
      %run_scoped3A = tpu.sem_alloc : memref<!tpu.dma_semaphore, #tpu.memory_space<semaphore_mem>>
      %dma_start3A = arith.constant 0 : i32
      %dma_start3A_29 = arith.constant 0 : i32
      %dma_start3A_30 = tpu.memref_slice %arg10[%dma_start3A, %dma_start3A_29] : memref<128x128xf32, #tpu.memory_space<vmem>> -> memref<8x128xf32, #tpu.memory_space<vmem>>
      %dma_start3A_31 = arith.constant 0 : i32
      %dma_start3A_32 = tpu.memref_slice %arg2[%add3A_17, %dma_start3A_31] : memref<160000x128xf32, #tpu.memory_space<hbm>> -> memref<8x128xf32, #tpu.memory_space<hbm>>
      %dma_start3A_33 = arith.constant 0 : i32
      %dma_start3A_34 = arith.constant 0 : i32
      %dma_start3A_35 = tpu.memref_slice %arg10[%dma_start3A_33, %dma_start3A_34] : memref<128x128xf32, #tpu.memory_space<vmem>> -> memref<8x128xf32, #tpu.memory_space<vmem>>
      %dma_start3A_36 = arith.constant 0 : i32
      %dma_start3A_37 = tpu.memref_slice %arg2[%add3A_17, %dma_start3A_36] : memref<160000x128xf32, #tpu.memory_space<hbm>> -> memref<8x128xf32, #tpu.memory_space<hbm>>
      tpu.enqueue_dma source(%dma_start3A_37 : memref<8x128xf32, #tpu.memory_space<hbm>>) target(%dma_start3A_35 : memref<8x128xf32, #tpu.memory_space<vmem>>) target_semaphore(%run_scoped3A : memref<!tpu.dma_semaphore, #tpu.memory_space<semaphore_mem>>)
      %dma_wait3A = arith.constant 0 : i32
      %dma_wait3A_38 = arith.constant 0 : i32
      %dma_wait3A_39 = tpu.memref_slice %arg10[%dma_wait3A, %dma_wait3A_38] : memref<128x128xf32, #tpu.memory_space<vmem>> -> memref<8x128xf32, #tpu.memory_space<vmem>>
      %dma_wait3A_40 = arith.constant 0 : i32
      %dma_wait3A_41 = tpu.memref_slice %arg2[%add3A_17, %dma_wait3A_40] : memref<160000x128xf32, #tpu.memory_space<hbm>> -> memref<8x128xf32, #tpu.memory_space<hbm>>
      %dma_wait3A_42 = arith.constant 0 : i32
      %dma_wait3A_43 = arith.constant 0 : i32
      %dma_wait3A_44 = tpu.memref_slice %arg10[%dma_wait3A_42, %dma_wait3A_43] : memref<128x128xf32, #tpu.memory_space<vmem>> -> memref<8x128xf32, #tpu.memory_space<vmem>>
      %dma_wait3A_45 = arith.constant 0 : i32
      %dma_wait3A_46 = tpu.memref_slice %arg2[%add3A_17, %dma_wait3A_45] : memref<160000x128xf32, #tpu.memory_space<hbm>> -> memref<8x128xf32, #tpu.memory_space<hbm>>
      tpu.wait_dma2 semaphore(%run_scoped3A : memref<!tpu.dma_semaphore, #tpu.memory_space<semaphore_mem>>) src(%dma_wait3A_46 : memref<8x128xf32, #tpu.memory_space<hbm>>) dst(%dma_wait3A_44 : memref<8x128xf32, #tpu.memory_space<vmem>>)
      tpu.yield
    }) : () -> ()
    %add3A_18 = arith.constant 4992 : i32
    %add3A_19 = arith.addi %mul3A_2, %add3A_18 : i32
    "tpu.region"() ({
      %run_scoped3A = tpu.sem_alloc : memref<!tpu.dma_semaphore, #tpu.memory_space<semaphore_mem>>
      %dma_start3A = arith.constant 0 : i32
      %dma_start3A_29 = arith.constant 0 : i32
      %dma_start3A_30 = tpu.memref_slice %arg11[%dma_start3A, %dma_start3A_29] : memref<128x16xf32, #tpu.memory_space<vmem>> -> memref<8x16xf32, #tpu.memory_space<vmem>>
      %dma_start3A_31 = arith.constant 0 : i32
      %dma_start3A_32 = tpu.memref_slice %arg3[%add3A_19, %dma_start3A_31] : memref<160000x16xf32, #tpu.memory_space<hbm>> -> memref<8x16xf32, #tpu.memory_space<hbm>>
      %dma_start3A_33 = arith.constant 0 : i32
      %dma_start3A_34 = arith.constant 0 : i32
      %dma_start3A_35 = tpu.memref_slice %arg11[%dma_start3A_33, %dma_start3A_34] : memref<128x16xf32, #tpu.memory_space<vmem>> -> memref<8x16xf32, #tpu.memory_space<vmem>>
      %dma_start3A_36 = arith.constant 0 : i32
      %dma_start3A_37 = tpu.memref_slice %arg3[%add3A_19, %dma_start3A_36] : memref<160000x16xf32, #tpu.memory_space<hbm>> -> memref<8x16xf32, #tpu.memory_space<hbm>>
      tpu.enqueue_dma source(%dma_start3A_37 : memref<8x16xf32, #tpu.memory_space<hbm>>) target(%dma_start3A_35 : memref<8x16xf32, #tpu.memory_space<vmem>>) target_semaphore(%run_scoped3A : memref<!tpu.dma_semaphore, #tpu.memory_space<semaphore_mem>>)
      %dma_wait3A = arith.constant 0 : i32
      %dma_wait3A_38 = arith.constant 0 : i32
      %dma_wait3A_39 = tpu.memref_slice %arg11[%dma_wait3A, %dma_wait3A_38] : memref<128x16xf32, #tpu.memory_space<vmem>> -> memref<8x16xf32, #tpu.memory_space<vmem>>
      %dma_wait3A_40 = arith.constant 0 : i32
      %dma_wait3A_41 = tpu.memref_slice %arg3[%add3A_19, %dma_wait3A_40] : memref<160000x16xf32, #tpu.memory_space<hbm>> -> memref<8x16xf32, #tpu.memory_space<hbm>>
      %dma_wait3A_42 = arith.constant 0 : i32
      %dma_wait3A_43 = arith.constant 0 : i32
      %dma_wait3A_44 = tpu.memref_slice %arg11[%dma_wait3A_42, %dma_wait3A_43] : memref<128x16xf32, #tpu.memory_space<vmem>> -> memref<8x16xf32, #tpu.memory_space<vmem>>
      %dma_wait3A_45 = arith.constant 0 : i32
      %dma_wait3A_46 = tpu.memref_slice %arg3[%add3A_19, %dma_wait3A_45] : memref<160000x16xf32, #tpu.memory_space<hbm>> -> memref<8x16xf32, #tpu.memory_space<hbm>>
      tpu.wait_dma2 semaphore(%run_scoped3A : memref<!tpu.dma_semaphore, #tpu.memory_space<semaphore_mem>>) src(%dma_wait3A_46 : memref<8x16xf32, #tpu.memory_space<hbm>>) dst(%dma_wait3A_44 : memref<8x16xf32, #tpu.memory_space<vmem>>)
      tpu.yield
    }) : () -> ()
    "tpu.region"() ({
      %run_scoped3A = tpu.sem_alloc : memref<!tpu.dma_semaphore, #tpu.memory_space<semaphore_mem>>
      %dma_start3A = arith.constant 0 : i32
      %dma_start3A_29 = arith.constant 0 : i32
      %dma_start3A_30 = tpu.memref_slice %arg10[%dma_start3A, %dma_start3A_29] : memref<128x128xf32, #tpu.memory_space<vmem>> -> memref<8x128xf32, #tpu.memory_space<vmem>>
      %dma_start3A_31 = arith.constant 4992 : i32
      %dma_start3A_32 = tpu.memref_slice %arg9[%dma_start3A_31] : memref<5000xi32, #tpu.memory_space<vmem>> -> memref<8xi32, #tpu.memory_space<vmem>>
      %dma_start3A_33 = arith.constant 0 : i32
      %dma_start3A_34 = arith.constant 0 : i32
      %dma_start3A_35 = tpu.memref_slice %arg12[%dma_start3A_33, %dma_start3A_34] : memref<10000x128xf32, #tpu.memory_space<vmem_shared>> -> memref<10000x128xf32, #tpu.memory_space<vmem_shared>>
      tpu.enqueue_indirect_dma source(%dma_start3A_30 : memref<8x128xf32, #tpu.memory_space<vmem>>) target(%dma_start3A_35 : memref<10000x128xf32, #tpu.memory_space<vmem_shared>>) offsets(%dma_start3A_32 : memref<8xi32, #tpu.memory_space<vmem>>) semaphore(%run_scoped3A : memref<!tpu.dma_semaphore, #tpu.memory_space<semaphore_mem>>) {add = true}
      %dma_wait3A = arith.constant 0 : i32
      %dma_wait3A_36 = arith.constant 0 : i32
      %dma_wait3A_37 = tpu.memref_slice %arg10[%dma_wait3A, %dma_wait3A_36] : memref<128x128xf32, #tpu.memory_space<vmem>> -> memref<8x128xf32, #tpu.memory_space<vmem>>
      %dma_wait3A_38 = arith.constant 4992 : i32
      %dma_wait3A_39 = tpu.memref_slice %arg9[%dma_wait3A_38] : memref<5000xi32, #tpu.memory_space<vmem>> -> memref<8xi32, #tpu.memory_space<vmem>>
      %dma_wait3A_40 = arith.constant 0 : i32
      %dma_wait3A_41 = arith.constant 0 : i32
      %dma_wait3A_42 = tpu.memref_slice %arg12[%dma_wait3A_40, %dma_wait3A_41] : memref<10000x128xf32, #tpu.memory_space<vmem_shared>> -> memref<10000x128xf32, #tpu.memory_space<vmem_shared>>
      tpu.wait_indirect_dma semaphore(%run_scoped3A : memref<!tpu.dma_semaphore, #tpu.memory_space<semaphore_mem>>) src(%dma_wait3A_37 : memref<8x128xf32, #tpu.memory_space<vmem>>) dst(%dma_wait3A_42 : memref<10000x128xf32, #tpu.memory_space<vmem_shared>>)
      tpu.yield
    }) : () -> ()
    "tpu.region"() ({
      %run_scoped3A = tpu.sem_alloc : memref<!tpu.dma_semaphore, #tpu.memory_space<semaphore_mem>>
      %dma_start3A = arith.constant 0 : i32
      %dma_start3A_29 = arith.constant 0 : i32
      %dma_start3A_30 = tpu.memref_slice %arg11[%dma_start3A, %dma_start3A_29] : memref<128x16xf32, #tpu.memory_space<vmem>> -> memref<8x16xf32, #tpu.memory_space<vmem>>
      %dma_start3A_31 = arith.constant 4992 : i32
      %dma_start3A_32 = tpu.memref_slice %arg9[%dma_start3A_31] : memref<5000xi32, #tpu.memory_space<vmem>> -> memref<8xi32, #tpu.memory_space<vmem>>
      %dma_start3A_33 = arith.constant 0 : i32
      %dma_start3A_34 = arith.constant 0 : i32
      %dma_start3A_35 = tpu.memref_slice %arg13[%dma_start3A_33, %dma_start3A_34] : memref<10000x16xf32, #tpu.memory_space<vmem_shared>> -> memref<10000x16xf32, #tpu.memory_space<vmem_shared>>
      tpu.enqueue_indirect_dma source(%dma_start3A_30 : memref<8x16xf32, #tpu.memory_space<vmem>>) target(%dma_start3A_35 : memref<10000x16xf32, #tpu.memory_space<vmem_shared>>) offsets(%dma_start3A_32 : memref<8xi32, #tpu.memory_space<vmem>>) semaphore(%run_scoped3A : memref<!tpu.dma_semaphore, #tpu.memory_space<semaphore_mem>>) {add = true}
      %dma_wait3A = arith.constant 0 : i32
      %dma_wait3A_36 = arith.constant 0 : i32
      %dma_wait3A_37 = tpu.memref_slice %arg11[%dma_wait3A, %dma_wait3A_36] : memref<128x16xf32, #tpu.memory_space<vmem>> -> memref<8x16xf32, #tpu.memory_space<vmem>>
      %dma_wait3A_38 = arith.constant 4992 : i32
      %dma_wait3A_39 = tpu.memref_slice %arg9[%dma_wait3A_38] : memref<5000xi32, #tpu.memory_space<vmem>> -> memref<8xi32, #tpu.memory_space<vmem>>
      %dma_wait3A_40 = arith.constant 0 : i32
      %dma_wait3A_41 = arith.constant 0 : i32
      %dma_wait3A_42 = tpu.memref_slice %arg13[%dma_wait3A_40, %dma_wait3A_41] : memref<10000x16xf32, #tpu.memory_space<vmem_shared>> -> memref<10000x16xf32, #tpu.memory_space<vmem_shared>>
      tpu.wait_indirect_dma semaphore(%run_scoped3A : memref<!tpu.dma_semaphore, #tpu.memory_space<semaphore_mem>>) src(%dma_wait3A_37 : memref<8x16xf32, #tpu.memory_space<vmem>>) dst(%dma_wait3A_42 : memref<10000x16xf32, #tpu.memory_space<vmem_shared>>)
      tpu.yield
    }) : () -> ()
    %barrier3A_20 = arith.constant 0 : index
    tpu.barrier barrier_id(%barrier3A_20)
    %mul3A_21 = arith.constant 625 : i32
    %mul3A_22 = arith.muli %arg1, %mul3A_21 : i32
    %mul3A_23 = arith.constant 625 : i32
    %mul3A_24 = arith.muli %arg1, %mul3A_23 : i32
    "tpu.region"() ({
      %run_scoped3A = tpu.sem_alloc : memref<!tpu.dma_semaphore, #tpu.memory_space<semaphore_mem>>
      %dma_start3A = arith.constant 0 : i32
      %dma_start3A_29 = arith.constant 0 : i32
      %dma_start3A_30 = tpu.memref_slice %arg7[%arg0, %dma_start3A, %dma_start3A_29] : memref<2x10000x128xf32, #tpu.memory_space<hbm>> -> memref<1x10000x128xf32, #tpu.memory_space<hbm>>
      %dma_start3A_31 = tpu.memref_squeeze %dma_start3A_30 : memref<1x10000x128xf32, #tpu.memory_space<hbm>> -> memref<10000x128xf32, #tpu.memory_space<hbm>>
      %dma_start3A_32 = arith.constant 0 : i32
      %dma_start3A_33 = tpu.memref_slice %dma_start3A_31[%mul3A_24, %dma_start3A_32] : memref<10000x128xf32, #tpu.memory_space<hbm>> -> memref<625x128xf32, #tpu.memory_space<hbm>>
      %dma_start3A_34 = arith.constant 0 : i32
      %dma_start3A_35 = tpu.memref_slice %arg12[%mul3A_22, %dma_start3A_34] : memref<10000x128xf32, #tpu.memory_space<vmem_shared>> -> memref<625x128xf32, #tpu.memory_space<vmem_shared>>
      tpu.enqueue_dma source(%dma_start3A_35 : memref<625x128xf32, #tpu.memory_space<vmem_shared>>) target(%dma_start3A_33 : memref<625x128xf32, #tpu.memory_space<hbm>>) target_semaphore(%run_scoped3A : memref<!tpu.dma_semaphore, #tpu.memory_space<semaphore_mem>>)
      %dma_wait3A = arith.constant 0 : i32
      %dma_wait3A_36 = arith.constant 0 : i32
      %dma_wait3A_37 = tpu.memref_slice %arg7[%arg0, %dma_wait3A, %dma_wait3A_36] : memref<2x10000x128xf32, #tpu.memory_space<hbm>> -> memref<1x10000x128xf32, #tpu.memory_space<hbm>>
      %dma_wait3A_38 = tpu.memref_squeeze %dma_wait3A_37 : memref<1x10000x128xf32, #tpu.memory_space<hbm>> -> memref<10000x128xf32, #tpu.memory_space<hbm>>
      %dma_wait3A_39 = arith.constant 0 : i32
      %dma_wait3A_40 = tpu.memref_slice %dma_wait3A_38[%mul3A_24, %dma_wait3A_39] : memref<10000x128xf32, #tpu.memory_space<hbm>> -> memref<625x128xf32, #tpu.memory_space<hbm>>
      %dma_wait3A_41 = arith.constant 0 : i32
      %dma_wait3A_42 = tpu.memref_slice %arg12[%mul3A_22, %dma_wait3A_41] : memref<10000x128xf32, #tpu.memory_space<vmem_shared>> -> memref<625x128xf32, #tpu.memory_space<vmem_shared>>
      tpu.wait_dma2 semaphore(%run_scoped3A : memref<!tpu.dma_semaphore, #tpu.memory_space<semaphore_mem>>) src(%dma_wait3A_42 : memref<625x128xf32, #tpu.memory_space<vmem_shared>>) dst(%dma_wait3A_40 : memref<625x128xf32, #tpu.memory_space<hbm>>)
      tpu.yield
    }) : () -> ()
    %mul3A_25 = arith.constant 625 : i32
    %mul3A_26 = arith.muli %arg1, %mul3A_25 : i32
    %mul3A_27 = arith.constant 625 : i32
    %mul3A_28 = arith.muli %arg1, %mul3A_27 : i32
    "tpu.region"() ({
      %run_scoped3A = tpu.sem_alloc : memref<!tpu.dma_semaphore, #tpu.memory_space<semaphore_mem>>
      %dma_start3A = arith.constant 0 : i32
      %dma_start3A_29 = arith.constant 0 : i32
      %dma_start3A_30 = tpu.memref_slice %arg8[%arg0, %dma_start3A, %dma_start3A_29] : memref<2x10000x16xf32, #tpu.memory_space<hbm>> -> memref<1x10000x16xf32, #tpu.memory_space<hbm>>
      %dma_start3A_31 = tpu.memref_squeeze %dma_start3A_30 : memref<1x10000x16xf32, #tpu.memory_space<hbm>> -> memref<10000x16xf32, #tpu.memory_space<hbm>>
      %dma_start3A_32 = arith.constant 0 : i32
      %dma_start3A_33 = tpu.memref_slice %dma_start3A_31[%mul3A_28, %dma_start3A_32] : memref<10000x16xf32, #tpu.memory_space<hbm>> -> memref<625x16xf32, #tpu.memory_space<hbm>>
      %dma_start3A_34 = arith.constant 0 : i32
      %dma_start3A_35 = tpu.memref_slice %arg13[%mul3A_26, %dma_start3A_34] : memref<10000x16xf32, #tpu.memory_space<vmem_shared>> -> memref<625x16xf32, #tpu.memory_space<vmem_shared>>
      tpu.enqueue_dma source(%dma_start3A_35 : memref<625x16xf32, #tpu.memory_space<vmem_shared>>) target(%dma_start3A_33 : memref<625x16xf32, #tpu.memory_space<hbm>>) target_semaphore(%run_scoped3A : memref<!tpu.dma_semaphore, #tpu.memory_space<semaphore_mem>>)
      %dma_wait3A = arith.constant 0 : i32
      %dma_wait3A_36 = arith.constant 0 : i32
      %dma_wait3A_37 = tpu.memref_slice %arg8[%arg0, %dma_wait3A, %dma_wait3A_36] : memref<2x10000x16xf32, #tpu.memory_space<hbm>> -> memref<1x10000x16xf32, #tpu.memory_space<hbm>>
      %dma_wait3A_38 = tpu.memref_squeeze %dma_wait3A_37 : memref<1x10000x16xf32, #tpu.memory_space<hbm>> -> memref<10000x16xf32, #tpu.memory_space<hbm>>
      %dma_wait3A_39 = arith.constant 0 : i32
      %dma_wait3A_40 = tpu.memref_slice %dma_wait3A_38[%mul3A_28, %dma_wait3A_39] : memref<10000x16xf32, #tpu.memory_space<hbm>> -> memref<625x16xf32, #tpu.memory_space<hbm>>
      %dma_wait3A_41 = arith.constant 0 : i32
      %dma_wait3A_42 = tpu.memref_slice %arg13[%mul3A_26, %dma_wait3A_41] : memref<10000x16xf32, #tpu.memory_space<vmem_shared>> -> memref<625x16xf32, #tpu.memory_space<vmem_shared>>
      tpu.wait_dma2 semaphore(%run_scoped3A : memref<!tpu.dma_semaphore, #tpu.memory_space<semaphore_mem>>) src(%dma_wait3A_42 : memref<625x16xf32, #tpu.memory_space<vmem_shared>>) dst(%dma_wait3A_40 : memref<625x16xf32, #tpu.memory_space<hbm>>)
      tpu.yield
    }) : () -> ()
    return
  }
}

module attributes {stable_mosaic.version = 14 : i64} {
  func.func @_pre_body(%arg0: i32, %arg1: memref<2000x128xf32, #tpu.memory_space<vmem>>, %arg2: memref<128x128xf32, #tpu.memory_space<vmem>>, %arg3: memref<128x128xf32, #tpu.memory_space<vmem>>, %arg4: memref<2000x128xf32, #tpu.memory_space<vmem>>, %arg5: memref<2000x128xf32, #tpu.memory_space<vmem>>) attributes {dimension_semantics = [#tpu.dimension_semantics<arbitrary>], iteration_bounds = array<i64: 5>, scalar_prefetch = 0 : i64, scratch_operands = 0 : i64, tpu.core_type = #tpu.core_type<tc>, window_params = [{transform_indices = @transform_0, window_bounds = array<i64: 2000, 128>}, {pipeline_mode = #tpu.pipeline_mode<synchronous>, transform_indices = @transform_1, window_bounds = array<i64: 128, 128>}, {pipeline_mode = #tpu.pipeline_mode<synchronous>, transform_indices = @transform_2, window_bounds = array<i64: 128, 128>}, {transform_indices = @transform_3, window_bounds = array<i64: 2000, 128>}, {transform_indices = @transform_4, window_bounds = array<i64: 2000, 128>}]} {
    %get3A = arith.constant 0 : index
    %get3A_0 = arith.constant 0 : index
    %get3A_1 = vector.load %arg1[%get3A, %get3A_0] : memref<2000x128xf32, #tpu.memory_space<vmem>>, vector<2000x128xf32>
    %get3A_2 = arith.constant 0 : index
    %get3A_3 = arith.constant 0 : index
    %get3A_4 = vector.load %arg2[%get3A_2, %get3A_3] : memref<128x128xf32, #tpu.memory_space<vmem>>, vector<128x128xf32>
    %dot_general3A = arith.constant dense<0.000000e+00> : vector<2000x128xf32>
    %dot_general3A_5 = tpu.matmul %get3A_1, %get3A_4, %dot_general3A {dimension_numbers = #tpu.dot_dimension_numbers<[1], [0], [0], [1], [0, 0, 1, 1], [], []>, transpose_lhs_hint = false} : vector<2000x128xf32>, vector<128x128xf32>, vector<2000x128xf32> -> vector<2000x128xf32>
    %swap3A = arith.constant 0 : index
    %swap3A_6 = arith.constant 0 : index
    %swap3A_7 = vector.load %arg4[%swap3A, %swap3A_6] : memref<2000x128xf32, #tpu.memory_space<vmem>>, vector<2000x128xf32>
    tpu.vector_store %arg4[%swap3A, %swap3A_6], %dot_general3A_5 {strides = array<i32>} : memref<2000x128xf32, #tpu.memory_space<vmem>>, vector<2000x128xf32>,
    %get3A_8 = arith.constant 0 : index
    %get3A_9 = arith.constant 0 : index
    %get3A_10 = vector.load %arg3[%get3A_8, %get3A_9] : memref<128x128xf32, #tpu.memory_space<vmem>>, vector<128x128xf32>
    %dot_general3A_11 = arith.constant dense<0.000000e+00> : vector<2000x128xf32>
    %dot_general3A_12 = tpu.matmul %get3A_1, %get3A_10, %dot_general3A_11 {dimension_numbers = #tpu.dot_dimension_numbers<[1], [0], [0], [1], [0, 0, 1, 1], [], []>, transpose_lhs_hint = false} : vector<2000x128xf32>, vector<128x128xf32>, vector<2000x128xf32> -> vector<2000x128xf32>
    %swap3A_13 = arith.constant 0 : index
    %swap3A_14 = arith.constant 0 : index
    %swap3A_15 = vector.load %arg5[%swap3A_13, %swap3A_14] : memref<2000x128xf32, #tpu.memory_space<vmem>>, vector<2000x128xf32>
    tpu.vector_store %arg5[%swap3A_13, %swap3A_14], %dot_general3A_12 {strides = array<i32>} : memref<2000x128xf32, #tpu.memory_space<vmem>>, vector<2000x128xf32>,
    return
  }
  func.func @transform_0(%arg0: i32) -> (i32, i32) {
    %c0_i32 = arith.constant 0 : i32
    %c0_i32_0 = arith.constant 0 : i32
    return %arg0, %c0_i32 : i32, i32
  }
  func.func @transform_1(%arg0: i32) -> (i32, i32) {
    %c0_i32 = arith.constant 0 : i32
    %c0_i32_0 = arith.constant 0 : i32
    %c0_i32_1 = arith.constant 0 : i32
    return %c0_i32, %c0_i32_0 : i32, i32
  }
  func.func @transform_2(%arg0: i32) -> (i32, i32) {
    %c0_i32 = arith.constant 0 : i32
    %c0_i32_0 = arith.constant 0 : i32
    %c0_i32_1 = arith.constant 0 : i32
    return %c0_i32, %c0_i32_0 : i32, i32
  }
  func.func @transform_3(%arg0: i32) -> (i32, i32) {
    %c0_i32 = arith.constant 0 : i32
    %c0_i32_0 = arith.constant 0 : i32
    return %arg0, %c0_i32 : i32, i32
  }
  func.func @transform_4(%arg0: i32) -> (i32, i32) {
    %c0_i32 = arith.constant 0 : i32
    %c0_i32_0 = arith.constant 0 : i32
    return %arg0, %c0_i32 : i32, i32
  }
}

module attributes {stable_mosaic.version = 14 : i64} {
  func.func @_edge_body(%arg0: i32, %arg1: memref<2000x128xf32, #tpu.memory_space<vmem>>, %arg2: memref<2000x128xf32, #tpu.memory_space<vmem>>, %arg3: memref<2000x16xf32, #tpu.memory_space<vmem>>, %arg4: memref<2000x16xf32, #tpu.memory_space<vmem>>, %arg5: memref<128x128xf32, #tpu.memory_space<vmem>>, %arg6: memref<128x128xf32, #tpu.memory_space<vmem>>, %arg7: memref<1x128xf32, #tpu.memory_space<vmem>>, %arg8: memref<1x128xf32, #tpu.memory_space<vmem>>, %arg9: memref<1x128xf32, #tpu.memory_space<vmem>>, %arg10: memref<1x128xf32, #tpu.memory_space<vmem>>, %arg11: memref<1x128xf32, #tpu.memory_space<vmem>>, %arg12: memref<2000x128xf32, #tpu.memory_space<vmem>>, %arg13: memref<2000x16xf32, #tpu.memory_space<vmem>>) attributes {dimension_semantics = [#tpu.dimension_semantics<arbitrary>], iteration_bounds = array<i64: 80>, scalar_prefetch = 0 : i64, scratch_operands = 0 : i64, tpu.core_type = #tpu.core_type<tc>, window_params = [{transform_indices = @transform_0, window_bounds = array<i64: 2000, 128>}, {transform_indices = @transform_1, window_bounds = array<i64: 2000, 128>}, {transform_indices = @transform_2, window_bounds = array<i64: 2000, 16>}, {transform_indices = @transform_3, window_bounds = array<i64: 2000, 16>}, {pipeline_mode = #tpu.pipeline_mode<synchronous>, transform_indices = @transform_4, window_bounds = array<i64: 128, 128>}, {pipeline_mode = #tpu.pipeline_mode<synchronous>, transform_indices = @transform_5, window_bounds = array<i64: 128, 128>}, {pipeline_mode = #tpu.pipeline_mode<synchronous>, transform_indices = @transform_6, window_bounds = array<i64: 1, 128>}, {pipeline_mode = #tpu.pipeline_mode<synchronous>, transform_indices = @transform_7, window_bounds = array<i64: 1, 128>}, {pipeline_mode = #tpu.pipeline_mode<synchronous>, transform_indices = @transform_8, window_bounds = array<i64: 1, 128>}, {pipeline_mode = #tpu.pipeline_mode<synchronous>, transform_indices = @transform_9, window_bounds = array<i64: 1, 128>}, {pipeline_mode = #tpu.pipeline_mode<synchronous>, transform_indices = @transform_10, window_bounds = array<i64: 1, 128>}, {transform_indices = @transform_11, window_bounds = array<i64: 2000, 128>}, {transform_indices = @transform_12, window_bounds = array<i64: 2000, 16>}]} {
    %get3A = arith.constant 0 : index
    %get3A_0 = arith.constant 0 : index
    %get3A_1 = vector.load %arg3[%get3A, %get3A_0] : memref<2000x16xf32, #tpu.memory_space<vmem>>, vector<2000x16xf32>
    %get3A_2 = arith.constant 0 : index
    %get3A_3 = arith.constant 0 : index
    %get3A_4 = vector.load %arg4[%get3A_2, %get3A_3] : memref<2000x16xf32, #tpu.memory_space<vmem>>, vector<2000x16xf32>
    %sub3A = arith.subf %get3A_1, %get3A_4 : vector<2000x16xf32>
    %iota3A = tpu.iota {dimensions = array<i32: 1>} : vector<2000x16xi32>
    %mul3A = arith.mulf %sub3A, %sub3A : vector<2000x16xf32>
    %reduce_sum3A = arith.constant dense<0.000000e+00> : vector<2000xf32>
    %reduce_sum3A_5 = vector.multi_reduction <add>, %mul3A, %reduce_sum3A [1] : vector<2000x16xf32> to vector<2000xf32>
    %broadcast_in_dim3A = vector.shape_cast %reduce_sum3A_5 : vector<2000xf32> to vector<2000x1xf32>
    %get3A_6 = arith.constant 0 : index
    %get3A_7 = arith.constant 0 : index
    %get3A_8 = vector.load %arg1[%get3A_6, %get3A_7] : memref<2000x128xf32, #tpu.memory_space<vmem>>, vector<2000x128xf32>
    %get3A_9 = arith.constant 0 : index
    %get3A_10 = arith.constant 0 : index
    %get3A_11 = vector.load %arg2[%get3A_9, %get3A_10] : memref<2000x128xf32, #tpu.memory_space<vmem>>, vector<2000x128xf32>
    %add3A = arith.addf %get3A_8, %get3A_11 : vector<2000x128xf32>
    %get3A_12 = arith.constant 0 : index
    %get3A_13 = arith.constant 0 : index
    %get3A_14 = vector.load %arg8[%get3A_12, %get3A_13] : memref<1x128xf32, #tpu.memory_space<vmem>>, vector<1x128xf32>
    %mul3A_15 = vector.broadcast %broadcast_in_dim3A : vector<2000x1xf32> to vector<2000x128xf32>
    %mul3A_16 = vector.broadcast %get3A_14 : vector<1x128xf32> to vector<2000x128xf32>
    %mul3A_17 = arith.mulf %mul3A_15, %mul3A_16 : vector<2000x128xf32>
    %add3A_18 = arith.addf %add3A, %mul3A_17 : vector<2000x128xf32>
    %get3A_19 = arith.constant 0 : index
    %get3A_20 = arith.constant 0 : index
    %get3A_21 = vector.load %arg9[%get3A_19, %get3A_20] : memref<1x128xf32, #tpu.memory_space<vmem>>, vector<1x128xf32>
    %add3A_22 = vector.broadcast %get3A_21 : vector<1x128xf32> to vector<2000x128xf32>
    %add3A_23 = arith.addf %add3A_18, %add3A_22 : vector<2000x128xf32>
    %logistic3A = arith.negf %add3A_23 : vector<2000x128xf32>
    %logistic3A_24 = math.exp %logistic3A : vector<2000x128xf32>
    %logistic3A_25 = arith.constant 1.000000e+00 : f32
    %logistic3A_26 = vector.broadcast %logistic3A_25 : f32 to vector<2000x128xf32>
    %logistic3A_27 = arith.addf %logistic3A_26, %logistic3A_24 : vector<2000x128xf32>
    %logistic3A_28 = arith.divf %logistic3A_26, %logistic3A_27 : vector<2000x128xf32>
    %mul3A_29 = arith.mulf %add3A_23, %logistic3A_28 : vector<2000x128xf32>
    %get3A_30 = arith.constant 0 : index
    %get3A_31 = arith.constant 0 : index
    %get3A_32 = vector.load %arg5[%get3A_30, %get3A_31] : memref<128x128xf32, #tpu.memory_space<vmem>>, vector<128x128xf32>
    %dot_general3A = arith.constant dense<0.000000e+00> : vector<2000x128xf32>
    %dot_general3A_33 = tpu.matmul %mul3A_29, %get3A_32, %dot_general3A {dimension_numbers = #tpu.dot_dimension_numbers<[1], [0], [0], [1], [0, 0, 1, 1], [], []>, transpose_lhs_hint = false} : vector<2000x128xf32>, vector<128x128xf32>, vector<2000x128xf32> -> vector<2000x128xf32>
    %get3A_34 = arith.constant 0 : index
    %get3A_35 = arith.constant 0 : index
    %get3A_36 = vector.load %arg10[%get3A_34, %get3A_35] : memref<1x128xf32, #tpu.memory_space<vmem>>, vector<1x128xf32>
    %add3A_37 = vector.broadcast %get3A_36 : vector<1x128xf32> to vector<2000x128xf32>
    %add3A_38 = arith.addf %dot_general3A_33, %add3A_37 : vector<2000x128xf32>
    %logistic3A_39 = arith.negf %add3A_38 : vector<2000x128xf32>
    %logistic3A_40 = math.exp %logistic3A_39 : vector<2000x128xf32>
    %logistic3A_41 = arith.constant 1.000000e+00 : f32
    %logistic3A_42 = vector.broadcast %logistic3A_41 : f32 to vector<2000x128xf32>
    %logistic3A_43 = arith.addf %logistic3A_42, %logistic3A_40 : vector<2000x128xf32>
    %logistic3A_44 = arith.divf %logistic3A_42, %logistic3A_43 : vector<2000x128xf32>
    %mul3A_45 = arith.mulf %add3A_38, %logistic3A_44 : vector<2000x128xf32>
    %get3A_46 = arith.constant 0 : index
    %get3A_47 = arith.constant 0 : index
    %get3A_48 = vector.load %arg6[%get3A_46, %get3A_47] : memref<128x128xf32, #tpu.memory_space<vmem>>, vector<128x128xf32>
    %dot_general3A_49 = arith.constant dense<0.000000e+00> : vector<2000x128xf32>
    %dot_general3A_50 = tpu.matmul %mul3A_45, %get3A_48, %dot_general3A_49 {dimension_numbers = #tpu.dot_dimension_numbers<[1], [0], [0], [1], [0, 0, 1, 1], [], []>, transpose_lhs_hint = false} : vector<2000x128xf32>, vector<128x128xf32>, vector<2000x128xf32> -> vector<2000x128xf32>
    %get3A_51 = arith.constant 0 : index
    %get3A_52 = arith.constant 0 : index
    %get3A_53 = vector.load %arg11[%get3A_51, %get3A_52] : memref<1x128xf32, #tpu.memory_space<vmem>>, vector<1x128xf32>
    %add3A_54 = vector.broadcast %get3A_53 : vector<1x128xf32> to vector<2000x128xf32>
    %add3A_55 = arith.addf %dot_general3A_50, %add3A_54 : vector<2000x128xf32>
    %logistic3A_56 = arith.negf %add3A_55 : vector<2000x128xf32>
    %logistic3A_57 = math.exp %logistic3A_56 : vector<2000x128xf32>
    %logistic3A_58 = arith.constant 1.000000e+00 : f32
    %logistic3A_59 = vector.broadcast %logistic3A_58 : f32 to vector<2000x128xf32>
    %logistic3A_60 = arith.addf %logistic3A_59, %logistic3A_57 : vector<2000x128xf32>
    %logistic3A_61 = arith.divf %logistic3A_59, %logistic3A_60 : vector<2000x128xf32>
    %mul3A_62 = arith.mulf %add3A_55, %logistic3A_61 : vector<2000x128xf32>
    %get3A_63 = arith.constant 0 : index
    %get3A_64 = arith.constant 0 : index
    %get3A_65 = vector.load %arg7[%get3A_63, %get3A_64] : memref<1x128xf32, #tpu.memory_space<vmem>>, vector<1x128xf32>
    %mul3A_66 = vector.broadcast %get3A_65 : vector<1x128xf32> to vector<2000x128xf32>
    %mul3A_67 = arith.mulf %mul3A_62, %mul3A_66 : vector<2000x128xf32>
    %reduce_sum3A_68 = arith.constant dense<0.000000e+00> : vector<2000xf32>
    %reduce_sum3A_69 = vector.multi_reduction <add>, %mul3A_67, %reduce_sum3A_68 [1] : vector<2000x128xf32> to vector<2000xf32>
    %broadcast_in_dim3A_70 = vector.shape_cast %reduce_sum3A_69 : vector<2000xf32> to vector<2000x1xf32>
    %mul3A_71 = vector.broadcast %broadcast_in_dim3A_70 : vector<2000x1xf32> to vector<2000x16xf32>
    %mul3A_72 = arith.mulf %sub3A, %mul3A_71 : vector<2000x16xf32>
    %eq3A = arith.constant 3 : i32
    %eq3A_73 = vector.broadcast %eq3A : i32 to vector<2000x16xi32>
    %eq3A_74 = arith.cmpi eq, %iota3A, %eq3A_73 : vector<2000x16xi32>
    %jit3A = arith.constant 1.000000e+00 : f32
    %broadcast_in_dim3A_75 = vector.broadcast %jit3A : f32 to vector<2000x16xf32>
    %select_n3A = arith.select %eq3A_74, %broadcast_in_dim3A_75, %mul3A_72 : vector<2000x16xi1>, vector<2000x16xf32>
    %swap3A = arith.constant 0 : index
    %swap3A_76 = arith.constant 0 : index
    %swap3A_77 = vector.load %arg13[%swap3A, %swap3A_76] : memref<2000x16xf32, #tpu.memory_space<vmem>>, vector<2000x16xf32>
    tpu.vector_store %arg13[%swap3A, %swap3A_76], %select_n3A {strides = array<i32>} : memref<2000x16xf32, #tpu.memory_space<vmem>>, vector<2000x16xf32>,
    %swap3A_78 = arith.constant 0 : index
    %swap3A_79 = arith.constant 0 : index
    %swap3A_80 = vector.load %arg12[%swap3A_78, %swap3A_79] : memref<2000x128xf32, #tpu.memory_space<vmem>>, vector<2000x128xf32>
    tpu.vector_store %arg12[%swap3A_78, %swap3A_79], %mul3A_45 {strides = array<i32>} : memref<2000x128xf32, #tpu.memory_space<vmem>>, vector<2000x128xf32>,
    return
  }
  func.func @transform_0(%arg0: i32) -> (i32, i32) {
    %c0_i32 = arith.constant 0 : i32
    %c0_i32_0 = arith.constant 0 : i32
    return %arg0, %c0_i32 : i32, i32
  }
  func.func @transform_1(%arg0: i32) -> (i32, i32) {
    %c0_i32 = arith.constant 0 : i32
    %c0_i32_0 = arith.constant 0 : i32
    return %arg0, %c0_i32 : i32, i32
  }
  func.func @transform_2(%arg0: i32) -> (i32, i32) {
    %c0_i32 = arith.constant 0 : i32
    %c0_i32_0 = arith.constant 0 : i32
    return %arg0, %c0_i32 : i32, i32
  }
  func.func @transform_3(%arg0: i32) -> (i32, i32) {
    %c0_i32 = arith.constant 0 : i32
    %c0_i32_0 = arith.constant 0 : i32
    return %arg0, %c0_i32 : i32, i32
  }
  func.func @transform_4(%arg0: i32) -> (i32, i32) {
    %c0_i32 = arith.constant 0 : i32
    %c0_i32_0 = arith.constant 0 : i32
    %c0_i32_1 = arith.constant 0 : i32
    return %c0_i32, %c0_i32_0 : i32, i32
  }
  func.func @transform_5(%arg0: i32) -> (i32, i32) {
    %c0_i32 = arith.constant 0 : i32
    %c0_i32_0 = arith.constant 0 : i32
    %c0_i32_1 = arith.constant 0 : i32
    return %c0_i32, %c0_i32_0 : i32, i32
  }
  func.func @transform_6(%arg0: i32) -> (i32, i32) {
    %c0_i32 = arith.constant 0 : i32
    %c0_i32_0 = arith.constant 0 : i32
    %c0_i32_1 = arith.constant 0 : i32
    return %c0_i32, %c0_i32_0 : i32, i32
  }
  func.func @transform_7(%arg0: i32) -> (i32, i32) {
    %c0_i32 = arith.constant 0 : i32
    %c0_i32_0 = arith.constant 0 : i32
    %c0_i32_1 = arith.constant 0 : i32
    return %c0_i32, %c0_i32_0 : i32, i32
  }
  func.func @transform_8(%arg0: i32) -> (i32, i32) {
    %c0_i32 = arith.constant 0 : i32
    %c0_i32_0 = arith.constant 0 : i32
    %c0_i32_1 = arith.constant 0 : i32
    return %c0_i32, %c0_i32_0 : i32, i32
  }
  func.func @transform_9(%arg0: i32) -> (i32, i32) {
    %c0_i32 = arith.constant 0 : i32
    %c0_i32_0 = arith.constant 0 : i32
    %c0_i32_1 = arith.constant 0 : i32
    return %c0_i32, %c0_i32_0 : i32, i32
  }
  func.func @transform_10(%arg0: i32) -> (i32, i32) {
    %c0_i32 = arith.constant 0 : i32
    %c0_i32_0 = arith.constant 0 : i32
    %c0_i32_1 = arith.constant 0 : i32
    return %c0_i32, %c0_i32_0 : i32, i32
  }
  func.func @transform_11(%arg0: i32) -> (i32, i32) {
    %c0_i32 = arith.constant 0 : i32
    %c0_i32_0 = arith.constant 0 : i32
    return %arg0, %c0_i32 : i32, i32
  }
  func.func @transform_12(%arg0: i32) -> (i32, i32) {
    %c0_i32 = arith.constant 0 : i32
    %c0_i32_0 = arith.constant 0 : i32
    return %arg0, %c0_i32 : i32, i32
  }
}

module attributes {stable_mosaic.version = 14 : i64} {
  func.func @_node_body(%arg0: i32, %arg1: memref<2000x128xf32, #tpu.memory_space<vmem>>, %arg2: memref<2x2000x128xf32, #tpu.memory_space<vmem>>, %arg3: memref<2x2000x16xf32, #tpu.memory_space<vmem>>, %arg4: memref<2000x16xf32, #tpu.memory_space<vmem>>, %arg5: memref<128x128xf32, #tpu.memory_space<vmem>>, %arg6: memref<128x128xf32, #tpu.memory_space<vmem>>, %arg7: memref<128x128xf32, #tpu.memory_space<vmem>>, %arg8: memref<1x128xf32, #tpu.memory_space<vmem>>, %arg9: memref<1x128xf32, #tpu.memory_space<vmem>>, %arg10: memref<2000x128xf32, #tpu.memory_space<vmem>>, %arg11: memref<2000x16xf32, #tpu.memory_space<vmem>>) attributes {dimension_semantics = [#tpu.dimension_semantics<arbitrary>], iteration_bounds = array<i64: 5>, scalar_prefetch = 0 : i64, scratch_operands = 0 : i64, tpu.core_type = #tpu.core_type<tc>, window_params = [{transform_indices = @transform_0, window_bounds = array<i64: 2000, 128>}, {transform_indices = @transform_1, window_bounds = array<i64: 2, 2000, 128>}, {transform_indices = @transform_2, window_bounds = array<i64: 2, 2000, 16>}, {transform_indices = @transform_3, window_bounds = array<i64: 2000, 16>}, {pipeline_mode = #tpu.pipeline_mode<synchronous>, transform_indices = @transform_4, window_bounds = array<i64: 128, 128>}, {pipeline_mode = #tpu.pipeline_mode<synchronous>, transform_indices = @transform_5, window_bounds = array<i64: 128, 128>}, {pipeline_mode = #tpu.pipeline_mode<synchronous>, transform_indices = @transform_6, window_bounds = array<i64: 128, 128>}, {pipeline_mode = #tpu.pipeline_mode<synchronous>, transform_indices = @transform_7, window_bounds = array<i64: 1, 128>}, {pipeline_mode = #tpu.pipeline_mode<synchronous>, transform_indices = @transform_8, window_bounds = array<i64: 1, 128>}, {transform_indices = @transform_9, window_bounds = array<i64: 2000, 128>}, {transform_indices = @transform_10, window_bounds = array<i64: 2000, 16>}]} {
    %get3A = arith.constant 0 : index
    %get3A_0 = arith.constant 0 : index
    %get3A_1 = vector.load %arg1[%get3A, %get3A_0] : memref<2000x128xf32, #tpu.memory_space<vmem>>, vector<2000x128xf32>
    %get3A_2 = arith.constant 0 : index
    %get3A_3 = arith.constant 0 : index
    %get3A_4 = arith.constant 0 : index
    %get3A_5 = vector.load %arg2[%get3A_2, %get3A_3, %get3A_4] : memref<2x2000x128xf32, #tpu.memory_space<vmem>>, vector<2x2000x128xf32>
    %reduce_sum3A = arith.constant dense<0.000000e+00> : vector<2000x128xf32>
    %reduce_sum3A_6 = vector.multi_reduction <add>, %get3A_5, %reduce_sum3A [0] : vector<2x2000x128xf32> to vector<2000x128xf32>
    %get3A_7 = arith.constant 0 : index
    %get3A_8 = arith.constant 0 : index
    %get3A_9 = vector.load %arg5[%get3A_7, %get3A_8] : memref<128x128xf32, #tpu.memory_space<vmem>>, vector<128x128xf32>
    %dot_general3A = arith.constant dense<0.000000e+00> : vector<2000x128xf32>
    %dot_general3A_10 = tpu.matmul %get3A_1, %get3A_9, %dot_general3A {dimension_numbers = #tpu.dot_dimension_numbers<[1], [0], [0], [1], [0, 0, 1, 1], [], []>, transpose_lhs_hint = false} : vector<2000x128xf32>, vector<128x128xf32>, vector<2000x128xf32> -> vector<2000x128xf32>
    %get3A_11 = arith.constant 0 : index
    %get3A_12 = arith.constant 0 : index
    %get3A_13 = vector.load %arg6[%get3A_11, %get3A_12] : memref<128x128xf32, #tpu.memory_space<vmem>>, vector<128x128xf32>
    %dot_general3A_14 = arith.constant dense<0.000000e+00> : vector<2000x128xf32>
    %dot_general3A_15 = tpu.matmul %reduce_sum3A_6, %get3A_13, %dot_general3A_14 {dimension_numbers = #tpu.dot_dimension_numbers<[1], [0], [0], [1], [0, 0, 1, 1], [], []>, transpose_lhs_hint = false} : vector<2000x128xf32>, vector<128x128xf32>, vector<2000x128xf32> -> vector<2000x128xf32>
    %add3A = arith.addf %dot_general3A_10, %dot_general3A_15 : vector<2000x128xf32>
    %get3A_16 = arith.constant 0 : index
    %get3A_17 = arith.constant 0 : index
    %get3A_18 = vector.load %arg8[%get3A_16, %get3A_17] : memref<1x128xf32, #tpu.memory_space<vmem>>, vector<1x128xf32>
    %add3A_19 = vector.broadcast %get3A_18 : vector<1x128xf32> to vector<2000x128xf32>
    %add3A_20 = arith.addf %add3A, %add3A_19 : vector<2000x128xf32>
    %logistic3A = arith.negf %add3A_20 : vector<2000x128xf32>
    %logistic3A_21 = math.exp %logistic3A : vector<2000x128xf32>
    %logistic3A_22 = arith.constant 1.000000e+00 : f32
    %logistic3A_23 = vector.broadcast %logistic3A_22 : f32 to vector<2000x128xf32>
    %logistic3A_24 = arith.addf %logistic3A_23, %logistic3A_21 : vector<2000x128xf32>
    %logistic3A_25 = arith.divf %logistic3A_23, %logistic3A_24 : vector<2000x128xf32>
    %mul3A = arith.mulf %add3A_20, %logistic3A_25 : vector<2000x128xf32>
    %get3A_26 = arith.constant 0 : index
    %get3A_27 = arith.constant 0 : index
    %get3A_28 = vector.load %arg7[%get3A_26, %get3A_27] : memref<128x128xf32, #tpu.memory_space<vmem>>, vector<128x128xf32>
    %dot_general3A_29 = arith.constant dense<0.000000e+00> : vector<2000x128xf32>
    %dot_general3A_30 = tpu.matmul %mul3A, %get3A_28, %dot_general3A_29 {dimension_numbers = #tpu.dot_dimension_numbers<[1], [0], [0], [1], [0, 0, 1, 1], [], []>, transpose_lhs_hint = false} : vector<2000x128xf32>, vector<128x128xf32>, vector<2000x128xf32> -> vector<2000x128xf32>
    %add3A_31 = arith.addf %get3A_1, %dot_general3A_30 : vector<2000x128xf32>
    %get3A_32 = arith.constant 0 : index
    %get3A_33 = arith.constant 0 : index
    %get3A_34 = vector.load %arg9[%get3A_32, %get3A_33] : memref<1x128xf32, #tpu.memory_space<vmem>>, vector<1x128xf32>
    %add3A_35 = vector.broadcast %get3A_34 : vector<1x128xf32> to vector<2000x128xf32>
    %add3A_36 = arith.addf %add3A_31, %add3A_35 : vector<2000x128xf32>
    %swap3A = arith.constant 0 : index
    %swap3A_37 = arith.constant 0 : index
    %swap3A_38 = vector.load %arg10[%swap3A, %swap3A_37] : memref<2000x128xf32, #tpu.memory_space<vmem>>, vector<2000x128xf32>
    tpu.vector_store %arg10[%swap3A, %swap3A_37], %add3A_36 {strides = array<i32>} : memref<2000x128xf32, #tpu.memory_space<vmem>>, vector<2000x128xf32>,
    %get3A_39 = arith.constant 0 : index
    %get3A_40 = arith.constant 0 : index
    %get3A_41 = arith.constant 0 : index
    %get3A_42 = vector.load %arg3[%get3A_39, %get3A_40, %get3A_41] : memref<2x2000x16xf32, #tpu.memory_space<vmem>>, vector<2x2000x16xf32>
    %reduce_sum3A_43 = arith.constant dense<0.000000e+00> : vector<2000x16xf32>
    %reduce_sum3A_44 = vector.multi_reduction <add>, %get3A_42, %reduce_sum3A_43 [0] : vector<2x2000x16xf32> to vector<2000x16xf32>
    %slice3A = vector.extract_strided_slice %reduce_sum3A_44 {offsets = [0, 3], sizes = [2000, 1], strides = [1, 1]} : vector<2000x16xf32> to vector<2000x1xf32>
    %jit3A = arith.constant 1.000000e+00 : f32
    %max3A = vector.broadcast %jit3A : f32 to vector<2000x1xf32>
    %max3A_45 = arith.maximumf %max3A, %slice3A : vector<2000x1xf32>
    %get3A_46 = arith.constant 0 : index
    %get3A_47 = arith.constant 0 : index
    %get3A_48 = vector.load %arg4[%get3A_46, %get3A_47] : memref<2000x16xf32, #tpu.memory_space<vmem>>, vector<2000x16xf32>
    %div3A = vector.broadcast %max3A_45 : vector<2000x1xf32> to vector<2000x16xf32>
    %div3A_49 = arith.divf %reduce_sum3A_44, %div3A : vector<2000x16xf32>
    %add3A_50 = arith.addf %get3A_48, %div3A_49 : vector<2000x16xf32>
    %swap3A_51 = arith.constant 0 : index
    %swap3A_52 = arith.constant 0 : index
    %swap3A_53 = vector.load %arg11[%swap3A_51, %swap3A_52] : memref<2000x16xf32, #tpu.memory_space<vmem>>, vector<2000x16xf32>
    tpu.vector_store %arg11[%swap3A_51, %swap3A_52], %add3A_50 {strides = array<i32>} : memref<2000x16xf32, #tpu.memory_space<vmem>>, vector<2000x16xf32>,
    return
  }
  func.func @transform_0(%arg0: i32) -> (i32, i32) {
    %c0_i32 = arith.constant 0 : i32
    %c0_i32_0 = arith.constant 0 : i32
    return %arg0, %c0_i32 : i32, i32
  }
  func.func @transform_1(%arg0: i32) -> (i32, i32, i32) {
    %c0_i32 = arith.constant 0 : i32
    %c0_i32_0 = arith.constant 0 : i32
    %c0_i32_1 = arith.constant 0 : i32
    return %c0_i32, %arg0, %c0_i32_0 : i32, i32, i32
  }
  func.func @transform_2(%arg0: i32) -> (i32, i32, i32) {
    %c0_i32 = arith.constant 0 : i32
    %c0_i32_0 = arith.constant 0 : i32
    %c0_i32_1 = arith.constant 0 : i32
    return %c0_i32, %arg0, %c0_i32_0 : i32, i32, i32
  }
  func.func @transform_3(%arg0: i32) -> (i32, i32) {
    %c0_i32 = arith.constant 0 : i32
    %c0_i32_0 = arith.constant 0 : i32
    return %arg0, %c0_i32 : i32, i32
  }
  func.func @transform_4(%arg0: i32) -> (i32, i32) {
    %c0_i32 = arith.constant 0 : i32
    %c0_i32_0 = arith.constant 0 : i32
    %c0_i32_1 = arith.constant 0 : i32
    return %c0_i32, %c0_i32_0 : i32, i32
  }
  func.func @transform_5(%arg0: i32) -> (i32, i32) {
    %c0_i32 = arith.constant 0 : i32
    %c0_i32_0 = arith.constant 0 : i32
    %c0_i32_1 = arith.constant 0 : i32
    return %c0_i32, %c0_i32_0 : i32, i32
  }
  func.func @transform_6(%arg0: i32) -> (i32, i32) {
    %c0_i32 = arith.constant 0 : i32
    %c0_i32_0 = arith.constant 0 : i32
    %c0_i32_1 = arith.constant 0 : i32
    return %c0_i32, %c0_i32_0 : i32, i32
  }
  func.func @transform_7(%arg0: i32) -> (i32, i32) {
    %c0_i32 = arith.constant 0 : i32
    %c0_i32_0 = arith.constant 0 : i32
    %c0_i32_1 = arith.constant 0 : i32
    return %c0_i32, %c0_i32_0 : i32, i32
  }
  func.func @transform_8(%arg0: i32) -> (i32, i32) {
    %c0_i32 = arith.constant 0 : i32
    %c0_i32_0 = arith.constant 0 : i32
    %c0_i32_1 = arith.constant 0 : i32
    return %c0_i32, %c0_i32_0 : i32, i32
  }
  func.func @transform_9(%arg0: i32) -> (i32, i32) {
    %c0_i32 = arith.constant 0 : i32
    %c0_i32_0 = arith.constant 0 : i32
    return %arg0, %c0_i32 : i32, i32
  }
  func.func @transform_10(%arg0: i32) -> (i32, i32) {
    %c0_i32 = arith.constant 0 : i32
    %c0_i32_0 = arith.constant 0 : i32
    return %arg0, %c0_i32 : i32, i32
  }
}

</mosaic_0001>

<sc_bundles>
// kernel: kernel.10.cloned.1.call-start
scs
__scs_entry_jumppad:
0x0: {  	(pc) =	sbr.rel $0x88, $3  }
0x1: {  	(tag) =	ssettag $0x0;
	lr =	simm.s32 $0x1  }
0x2: {  	[smem:$0x3F93] =	sst lr;
	_ =	strace $0xD0000000  }
0x3: {  	_ = 	snop  }
0x4: {  	_ = 	snop  }
0x5: {  	_ = 	snop  }
0x6: {  	_ = 	snop  }
0x7: {  	_ = 	snop  }
__scs_overlays_trampoline_lowered:
0x8: {  	[smem:$0x3FA2] =	sst s0  }
0x9: {  	[smem:$0x3FA3] =	sst s1  }
0xa: {  	[smem:$0x3FA4] =	sst s2  }
0xb: {  	[smem:$0x3FA5] =	sst s3  }
0xc: {  	[smem:$0x3FA6] =	sst s4  }
0xd: {  	[smem:$0x3FA7] =	sst s5  }
0xe: {  	[smem:$0x3FA8] =	sst s6  }
0xf: {  	[smem:$0x3FA9] =	sst s7  }
0x10: {  	[smem:$0x3FAA] =	sst s8  }
0x11: {  	[smem:$0x3FAB] =	sst s9;
	s0 =	simm.s32 @!p0 $0x0  }
0x12: {  	s1 =	sld [smem:$0x3F91];
	s0 =	simm.s32 @p0 $0x1  }
0x13: {  	[smem:$0x3FAC] =	sst s0;
	s0 =	simm.s32 @!p1 $0x0  }
0x14: {  	s2 =	sld [smem:$0x3F90];
	s0 =	simm.s32 @p1 $0x1  }
0x15: {  	[smem:$0x3FAD] =	sst s0;
	s0 =	simm.s32 @!p2 $0x0  }
0x16: {  	s3 =	sld [smem:$0x3FDB];
	s0 =	simm.s32 @p2 $0x1  }
0x17: {  	s4 =	simm.s32 $0x1BF5;
	[smem:$0x3FAF] =	sst s0  }
0x18: {  	s0 =	sld [smem:$0x3F92];
	_ =	swait.ge [sflag:s4], $0x0  }
0x19: {  	s7 =	sld [smem:$0x3F93]  }
0x1a: {  	s8 =	sadd.s32 $0xFFFFE003, lr  }
0x1b: {  	s9 =	sadd.s32 $0xFFFFFEF7, lr;
	s5 =	simm.s32 $0xFFFFFFFF;
	p2 =	slt.u32 s8, $0xFFFFF086  }
0x1c: {  	p1 =	slt.u32 s9, $0xF7A;
	s5 =	simm.s32 @!p2 $0x0  }
0x1d: {  	s5 =	simm.s32 @p1 $0x1;
	p0 =	seq.s32 s7, s2  }
0x1e: {  	s7 =	smul.u32 @!p0 $0xF7A, s2;
	p2 =	seq.s32 @!p0 s5, $0x0  }
0x1f: {  	s9 =	smul.u32 $0xF7A, s1;
	s8 =	simm.s32 @!p0 $0x1BF5;
	p2 =	por !p2, p0  }
0x20: {  	[sflag:s8] =	ssyncset.s32 @!p0 $0xFFFFF086;
	s6 =	sadd.s32 @!p0 s3, s7;
	s7 =	simm.s32 @!p0 $0x108  }
0x21: {  	s3 =	sadd.s32 s3, s9;
	s6 =	sadd.s32 @!p0 $0x88, s6;
	s7 =	simm.s32 @p2 $0x1082  }
0x22: {  	[simem:s7], [sflag:s8] =	dma.local @!p0 [hbm:s6], $0xF7A  }
0x23: {  	s9 =	sor.u32 $0xD0000000, s2;
	s6 =	simm.s32 $0x108;
	_ =	swait.ge @!p0 [sflag:s8], $0x0  }
0x24: {  	s3 =	sadd.s32 $0x88, s3;
	s6 =	simm.s32 @!p1 $0x1082;
	[sflag:s4] =	ssyncset.s32 $0xFFFFF086  }
0x25: {  	[simem:s6], [sflag:s4] =	dma.local [hbm:s3], $0xF7A  }
0x26: {  	[smem:$0x3F93] =	sst s1;
	(tag) =	ssettag s2;
	_ =	strace s9  }
0x27: {  	s1 =	sld [smem:$0x3FA3]  }
0x28: {  	s2 =	sld [smem:$0x3FA4]  }
0x29: {  	s4 =	sld [smem:$0x3FA6]  }
0x2a: {  	p0 =	seq.s32 s5, $0x0;
	s5 =	sld [smem:$0x3FA7]  }
0x2b: {  	s6 =	sld [smem:$0x3FA8]  }
0x2c: {  	s7 =	sld [smem:$0x3FA9]  }
0x2d: {  	s3 =	simm.s32 $0x108;
	s8 =	sld [smem:$0x3FAA]  }
0x2e: {  	s3 =	simm.s32 @!p0 $0x1082;
	s9 =	sld [smem:$0x3FAB]  }
0x2f: {  	lr =	sadd.s32 s0, s3;
	s0 =	sld [smem:$0x3FA2]  }
0x30: {  	s3 =	sld [smem:$0x3FA5]  }
0x31: {  	[smem:$0x3FAE] =	sst s10  }
0x32: {  	s10 =	sld [smem:$0x3FAC];
	_ =	sdelay $0x3  }
0x33: {  	p0 =	seq.s32 s10, $0x1;
	s10 =	sld [smem:$0x3FAE];
	_ =	sdelay $0x3  }
0x34: {  	[smem:$0x3FAE] =	sst s10  }
0x35: {  	s10 =	sld [smem:$0x3FAD];
	_ =	sdelay $0x3  }
0x36: {  	p1 =	seq.s32 s10, $0x1;
	s10 =	sld [smem:$0x3FAE];
	_ =	sdelay $0x3  }
0x37: {  	[smem:$0x3FAE] =	sst s10  }
0x38: {  	s10 =	sld [smem:$0x3FAF]  }
0x39: {  	_ = 	snop;
	(pc) =	sbr.ind lr, $3  }
0x3a: {  	_ = 	snop  }
0x3b: {  	_ = 	snop  }
0x3c: {  	p2 =	seq.s32 s10, $0x1;
	s10 =	sld [smem:$0x3FAE]  }
0x3d: {  	_ =	shalt  }
0x3e: {  	_ =	shalt  }
0x3f: {  	_ =	shalt  }
0x40: {  	_ =	shalt  }
0x41: {  	_ =	shalt  }
0x42: {  	_ =	shalt  }
0x43: {  	_ =	shalt  }
0x44: {  	_ =	shalt  }
0x45: {  	_ =	shalt  }
0x46: {  	_ =	shalt  }
0x47: {  	_ =	shalt  }
0x48: {  	_ =	shalt  }
0x49: {  	_ =	shalt  }
0x4a: {  	_ =	shalt  }
0x4b: {  	_ =	shalt  }
0x4c: {  	_ =	shalt  }
0x4d: {  	_ =	shalt  }
0x4e: {  	_ =	shalt  }
0x4f: {  	_ =	shalt  }
0x50: {  	_ =	shalt  }
0x51: {  	_ =	shalt  }
0x52: {  	_ =	shalt  }
0x53: {  	_ =	shalt  }
0x54: {  	_ =	shalt  }
0x55: {  	_ =	shalt  }
0x56: {  	_ =	shalt  }
0x57: {  	_ =	shalt  }
0x58: {  	_ =	shalt  }
0x59: {  	_ =	shalt  }
0x5a: {  	_ =	shalt  }
0x5b: {  	_ =	shalt  }
0x5c: {  	_ =	shalt  }
0x5d: {  	_ =	shalt  }
0x5e: {  	_ =	shalt  }
0x5f: {  	_ =	shalt  }
0x60: {  	_ =	shalt  }
0x61: {  	_ =	shalt  }
0x62: {  	_ =	shalt  }
0x63: {  	_ =	shalt  }
0x64: {  	_ =	shalt  }
0x65: {  	_ =	shalt  }
0x66: {  	_ =	shalt  }
0x67: {  	_ =	shalt  }
0x68: {  	_ =	shalt  }
0x69: {  	_ =	shalt  }
0x6a: {  	_ =	shalt  }
0x6b: {  	_ =	shalt  }
0x6c: {  	_ =	shalt  }
0x6d: {  	_ =	shalt  }
0x6e: {  	_ =	shalt  }
0x6f: {  	_ =	shalt  }
0x70: {  	_ =	shalt  }
0x71: {  	_ =	shalt  }
0x72: {  	_ =	shalt  }
0x73: {  	_ =	shalt  }
0x74: {  	_ =	shalt  }
0x75: {  	_ =	shalt  }
0x76: {  	_ =	shalt  }
0x77: {  	_ =	shalt  }
0x78: {  	_ =	shalt  }
0x79: {  	_ =	shalt  }
0x7a: {  	_ =	shalt  }
0x7b: {  	_ =	shalt  }
0x7c: {  	_ =	shalt  }
0x7d: {  	_ =	shalt  }
0x7e: {  	_ =	shalt  }
0x7f: {  	_ =	shalt  }
0x80: {  	_ =	shalt  }
0x81: {  	_ =	shalt  }
0x82: {  	_ =	shalt  }
0x83: {  	_ =	shalt  }
0x84: {  	_ =	shalt  }
0x85: {  	_ =	shalt  }
0x86: {  	_ =	shalt  }
0x87: {  	_ =	shalt  }
.Lfunc_end0:
.L_simem_size_0:
called_computation_lowered:
.L_overlay_start_0:
0x88: {  	s2 =	sld [smem:$0x3FD9]  }
0x89: {  	s3 =	sld [smem:$0x3FFE];
	_ =	sdelay $0x1  }
0x8a: {  	s1 =	srdreg.scid  }
0x8b: {  	s0 =	sand.u32 $0x1, s1  }
0x8c: {  	s14 =	sshll.u32 s0, $0xA;
	s2 =	sadd.s32 s3, s2  }
0x8d: {  	s2 =	sadd.s32 s2, s14  }
0x8e: {  	[smem:$0x3FBA] =	sst s2  }
0x8f: {  	_ = 	snop  }
0x90: {  	s2 =	sld [smem:$0x3FD0];
	_ =	sdelay $0x2  }
0x91: {  	s15 =	simm.s32 $0xB;
	s4 =	simm.s32 $0x10  }
0x92: {  	[smem:s4], [sflag:s15] =	dma.local [hbm:s2], $0x1  }
0x93: {  	_ =	swait.eq [sflag:s15], $0x1  }
0x94: {  	[sflag:s15] =	ssyncset.done $0x0  }
0x95: {  	[sflag:s15] =	ssyncadd.s32 $0xFFFFFFFF  }
0x96: {  	s16 =	sld [smem:$0x10];
	(tm) =	ssettm $0x1  }
0x97: {  	s17 =	sld [smem:$0x3FFB];
	_ =	sdelay $0x3  }
0x98: {  	_ =	strace s17  }
0x99: {  	s3 =	sld [smem:$0x3FFC];
	_ =	sdelay $0x3  }
0x9a: {  	_ =	strace s3  }
0x9b: {  	s3 =	sld [smem:$0x3FFD];
	_ =	sdelay $0x3  }
0x9c: {  	_ =	strace s3  }
0x9d: {  	_ =	strace $0x8FFFFFFF  }
0x9e: {  	s18 =	sld [smem:$0x3FDB];
	_ =	sdelay $0x1  }
0x9f: {  	s19 =	simm.s32 $_scs_section_size  }
0xa0: {  	s5 =	simm.s32 $_size__tile_overlayer_lowered;
	s6 =	simm.s32 $_tile_overlayer_lowered  }
0xa1: {  	s22 =	simm.s32 $0x1BFF;
	s21 =	sshll.u32 s6, $0x1;
	s3 =	sadd.s32 s19, s18  }
0xa2: {  	s7 =	simm.s32 $0x0;
	s20 =	sshll.u32 s5, $0x1;
	s5 =	sadd.s32 s21, s3  }
0xa3: {  	[timem:s7], [sflag:s22] =	dma.local [hbm:s5], s20  }
0xa4: {  	_ =	swait.ge [sflag:s22], s20  }
0xa5: {  	s4 =	ssub.s32 $0x0, s20;
	[sflag:s22] =	ssyncset.done $0x0  }
0xa6: {  	[sflag:s22] =	ssyncadd.s32 s4;
	_ =	sdelay $0x1  }
0xa7: {  	s23 =	simm.s32 $0x1B8B  }
0xa8: {  	_ =	swait.ge [sflag:s23], $0x1  }
0xa9: {  	[sflag:s23] =	ssyncset.done $0x0  }
0xaa: {  	s25 =	simm.s32 $0x1B8E;
	s24 =	sld [smem:$0x3FFE];
	[sflag:s23] =	ssyncadd.s32 $0xFFFFFFFF  }
0xab: {  	s26 =	simm.s32 $execute0_lowered;
	[smem:$0x3FD2] =	sst s25  }
0xac: {  	s5 =	sshll.u32 s26, $0x1;
	_ =	strace $0x80000046;
	[dreg:$0x1] =	wrdreg $0xFFFFFFFF  }
0xad: {  	s28 =	simm.s32 $_size_execute0_lowered;
	s3 =	sadd.s32 s3, s5;
	[dreg:$0x0] =	wrdreg $0x0  }
0xae: {  	s5 =	sshll.u32 s28, $0x1;
	[dreg:$0x2] =	wrdreg s3  }
0xaf: {  	[dreg:$0x3] =	wrdreg s5  }
0xb0: {  	[dreg:$0x4] =	wrdreg $0xC0  }
0xb1: {  	_ =	task [dreg:s7], $0x5FFFF  }
0xb2: {  	[dreg:$0x1] =	wrdreg $0xFFFFFFFF  }
0xb3: {  	[dreg:$0x0] =	wrdreg $0x60  }
0xb4: {  	[dreg:$0x2] =	wrdreg s16  }
0xb5: {  	[dreg:$0x3] =	wrdreg s24  }
0xb6: {  	[dreg:$0x4] =	wrdreg $0xA  }
0xb7: {  	_ =	task.clear_ibuf [dreg:s7], $0x5FFFF;
	_ =	strace $0x90000046  }
0xb8: {  	s29 =	simm.s32 $0xA;
	_ =	strace $0x80000048  }
0xb9: {  	_ =	swait.ge [sflag:s29], $0x1  }
0xba: {  	[sflag:s29] =	ssyncadd.s32 $0xFFFFFFFF  }
0xbb: {  	_ =	strace $0x90000048  }
0xbc: {  	_ =	sfence  }
0xbd: {  	s30 =	sld [smem:$0x0];
	_ =	sdelay $0x2  }
0xbe: {  	s31 =	sshll.u32 s1, $0xD;
	s1 =	sshrl.u32 s1, $0x2  }
0xbf: {  	s3 =	sand.u32 $0x4000, s31;
	s1 =	sadd.s32 s1, s30  }
0xc0: {  	s0 =	sor.u32 s3, s0;
	s1 =	sshll.u32 s1, $0x11  }
0xc1: {  	s0 =	sor.u32 s1, s0  }
0xc2: {  	s0 =	sadd.s32 $0x8F2B, s0  }
0xc3: {  	[sflag:s0] =	ssyncadd.remote.s32 $0x1  }
0xc4: {  	_ =	sfence.sel $0xFFFF  }
0xc5: {  	[dreg:$0x0] =	wrdreg $0xFFFFFFFF;
	(pc) =	sbr.abs _section_cstart, $3  }
0xc6: {  	[dreg:$0x1] =	wrdreg $0xFFFFFFFF  }
0xc7: {  	_ =	task.clear_ibuf [dreg:s7], $0x2FFFF;
	_ =	strace $0x9FFFFFFF  }
0xc8: {  	(tm) =	ssettm $0x7FFFFFFF  }
0xc9: {  	_ =	shalt  }
tec
execute0_lowered:
.L_overlay_start_1:
0x0: {  	(tag) =	ssettag $0x1  }
0x1: {  	s0 =	srdreg.scid;
	s1 =	rddreg [dreg:$0x1]  }
0x2: {  	s15 =	stileid.u32;
	s3 =	simm.s32 $0x0;
	s29 =	simm.s32 $0x13F10  }
0x3: {  	s31 =	simm.s32 $0x4;
	s28 =	simm.s32 $0x13710;
	s30 =	simm.s32 $0x6710  }
0x4: {  	s0 =	sand.u32 $0x1, s0;
	[smem:$0x7FF] =	sst s3;
	s23 =	smul.u32 $0x2710, s15  }
0x5: {  	s4 =	sadd.s32 $0x3C800, s1;
	s5 =	sadd.s32 $0x2D800, s1;
	s26 =	smul.u32 $0x1388, s15  }
0x6: {  	s7 =	sadd.s32 $0xFFE00, s1;
	s2 =	sshll.u32 s0, $0x4;
	s21 =	smul.u32 $0x27100, s0  }
0x7: {  	s9 =	sadd.s32 $0x370E00, s1;
	s14 =	smul.u32 $0x13880, s0;
	s2 =	sor.u32 s15, s2  }
0x8: {  	s10 =	sadd.s32 $0xB1C00, s1;
	s8 =	ssub.s32 $0x2, s0;
	s2 =	smul.u32 $0x1388, s2  }
0x9: {  	_ =	strace $0x80000047;
	s0 =	smul.u32 $0x138800, s0;
	s11 =	sshrl.u32 s8, $0x1  }
0xa: {  	s8 =	ssub.s32 s8, s11;
	s16 =	sadd.s32 s21, s10;
	s6 =	sshrl.u32 s2, $0x3  }
0xb: {  	s17 =	sadd.s32 $0x1300, s2;
	s2 =	sadd.s32 $0x1380, s2;
	s6 =	sadd.s32 s6, s1  }
0xc: {  	s1 =	sadd.s32 $0x63A00, s1;
	s18 =	sshll.u32 s17, $0x4;
	s20 =	sshll.u32 s17, $0x1  }
0xd: {  	s22 =	sshll.u32 s2, $0x4;
	s17 =	smul.u32 $0x13880, s15;
	s12 =	sadd.s32 $0x37800, s6  }
0xe: {  	s2 =	sshll.u32 s2, $0x1;
	s6 =	sadd.s32 $0x32800, s6;
	[dreg:$0xb] =	wrdreg s12  }
0xf: {  	s15 =	simm.s32 $0x10;
	s19 =	sadd.s32 s7, s18;
	[dreg:$0xc] =	wrdreg s6  }
0x10: {  	s11 =	sadd.s32 s10, s20;
	s13 =	sadd.s32 s7, s22;
	[dreg:$0xd] =	wrdreg s19  }
0x11: {  	s24 =	sadd.s32 s21, s1;
	s6 =	sadd.s32 s9, s18;
	[dreg:$0xf] =	wrdreg s11  }
0x12: {  	[dreg:$0x11] =	wrdreg s13;
	s25 =	sadd.s32 s23, s24;
	s18 =	sadd.s32 s26, s14  }
0x13: {  	s19 =	sadd.s32 s0, s9;
	s0 =	sadd.s32 s0, s7;
	s26 =	smax.u32 s8, $0x1  }
0x14: {  	s8 =	simm.s32 $0x9;
	s11 =	simm.s32 $0xC;
	[dreg:$0xe] =	wrdreg s6  }
0x15: {  	s13 =	simm.s32 $0xE;
	s14 =	simm.s32 $0xF;
	[dreg:$0x3] =	wrdreg s25  }
0x16: {  	s6 =	sadd.s32 s1, s20;
	s12 =	sadd.s32 $0x80, s18;
	[dreg:$0x15] =	wrdreg s26  }
0x17: {  	s0 =	sadd.s32 s17, s0;
	s18 =	simm.s32 $0x80;
	[dreg:$0x10] =	wrdreg s6  }
0x18: {  	s6 =	sadd.s32 s9, s22;
	s12 =	sshrl.u32 s12, $0x3;
	[dreg:$0x6] =	wrdreg s0  }
0x19: {  	s0 =	simm.s32 $0x5;
	[dreg:$0x12] =	wrdreg s6;
	s6 =	sadd.s32 s23, s16  }
0x1a: {  	s20 =	sshll.u32 s12, $0x4;
	[dreg:$0x4] =	wrdreg s6;
	s6 =	sadd.s32 s17, s19  }
0x1b: {  	s23 =	sshll.u32 s12, $0x7;
	s21 =	sadd.s32 s20, s10;
	[dreg:$0x5] =	wrdreg s6  }
0x1c: {  	s12 =	simm.s32 $0xD;
	s10 =	sadd.s32 s10, s2;
	[dreg:$0x7] =	wrdreg s21  }
0x1d: {  	s16 =	simm.s32 $0x0;
	s22 =	sadd.s32 s20, s1;
	[dreg:$0x13] =	wrdreg s10  }
0x1e: {  	s24 =	sadd.s32 s23, s7;
	s1 =	sadd.s32 s1, s2;
	[dreg:$0x8] =	wrdreg s22  }
0x1f: {  	s25 =	sadd.s32 s23, s9;
	s19 =	simm.s32 $0x6710;
	[dreg:$0x14] =	wrdreg s1  }
0x20: {  	s7 =	simm.s32 $0x8;
	s9 =	simm.s32 $0xA;
	[dreg:$0x9] =	wrdreg s24  }
0x21: {  	[dreg:$0xa] =	wrdreg s25;
	s24 =	simm.s32 $0xE710;
	s25 =	simm.s32 $0x12F10  }
0x22: {  	s1 =	simm.s32 $0x6;
	s6 =	simm.s32 $0x7;
	s10 =	simm.s32 $0xB  }
.LBB2_1:
0x23: {  	[dreg:$0x16] =	wrdreg s16  }
0x24: {  	s2 =	rddreg [dreg:$0xb];
	s22 =	simm.s32 $0x11  }
0x25: {  	[tilespmem:s3], [sflag:$0x11] =	stream.linear.gather [hbm4b:s2+s3], $0x1388, $0x38;
	[tilespmem:$0x14710] =	vst v63  }
0x26: {  	_ =	swait.ge [sflag:s22], $0x1388  }
0x27: {  	[sflag:s22] =	ssyncset.done $0x0  }
0x28: {  	s17 =	simm.s32 $0x1388;
	s23 =	rddreg [dreg:$0xc];
	[sflag:s22] =	ssyncadd.s32 $0xFFFFEC78  }
0x29: {  	[tilespmem:s17], [sflag:$0x11] =	stream.linear.gather [hbm4b:s23+s3], $0x1388, $0x38;
	[tilespmem:$0x14710] =	vst v63  }
0x2a: {  	_ =	swait.ge [sflag:s22], $0x1388  }
0x2b: {  	[sflag:s22] =	ssyncset.done $0x0  }
0x2c: {  	[sflag:s22] =	ssyncadd.s32 $0xFFFFEC78  }
0x2d: {  	s20 =	simm.s32 $0x2710;
	s16 =	rddreg [dreg:$0x0]  }
0x2e: {  	[tilespmem:s20], [sflag:$0x1] =	stream.indirect.gather [hbm4b:s16+s18], $0x80, s3, s18, $0xb8;
	[tilespmem:$0x14710] =	vst v63  }
0x2f: {  	s21 =	simm.s32 $0xA710  }
0x30: {  	[tilespmem:s21], [sflag:$0x2] =	stream.indirect.gather [hbm4b:s4+s18], $0x80, s17, s18, $0xb8;
	[tilespmem:$0x14710] =	vst v63  }
0x31: {  	s22 =	simm.s32 $0x12710  }
0x32: {  	[tilespmem:s22], [sflag:$0x3] =	stream.indirect.gather [hbm4b:s5+s18], $0x10, s3, s18, $0xb8;
	[tilespmem:$0x14710] =	vst v63  }
0x33: {  	s23 =	simm.s32 $0x13710  }
0x34: {  	[tilespmem:s23], [sflag:$0x4] =	stream.indirect.gather [hbm4b:s5+s18], $0x10, s17, s18, $0xb8;
	[tilespmem:$0x14710] =	vst v63  }
0x35: {  	s26 =	simm.s32 $0x80  }
0x36: {  	[tilespmem:s19], [sflag:$0x5] =	stream.indirect.gather [hbm4b:s16+s18], $0x80, s26, s18, $0xb8;
	[tilespmem:$0x14710] =	vst v63  }
0x37: {  	s19 =	simm.s32 $0x1408  }
0x38: {  	[tilespmem:s24], [sflag:$0x6] =	stream.indirect.gather [hbm4b:s4+s18], $0x80, s19, s18, $0xb8;
	[tilespmem:$0x14710] =	vst v63  }
0x39: {  	_ = 	snop  }
0x3a: {  	[tilespmem:s25], [sflag:$0x7] =	stream.indirect.gather [hbm4b:s5+s18], $0x10, s26, s18, $0xb8;
	[tilespmem:$0x14710] =	vst v63  }
0x3b: {  	s26 =	simm.s32 $0x1  }
0x3c: {  	[tilespmem:s29], [sflag:$0x8] =	stream.indirect.gather [hbm4b:s5+s18], $0x10, s19, s18, $0xb8;
	[tilespmem:$0x14710] =	vst v63  }
0x3d: {  	_ =	swait.ge [sflag:s26], $0x4000  }
0x3e: {  	[sflag:s26] =	ssyncset.done $0x0  }
0x3f: {  	s16 =	simm.s32 $0x2;
	[sflag:s26] =	ssyncadd.s32 $0xFFFFC000  }
0x40: {  	_ =	swait.ge [sflag:s16], $0x4000  }
0x41: {  	[sflag:s16] =	ssyncset.done $0x0  }
0x42: {  	s19 =	simm.s32 $0x3;
	[sflag:s16] =	ssyncadd.s32 $0xFFFFC000  }
0x43: {  	_ =	swait.ge [sflag:s19], $0x800  }
0x44: {  	[sflag:s19] =	ssyncset.done $0x0  }
0x45: {  	[sflag:s19] =	ssyncadd.s32 $0xFFFFF800  }
0x46: {  	_ =	swait.ge [sflag:s31], $0x800  }
0x47: {  	s26 =	rddreg [dreg:$0x6];
	[sflag:s31] =	ssyncset.done $0x0  }
0x48: {  	s16 =	rddreg [dreg:$0x5];
	[sflag:s31] =	ssyncadd.s32 $0xFFFFF800;
	s2 =	sadd.s32 $0x0, s26  }
0x49: {  	[hbm4b:s2+s3] =	stream.linear.scatter [tilespmem:s20], [sflag:$0x9], $0x4000, $0x38;
	[tilespmem:$0x14710] =	vst v63  }
0x4a: {  	s19 =	rddreg [dreg:$0x4];
	s16 =	sadd.s32 $0x0, s16  }
0x4b: {  	[hbm4b:s16+s3] =	stream.linear.scatter [tilespmem:s21], [sflag:$0xA], $0x4000, $0x38;
	[tilespmem:$0x14710] =	vst v63  }
0x4c: {  	s20 =	rddreg [dreg:$0x3];
	s21 =	sadd.s32 $0x0, s19  }
0x4d: {  	[hbm4b:s21+s3] =	stream.linear.scatter [tilespmem:s22], [sflag:$0xB], $0x800, $0x38;
	[tilespmem:$0x14710] =	vst v63  }
0x4e: {  	s16 =	sadd.s32 $0x0, s20  }
0x4f: {  	[hbm4b:s16+s3] =	stream.linear.scatter [tilespmem:s23], [sflag:$0xC], $0x800, $0x38;
	[tilespmem:$0x14710] =	vst v63  }
0x50: {  	_ =	swait.ge [sflag:s0], $0x4000  }
0x51: {  	[sflag:s0] =	ssyncset.done $0x0  }
0x52: {  	[sflag:s0] =	ssyncadd.s32 $0xFFFFC000  }
0x53: {  	_ =	swait.ge [sflag:s1], $0x4000  }
0x54: {  	[sflag:s1] =	ssyncset.done $0x0  }
0x55: {  	[sflag:s1] =	ssyncadd.s32 $0xFFFFC000  }
0x56: {  	_ =	swait.ge [sflag:s6], $0x800  }
0x57: {  	[sflag:s6] =	ssyncset.done $0x0  }
0x58: {  	[sflag:s6] =	ssyncadd.s32 $0xFFFFF800  }
0x59: {  	_ =	swait.ge [sflag:s7], $0x800  }
0x5a: {  	s26 =	simm.s32 $0x6710;
	s19 =	rddreg [dreg:$0x9];
	[sflag:s7] =	ssyncset.done $0x0  }
0x5b: {  	s20 =	rddreg [dreg:$0xa];
	[sflag:s7] =	ssyncadd.s32 $0xFFFFF800;
	s2 =	sadd.s32 $0x0, s19  }
0x5c: {  	[hbm4b:s2+s3] =	stream.linear.scatter [tilespmem:s26], [sflag:$0xD], $0x4000, $0x38;
	[tilespmem:$0x14710] =	vst v63  }
0x5d: {  	s21 =	rddreg [dreg:$0x7];
	s22 =	sadd.s32 $0x0, s20  }
0x5e: {  	[hbm4b:s22+s3] =	stream.linear.scatter [tilespmem:s24], [sflag:$0xE], $0x4000, $0x38;
	[tilespmem:$0x14710] =	vst v63  }
0x5f: {  	s23 =	rddreg [dreg:$0x8];
	s24 =	sadd.s32 $0x0, s21  }
0x60: {  	[hbm4b:s24+s3] =	stream.linear.scatter [tilespmem:s25], [sflag:$0xF], $0x800, $0x38;
	[tilespmem:$0x14710] =	vst v63  }
0x61: {  	s26 =	sadd.s32 $0x0, s23  }
0x62: {  	[hbm4b:s26+s3] =	stream.linear.scatter [tilespmem:s29], [sflag:$0x10], $0x800, $0x38;
	[tilespmem:$0x14710] =	vst v63  }
0x63: {  	_ =	swait.ge [sflag:s8], $0x4000  }
0x64: {  	[sflag:s8] =	ssyncset.done $0x0  }
0x65: {  	[sflag:s8] =	ssyncadd.s32 $0xFFFFC000  }
0x66: {  	_ =	swait.ge [sflag:s9], $0x4000  }
0x67: {  	[sflag:s9] =	ssyncset.done $0x0  }
0x68: {  	[sflag:s9] =	ssyncadd.s32 $0xFFFFC000  }
0x69: {  	_ =	swait.ge [sflag:s10], $0x800  }
0x6a: {  	[sflag:s10] =	ssyncset.done $0x0  }
0x6b: {  	[sflag:s10] =	ssyncadd.s32 $0xFFFFF800  }
0x6c: {  	_ =	swait.ge [sflag:s11], $0x800  }
0x6d: {  	[sflag:s11] =	ssyncset.done $0x0  }
0x6e: {  	[sflag:s11] =	ssyncadd.s32 $0xFFFFF800  }
0x6f: {  	_ =	swait.ge [sflag:s12], $0x4000  }
0x70: {  	[sflag:s12] =	ssyncset.done $0x0  }
0x71: {  	[sflag:s12] =	ssyncadd.s32 $0xFFFFC000  }
0x72: {  	_ =	swait.ge [sflag:s13], $0x4000  }
0x73: {  	[sflag:s13] =	ssyncset.done $0x0  }
0x74: {  	[sflag:s13] =	ssyncadd.s32 $0xFFFFC000  }
0x75: {  	_ =	swait.ge [sflag:s14], $0x800  }
0x76: {  	[sflag:s14] =	ssyncset.done $0x0  }
0x77: {  	[sflag:s14] =	ssyncadd.s32 $0xFFFFF800  }
0x78: {  	s16 =	simm.s32 $0x200;
	_ =	swait.ge [sflag:s15], $0x800  }
0x79: {  	s19 =	simm.s32 $0x0;
	s2 =	simm.s32 $0x100;
	[sflag:s15] =	ssyncset.done $0x0  }
.LBB2_2:
0x7a: {  	[sflag:s15] =	ssyncadd.s32 $0xFFFFF800  }
0x7b: {  	s24 =	simm.s32 $0x2710;
	s22 =	rddreg [dreg:$0x0]  }
0x7c: {  	[tilespmem:s24], [sflag:$0x1] =	stream.indirect.gather [hbm4b:s22+s18], $0x80, s2, s18, $0xb8;
	[tilespmem:$0x14710] =	vst v63  }
0x7d: {  	s17 =	sadd.s32 $0x100, s17;
	s25 =	simm.s32 $0xA710  }
0x7e: {  	[tilespmem:s25], [sflag:$0x2] =	stream.indirect.gather [hbm4b:s4+s18], $0x80, s17, s18, $0xb8;
	[tilespmem:$0x14710] =	vst v63  }
0x7f: {  	s26 =	simm.s32 $0x12710  }
0x80: {  	[tilespmem:s26], [sflag:$0x3] =	stream.indirect.gather [hbm4b:s5+s18], $0x10, s2, s18, $0xb8;
	[tilespmem:$0x14710] =	vst v63  }
0x81: {  	_ = 	snop  }
0x82: {  	[tilespmem:s28], [sflag:$0x4] =	stream.indirect.gather [hbm4b:s5+s18], $0x10, s17, s18, $0xb8;
	[tilespmem:$0x14710] =	vst v63  }
0x83: {  	s21 =	sadd.s32 $0x80, s2  }
0x84: {  	[tilespmem:s30], [sflag:$0x5] =	stream.indirect.gather [hbm4b:s22+s18], $0x80, s21, s18, $0xb8;
	[tilespmem:$0x14710] =	vst v63  }
0x85: {  	s23 =	simm.s32 $0xE710;
	s22 =	sadd.s32 $0x80, s17  }
0x86: {  	[tilespmem:s23], [sflag:$0x6] =	stream.indirect.gather [hbm4b:s4+s18], $0x80, s22, s18, $0xb8;
	[tilespmem:$0x14710] =	vst v63  }
0x87: {  	s29 =	simm.s32 $0x12F10  }
0x88: {  	[tilespmem:s29], [sflag:$0x7] =	stream.indirect.gather [hbm4b:s5+s18], $0x10, s21, s18, $0xb8;
	[tilespmem:$0x14710] =	vst v63  }
0x89: {  	s29 =	simm.s32 $0x13F10  }
0x8a: {  	[tilespmem:s29], [sflag:$0x8] =	stream.indirect.gather [hbm4b:s5+s18], $0x10, s22, s18, $0xb8;
	[tilespmem:$0x14710] =	vst v63  }
0x8b: {  	s22 =	simm.s32 $0x1  }
0x8c: {  	_ =	swait.ge [sflag:s22], $0x4000  }
0x8d: {  	[sflag:s22] =	ssyncset.done $0x0  }
0x8e: {  	s23 =	simm.s32 $0x2;
	[sflag:s22] =	ssyncadd.s32 $0xFFFFC000  }
0x8f: {  	_ =	swait.ge [sflag:s23], $0x4000  }
0x90: {  	[sflag:s23] =	ssyncset.done $0x0  }
0x91: {  	s22 =	simm.s32 $0x3;
	[sflag:s23] =	ssyncadd.s32 $0xFFFFC000  }
0x92: {  	_ =	swait.ge [sflag:s22], $0x800  }
0x93: {  	[sflag:s22] =	ssyncset.done $0x0  }
0x94: {  	[sflag:s22] =	ssyncadd.s32 $0xFFFFF800  }
0x95: {  	_ =	swait.ge [sflag:s31], $0x800  }
0x96: {  	s19 =	sadd.s32 $0x1000, s19;
	s23 =	rddreg [dreg:$0x6];
	[sflag:s31] =	ssyncset.done $0x0  }
0x97: {  	s22 =	rddreg [dreg:$0x5];
	[sflag:s31] =	ssyncadd.s32 $0xFFFFF800;
	s21 =	sadd.s32 s19, s23  }
0x98: {  	[hbm4b:s21+s3] =	stream.linear.scatter [tilespmem:s24], [sflag:$0x9], $0x4000, $0x38;
	[tilespmem:$0x14710] =	vst v63  }
0x99: {  	s20 =	smov.u32 s16;
	s23 =	rddreg [dreg:$0x4];
	s21 =	sadd.s32 s19, s22  }
0x9a: {  	[hbm4b:s21+s3] =	stream.linear.scatter [tilespmem:s25], [sflag:$0xA], $0x4000, $0x38;
	[tilespmem:$0x14710] =	vst v63  }
0x9b: {  	s22 =	rddreg [dreg:$0x3];
	s23 =	sadd.s32 s20, s23  }
0x9c: {  	[hbm4b:s23+s3] =	stream.linear.scatter [tilespmem:s26], [sflag:$0xB], $0x800, $0x38;
	[tilespmem:$0x14710] =	vst v63  }
0x9d: {  	s22 =	sadd.s32 s20, s22  }
0x9e: {  	[hbm4b:s22+s3] =	stream.linear.scatter [tilespmem:s28], [sflag:$0xC], $0x800, $0x38;
	[tilespmem:$0x14710] =	vst v63  }
0x9f: {  	_ =	swait.ge [sflag:s0], $0x4000  }
0xa0: {  	[sflag:s0] =	ssyncset.done $0x0  }
0xa1: {  	[sflag:s0] =	ssyncadd.s32 $0xFFFFC000  }
0xa2: {  	_ =	swait.ge [sflag:s1], $0x4000  }
0xa3: {  	[sflag:s1] =	ssyncset.done $0x0  }
0xa4: {  	[sflag:s1] =	ssyncadd.s32 $0xFFFFC000  }
0xa5: {  	_ =	swait.ge [sflag:s6], $0x800  }
0xa6: {  	[sflag:s6] =	ssyncset.done $0x0  }
0xa7: {  	[sflag:s6] =	ssyncadd.s32 $0xFFFFF800  }
0xa8: {  	_ =	swait.ge [sflag:s7], $0x800  }
0xa9: {  	s23 =	rddreg [dreg:$0x9];
	[sflag:s7] =	ssyncset.done $0x0  }
0xaa: {  	s26 =	rddreg [dreg:$0xa];
	[sflag:s7] =	ssyncadd.s32 $0xFFFFF800;
	s21 =	sadd.s32 s19, s23  }
0xab: {  	[hbm4b:s21+s3] =	stream.linear.scatter [tilespmem:s30], [sflag:$0xD], $0x4000, $0x38;
	[tilespmem:$0x14710] =	vst v63  }
0xac: {  	s24 =	simm.s32 $0xE710;
	s23 =	rddreg [dreg:$0x7];
	s26 =	sadd.s32 s19, s26  }
0xad: {  	[hbm4b:s26+s3] =	stream.linear.scatter [tilespmem:s24], [sflag:$0xE], $0x4000, $0x38;
	[tilespmem:$0x14710] =	vst v63  }
0xae: {  	s25 =	simm.s32 $0x12F10;
	s22 =	rddreg [dreg:$0x8];
	s26 =	sadd.s32 s20, s23  }
0xaf: {  	[hbm4b:s26+s3] =	stream.linear.scatter [tilespmem:s25], [sflag:$0xF], $0x800, $0x38;
	[tilespmem:$0x14710] =	vst v63  }
0xb0: {  	s20 =	sadd.s32 s20, s22  }
0xb1: {  	[hbm4b:s20+s3] =	stream.linear.scatter [tilespmem:s29], [sflag:$0x10], $0x800, $0x38;
	[tilespmem:$0x14710] =	vst v63  }
0xb2: {  	_ =	swait.ge [sflag:s8], $0x4000  }
0xb3: {  	[sflag:s8] =	ssyncset.done $0x0  }
0xb4: {  	[sflag:s8] =	ssyncadd.s32 $0xFFFFC000  }
0xb5: {  	_ =	swait.ge [sflag:s9], $0x4000  }
0xb6: {  	[sflag:s9] =	ssyncset.done $0x0  }
0xb7: {  	[sflag:s9] =	ssyncadd.s32 $0xFFFFC000  }
0xb8: {  	_ =	swait.ge [sflag:s10], $0x800  }
0xb9: {  	[sflag:s10] =	ssyncset.done $0x0  }
0xba: {  	[sflag:s10] =	ssyncadd.s32 $0xFFFFF800  }
0xbb: {  	_ =	swait.ge [sflag:s11], $0x800  }
0xbc: {  	[sflag:s11] =	ssyncset.done $0x0  }
0xbd: {  	[sflag:s11] =	ssyncadd.s32 $0xFFFFF800  }
0xbe: {  	_ =	swait.ge [sflag:s12], $0x4000  }
0xbf: {  	[sflag:s12] =	ssyncset.done $0x0  }
0xc0: {  	[sflag:s12] =	ssyncadd.s32 $0xFFFFC000  }
0xc1: {  	_ =	swait.ge [sflag:s13], $0x4000  }
0xc2: {  	[sflag:s13] =	ssyncset.done $0x0  }
0xc3: {  	p0 =	sne.s32 s16, $0x2400;
	[sflag:s13] =	ssyncadd.s32 $0xFFFFC000  }
.Ltmp0:
0xc4: {  	_ =	swait.ge [sflag:s14], $0x800;
	(pc) =	sbr.rel @p0 .LBB2_2-.Ltmp0, $4  }
0xc5: {  	[sflag:s14] =	ssyncset.done $0x0  }
0xc6: {  	[sflag:s14] =	ssyncadd.s32 $0xFFFFF800  }
0xc7: {  	_ =	swait.ge [sflag:s15], $0x800  }
0xc8: {  	s16 =	sadd.s32 $0x200, s16;
	s2 =	sadd.s32 $0x100, s2;
	[sflag:s15] =	ssyncset.done $0x0  }
0xc9: {  	[sflag:s15] =	ssyncadd.s32 $0xFFFFF800  }
0xca: {  	s17 =	simm.s32 $0x2710;
	s16 =	simm.s32 $0x1300;
	s2 =	rddreg [dreg:$0x0]  }
0xcb: {  	[tilespmem:s17], [sflag:$0x1] =	stream.indirect.gather [hbm4b:s2+s18], $0x80, s16, s18, $0xb8;
	[tilespmem:$0x14710] =	vst v63  }
0xcc: {  	s19 =	simm.s32 $0xA710;
	s22 =	simm.s32 $0x2688  }
0xcd: {  	[tilespmem:s19], [sflag:$0x2] =	stream.indirect.gather [hbm4b:s4+s18], $0x80, s22, s18, $0xb8;
	[tilespmem:$0x14710] =	vst v63  }
0xce: {  	s20 =	simm.s32 $0x12710  }
0xcf: {  	[tilespmem:s20], [sflag:$0x3] =	stream.indirect.gather [hbm4b:s5+s18], $0x10, s16, s18, $0xb8;
	[tilespmem:$0x14710] =	vst v63  }
0xd0: {  	s21 =	simm.s32 $0x13710  }
0xd1: {  	[tilespmem:s21], [sflag:$0x4] =	stream.indirect.gather [hbm4b:s5+s18], $0x10, s22, s18, $0xb8;
	[tilespmem:$0x14710] =	vst v63  }
0xd2: {  	s22 =	simm.s32 $0x1  }
0xd3: {  	_ =	swait.ge [sflag:s22], $0x4000  }
0xd4: {  	[sflag:s22] =	ssyncset.done $0x0  }
0xd5: {  	s23 =	simm.s32 $0x2;
	[sflag:s22] =	ssyncadd.s32 $0xFFFFC000  }
0xd6: {  	_ =	swait.ge [sflag:s23], $0x4000  }
0xd7: {  	[sflag:s23] =	ssyncset.done $0x0  }
0xd8: {  	s26 =	simm.s32 $0x3;
	[sflag:s23] =	ssyncadd.s32 $0xFFFFC000  }
0xd9: {  	_ =	swait.ge [sflag:s26], $0x800  }
0xda: {  	[sflag:s26] =	ssyncset.done $0x0  }
0xdb: {  	[sflag:s26] =	ssyncadd.s32 $0xFFFFF800  }
0xdc: {  	_ =	swait.ge [sflag:s31], $0x800  }
0xdd: {  	[sflag:s31] =	ssyncset.done $0x0  }
0xde: {  	s16 =	rddreg [dreg:$0xd];
	[sflag:s31] =	ssyncadd.s32 $0xFFFFF800  }
0xdf: {  	[hbm4b:s16+s3] =	stream.linear.scatter [tilespmem:s17], [sflag:$0x9], $0x4000, $0x38;
	[tilespmem:$0x14710] =	vst v63  }
0xe0: {  	s16 =	rddreg [dreg:$0xe]  }
0xe1: {  	[hbm4b:s16+s3] =	stream.linear.scatter [tilespmem:s19], [sflag:$0xA], $0x4000, $0x38;
	[tilespmem:$0x14710] =	vst v63  }
0xe2: {  	s16 =	rddreg [dreg:$0xf]  }
0xe3: {  	[hbm4b:s16+s3] =	stream.linear.scatter [tilespmem:s20], [sflag:$0xB], $0x800, $0x38;
	[tilespmem:$0x14710] =	vst v63  }
0xe4: {  	s16 =	rddreg [dreg:$0x10]  }
0xe5: {  	[hbm4b:s16+s3] =	stream.linear.scatter [tilespmem:s21], [sflag:$0xC], $0x800, $0x38;
	[tilespmem:$0x14710] =	vst v63  }
0xe6: {  	_ =	swait.ge [sflag:s8], $0x4000  }
0xe7: {  	[sflag:s8] =	ssyncset.done $0x0  }
0xe8: {  	[sflag:s8] =	ssyncadd.s32 $0xFFFFC000  }
0xe9: {  	_ =	swait.ge [sflag:s9], $0x4000  }
0xea: {  	[sflag:s9] =	ssyncset.done $0x0  }
0xeb: {  	[sflag:s9] =	ssyncadd.s32 $0xFFFFC000  }
0xec: {  	_ =	swait.ge [sflag:s10], $0x800  }
0xed: {  	[sflag:s10] =	ssyncset.done $0x0  }
0xee: {  	[sflag:s10] =	ssyncadd.s32 $0xFFFFF800  }
0xef: {  	_ =	swait.ge [sflag:s11], $0x800  }
0xf0: {  	[sflag:s11] =	ssyncset.done $0x0  }
0xf1: {  	s16 =	simm.s32 $0x1380;
	[sflag:s11] =	ssyncadd.s32 $0xFFFFF800  }
0xf2: {  	[tilespmem:s17], [sflag:$0x1] =	stream.indirect.gather [hbm4b:s2+s7], $0x80, s16, s7, $0xb8;
	[tilespmem:$0x14710] =	vst v63  }
0xf3: {  	s2 =	simm.s32 $0x2708  }
0xf4: {  	[tilespmem:s19], [sflag:$0x2] =	stream.indirect.gather [hbm4b:s4+s7], $0x80, s2, s7, $0xb8;
	[tilespmem:$0x14710] =	vst v63  }
0xf5: {  	_ = 	snop  }
0xf6: {  	[tilespmem:s20], [sflag:$0x3] =	stream.indirect.gather [hbm4b:s5+s7], $0x10, s16, s7, $0xb8;
	[tilespmem:$0x14710] =	vst v63  }
0xf7: {  	_ = 	snop  }
0xf8: {  	[tilespmem:s21], [sflag:$0x4] =	stream.indirect.gather [hbm4b:s5+s7], $0x10, s2, s7, $0xb8;
	[tilespmem:$0x14710] =	vst v63  }
0xf9: {  	_ =	swait.ge [sflag:s22], $0x400  }
0xfa: {  	[sflag:s22] =	ssyncset.done $0x0  }
0xfb: {  	[sflag:s22] =	ssyncadd.s32 $0xFFFFFC00  }
0xfc: {  	_ =	swait.ge [sflag:s23], $0x400  }
0xfd: {  	[sflag:s23] =	ssyncset.done $0x0  }
0xfe: {  	[sflag:s23] =	ssyncadd.s32 $0xFFFFFC00  }
0xff: {  	_ =	swait.ge [sflag:s26], $0x80  }
0x100: {  	[sflag:s26] =	ssyncset.done $0x0  }
0x101: {  	[sflag:s26] =	ssyncadd.s32 $0xFFFFFF80  }
0x102: {  	_ =	swait.ge [sflag:s31], $0x80  }
0x103: {  	[sflag:s31] =	ssyncset.done $0x0  }
0x104: {  	s16 =	rddreg [dreg:$0x11];
	[sflag:s31] =	ssyncadd.s32 $0xFFFFFF80  }
0x105: {  	[hbm4b:s16+s3] =	stream.linear.scatter [tilespmem:s17], [sflag:$0x9], $0x400, $0x38;
	[tilespmem:$0x14710] =	vst v63  }
0x106: {  	s17 =	rddreg [dreg:$0x12]  }
0x107: {  	[hbm4b:s17+s3] =	stream.linear.scatter [tilespmem:s19], [sflag:$0xA], $0x400, $0x38;
	[tilespmem:$0x14710] =	vst v63  }
0x108: {  	s19 =	rddreg [dreg:$0x13]  }
0x109: {  	[hbm4b:s19+s3] =	stream.linear.scatter [tilespmem:s20], [sflag:$0xB], $0x80, $0x38;
	[tilespmem:$0x14710] =	vst v63  }
0x10a: {  	s22 =	rddreg [dreg:$0x14]  }
0x10b: {  	[hbm4b:s22+s3] =	stream.linear.scatter [tilespmem:s21], [sflag:$0xC], $0x80, $0x38;
	[tilespmem:$0x14710] =	vst v63  }
0x10c: {  	_ =	swait.ge [sflag:s8], $0x400  }
0x10d: {  	[sflag:s8] =	ssyncset.done $0x0  }
0x10e: {  	[sflag:s8] =	ssyncadd.s32 $0xFFFFFC00  }
0x10f: {  	_ =	swait.ge [sflag:s9], $0x400  }
0x110: {  	[sflag:s9] =	ssyncset.done $0x0  }
0x111: {  	[sflag:s9] =	ssyncadd.s32 $0xFFFFFC00  }
0x112: {  	_ =	swait.ge [sflag:s10], $0x80  }
0x113: {  	[sflag:s10] =	ssyncset.done $0x0  }
0x114: {  	[sflag:s10] =	ssyncadd.s32 $0xFFFFFF80  }
0x115: {  	_ =	swait.ge [sflag:s11], $0x80  }
0x116: {  	s23 =	rddreg [dreg:$0x16]  }
0x117: {  	s26 =	rddreg [dreg:$0x15];
	s16 =	sadd.s32 $0x1, s23  }
0x118: {  	p0 =	sne.s32 s16, s26  }
.Ltmp1:
0x119: {  	_ = 	snop;
	(pc) =	sbr.rel @p0 .LBB2_1-.Ltmp1, $3  }
0x11a: {  	_ =	sdelay $0x1  }
0x11b: {  	[sflag:s11] =	ssyncset.done $0x0  }
0x11c: {  	s19 =	simm.s32 $0x6710;
	[sflag:s11] =	ssyncadd.s32 $0xFFFFFF80  }
0x11d: {  	_ =	sfence.sel $0x180000  }
0x11e: {  	[bflag:$0x0] =	sbarrier.arrive $0xFFFF  }
0x11f: {  	_ =	strace $0x90000047  }
0x120: {  	s0 =	stileid.u32;
	[bflag:$0x2] =	sbarrier.arrive $0xFFFF  }
0x121: {  	p0 =	sne.s32 s0, $0x0;
	s0 =	rddreg [dreg:$0x2]  }
0x122: {  	s0 =	sadd.s32 @!p0 $0x100000, s0  }
0x123: {  	[sflag:s0] =	ssyncadd.tile.s32 @!p0 $0x1;
	_ =	shalt  }
.Lfunc_end2:
_tile_overlayer_lowered:
.L_overlay_start_2:
0x124: {  	(tag) =	ssettag $0x2  }
0x125: {  	s0 =	rddreg [dreg:$0x0];
	s2 =	stileid.u32  }
0x126: {  	s1 =	rddreg [dreg:$0x1];
	p0 =	sne.s32 s2, $0x0  }
0x127: {  	s3 =	rddreg [dreg:$0x2];
	[bflag:$0x3] =	sbarrier.arrive $0xFFFF;
	s2 =	simm.s32 @!p0 $0x1C11  }
0x128: {  	[timem:s3], [sflag:s2] =	dma.local @!p0 [hbm:s0], s1  }
0x129: {  	s0 =	simm.s32 @!p0 $0x11  }
0x12a: {  	_ =	swait.ge @!p0 [sflag:s0], s1  }
0x12b: {  	s1 =	ssub.s32 @!p0 $0x0, s1;
	[sflag:s0] =	ssyncset.done @!p0 $0x0  }
0x12c: {  	[sflag:s0] =	ssyncadd.s32 @!p0 s1  }
0x12d: {  	[bflag:$0x3] =	sbarrier.arrive $0xFFFF  }
0x12e: {  	_ =	shalt  }

// kernel: kernel.13.cloned.1.call-start
scs
__scs_entry_jumppad:
0x0: {  	(pc) =	sbr.rel $0x88, $3  }
0x1: {  	(tag) =	ssettag $0x0;
	lr =	simm.s32 $0x1  }
0x2: {  	[smem:$0x3F93] =	sst lr;
	_ =	strace $0xD0000000  }
0x3: {  	_ = 	snop  }
0x4: {  	_ = 	snop  }
0x5: {  	_ = 	snop  }
0x6: {  	_ = 	snop  }
0x7: {  	_ = 	snop  }
__scs_overlays_trampoline_lowered:
0x8: {  	[smem:$0x3FA2] =	sst s0  }
0x9: {  	[smem:$0x3FA3] =	sst s1  }
0xa: {  	[smem:$0x3FA4] =	sst s2  }
0xb: {  	[smem:$0x3FA5] =	sst s3  }
0xc: {  	[smem:$0x3FA6] =	sst s4  }
0xd: {  	[smem:$0x3FA7] =	sst s5  }
0xe: {  	[smem:$0x3FA8] =	sst s6  }
0xf: {  	[smem:$0x3FA9] =	sst s7  }
0x10: {  	[smem:$0x3FAA] =	sst s8  }
0x11: {  	[smem:$0x3FAB] =	sst s9;
	s0 =	simm.s32 @!p0 $0x0  }
0x12: {  	s1 =	sld [smem:$0x3F91];
	s0 =	simm.s32 @p0 $0x1  }
0x13: {  	[smem:$0x3FAC] =	sst s0;
	s0 =	simm.s32 @!p1 $0x0  }
0x14: {  	s2 =	sld [smem:$0x3F90];
	s0 =	simm.s32 @p1 $0x1  }
0x15: {  	[smem:$0x3FAD] =	sst s0;
	s0 =	simm.s32 @!p2 $0x0  }
0x16: {  	s3 =	sld [smem:$0x3FDB];
	s0 =	simm.s32 @p2 $0x1  }
0x17: {  	s4 =	simm.s32 $0x1BF5;
	[smem:$0x3FAF] =	sst s0  }
0x18: {  	s0 =	sld [smem:$0x3F92];
	_ =	swait.ge [sflag:s4], $0x0  }
0x19: {  	s7 =	sld [smem:$0x3F93]  }
0x1a: {  	s8 =	sadd.s32 $0xFFFFE003, lr  }
0x1b: {  	s9 =	sadd.s32 $0xFFFFFEF7, lr;
	s5 =	simm.s32 $0xFFFFFFFF;
	p2 =	slt.u32 s8, $0xFFFFF086  }
0x1c: {  	p1 =	slt.u32 s9, $0xF7A;
	s5 =	simm.s32 @!p2 $0x0  }
0x1d: {  	s5 =	simm.s32 @p1 $0x1;
	p0 =	seq.s32 s7, s2  }
0x1e: {  	s7 =	smul.u32 @!p0 $0xF7A, s2;
	p2 =	seq.s32 @!p0 s5, $0x0  }
0x1f: {  	s9 =	smul.u32 $0xF7A, s1;
	s8 =	simm.s32 @!p0 $0x1BF5;
	p2 =	por !p2, p0  }
0x20: {  	[sflag:s8] =	ssyncset.s32 @!p0 $0xFFFFF086;
	s6 =	sadd.s32 @!p0 s3, s7;
	s7 =	simm.s32 @!p0 $0x108  }
0x21: {  	s3 =	sadd.s32 s3, s9;
	s6 =	sadd.s32 @!p0 $0x88, s6;
	s7 =	simm.s32 @p2 $0x1082  }
0x22: {  	[simem:s7], [sflag:s8] =	dma.local @!p0 [hbm:s6], $0xF7A  }
0x23: {  	s9 =	sor.u32 $0xD0000000, s2;
	s6 =	simm.s32 $0x108;
	_ =	swait.ge @!p0 [sflag:s8], $0x0  }
0x24: {  	s3 =	sadd.s32 $0x88, s3;
	s6 =	simm.s32 @!p1 $0x1082;
	[sflag:s4] =	ssyncset.s32 $0xFFFFF086  }
0x25: {  	[simem:s6], [sflag:s4] =	dma.local [hbm:s3], $0xF7A  }
0x26: {  	[smem:$0x3F93] =	sst s1;
	(tag) =	ssettag s2;
	_ =	strace s9  }
0x27: {  	s1 =	sld [smem:$0x3FA3]  }
0x28: {  	s2 =	sld [smem:$0x3FA4]  }
0x29: {  	s4 =	sld [smem:$0x3FA6]  }
0x2a: {  	p0 =	seq.s32 s5, $0x0;
	s5 =	sld [smem:$0x3FA7]  }
0x2b: {  	s6 =	sld [smem:$0x3FA8]  }
0x2c: {  	s7 =	sld [smem:$0x3FA9]  }
0x2d: {  	s3 =	simm.s32 $0x108;
	s8 =	sld [smem:$0x3FAA]  }
0x2e: {  	s3 =	simm.s32 @!p0 $0x1082;
	s9 =	sld [smem:$0x3FAB]  }
0x2f: {  	lr =	sadd.s32 s0, s3;
	s0 =	sld [smem:$0x3FA2]  }
0x30: {  	s3 =	sld [smem:$0x3FA5]  }
0x31: {  	[smem:$0x3FAE] =	sst s10  }
0x32: {  	s10 =	sld [smem:$0x3FAC];
	_ =	sdelay $0x3  }
0x33: {  	p0 =	seq.s32 s10, $0x1;
	s10 =	sld [smem:$0x3FAE];
	_ =	sdelay $0x3  }
0x34: {  	[smem:$0x3FAE] =	sst s10  }
0x35: {  	s10 =	sld [smem:$0x3FAD];
	_ =	sdelay $0x3  }
0x36: {  	p1 =	seq.s32 s10, $0x1;
	s10 =	sld [smem:$0x3FAE];
	_ =	sdelay $0x3  }
0x37: {  	[smem:$0x3FAE] =	sst s10  }
0x38: {  	s10 =	sld [smem:$0x3FAF]  }
0x39: {  	_ = 	snop;
	(pc) =	sbr.ind lr, $3  }
0x3a: {  	_ = 	snop  }
0x3b: {  	_ = 	snop  }
0x3c: {  	p2 =	seq.s32 s10, $0x1;
	s10 =	sld [smem:$0x3FAE]  }
0x3d: {  	_ =	shalt  }
0x3e: {  	_ =	shalt  }
0x3f: {  	_ =	shalt  }
0x40: {  	_ =	shalt  }
0x41: {  	_ =	shalt  }
0x42: {  	_ =	shalt  }
0x43: {  	_ =	shalt  }
0x44: {  	_ =	shalt  }
0x45: {  	_ =	shalt  }
0x46: {  	_ =	shalt  }
0x47: {  	_ =	shalt  }
0x48: {  	_ =	shalt  }
0x49: {  	_ =	shalt  }
0x4a: {  	_ =	shalt  }
0x4b: {  	_ =	shalt  }
0x4c: {  	_ =	shalt  }
0x4d: {  	_ =	shalt  }
0x4e: {  	_ =	shalt  }
0x4f: {  	_ =	shalt  }
0x50: {  	_ =	shalt  }
0x51: {  	_ =	shalt  }
0x52: {  	_ =	shalt  }
0x53: {  	_ =	shalt  }
0x54: {  	_ =	shalt  }
0x55: {  	_ =	shalt  }
0x56: {  	_ =	shalt  }
0x57: {  	_ =	shalt  }
0x58: {  	_ =	shalt  }
0x59: {  	_ =	shalt  }
0x5a: {  	_ =	shalt  }
0x5b: {  	_ =	shalt  }
0x5c: {  	_ =	shalt  }
0x5d: {  	_ =	shalt  }
0x5e: {  	_ =	shalt  }
0x5f: {  	_ =	shalt  }
0x60: {  	_ =	shalt  }
0x61: {  	_ =	shalt  }
0x62: {  	_ =	shalt  }
0x63: {  	_ =	shalt  }
0x64: {  	_ =	shalt  }
0x65: {  	_ =	shalt  }
0x66: {  	_ =	shalt  }
0x67: {  	_ =	shalt  }
0x68: {  	_ =	shalt  }
0x69: {  	_ =	shalt  }
0x6a: {  	_ =	shalt  }
0x6b: {  	_ =	shalt  }
0x6c: {  	_ =	shalt  }
0x6d: {  	_ =	shalt  }
0x6e: {  	_ =	shalt  }
0x6f: {  	_ =	shalt  }
0x70: {  	_ =	shalt  }
0x71: {  	_ =	shalt  }
0x72: {  	_ =	shalt  }
0x73: {  	_ =	shalt  }
0x74: {  	_ =	shalt  }
0x75: {  	_ =	shalt  }
0x76: {  	_ =	shalt  }
0x77: {  	_ =	shalt  }
0x78: {  	_ =	shalt  }
0x79: {  	_ =	shalt  }
0x7a: {  	_ =	shalt  }
0x7b: {  	_ =	shalt  }
0x7c: {  	_ =	shalt  }
0x7d: {  	_ =	shalt  }
0x7e: {  	_ =	shalt  }
0x7f: {  	_ =	shalt  }
0x80: {  	_ =	shalt  }
0x81: {  	_ =	shalt  }
0x82: {  	_ =	shalt  }
0x83: {  	_ =	shalt  }
0x84: {  	_ =	shalt  }
0x85: {  	_ =	shalt  }
0x86: {  	_ =	shalt  }
0x87: {  	_ =	shalt  }
.Lfunc_end0:
.L_simem_size_0:
called_computation.1_lowered:
.L_overlay_start_0:
0x88: {  	s2 =	sld [smem:$0x3FD9]  }
0x89: {  	s3 =	sld [smem:$0x3FFE];
	_ =	sdelay $0x1  }
0x8a: {  	s1 =	srdreg.scid  }
0x8b: {  	s0 =	sand.u32 $0x1, s1  }
0x8c: {  	s17 =	sshll.u32 s0, $0xA;
	s2 =	sadd.s32 s3, s2  }
0x8d: {  	s2 =	sadd.s32 s2, s17  }
0x8e: {  	[smem:$0x3FBA] =	sst s2  }
0x8f: {  	_ = 	snop  }
0x90: {  	(tm) =	ssettm $0x1  }
0x91: {  	s18 =	sld [smem:$0x3FFB];
	_ =	sdelay $0x3  }
0x92: {  	_ =	strace s18  }
0x93: {  	s2 =	sld [smem:$0x3FFC];
	_ =	sdelay $0x3  }
0x94: {  	_ =	strace s2  }
0x95: {  	s2 =	sld [smem:$0x3FFD];
	_ =	sdelay $0x3  }
0x96: {  	_ =	strace s2  }
0x97: {  	_ =	strace $0x8FFFFFFF  }
0x98: {  	s19 =	sld [smem:$0x3FDB];
	_ =	sdelay $0x1  }
0x99: {  	s20 =	simm.s32 $_scs_section_size  }
0x9a: {  	s4 =	simm.s32 $_size__tile_overlayer_lowered;
	s5 =	simm.s32 $_tile_overlayer_lowered  }
0x9b: {  	s6 =	simm.s32 $0x1BFF;
	s21 =	sshll.u32 s5, $0x1;
	s3 =	sadd.s32 s20, s19  }
0x9c: {  	s22 =	simm.s32 $0x0;
	s4 =	sshll.u32 s4, $0x1;
	s5 =	sadd.s32 s21, s3  }
0x9d: {  	[timem:s22], [sflag:s6] =	dma.local [hbm:s5], s4  }
0x9e: {  	_ =	swait.ge [sflag:s6], s4  }
0x9f: {  	s4 =	ssub.s32 $0x0, s4;
	[sflag:s6] =	ssyncset.done $0x0  }
0xa0: {  	[sflag:s6] =	ssyncadd.s32 s4;
	_ =	sdelay $0x1  }
0xa1: {  	s23 =	simm.s32 $0x1B8B  }
0xa2: {  	_ =	swait.ge [sflag:s23], $0x1  }
0xa3: {  	[sflag:s23] =	ssyncset.done $0x0  }
0xa4: {  	[sflag:s23] =	ssyncadd.s32 $0xFFFFFFFF  }
0xa5: {  	s4 =	sld [smem:$0x0]  }
0xa6: {  	s5 =	sand.u32 $0xFFFFFFFE, s1  }
0xa7: {  	p0 =	sne.s32 s1, s5  }
0xa8: {  	s5 =	sshll.u32 @p0 s5, $0xE  }
0xa9: {  	s5 =	sadd.s32 @p0 $0x11B8D, s5;
	s6 =	sshll.u32 @p0 s4, $0x11  }
0xaa: {  	s5 =	sor.u32 @p0 s6, s5  }
0xab: {  	[sflag:s5] =	ssyncadd.remote.s32 @p0 $0x1;
	_ =	sdelay $0x1  }
0xac: {  	s5 =	simm.s32 @p0 $0x1B8D  }
0xad: {  	_ =	swait.eq @p0 [sflag:s5], $0x1  }
0xae: {  	[sflag:s5] =	ssyncadd.s32 @p0 $0xFFFFFFFF  }
0xaf: {  	s6 =	sshll.u32 @!p0 s1, $0xE  }
0xb0: {  	s6 =	sor.u32 @!p0 $0x4000, s6;
	s5 =	simm.s32 @!p0 $0x1B8D  }
0xb1: {  	s4 =	sshll.u32 @!p0 s4, $0x11;
	s6 =	sadd.s32 @!p0 $0x11B8D, s6;
	_ =	swait.eq @!p0 [sflag:s5], $0x1  }
0xb2: {  	s4 =	sor.u32 @!p0 s4, s6;
	[sflag:s5] =	ssyncadd.s32 @!p0 $0xFFFFFFFF  }
0xb3: {  	s25 =	simm.s32 $0x1B8E;
	s24 =	sld [smem:$0x3FFE];
	[sflag:s4] =	ssyncadd.remote.s32 @!p0 $0x1  }
0xb4: {  	s26 =	simm.s32 $execute0_lowered;
	[smem:$0x3FD2] =	sst s25  }
0xb5: {  	s5 =	sshll.u32 s26, $0x1;
	_ =	strace $0x8000004C;
	[dreg:$0x1] =	wrdreg $0xFFFFFFFF  }
0xb6: {  	s28 =	simm.s32 $_size_execute0_lowered;
	s3 =	sadd.s32 s3, s5;
	[dreg:$0x0] =	wrdreg $0x0  }
0xb7: {  	s5 =	sshll.u32 s28, $0x1;
	[dreg:$0x2] =	wrdreg s3  }
0xb8: {  	[dreg:$0x3] =	wrdreg s5  }
0xb9: {  	[dreg:$0x4] =	wrdreg $0xC0  }
0xba: {  	_ =	task [dreg:s22], $0x5FFFF  }
0xbb: {  	[dreg:$0x1] =	wrdreg $0xFFFFFFFF  }
0xbc: {  	[dreg:$0x0] =	wrdreg $0x60  }
0xbd: {  	[dreg:$0x2] =	wrdreg s24  }
0xbe: {  	[dreg:$0x3] =	wrdreg $0x5B880  }
0xbf: {  	[dreg:$0x4] =	wrdreg $0x194080  }
0xc0: {  	[dreg:$0x5] =	wrdreg $0xA  }
0xc1: {  	_ =	task.clear_ibuf [dreg:s22], $0x6FFFF;
	_ =	strace $0x9000004C  }
0xc2: {  	s29 =	simm.s32 $0xA;
	_ =	strace $0x8000004E  }
0xc3: {  	_ =	swait.ge [sflag:s29], $0x1  }
0xc4: {  	[sflag:s29] =	ssyncadd.s32 $0xFFFFFFFF  }
0xc5: {  	_ =	strace $0x9000004E  }
0xc6: {  	_ =	sfence  }
0xc7: {  	s30 =	sld [smem:$0x0];
	_ =	sdelay $0x2  }
0xc8: {  	s31 =	sshll.u32 s1, $0xD;
	s1 =	sshrl.u32 s1, $0x2  }
0xc9: {  	s4 =	sand.u32 $0x4000, s31;
	s1 =	sadd.s32 s1, s30  }
0xca: {  	s0 =	sor.u32 s4, s0;
	s1 =	sshll.u32 s1, $0x11  }
0xcb: {  	s0 =	sor.u32 s1, s0  }
0xcc: {  	s0 =	sadd.s32 $0x8F2B, s0  }
0xcd: {  	[sflag:s0] =	ssyncadd.remote.s32 $0x1  }
0xce: {  	_ =	sfence.sel $0xFFFF  }
0xcf: {  	[dreg:$0x0] =	wrdreg $0xFFFFFFFF;
	(pc) =	sbr.abs _section_cstart, $3  }
0xd0: {  	[dreg:$0x1] =	wrdreg $0xFFFFFFFF  }
0xd1: {  	_ =	task.clear_ibuf [dreg:s22], $0x2FFFF;
	_ =	strace $0x9FFFFFFF  }
0xd2: {  	(tm) =	ssettm $0x7FFFFFFF  }
0xd3: {  	_ =	shalt  }
tec
execute0_lowered:
.L_overlay_start_1:
0x0: {  	(tag) =	ssettag $0x1  }
0x1: {  	s5 =	rddreg [dreg:$0x0]  }
0x2: {  	s1 =	rddreg [dreg:$0x1]  }
0x3: {  	s2 =	rddreg [dreg:$0x2];
	s3 =	srdreg.scid  }
0x4: {  	s0 =	rddreg [dreg:$0x3];
	s10 =	sand.u32 $0x1, s3  }
0x5: {  	s4 =	simm.s32 $0x0;
	s3 =	stileid.u32;
	s11 =	smul.u32 $0x27100, s10  }
0x6: {  	[smem:$0x7FF] =	sst s4;
	s12 =	sadd.s32 $0x12BDC00, s5;
	s7 =	smul.u32 $0x4E20, s10  }
0x7: {  	s13 =	sadd.s32 $0xB6AC00, s5;
	s6 =	sshll.u32 s10, $0x4;
	s16 =	smul.u32 $0x13880, s3  }
0x8: {  	_ =	strace $0x8000004D;
	s9 =	ssub.s32 $0x2, s10;
	s18 =	smul.u32 $0x2710, s3  }
0x9: {  	s31 =	smul.u32 $0x138800, s10;
	s6 =	sor.u32 s3, s6;
	s29 =	sshrl.u32 s9, $0x1  }
0xa: {  	s8 =	smul.u32 $0x1388, s6;
	s14 =	sadd.s32 s11, s5;
	s15 =	sadd.s32 s7, s5  }
0xb: {  	s17 =	ssub.s32 s9, s29;
	s21 =	sshrl.u32 s16, $0x3;
	s7 =	sadd.s32 s18, s2  }
0xc: {  	s22 =	sshrl.u32 s18, $0x3;
	s11 =	sadd.s32 s11, s13;
	s19 =	sadd.s32 $0x63A00, s14  }
0xd: {  	s20 =	sadd.s32 $0xB1C00, s15;
	s24 =	sadd.s32 $0xBBA00, s14;
	s25 =	sadd.s32 $0x109C00, s15  }
0xe: {  	s10 =	smax.u32 s17, $0x1;
	s11 =	sadd.s32 s18, s11;
	s17 =	simm.s32 $0x5388  }
0xf: {  	s18 =	simm.s32 $0x80;
	s6 =	sshrl.u32 s8, $0x3;
	s8 =	sadd.s32 $0x1380, s8  }
0x10: {  	s14 =	sadd.s32 s21, s19;
	s15 =	sadd.s32 s22, s20;
	s19 =	simm.s32 $0x8  }
0x11: {  	s20 =	simm.s32 $0x1380;
	s21 =	sadd.s32 s21, s24;
	s22 =	sadd.s32 s22, s25  }
0x12: {  	s6 =	sadd.s32 s6, s5;
	s30 =	sshll.u32 s8, $0x4;
	s23 =	sshll.u32 s8, $0x1  }
0x13: {  	s5 =	sadd.s32 $0x37800, s6;
	s6 =	sadd.s32 s16, s1;
	s8 =	sadd.s32 s12, s30  }
0x14: {  	s9 =	sadd.s32 s13, s23;
	s12 =	sadd.s32 s31, s12;
	s13 =	simm.s32 $0x1  }
0x15: {  	s23 =	simm.s32 $0x0;
	s12 =	sadd.s32 s16, s12;
	s16 =	simm.s32 $0x1388  }
.LBB2_1:
0x16: {  	[tilespmem:s4], [sflag:$0x1] =	stream.linear.gather [hbm4b:s5+s4], $0x1388, $0x38;
	[tilespmem:$0x1BB18] =	vst v63  }
0x17: {  	_ =	swait.ge [sflag:s13], $0x1388  }
0x18: {  	s24 =	sshll.u32 s3, $0x6;
	[sflag:s13] =	ssyncset.done $0x0  }
0x19: {  	s25 =	sshrl.u32 s6, $0x3;
	s24 =	sor.u32 $0x1C01, s24;
	[sflag:s13] =	ssyncadd.s32 $0xFFFFEC78  }
0x1a: {  	[spmem:s25], [sflag:s24] =	dma.local [hbm:s14], $0x2710  }
0x1b: {  	_ =	swait.ge [sflag:s13], $0x2710  }
0x1c: {  	[sflag:s13] =	ssyncset.done $0x0  }
0x1d: {  	s26 =	sshrl.u32 s7, $0x3;
	[sflag:s13] =	ssyncadd.s32 $0xFFFFD8F0  }
0x1e: {  	[spmem:s26], [sflag:s24] =	dma.local [hbm:s15], $0x4E2  }
0x1f: {  	_ =	swait.ge [sflag:s13], $0x4E2  }
0x20: {  	[sflag:s13] =	ssyncset.done $0x0  }
0x21: {  	[sflag:s13] =	ssyncadd.s32 $0xFFFFFB1E  }
0x22: {  	[bflag:$0x0] =	sbarrier.arrive $0xFFFF  }
0x23: {  	[tilespmem:s16], [sflag:$0x1] =	stream.linear.gather [hbm4b:s12+s4], $0x4000, $0x38;
	[tilespmem:$0x1BB18] =	vst v63  }
0x24: {  	_ =	swait.ge [sflag:s13], $0x4000  }
0x25: {  	[sflag:s13] =	ssyncset.done $0x0  }
0x26: {  	s28 =	sadd.s32 $0x0, s11;
	[sflag:s13] =	ssyncadd.s32 $0xFFFFC000  }
0x27: {  	[tilespmem:s17], [sflag:$0x1] =	stream.linear.gather [hbm4b:s28+s4], $0x800, $0x38;
	[tilespmem:$0x1BB18] =	vst v63  }
0x28: {  	_ =	swait.ge [sflag:s13], $0x800  }
0x29: {  	[sflag:s13] =	ssyncset.done $0x0  }
0x2a: {  	[sflag:s13] =	ssyncadd.s32 $0xFFFFF800  }
0x2b: {  	[spmem:s1] =	stream.indirect.scatter.add.f32 [tilespmem:s16], [sflag:$0x1], $0x80, s4, s18, $0xb8;
	[tilespmem:$0x1BB18] =	vst v63  }
0x2c: {  	_ =	swait.ge [sflag:s13], $0x4000  }
0x2d: {  	[sflag:s13] =	ssyncset.done $0x0  }
0x2e: {  	[sflag:s13] =	ssyncadd.s32 $0xFFFFC000  }
0x2f: {  	[spmem:s2] =	stream.indirect.scatter.add.f32 [tilespmem:s17], [sflag:$0x1], $0x10, s4, s18, $0xb8;
	[tilespmem:$0x1BB18] =	vst v63  }
0x30: {  	s29 =	simm.s32 $0x0;
	_ =	swait.ge [sflag:s13], $0x800  }
0x31: {  	s30 =	smov.u32 s12;
	s28 =	simm.s32 $0x100;
	[sflag:s13] =	ssyncset.done $0x0  }
.LBB2_2:
0x32: {  	[sflag:s13] =	ssyncadd.s32 $0xFFFFF800  }
0x33: {  	s29 =	sadd.s32 $0x80, s29;
	s30 =	sadd.s32 $0x800, s30;
	s31 =	smov.u32 s28  }
0x34: {  	[tilespmem:s16], [sflag:$0x1] =	stream.linear.gather [hbm4b:s30+s4], $0x4000, $0x38;
	[tilespmem:$0x1BB18] =	vst v63  }
0x35: {  	p0 =	sne.s32 s28, $0x2600;
	s28 =	sadd.s32 $0x100, s28;
	_ =	swait.ge [sflag:s13], $0x4000  }
0x36: {  	[sflag:s13] =	ssyncset.done $0x0  }
0x37: {  	s31 =	sadd.s32 s31, s11;
	[sflag:s13] =	ssyncadd.s32 $0xFFFFC000  }
0x38: {  	[tilespmem:s17], [sflag:$0x1] =	stream.linear.gather [hbm4b:s31+s4], $0x800, $0x38;
	[tilespmem:$0x1BB18] =	vst v63  }
0x39: {  	_ =	swait.ge [sflag:s13], $0x800  }
0x3a: {  	[sflag:s13] =	ssyncset.done $0x0  }
0x3b: {  	[sflag:s13] =	ssyncadd.s32 $0xFFFFF800  }
0x3c: {  	[spmem:s1] =	stream.indirect.scatter.add.f32 [tilespmem:s16], [sflag:$0x1], $0x80, s29, s18, $0xb8;
	[tilespmem:$0x1BB18] =	vst v63  }
0x3d: {  	_ =	swait.ge [sflag:s13], $0x4000  }
.Ltmp0:
0x3e: {  	[sflag:s13] =	ssyncset.done $0x0;
	(pc) =	sbr.rel @p0 .LBB2_2-.Ltmp0, $4  }
0x3f: {  	[sflag:s13] =	ssyncadd.s32 $0xFFFFC000  }
0x40: {  	[spmem:s2] =	stream.indirect.scatter.add.f32 [tilespmem:s17], [sflag:$0x1], $0x10, s29, s18, $0xb8;
	[tilespmem:$0x1BB18] =	vst v63  }
0x41: {  	_ =	swait.ge [sflag:s13], $0x800  }
0x42: {  	[sflag:s13] =	ssyncset.done $0x0  }
0x43: {  	[sflag:s13] =	ssyncadd.s32 $0xFFFFF800  }
0x44: {  	[tilespmem:s16], [sflag:$0x1] =	stream.linear.gather [hbm4b:s8+s4], $0x400, $0x38;
	[tilespmem:$0x1BB18] =	vst v63  }
0x45: {  	_ =	swait.ge [sflag:s13], $0x400  }
0x46: {  	[sflag:s13] =	ssyncset.done $0x0  }
0x47: {  	[sflag:s13] =	ssyncadd.s32 $0xFFFFFC00  }
0x48: {  	[tilespmem:s17], [sflag:$0x1] =	stream.linear.gather [hbm4b:s9+s4], $0x80, $0x38;
	[tilespmem:$0x1BB18] =	vst v63  }
0x49: {  	_ =	swait.ge [sflag:s13], $0x80  }
0x4a: {  	[sflag:s13] =	ssyncset.done $0x0  }
0x4b: {  	[sflag:s13] =	ssyncadd.s32 $0xFFFFFF80  }
0x4c: {  	[spmem:s1] =	stream.indirect.scatter.add.f32 [tilespmem:s16], [sflag:$0x1], $0x80, s20, s19, $0xb8;
	[tilespmem:$0x1BB18] =	vst v63  }
0x4d: {  	_ =	swait.ge [sflag:s13], $0x400  }
0x4e: {  	[sflag:s13] =	ssyncset.done $0x0  }
0x4f: {  	[sflag:s13] =	ssyncadd.s32 $0xFFFFFC00  }
0x50: {  	[spmem:s2] =	stream.indirect.scatter.add.f32 [tilespmem:s17], [sflag:$0x1], $0x10, s20, s19, $0xb8;
	[tilespmem:$0x1BB18] =	vst v63  }
0x51: {  	_ =	swait.ge [sflag:s13], $0x80  }
0x52: {  	[sflag:s13] =	ssyncset.done $0x0  }
0x53: {  	[sflag:s13] =	ssyncadd.s32 $0xFFFFFF80  }
0x54: {  	[bflag:$0x0] =	sbarrier.arrive $0xFFFF  }
0x55: {  	[hbm:s21], [sflag:s24] =	dma.local [spmem:s25], $0x2710  }
0x56: {  	s23 =	sadd.s32 $0x1, s23;
	_ =	swait.ge [sflag:s13], $0x2710  }
0x57: {  	p0 =	sne.s32 s23, s10;
	[sflag:s13] =	ssyncset.done $0x0  }
.Ltmp1:
0x58: {  	[sflag:s13] =	ssyncadd.s32 $0xFFFFD8F0;
	(pc) =	sbr.rel @p0 .LBB2_1-.Ltmp1, $4  }
0x59: {  	[hbm:s22], [sflag:s24] =	dma.local [spmem:s26], $0x4E2  }
0x5a: {  	_ =	swait.ge [sflag:s13], $0x4E2  }
0x5b: {  	[sflag:s13] =	ssyncset.done $0x0  }
0x5c: {  	[sflag:s13] =	ssyncadd.s32 $0xFFFFFB1E  }
0x5d: {  	_ =	sfence.sel $0x180000  }
0x5e: {  	[bflag:$0x0] =	sbarrier.arrive $0xFFFF  }
0x5f: {  	p0 =	sne.s32 s3, $0x0;
	_ =	strace $0x9000004D  }
0x60: {  	s0 =	sadd.s32 @!p0 $0x100000, s0;
	[bflag:$0x2] =	sbarrier.arrive $0xFFFF  }
0x61: {  	[sflag:s0] =	ssyncadd.tile.s32 @!p0 $0x1;
	_ =	shalt  }
.Lfunc_end2:
_tile_overlayer_lowered:
.L_overlay_start_2:
0x62: {  	(tag) =	ssettag $0x2  }
0x63: {  	s0 =	rddreg [dreg:$0x0];
	s2 =	stileid.u32  }
0x64: {  	s1 =	rddreg [dreg:$0x1];
	p0 =	sne.s32 s2, $0x0  }
0x65: {  	s3 =	rddreg [dreg:$0x2];
	[bflag:$0x3] =	sbarrier.arrive $0xFFFF;
	s2 =	simm.s32 @!p0 $0x1C01  }
0x66: {  	[timem:s3], [sflag:s2] =	dma.local @!p0 [hbm:s0], s1  }
0x67: {  	s0 =	simm.s32 @!p0 $0x1  }
0x68: {  	_ =	swait.ge @!p0 [sflag:s0], s1  }
0x69: {  	s1 =	ssub.s32 @!p0 $0x0, s1;
	[sflag:s0] =	ssyncset.done @!p0 $0x0  }
0x6a: {  	[sflag:s0] =	ssyncadd.s32 @!p0 s1  }
0x6b: {  	[bflag:$0x3] =	sbarrier.arrive $0xFFFF  }
0x6c: {  	_ =	shalt  }

// kernel: kernel.16.cloned.1.call-start
scs
__scs_entry_jumppad:
0x0: {  	(pc) =	sbr.rel $0x88, $3  }
0x1: {  	(tag) =	ssettag $0x0;
	lr =	simm.s32 $0x1  }
0x2: {  	[smem:$0x3F93] =	sst lr;
	_ =	strace $0xD0000000  }
0x3: {  	_ = 	snop  }
0x4: {  	_ = 	snop  }
0x5: {  	_ = 	snop  }
0x6: {  	_ = 	snop  }
0x7: {  	_ = 	snop  }
__scs_overlays_trampoline_lowered:
0x8: {  	[smem:$0x3FA2] =	sst s0  }
0x9: {  	[smem:$0x3FA3] =	sst s1  }
0xa: {  	[smem:$0x3FA4] =	sst s2  }
0xb: {  	[smem:$0x3FA5] =	sst s3  }
0xc: {  	[smem:$0x3FA6] =	sst s4  }
0xd: {  	[smem:$0x3FA7] =	sst s5  }
0xe: {  	[smem:$0x3FA8] =	sst s6  }
0xf: {  	[smem:$0x3FA9] =	sst s7  }
0x10: {  	[smem:$0x3FAA] =	sst s8  }
0x11: {  	[smem:$0x3FAB] =	sst s9;
	s0 =	simm.s32 @!p0 $0x0  }
0x12: {  	s1 =	sld [smem:$0x3F91];
	s0 =	simm.s32 @p0 $0x1  }
0x13: {  	[smem:$0x3FAC] =	sst s0;
	s0 =	simm.s32 @!p1 $0x0  }
0x14: {  	s2 =	sld [smem:$0x3F90];
	s0 =	simm.s32 @p1 $0x1  }
0x15: {  	[smem:$0x3FAD] =	sst s0;
	s0 =	simm.s32 @!p2 $0x0  }
0x16: {  	s3 =	sld [smem:$0x3FDB];
	s0 =	simm.s32 @p2 $0x1  }
0x17: {  	s4 =	simm.s32 $0x1BF5;
	[smem:$0x3FAF] =	sst s0  }
0x18: {  	s0 =	sld [smem:$0x3F92];
	_ =	swait.ge [sflag:s4], $0x0  }
0x19: {  	s7 =	sld [smem:$0x3F93]  }
0x1a: {  	s8 =	sadd.s32 $0xFFFFE003, lr  }
0x1b: {  	s9 =	sadd.s32 $0xFFFFFEF7, lr;
	s5 =	simm.s32 $0xFFFFFFFF;
	p2 =	slt.u32 s8, $0xFFFFF086  }
0x1c: {  	p1 =	slt.u32 s9, $0xF7A;
	s5 =	simm.s32 @!p2 $0x0  }
0x1d: {  	s5 =	simm.s32 @p1 $0x1;
	p0 =	seq.s32 s7, s2  }
0x1e: {  	s7 =	smul.u32 @!p0 $0xF7A, s2;
	p2 =	seq.s32 @!p0 s5, $0x0  }
0x1f: {  	s9 =	smul.u32 $0xF7A, s1;
	s8 =	simm.s32 @!p0 $0x1BF5;
	p2 =	por !p2, p0  }
0x20: {  	[sflag:s8] =	ssyncset.s32 @!p0 $0xFFFFF086;
	s6 =	sadd.s32 @!p0 s3, s7;
	s7 =	simm.s32 @!p0 $0x108  }
0x21: {  	s3 =	sadd.s32 s3, s9;
	s6 =	sadd.s32 @!p0 $0x88, s6;
	s7 =	simm.s32 @p2 $0x1082  }
0x22: {  	[simem:s7], [sflag:s8] =	dma.local @!p0 [hbm:s6], $0xF7A  }
0x23: {  	s9 =	sor.u32 $0xD0000000, s2;
	s6 =	simm.s32 $0x108;
	_ =	swait.ge @!p0 [sflag:s8], $0x0  }
0x24: {  	s3 =	sadd.s32 $0x88, s3;
	s6 =	simm.s32 @!p1 $0x1082;
	[sflag:s4] =	ssyncset.s32 $0xFFFFF086  }
0x25: {  	[simem:s6], [sflag:s4] =	dma.local [hbm:s3], $0xF7A  }
0x26: {  	[smem:$0x3F93] =	sst s1;
	(tag) =	ssettag s2;
	_ =	strace s9  }
0x27: {  	s1 =	sld [smem:$0x3FA3]  }
0x28: {  	s2 =	sld [smem:$0x3FA4]  }
0x29: {  	s4 =	sld [smem:$0x3FA6]  }
0x2a: {  	p0 =	seq.s32 s5, $0x0;
	s5 =	sld [smem:$0x3FA7]  }
0x2b: {  	s6 =	sld [smem:$0x3FA8]  }
0x2c: {  	s7 =	sld [smem:$0x3FA9]  }
0x2d: {  	s3 =	simm.s32 $0x108;
	s8 =	sld [smem:$0x3FAA]  }
0x2e: {  	s3 =	simm.s32 @!p0 $0x1082;
	s9 =	sld [smem:$0x3FAB]  }
0x2f: {  	lr =	sadd.s32 s0, s3;
	s0 =	sld [smem:$0x3FA2]  }
0x30: {  	s3 =	sld [smem:$0x3FA5]  }
0x31: {  	[smem:$0x3FAE] =	sst s10  }
0x32: {  	s10 =	sld [smem:$0x3FAC];
	_ =	sdelay $0x3  }
0x33: {  	p0 =	seq.s32 s10, $0x1;
	s10 =	sld [smem:$0x3FAE];
	_ =	sdelay $0x3  }
0x34: {  	[smem:$0x3FAE] =	sst s10  }
0x35: {  	s10 =	sld [smem:$0x3FAD];
	_ =	sdelay $0x3  }
0x36: {  	p1 =	seq.s32 s10, $0x1;
	s10 =	sld [smem:$0x3FAE];
	_ =	sdelay $0x3  }
0x37: {  	[smem:$0x3FAE] =	sst s10  }
0x38: {  	s10 =	sld [smem:$0x3FAF]  }
0x39: {  	_ = 	snop;
	(pc) =	sbr.ind lr, $3  }
0x3a: {  	_ = 	snop  }
0x3b: {  	_ = 	snop  }
0x3c: {  	p2 =	seq.s32 s10, $0x1;
	s10 =	sld [smem:$0x3FAE]  }
0x3d: {  	_ =	shalt  }
0x3e: {  	_ =	shalt  }
0x3f: {  	_ =	shalt  }
0x40: {  	_ =	shalt  }
0x41: {  	_ =	shalt  }
0x42: {  	_ =	shalt  }
0x43: {  	_ =	shalt  }
0x44: {  	_ =	shalt  }
0x45: {  	_ =	shalt  }
0x46: {  	_ =	shalt  }
0x47: {  	_ =	shalt  }
0x48: {  	_ =	shalt  }
0x49: {  	_ =	shalt  }
0x4a: {  	_ =	shalt  }
0x4b: {  	_ =	shalt  }
0x4c: {  	_ =	shalt  }
0x4d: {  	_ =	shalt  }
0x4e: {  	_ =	shalt  }
0x4f: {  	_ =	shalt  }
0x50: {  	_ =	shalt  }
0x51: {  	_ =	shalt  }
0x52: {  	_ =	shalt  }
0x53: {  	_ =	shalt  }
0x54: {  	_ =	shalt  }
0x55: {  	_ =	shalt  }
0x56: {  	_ =	shalt  }
0x57: {  	_ =	shalt  }
0x58: {  	_ =	shalt  }
0x59: {  	_ =	shalt  }
0x5a: {  	_ =	shalt  }
0x5b: {  	_ =	shalt  }
0x5c: {  	_ =	shalt  }
0x5d: {  	_ =	shalt  }
0x5e: {  	_ =	shalt  }
0x5f: {  	_ =	shalt  }
0x60: {  	_ =	shalt  }
0x61: {  	_ =	shalt  }
0x62: {  	_ =	shalt  }
0x63: {  	_ =	shalt  }
0x64: {  	_ =	shalt  }
0x65: {  	_ =	shalt  }
0x66: {  	_ =	shalt  }
0x67: {  	_ =	shalt  }
0x68: {  	_ =	shalt  }
0x69: {  	_ =	shalt  }
0x6a: {  	_ =	shalt  }
0x6b: {  	_ =	shalt  }
0x6c: {  	_ =	shalt  }
0x6d: {  	_ =	shalt  }
0x6e: {  	_ =	shalt  }
0x6f: {  	_ =	shalt  }
0x70: {  	_ =	shalt  }
0x71: {  	_ =	shalt  }
0x72: {  	_ =	shalt  }
0x73: {  	_ =	shalt  }
0x74: {  	_ =	shalt  }
0x75: {  	_ =	shalt  }
0x76: {  	_ =	shalt  }
0x77: {  	_ =	shalt  }
0x78: {  	_ =	shalt  }
0x79: {  	_ =	shalt  }
0x7a: {  	_ =	shalt  }
0x7b: {  	_ =	shalt  }
0x7c: {  	_ =	shalt  }
0x7d: {  	_ =	shalt  }
0x7e: {  	_ =	shalt  }
0x7f: {  	_ =	shalt  }
0x80: {  	_ =	shalt  }
0x81: {  	_ =	shalt  }
0x82: {  	_ =	shalt  }
0x83: {  	_ =	shalt  }
0x84: {  	_ =	shalt  }
0x85: {  	_ =	shalt  }
0x86: {  	_ =	shalt  }
0x87: {  	_ =	shalt  }
.Lfunc_end0:
.L_simem_size_0:
called_computation.2_lowered:
.L_overlay_start_0:
0x88: {  	s2 =	sld [smem:$0x3FD9]  }
0x89: {  	s3 =	sld [smem:$0x3FFE];
	_ =	sdelay $0x1  }
0x8a: {  	s1 =	srdreg.scid  }
0x8b: {  	s0 =	sand.u32 $0x1, s1  }
0x8c: {  	s15 =	sshll.u32 s0, $0xA;
	s2 =	sadd.s32 s3, s2  }
0x8d: {  	s2 =	sadd.s32 s2, s15  }
0x8e: {  	[smem:$0x3FBA] =	sst s2  }
0x8f: {  	_ = 	snop  }
0x90: {  	s2 =	sld [smem:$0x3FD0];
	_ =	sdelay $0x2  }
0x91: {  	s16 =	simm.s32 $0xB;
	s4 =	simm.s32 $0x10  }
0x92: {  	[smem:s4], [sflag:s16] =	dma.local [hbm:s2], $0x1  }
0x93: {  	_ =	swait.eq [sflag:s16], $0x1  }
0x94: {  	[sflag:s16] =	ssyncset.done $0x0  }
0x95: {  	[sflag:s16] =	ssyncadd.s32 $0xFFFFFFFF  }
0x96: {  	s17 =	sld [smem:$0x10];
	(tm) =	ssettm $0x1  }
0x97: {  	s18 =	sld [smem:$0x3FFB];
	_ =	sdelay $0x3  }
0x98: {  	_ =	strace s18  }
0x99: {  	s2 =	sld [smem:$0x3FFC];
	_ =	sdelay $0x3  }
0x9a: {  	_ =	strace s2  }
0x9b: {  	s2 =	sld [smem:$0x3FFD];
	_ =	sdelay $0x3  }
0x9c: {  	_ =	strace s2  }
0x9d: {  	_ =	strace $0x8FFFFFFF  }
0x9e: {  	s19 =	sld [smem:$0x3FDB];
	_ =	sdelay $0x1  }
0x9f: {  	s20 =	simm.s32 $_scs_section_size  }
0xa0: {  	s5 =	simm.s32 $_size__tile_overlayer_lowered;
	s6 =	simm.s32 $_tile_overlayer_lowered  }
0xa1: {  	s7 =	simm.s32 $0x1BFF;
	s21 =	sshll.u32 s6, $0x1;
	s4 =	sadd.s32 s20, s19  }
0xa2: {  	s22 =	simm.s32 $0x0;
	s5 =	sshll.u32 s5, $0x1;
	s6 =	sadd.s32 s21, s4  }
0xa3: {  	[timem:s22], [sflag:s7] =	dma.local [hbm:s6], s5  }
0xa4: {  	_ =	swait.ge [sflag:s7], s5  }
0xa5: {  	s5 =	ssub.s32 $0x0, s5;
	[sflag:s7] =	ssyncset.done $0x0  }
0xa6: {  	[sflag:s7] =	ssyncadd.s32 s5;
	_ =	sdelay $0x1  }
0xa7: {  	s23 =	simm.s32 $0x1B8B  }
0xa8: {  	_ =	swait.ge [sflag:s23], $0x1  }
0xa9: {  	[sflag:s23] =	ssyncset.done $0x0  }
0xaa: {  	[sflag:s23] =	ssyncadd.s32 $0xFFFFFFFF  }
0xab: {  	s5 =	sld [smem:$0x0]  }
0xac: {  	s6 =	sand.u32 $0xFFFFFFFE, s1  }
0xad: {  	p0 =	sne.s32 s1, s6  }
0xae: {  	s6 =	sshll.u32 @p0 s6, $0xE  }
0xaf: {  	s6 =	sadd.s32 @p0 $0x11B8D, s6;
	s7 =	sshll.u32 @p0 s5, $0x11  }
0xb0: {  	s6 =	sor.u32 @p0 s7, s6  }
0xb1: {  	[sflag:s6] =	ssyncadd.remote.s32 @p0 $0x1;
	_ =	sdelay $0x1  }
0xb2: {  	s6 =	simm.s32 @p0 $0x1B8D  }
0xb3: {  	_ =	swait.eq @p0 [sflag:s6], $0x1  }
0xb4: {  	[sflag:s6] =	ssyncadd.s32 @p0 $0xFFFFFFFF  }
0xb5: {  	s7 =	sshll.u32 @!p0 s1, $0xE  }
0xb6: {  	s7 =	sor.u32 @!p0 $0x4000, s7;
	s6 =	simm.s32 @!p0 $0x1B8D  }
0xb7: {  	s5 =	sshll.u32 @!p0 s5, $0x11;
	s7 =	sadd.s32 @!p0 $0x11B8D, s7;
	_ =	swait.eq @!p0 [sflag:s6], $0x1  }
0xb8: {  	s5 =	sor.u32 @!p0 s5, s7;
	[sflag:s6] =	ssyncadd.s32 @!p0 $0xFFFFFFFF  }
0xb9: {  	s25 =	simm.s32 $0x1B8E;
	s24 =	sld [smem:$0x3FFE];
	[sflag:s5] =	ssyncadd.remote.s32 @!p0 $0x1  }
0xba: {  	s26 =	simm.s32 $execute0_lowered;
	[smem:$0x3FD2] =	sst s25  }
0xbb: {  	s6 =	sshll.u32 s26, $0x1;
	_ =	strace $0x80000049;
	[dreg:$0x1] =	wrdreg $0xFFFFFFFF  }
0xbc: {  	s28 =	simm.s32 $_size_execute0_lowered;
	s4 =	sadd.s32 s4, s6;
	[dreg:$0x0] =	wrdreg $0x0  }
0xbd: {  	s6 =	sshll.u32 s28, $0x1;
	[dreg:$0x2] =	wrdreg s4  }
0xbe: {  	[dreg:$0x3] =	wrdreg s6  }
0xbf: {  	[dreg:$0x4] =	wrdreg $0xC0  }
0xc0: {  	_ =	task [dreg:s22], $0x5FFFF  }
0xc1: {  	[dreg:$0x1] =	wrdreg $0xFFFFFFFF  }
0xc2: {  	[dreg:$0x0] =	wrdreg $0x60  }
0xc3: {  	[dreg:$0x2] =	wrdreg s17  }
0xc4: {  	[dreg:$0x3] =	wrdreg s24  }
0xc5: {  	[dreg:$0x4] =	wrdreg $0x9  }
0xc6: {  	_ =	task.clear_ibuf [dreg:s22], $0x5FFFF;
	_ =	strace $0x90000049  }
0xc7: {  	s29 =	simm.s32 $0x9;
	_ =	strace $0x8000004B  }
0xc8: {  	_ =	swait.ge [sflag:s29], $0x1  }
0xc9: {  	[sflag:s29] =	ssyncadd.s32 $0xFFFFFFFF  }
0xca: {  	_ =	strace $0x9000004B  }
0xcb: {  	_ =	sfence  }
0xcc: {  	s30 =	sld [smem:$0x0];
	_ =	sdelay $0x2  }
0xcd: {  	s31 =	sshll.u32 s1, $0xD;
	s1 =	sshrl.u32 s1, $0x2  }
0xce: {  	s4 =	sand.u32 $0x4000, s31;
	s1 =	sadd.s32 s1, s30  }
0xcf: {  	s0 =	sor.u32 s4, s0;
	s1 =	sshll.u32 s1, $0x11  }
0xd0: {  	s0 =	sor.u32 s1, s0  }
0xd1: {  	s0 =	sadd.s32 $0x8F2B, s0  }
0xd2: {  	[sflag:s0] =	ssyncadd.remote.s32 $0x1  }
0xd3: {  	_ =	sfence.sel $0xFFFF  }
0xd4: {  	[dreg:$0x0] =	wrdreg $0xFFFFFFFF;
	(pc) =	sbr.abs _section_cstart, $3  }
0xd5: {  	[dreg:$0x1] =	wrdreg $0xFFFFFFFF  }
0xd6: {  	_ =	task.clear_ibuf [dreg:s22], $0x2FFFF;
	_ =	strace $0x9FFFFFFF  }
0xd7: {  	(tm) =	ssettm $0x7FFFFFFF  }
tec
execute0_lowered:
.L_overlay_start_1:
0x0: {  	(tag) =	ssettag $0x1  }
0x1: {  	s0 =	srdreg.scid;
	s1 =	rddreg [dreg:$0x1]  }
0x2: {  	s15 =	stileid.u32;
	s3 =	simm.s32 $0x0;
	s29 =	simm.s32 $0x13F10  }
0x3: {  	s31 =	simm.s32 $0x4;
	s28 =	simm.s32 $0x13710;
	s30 =	simm.s32 $0x6710  }
0x4: {  	s0 =	sand.u32 $0x1, s0;
	[smem:$0x7FF] =	sst s3;
	s23 =	smul.u32 $0x2710, s15  }
0x5: {  	s4 =	sadd.s32 $0x3C800, s1;
	s5 =	sadd.s32 $0x2D800, s1;
	s26 =	smul.u32 $0x1388, s15  }
0x6: {  	s7 =	sadd.s32 $0x688200, s1;
	s2 =	sshll.u32 s0, $0x4;
	s21 =	smul.u32 $0x27100, s0  }
0x7: {  	s9 =	sadd.s32 $0x8F9200, s1;
	s14 =	smul.u32 $0x13880, s0;
	s2 =	sor.u32 s15, s2  }
0x8: {  	s10 =	sadd.s32 $0x63A000, s1;
	s8 =	ssub.s32 $0x2, s0;
	s2 =	smul.u32 $0x1388, s2  }
0x9: {  	_ =	strace $0x8000004A;
	s0 =	smul.u32 $0x138800, s0;
	s11 =	sshrl.u32 s8, $0x1  }
0xa: {  	s8 =	ssub.s32 s8, s11;
	s16 =	sadd.s32 s21, s10;
	s6 =	sshrl.u32 s2, $0x3  }
0xb: {  	s17 =	sadd.s32 $0x1300, s2;
	s2 =	sadd.s32 $0x1380, s2;
	s6 =	sadd.s32 s6, s1  }
0xc: {  	s1 =	sadd.s32 $0x5EBE00, s1;
	s18 =	sshll.u32 s17, $0x4;
	s20 =	sshll.u32 s17, $0x1  }
0xd: {  	s22 =	sshll.u32 s2, $0x4;
	s17 =	smul.u32 $0x13880, s15;
	s12 =	sadd.s32 $0x5E1E00, s6  }
0xe: {  	s2 =	sshll.u32 s2, $0x1;
	s6 =	sadd.s32 $0x5E6E00, s6;
	[dreg:$0xb] =	wrdreg s12  }
0xf: {  	s15 =	simm.s32 $0x10;
	s19 =	sadd.s32 s7, s18;
	[dreg:$0xc] =	wrdreg s6  }
0x10: {  	s11 =	sadd.s32 s10, s20;
	s13 =	sadd.s32 s7, s22;
	[dreg:$0xd] =	wrdreg s19  }
0x11: {  	s24 =	sadd.s32 s21, s1;
	s6 =	sadd.s32 s9, s18;
	[dreg:$0xf] =	wrdreg s11  }
0x12: {  	[dreg:$0x11] =	wrdreg s13;
	s25 =	sadd.s32 s23, s24;
	s18 =	sadd.s32 s26, s14  }
0x13: {  	s19 =	sadd.s32 s0, s9;
	s0 =	sadd.s32 s0, s7;
	s26 =	smax.u32 s8, $0x1  }
0x14: {  	s8 =	simm.s32 $0x9;
	s11 =	simm.s32 $0xC;
	[dreg:$0xe] =	wrdreg s6  }
0x15: {  	s13 =	simm.s32 $0xE;
	s14 =	simm.s32 $0xF;
	[dreg:$0x3] =	wrdreg s25  }
0x16: {  	s6 =	sadd.s32 s1, s20;
	s12 =	sadd.s32 $0x80, s18;
	[dreg:$0x15] =	wrdreg s26  }
0x17: {  	s0 =	sadd.s32 s17, s0;
	s18 =	simm.s32 $0x80;
	[dreg:$0x10] =	wrdreg s6  }
0x18: {  	s6 =	sadd.s32 s9, s22;
	s12 =	sshrl.u32 s12, $0x3;
	[dreg:$0x6] =	wrdreg s0  }
0x19: {  	s0 =	simm.s32 $0x5;
	[dreg:$0x12] =	wrdreg s6;
	s6 =	sadd.s32 s23, s16  }
0x1a: {  	s20 =	sshll.u32 s12, $0x4;
	[dreg:$0x4] =	wrdreg s6;
	s6 =	sadd.s32 s17, s19  }
0x1b: {  	s23 =	sshll.u32 s12, $0x7;
	s21 =	sadd.s32 s20, s10;
	[dreg:$0x5] =	wrdreg s6  }
0x1c: {  	s12 =	simm.s32 $0xD;
	s10 =	sadd.s32 s10, s2;
	[dreg:$0x7] =	wrdreg s21  }
0x1d: {  	s16 =	simm.s32 $0x0;
	s22 =	sadd.s32 s20, s1;
	[dreg:$0x13] =	wrdreg s10  }
0x1e: {  	s24 =	sadd.s32 s23, s7;
	s1 =	sadd.s32 s1, s2;
	[dreg:$0x8] =	wrdreg s22  }
0x1f: {  	s25 =	sadd.s32 s23, s9;
	s19 =	simm.s32 $0x6710;
	[dreg:$0x14] =	wrdreg s1  }
0x20: {  	s7 =	simm.s32 $0x8;
	s9 =	simm.s32 $0xA;
	[dreg:$0x9] =	wrdreg s24  }
0x21: {  	[dreg:$0xa] =	wrdreg s25;
	s24 =	simm.s32 $0xE710;
	s25 =	simm.s32 $0x12F10  }
0x22: {  	s1 =	simm.s32 $0x6;
	s6 =	simm.s32 $0x7;
	s10 =	simm.s32 $0xB  }
.LBB2_1:
0x23: {  	[dreg:$0x16] =	wrdreg s16  }
0x24: {  	s2 =	rddreg [dreg:$0xb];
	s22 =	simm.s32 $0x11  }
0x25: {  	[tilespmem:s3], [sflag:$0x11] =	stream.linear.gather [hbm4b:s2+s3], $0x1388, $0x38;
	[tilespmem:$0x14710] =	vst v63  }
0x26: {  	_ =	swait.ge [sflag:s22], $0x1388  }
0x27: {  	[sflag:s22] =	ssyncset.done $0x0  }
0x28: {  	s17 =	simm.s32 $0x1388;
	s23 =	rddreg [dreg:$0xc];
	[sflag:s22] =	ssyncadd.s32 $0xFFFFEC78  }
0x29: {  	[tilespmem:s17], [sflag:$0x11] =	stream.linear.gather [hbm4b:s23+s3], $0x1388, $0x38;
	[tilespmem:$0x14710] =	vst v63  }
0x2a: {  	_ =	swait.ge [sflag:s22], $0x1388  }
0x2b: {  	[sflag:s22] =	ssyncset.done $0x0  }
0x2c: {  	[sflag:s22] =	ssyncadd.s32 $0xFFFFEC78  }
0x2d: {  	s20 =	simm.s32 $0x2710;
	s16 =	rddreg [dreg:$0x0]  }
0x2e: {  	[tilespmem:s20], [sflag:$0x1] =	stream.indirect.gather [hbm4b:s16+s18], $0x80, s3, s18, $0xb8;
	[tilespmem:$0x14710] =	vst v63  }
0x2f: {  	s21 =	simm.s32 $0xA710  }
0x30: {  	[tilespmem:s21], [sflag:$0x2] =	stream.indirect.gather [hbm4b:s4+s18], $0x80, s17, s18, $0xb8;
	[tilespmem:$0x14710] =	vst v63  }
0x31: {  	s22 =	simm.s32 $0x12710  }
0x32: {  	[tilespmem:s22], [sflag:$0x3] =	stream.indirect.gather [hbm4b:s5+s18], $0x10, s3, s18, $0xb8;
	[tilespmem:$0x14710] =	vst v63  }
0x33: {  	s23 =	simm.s32 $0x13710  }
0x34: {  	[tilespmem:s23], [sflag:$0x4] =	stream.indirect.gather [hbm4b:s5+s18], $0x10, s17, s18, $0xb8;
	[tilespmem:$0x14710] =	vst v63  }
0x35: {  	s26 =	simm.s32 $0x80  }
0x36: {  	[tilespmem:s19], [sflag:$0x5] =	stream.indirect.gather [hbm4b:s16+s18], $0x80, s26, s18, $0xb8;
	[tilespmem:$0x14710] =	vst v63  }
0x37: {  	s19 =	simm.s32 $0x1408  }
0x38: {  	[tilespmem:s24], [sflag:$0x6] =	stream.indirect.gather [hbm4b:s4+s18], $0x80, s19, s18, $0xb8;
	[tilespmem:$0x14710] =	vst v63  }
0x39: {  	_ = 	snop  }
0x3a: {  	[tilespmem:s25], [sflag:$0x7] =	stream.indirect.gather [hbm4b:s5+s18], $0x10, s26, s18, $0xb8;
	[tilespmem:$0x14710] =	vst v63  }
0x3b: {  	s26 =	simm.s32 $0x1  }
0x3c: {  	[tilespmem:s29], [sflag:$0x8] =	stream.indirect.gather [hbm4b:s5+s18], $0x10, s19, s18, $0xb8;
	[tilespmem:$0x14710] =	vst v63  }
0x3d: {  	_ =	swait.ge [sflag:s26], $0x4000  }
0x3e: {  	[sflag:s26] =	ssyncset.done $0x0  }
0x3f: {  	s16 =	simm.s32 $0x2;
	[sflag:s26] =	ssyncadd.s32 $0xFFFFC000  }
0x40: {  	_ =	swait.ge [sflag:s16], $0x4000  }
0x41: {  	[sflag:s16] =	ssyncset.done $0x0  }
0x42: {  	s19 =	simm.s32 $0x3;
	[sflag:s16] =	ssyncadd.s32 $0xFFFFC000  }
0x43: {  	_ =	swait.ge [sflag:s19], $0x800  }
0x44: {  	[sflag:s19] =	ssyncset.done $0x0  }
0x45: {  	[sflag:s19] =	ssyncadd.s32 $0xFFFFF800  }
0x46: {  	_ =	swait.ge [sflag:s31], $0x800  }
0x47: {  	s26 =	rddreg [dreg:$0x6];
	[sflag:s31] =	ssyncset.done $0x0  }
0x48: {  	s16 =	rddreg [dreg:$0x5];
	[sflag:s31] =	ssyncadd.s32 $0xFFFFF800;
	s2 =	sadd.s32 $0x0, s26  }
0x49: {  	[hbm4b:s2+s3] =	stream.linear.scatter [tilespmem:s20], [sflag:$0x9], $0x4000, $0x38;
	[tilespmem:$0x14710] =	vst v63  }
0x4a: {  	s19 =	rddreg [dreg:$0x4];
	s16 =	sadd.s32 $0x0, s16  }
0x4b: {  	[hbm4b:s16+s3] =	stream.linear.scatter [tilespmem:s21], [sflag:$0xA], $0x4000, $0x38;
	[tilespmem:$0x14710] =	vst v63  }
0x4c: {  	s20 =	rddreg [dreg:$0x3];
	s21 =	sadd.s32 $0x0, s19  }
0x4d: {  	[hbm4b:s21+s3] =	stream.linear.scatter [tilespmem:s22], [sflag:$0xB], $0x800, $0x38;
	[tilespmem:$0x14710] =	vst v63  }
0x4e: {  	s16 =	sadd.s32 $0x0, s20  }
0x4f: {  	[hbm4b:s16+s3] =	stream.linear.scatter [tilespmem:s23], [sflag:$0xC], $0x800, $0x38;
	[tilespmem:$0x14710] =	vst v63  }
0x50: {  	_ =	swait.ge [sflag:s0], $0x4000  }
0x51: {  	[sflag:s0] =	ssyncset.done $0x0  }
0x52: {  	[sflag:s0] =	ssyncadd.s32 $0xFFFFC000  }
0x53: {  	_ =	swait.ge [sflag:s1], $0x4000  }
0x54: {  	[sflag:s1] =	ssyncset.done $0x0  }
0x55: {  	[sflag:s1] =	ssyncadd.s32 $0xFFFFC000  }
0x56: {  	_ =	swait.ge [sflag:s6], $0x800  }
0x57: {  	[sflag:s6] =	ssyncset.done $0x0  }
0x58: {  	[sflag:s6] =	ssyncadd.s32 $0xFFFFF800  }
0x59: {  	_ =	swait.ge [sflag:s7], $0x800  }
0x5a: {  	s26 =	simm.s32 $0x6710;
	s19 =	rddreg [dreg:$0x9];
	[sflag:s7] =	ssyncset.done $0x0  }
0x5b: {  	s20 =	rddreg [dreg:$0xa];
	[sflag:s7] =	ssyncadd.s32 $0xFFFFF800;
	s2 =	sadd.s32 $0x0, s19  }
0x5c: {  	[hbm4b:s2+s3] =	stream.linear.scatter [tilespmem:s26], [sflag:$0xD], $0x4000, $0x38;
	[tilespmem:$0x14710] =	vst v63  }
0x5d: {  	s21 =	rddreg [dreg:$0x7];
	s22 =	sadd.s32 $0x0, s20  }
0x5e: {  	[hbm4b:s22+s3] =	stream.linear.scatter [tilespmem:s24], [sflag:$0xE], $0x4000, $0x38;
	[tilespmem:$0x14710] =	vst v63  }
0x5f: {  	s23 =	rddreg [dreg:$0x8];
	s24 =	sadd.s32 $0x0, s21  }
0x60: {  	[hbm4b:s24+s3] =	stream.linear.scatter [tilespmem:s25], [sflag:$0xF], $0x800, $0x38;
	[tilespmem:$0x14710] =	vst v63  }
0x61: {  	s26 =	sadd.s32 $0x0, s23  }
0x62: {  	[hbm4b:s26+s3] =	stream.linear.scatter [tilespmem:s29], [sflag:$0x10], $0x800, $0x38;
	[tilespmem:$0x14710] =	vst v63  }
0x63: {  	_ =	swait.ge [sflag:s8], $0x4000  }
0x64: {  	[sflag:s8] =	ssyncset.done $0x0  }
0x65: {  	[sflag:s8] =	ssyncadd.s32 $0xFFFFC000  }
0x66: {  	_ =	swait.ge [sflag:s9], $0x4000  }
0x67: {  	[sflag:s9] =	ssyncset.done $0x0  }
0x68: {  	[sflag:s9] =	ssyncadd.s32 $0xFFFFC000  }
0x69: {  	_ =	swait.ge [sflag:s10], $0x800  }
0x6a: {  	[sflag:s10] =	ssyncset.done $0x0  }
0x6b: {  	[sflag:s10] =	ssyncadd.s32 $0xFFFFF800  }
0x6c: {  	_ =	swait.ge [sflag:s11], $0x800  }
0x6d: {  	[sflag:s11] =	ssyncset.done $0x0  }
0x6e: {  	[sflag:s11] =	ssyncadd.s32 $0xFFFFF800  }
0x6f: {  	_ =	swait.ge [sflag:s12], $0x4000  }
0x70: {  	[sflag:s12] =	ssyncset.done $0x0  }
0x71: {  	[sflag:s12] =	ssyncadd.s32 $0xFFFFC000  }
0x72: {  	_ =	swait.ge [sflag:s13], $0x4000  }
0x73: {  	[sflag:s13] =	ssyncset.done $0x0  }
0x74: {  	[sflag:s13] =	ssyncadd.s32 $0xFFFFC000  }
0x75: {  	_ =	swait.ge [sflag:s14], $0x800  }
0x76: {  	[sflag:s14] =	ssyncset.done $0x0  }
0x77: {  	[sflag:s14] =	ssyncadd.s32 $0xFFFFF800  }
0x78: {  	s16 =	simm.s32 $0x200;
	_ =	swait.ge [sflag:s15], $0x800  }
0x79: {  	s19 =	simm.s32 $0x0;
	s2 =	simm.s32 $0x100;
	[sflag:s15] =	ssyncset.done $0x0  }
.LBB2_2:
0x7a: {  	[sflag:s15] =	ssyncadd.s32 $0xFFFFF800  }
0x7b: {  	s24 =	simm.s32 $0x2710;
	s22 =	rddreg [dreg:$0x0]  }
0x7c: {  	[tilespmem:s24], [sflag:$0x1] =	stream.indirect.gather [hbm4b:s22+s18], $0x80, s2, s18, $0xb8;
	[tilespmem:$0x14710] =	vst v63  }
0x7d: {  	s17 =	sadd.s32 $0x100, s17;
	s25 =	simm.s32 $0xA710  }
0x7e: {  	[tilespmem:s25], [sflag:$0x2] =	stream.indirect.gather [hbm4b:s4+s18], $0x80, s17, s18, $0xb8;
	[tilespmem:$0x14710] =	vst v63  }
0x7f: {  	s26 =	simm.s32 $0x12710  }
0x80: {  	[tilespmem:s26], [sflag:$0x3] =	stream.indirect.gather [hbm4b:s5+s18], $0x10, s2, s18, $0xb8;
	[tilespmem:$0x14710] =	vst v63  }
0x81: {  	_ = 	snop  }
0x82: {  	[tilespmem:s28], [sflag:$0x4] =	stream.indirect.gather [hbm4b:s5+s18], $0x10, s17, s18, $0xb8;
	[tilespmem:$0x14710] =	vst v63  }
0x83: {  	s21 =	sadd.s32 $0x80, s2  }
0x84: {  	[tilespmem:s30], [sflag:$0x5] =	stream.indirect.gather [hbm4b:s22+s18], $0x80, s21, s18, $0xb8;
	[tilespmem:$0x14710] =	vst v63  }
0x85: {  	s23 =	simm.s32 $0xE710;
	s22 =	sadd.s32 $0x80, s17  }
0x86: {  	[tilespmem:s23], [sflag:$0x6] =	stream.indirect.gather [hbm4b:s4+s18], $0x80, s22, s18, $0xb8;
	[tilespmem:$0x14710] =	vst v63  }
0x87: {  	s29 =	simm.s32 $0x12F10  }
0x88: {  	[tilespmem:s29], [sflag:$0x7] =	stream.indirect.gather [hbm4b:s5+s18], $0x10, s21, s18, $0xb8;
	[tilespmem:$0x14710] =	vst v63  }
0x89: {  	s29 =	simm.s32 $0x13F10  }
0x8a: {  	[tilespmem:s29], [sflag:$0x8] =	stream.indirect.gather [hbm4b:s5+s18], $0x10, s22, s18, $0xb8;
	[tilespmem:$0x14710] =	vst v63  }
0x8b: {  	s22 =	simm.s32 $0x1  }
0x8c: {  	_ =	swait.ge [sflag:s22], $0x4000  }
0x8d: {  	[sflag:s22] =	ssyncset.done $0x0  }
0x8e: {  	s23 =	simm.s32 $0x2;
	[sflag:s22] =	ssyncadd.s32 $0xFFFFC000  }
0x8f: {  	_ =	swait.ge [sflag:s23], $0x4000  }
0x90: {  	[sflag:s23] =	ssyncset.done $0x0  }
0x91: {  	s22 =	simm.s32 $0x3;
	[sflag:s23] =	ssyncadd.s32 $0xFFFFC000  }
0x92: {  	_ =	swait.ge [sflag:s22], $0x800  }
0x93: {  	[sflag:s22] =	ssyncset.done $0x0  }
0x94: {  	[sflag:s22] =	ssyncadd.s32 $0xFFFFF800  }
0x95: {  	_ =	swait.ge [sflag:s31], $0x800  }
0x96: {  	s19 =	sadd.s32 $0x1000, s19;
	s23 =	rddreg [dreg:$0x6];
	[sflag:s31] =	ssyncset.done $0x0  }
0x97: {  	s22 =	rddreg [dreg:$0x5];
	[sflag:s31] =	ssyncadd.s32 $0xFFFFF800;
	s21 =	sadd.s32 s19, s23  }
0x98: {  	[hbm4b:s21+s3] =	stream.linear.scatter [tilespmem:s24], [sflag:$0x9], $0x4000, $0x38;
	[tilespmem:$0x14710] =	vst v63  }
0x99: {  	s20 =	smov.u32 s16;
	s23 =	rddreg [dreg:$0x4];
	s21 =	sadd.s32 s19, s22  }
0x9a: {  	[hbm4b:s21+s3] =	stream.linear.scatter [tilespmem:s25], [sflag:$0xA], $0x4000, $0x38;
	[tilespmem:$0x14710] =	vst v63  }
0x9b: {  	s22 =	rddreg [dreg:$0x3];
	s23 =	sadd.s32 s20, s23  }
0x9c: {  	[hbm4b:s23+s3] =	stream.linear.scatter [tilespmem:s26], [sflag:$0xB], $0x800, $0x38;
	[tilespmem:$0x14710] =	vst v63  }
0x9d: {  	s22 =	sadd.s32 s20, s22  }
0x9e: {  	[hbm4b:s22+s3] =	stream.linear.scatter [tilespmem:s28], [sflag:$0xC], $0x800, $0x38;
	[tilespmem:$0x14710] =	vst v63  }
0x9f: {  	_ =	swait.ge [sflag:s0], $0x4000  }
0xa0: {  	[sflag:s0] =	ssyncset.done $0x0  }
0xa1: {  	[sflag:s0] =	ssyncadd.s32 $0xFFFFC000  }
0xa2: {  	_ =	swait.ge [sflag:s1], $0x4000  }
0xa3: {  	[sflag:s1] =	ssyncset.done $0x0  }
0xa4: {  	[sflag:s1] =	ssyncadd.s32 $0xFFFFC000  }
0xa5: {  	_ =	swait.ge [sflag:s6], $0x800  }
0xa6: {  	[sflag:s6] =	ssyncset.done $0x0  }
0xa7: {  	[sflag:s6] =	ssyncadd.s32 $0xFFFFF800  }
0xa8: {  	_ =	swait.ge [sflag:s7], $0x800  }
0xa9: {  	s23 =	rddreg [dreg:$0x9];
	[sflag:s7] =	ssyncset.done $0x0  }
0xaa: {  	s26 =	rddreg [dreg:$0xa];
	[sflag:s7] =	ssyncadd.s32 $0xFFFFF800;
	s21 =	sadd.s32 s19, s23  }
0xab: {  	[hbm4b:s21+s3] =	stream.linear.scatter [tilespmem:s30], [sflag:$0xD], $0x4000, $0x38;
	[tilespmem:$0x14710] =	vst v63  }
0xac: {  	s24 =	simm.s32 $0xE710;
	s23 =	rddreg [dreg:$0x7];
	s26 =	sadd.s32 s19, s26  }
0xad: {  	[hbm4b:s26+s3] =	stream.linear.scatter [tilespmem:s24], [sflag:$0xE], $0x4000, $0x38;
	[tilespmem:$0x14710] =	vst v63  }
0xae: {  	s25 =	simm.s32 $0x12F10;
	s22 =	rddreg [dreg:$0x8];
	s26 =	sadd.s32 s20, s23  }
0xaf: {  	[hbm4b:s26+s3] =	stream.linear.scatter [tilespmem:s25], [sflag:$0xF], $0x800, $0x38;
	[tilespmem:$0x14710] =	vst v63  }
0xb0: {  	s20 =	sadd.s32 s20, s22  }
0xb1: {  	[hbm4b:s20+s3] =	stream.linear.scatter [tilespmem:s29], [sflag:$0x10], $0x800, $0x38;
	[tilespmem:$0x14710] =	vst v63  }
0xb2: {  	_ =	swait.ge [sflag:s8], $0x4000  }
0xb3: {  	[sflag:s8] =	ssyncset.done $0x0  }
0xb4: {  	[sflag:s8] =	ssyncadd.s32 $0xFFFFC000  }
0xb5: {  	_ =	swait.ge [sflag:s9], $0x4000  }
0xb6: {  	[sflag:s9] =	ssyncset.done $0x0  }
0xb7: {  	[sflag:s9] =	ssyncadd.s32 $0xFFFFC000  }
0xb8: {  	_ =	swait.ge [sflag:s10], $0x800  }
0xb9: {  	[sflag:s10] =	ssyncset.done $0x0  }
0xba: {  	[sflag:s10] =	ssyncadd.s32 $0xFFFFF800  }
0xbb: {  	_ =	swait.ge [sflag:s11], $0x800  }
0xbc: {  	[sflag:s11] =	ssyncset.done $0x0  }
0xbd: {  	[sflag:s11] =	ssyncadd.s32 $0xFFFFF800  }
0xbe: {  	_ =	swait.ge [sflag:s12], $0x4000  }
0xbf: {  	[sflag:s12] =	ssyncset.done $0x0  }
0xc0: {  	[sflag:s12] =	ssyncadd.s32 $0xFFFFC000  }
0xc1: {  	_ =	swait.ge [sflag:s13], $0x4000  }
0xc2: {  	[sflag:s13] =	ssyncset.done $0x0  }
0xc3: {  	p0 =	sne.s32 s16, $0x2400;
	[sflag:s13] =	ssyncadd.s32 $0xFFFFC000  }
.Ltmp0:
0xc4: {  	_ =	swait.ge [sflag:s14], $0x800;
	(pc) =	sbr.rel @p0 .LBB2_2-.Ltmp0, $4  }
0xc5: {  	[sflag:s14] =	ssyncset.done $0x0  }
0xc6: {  	[sflag:s14] =	ssyncadd.s32 $0xFFFFF800  }
0xc7: {  	_ =	swait.ge [sflag:s15], $0x800  }
0xc8: {  	s16 =	sadd.s32 $0x200, s16;
	s2 =	sadd.s32 $0x100, s2;
	[sflag:s15] =	ssyncset.done $0x0  }
0xc9: {  	[sflag:s15] =	ssyncadd.s32 $0xFFFFF800  }
0xca: {  	s17 =	simm.s32 $0x2710;
	s16 =	simm.s32 $0x1300;
	s2 =	rddreg [dreg:$0x0]  }
0xcb: {  	[tilespmem:s17], [sflag:$0x1] =	stream.indirect.gather [hbm4b:s2+s18], $0x80, s16, s18, $0xb8;
	[tilespmem:$0x14710] =	vst v63  }
0xcc: {  	s19 =	simm.s32 $0xA710;
	s22 =	simm.s32 $0x2688  }
0xcd: {  	[tilespmem:s19], [sflag:$0x2] =	stream.indirect.gather [hbm4b:s4+s18], $0x80, s22, s18, $0xb8;
	[tilespmem:$0x14710] =	vst v63  }
0xce: {  	s20 =	simm.s32 $0x12710  }
0xcf: {  	[tilespmem:s20], [sflag:$0x3] =	stream.indirect.gather [hbm4b:s5+s18], $0x10, s16, s18, $0xb8;
	[tilespmem:$0x14710] =	vst v63  }
0xd0: {  	s21 =	simm.s32 $0x13710  }
0xd1: {  	[tilespmem:s21], [sflag:$0x4] =	stream.indirect.gather [hbm4b:s5+s18], $0x10, s22, s18, $0xb8;
	[tilespmem:$0x14710] =	vst v63  }
0xd2: {  	s22 =	simm.s32 $0x1  }
0xd3: {  	_ =	swait.ge [sflag:s22], $0x4000  }
0xd4: {  	[sflag:s22] =	ssyncset.done $0x0  }
0xd5: {  	s23 =	simm.s32 $0x2;
	[sflag:s22] =	ssyncadd.s32 $0xFFFFC000  }
0xd6: {  	_ =	swait.ge [sflag:s23], $0x4000  }
0xd7: {  	[sflag:s23] =	ssyncset.done $0x0  }
0xd8: {  	s26 =	simm.s32 $0x3;
	[sflag:s23] =	ssyncadd.s32 $0xFFFFC000  }
0xd9: {  	_ =	swait.ge [sflag:s26], $0x800  }
0xda: {  	[sflag:s26] =	ssyncset.done $0x0  }
0xdb: {  	[sflag:s26] =	ssyncadd.s32 $0xFFFFF800  }
0xdc: {  	_ =	swait.ge [sflag:s31], $0x800  }
0xdd: {  	[sflag:s31] =	ssyncset.done $0x0  }
0xde: {  	s16 =	rddreg [dreg:$0xd];
	[sflag:s31] =	ssyncadd.s32 $0xFFFFF800  }
0xdf: {  	[hbm4b:s16+s3] =	stream.linear.scatter [tilespmem:s17], [sflag:$0x9], $0x4000, $0x38;
	[tilespmem:$0x14710] =	vst v63  }
0xe0: {  	s16 =	rddreg [dreg:$0xe]  }
0xe1: {  	[hbm4b:s16+s3] =	stream.linear.scatter [tilespmem:s19], [sflag:$0xA], $0x4000, $0x38;
	[tilespmem:$0x14710] =	vst v63  }
0xe2: {  	s16 =	rddreg [dreg:$0xf]  }
0xe3: {  	[hbm4b:s16+s3] =	stream.linear.scatter [tilespmem:s20], [sflag:$0xB], $0x800, $0x38;
	[tilespmem:$0x14710] =	vst v63  }
0xe4: {  	s16 =	rddreg [dreg:$0x10]  }
0xe5: {  	[hbm4b:s16+s3] =	stream.linear.scatter [tilespmem:s21], [sflag:$0xC], $0x800, $0x38;
	[tilespmem:$0x14710] =	vst v63  }
0xe6: {  	_ =	swait.ge [sflag:s8], $0x4000  }
0xe7: {  	[sflag:s8] =	ssyncset.done $0x0  }
0xe8: {  	[sflag:s8] =	ssyncadd.s32 $0xFFFFC000  }
0xe9: {  	_ =	swait.ge [sflag:s9], $0x4000  }
0xea: {  	[sflag:s9] =	ssyncset.done $0x0  }
0xeb: {  	[sflag:s9] =	ssyncadd.s32 $0xFFFFC000  }
0xec: {  	_ =	swait.ge [sflag:s10], $0x800  }
0xed: {  	[sflag:s10] =	ssyncset.done $0x0  }
0xee: {  	[sflag:s10] =	ssyncadd.s32 $0xFFFFF800  }
0xef: {  	_ =	swait.ge [sflag:s11], $0x800  }
0xf0: {  	[sflag:s11] =	ssyncset.done $0x0  }
0xf1: {  	s16 =	simm.s32 $0x1380;
	[sflag:s11] =	ssyncadd.s32 $0xFFFFF800  }
0xf2: {  	[tilespmem:s17], [sflag:$0x1] =	stream.indirect.gather [hbm4b:s2+s7], $0x80, s16, s7, $0xb8;
	[tilespmem:$0x14710] =	vst v63  }
0xf3: {  	s2 =	simm.s32 $0x2708  }
0xf4: {  	[tilespmem:s19], [sflag:$0x2] =	stream.indirect.gather [hbm4b:s4+s7], $0x80, s2, s7, $0xb8;
	[tilespmem:$0x14710] =	vst v63  }
0xf5: {  	_ = 	snop  }
0xf6: {  	[tilespmem:s20], [sflag:$0x3] =	stream.indirect.gather [hbm4b:s5+s7], $0x10, s16, s7, $0xb8;
	[tilespmem:$0x14710] =	vst v63  }
0xf7: {  	_ = 	snop  }
0xf8: {  	[tilespmem:s21], [sflag:$0x4] =	stream.indirect.gather [hbm4b:s5+s7], $0x10, s2, s7, $0xb8;
	[tilespmem:$0x14710] =	vst v63  }
0xf9: {  	_ =	swait.ge [sflag:s22], $0x400  }
0xfa: {  	[sflag:s22] =	ssyncset.done $0x0  }
0xfb: {  	[sflag:s22] =	ssyncadd.s32 $0xFFFFFC00  }
0xfc: {  	_ =	swait.ge [sflag:s23], $0x400  }
0xfd: {  	[sflag:s23] =	ssyncset.done $0x0  }
0xfe: {  	[sflag:s23] =	ssyncadd.s32 $0xFFFFFC00  }
0xff: {  	_ =	swait.ge [sflag:s26], $0x80  }
0x100: {  	[sflag:s26] =	ssyncset.done $0x0  }
0x101: {  	[sflag:s26] =	ssyncadd.s32 $0xFFFFFF80  }
0x102: {  	_ =	swait.ge [sflag:s31], $0x80  }
0x103: {  	[sflag:s31] =	ssyncset.done $0x0  }
0x104: {  	s16 =	rddreg [dreg:$0x11];
	[sflag:s31] =	ssyncadd.s32 $0xFFFFFF80  }
0x105: {  	[hbm4b:s16+s3] =	stream.linear.scatter [tilespmem:s17], [sflag:$0x9], $0x400, $0x38;
	[tilespmem:$0x14710] =	vst v63  }
0x106: {  	s17 =	rddreg [dreg:$0x12]  }
0x107: {  	[hbm4b:s17+s3] =	stream.linear.scatter [tilespmem:s19], [sflag:$0xA], $0x400, $0x38;
	[tilespmem:$0x14710] =	vst v63  }
0x108: {  	s19 =	rddreg [dreg:$0x13]  }
0x109: {  	[hbm4b:s19+s3] =	stream.linear.scatter [tilespmem:s20], [sflag:$0xB], $0x80, $0x38;
	[tilespmem:$0x14710] =	vst v63  }
0x10a: {  	s22 =	rddreg [dreg:$0x14]  }
0x10b: {  	[hbm4b:s22+s3] =	stream.linear.scatter [tilespmem:s21], [sflag:$0xC], $0x80, $0x38;
	[tilespmem:$0x14710] =	vst v63  }
0x10c: {  	_ =	swait.ge [sflag:s8], $0x400  }
0x10d: {  	[sflag:s8] =	ssyncset.done $0x0  }
0x10e: {  	[sflag:s8] =	ssyncadd.s32 $0xFFFFFC00  }
0x10f: {  	_ =	swait.ge [sflag:s9], $0x400  }
0x110: {  	[sflag:s9] =	ssyncset.done $0x0  }
0x111: {  	[sflag:s9] =	ssyncadd.s32 $0xFFFFFC00  }
0x112: {  	_ =	swait.ge [sflag:s10], $0x80  }
0x113: {  	[sflag:s10] =	ssyncset.done $0x0  }
0x114: {  	[sflag:s10] =	ssyncadd.s32 $0xFFFFFF80  }
0x115: {  	_ =	swait.ge [sflag:s11], $0x80  }
0x116: {  	s23 =	rddreg [dreg:$0x16]  }
0x117: {  	s26 =	rddreg [dreg:$0x15];
	s16 =	sadd.s32 $0x1, s23  }
0x118: {  	p0 =	sne.s32 s16, s26  }
.Ltmp1:
0x119: {  	_ = 	snop;
	(pc) =	sbr.rel @p0 .LBB2_1-.Ltmp1, $3  }
0x11a: {  	_ =	sdelay $0x1  }
0x11b: {  	[sflag:s11] =	ssyncset.done $0x0  }
0x11c: {  	s19 =	simm.s32 $0x6710;
	[sflag:s11] =	ssyncadd.s32 $0xFFFFFF80  }
0x11d: {  	_ =	sfence.sel $0x180000  }
0x11e: {  	[bflag:$0x0] =	sbarrier.arrive $0xFFFF  }
0x11f: {  	_ =	strace $0x9000004A  }
0x120: {  	s0 =	stileid.u32;
	[bflag:$0x2] =	sbarrier.arrive $0xFFFF  }
0x121: {  	p0 =	sne.s32 s0, $0x0;
	s0 =	rddreg [dreg:$0x2]  }
0x122: {  	s0 =	sadd.s32 @!p0 $0x100000, s0  }
0x123: {  	[sflag:s0] =	ssyncadd.tile.s32 @!p0 $0x1;
	_ =	shalt  }
.Lfunc_end2:
_tile_overlayer_lowered:
.L_overlay_start_2:
0x124: {  	(tag) =	ssettag $0x2  }
0x125: {  	s0 =	rddreg [dreg:$0x0];
	s2 =	stileid.u32  }
0x126: {  	s1 =	rddreg [dreg:$0x1];
	p0 =	sne.s32 s2, $0x0  }
0x127: {  	s3 =	rddreg [dreg:$0x2];
	[bflag:$0x3] =	sbarrier.arrive $0xFFFF;
	s2 =	simm.s32 @!p0 $0x1C11  }
0x128: {  	[timem:s3], [sflag:s2] =	dma.local @!p0 [hbm:s0], s1  }
0x129: {  	s0 =	simm.s32 @!p0 $0x11  }
0x12a: {  	_ =	swait.ge @!p0 [sflag:s0], s1  }
0x12b: {  	s1 =	ssub.s32 @!p0 $0x0, s1;
	[sflag:s0] =	ssyncset.done @!p0 $0x0  }
0x12c: {  	[sflag:s0] =	ssyncadd.s32 @!p0 s1  }
0x12d: {  	[bflag:$0x3] =	sbarrier.arrive $0xFFFF  }
0x12e: {  	_ =	shalt  }

// kernel: kernel.19.cloned.1.call-start
scs
__scs_entry_jumppad:
0x0: {  	(pc) =	sbr.rel $0x88, $3  }
0x1: {  	(tag) =	ssettag $0x0;
	lr =	simm.s32 $0x1  }
0x2: {  	[smem:$0x3F93] =	sst lr;
	_ =	strace $0xD0000000  }
0x3: {  	_ = 	snop  }
0x4: {  	_ = 	snop  }
0x5: {  	_ = 	snop  }
0x6: {  	_ = 	snop  }
0x7: {  	_ = 	snop  }
__scs_overlays_trampoline_lowered:
0x8: {  	[smem:$0x3FA2] =	sst s0  }
0x9: {  	[smem:$0x3FA3] =	sst s1  }
0xa: {  	[smem:$0x3FA4] =	sst s2  }
0xb: {  	[smem:$0x3FA5] =	sst s3  }
0xc: {  	[smem:$0x3FA6] =	sst s4  }
0xd: {  	[smem:$0x3FA7] =	sst s5  }
0xe: {  	[smem:$0x3FA8] =	sst s6  }
0xf: {  	[smem:$0x3FA9] =	sst s7  }
0x10: {  	[smem:$0x3FAA] =	sst s8  }
0x11: {  	[smem:$0x3FAB] =	sst s9;
	s0 =	simm.s32 @!p0 $0x0  }
0x12: {  	s1 =	sld [smem:$0x3F91];
	s0 =	simm.s32 @p0 $0x1  }
0x13: {  	[smem:$0x3FAC] =	sst s0;
	s0 =	simm.s32 @!p1 $0x0  }
0x14: {  	s2 =	sld [smem:$0x3F90];
	s0 =	simm.s32 @p1 $0x1  }
0x15: {  	[smem:$0x3FAD] =	sst s0;
	s0 =	simm.s32 @!p2 $0x0  }
0x16: {  	s3 =	sld [smem:$0x3FDB];
	s0 =	simm.s32 @p2 $0x1  }
0x17: {  	s4 =	simm.s32 $0x1BF5;
	[smem:$0x3FAF] =	sst s0  }
0x18: {  	s0 =	sld [smem:$0x3F92];
	_ =	swait.ge [sflag:s4], $0x0  }
0x19: {  	s7 =	sld [smem:$0x3F93]  }
0x1a: {  	s8 =	sadd.s32 $0xFFFFE003, lr  }
0x1b: {  	s9 =	sadd.s32 $0xFFFFFEF7, lr;
	s5 =	simm.s32 $0xFFFFFFFF;
	p2 =	slt.u32 s8, $0xFFFFF086  }
0x1c: {  	p1 =	slt.u32 s9, $0xF7A;
	s5 =	simm.s32 @!p2 $0x0  }
0x1d: {  	s5 =	simm.s32 @p1 $0x1;
	p0 =	seq.s32 s7, s2  }
0x1e: {  	s7 =	smul.u32 @!p0 $0xF7A, s2;
	p2 =	seq.s32 @!p0 s5, $0x0  }
0x1f: {  	s9 =	smul.u32 $0xF7A, s1;
	s8 =	simm.s32 @!p0 $0x1BF5;
	p2 =	por !p2, p0  }
0x20: {  	[sflag:s8] =	ssyncset.s32 @!p0 $0xFFFFF086;
	s6 =	sadd.s32 @!p0 s3, s7;
	s7 =	simm.s32 @!p0 $0x108  }
0x21: {  	s3 =	sadd.s32 s3, s9;
	s6 =	sadd.s32 @!p0 $0x88, s6;
	s7 =	simm.s32 @p2 $0x1082  }
0x22: {  	[simem:s7], [sflag:s8] =	dma.local @!p0 [hbm:s6], $0xF7A  }
0x23: {  	s9 =	sor.u32 $0xD0000000, s2;
	s6 =	simm.s32 $0x108;
	_ =	swait.ge @!p0 [sflag:s8], $0x0  }
0x24: {  	s3 =	sadd.s32 $0x88, s3;
	s6 =	simm.s32 @!p1 $0x1082;
	[sflag:s4] =	ssyncset.s32 $0xFFFFF086  }
0x25: {  	[simem:s6], [sflag:s4] =	dma.local [hbm:s3], $0xF7A  }
0x26: {  	[smem:$0x3F93] =	sst s1;
	(tag) =	ssettag s2;
	_ =	strace s9  }
0x27: {  	s1 =	sld [smem:$0x3FA3]  }
0x28: {  	s2 =	sld [smem:$0x3FA4]  }
0x29: {  	s4 =	sld [smem:$0x3FA6]  }
0x2a: {  	p0 =	seq.s32 s5, $0x0;
	s5 =	sld [smem:$0x3FA7]  }
0x2b: {  	s6 =	sld [smem:$0x3FA8]  }
0x2c: {  	s7 =	sld [smem:$0x3FA9]  }
0x2d: {  	s3 =	simm.s32 $0x108;
	s8 =	sld [smem:$0x3FAA]  }
0x2e: {  	s3 =	simm.s32 @!p0 $0x1082;
	s9 =	sld [smem:$0x3FAB]  }
0x2f: {  	lr =	sadd.s32 s0, s3;
	s0 =	sld [smem:$0x3FA2]  }
0x30: {  	s3 =	sld [smem:$0x3FA5]  }
0x31: {  	[smem:$0x3FAE] =	sst s10  }
0x32: {  	s10 =	sld [smem:$0x3FAC];
	_ =	sdelay $0x3  }
0x33: {  	p0 =	seq.s32 s10, $0x1;
	s10 =	sld [smem:$0x3FAE];
	_ =	sdelay $0x3  }
0x34: {  	[smem:$0x3FAE] =	sst s10  }
0x35: {  	s10 =	sld [smem:$0x3FAD];
	_ =	sdelay $0x3  }
0x36: {  	p1 =	seq.s32 s10, $0x1;
	s10 =	sld [smem:$0x3FAE];
	_ =	sdelay $0x3  }
0x37: {  	[smem:$0x3FAE] =	sst s10  }
0x38: {  	s10 =	sld [smem:$0x3FAF]  }
0x39: {  	_ = 	snop;
	(pc) =	sbr.ind lr, $3  }
0x3a: {  	_ = 	snop  }
0x3b: {  	_ = 	snop  }
0x3c: {  	p2 =	seq.s32 s10, $0x1;
	s10 =	sld [smem:$0x3FAE]  }
0x3d: {  	_ =	shalt  }
0x3e: {  	_ =	shalt  }
0x3f: {  	_ =	shalt  }
0x40: {  	_ =	shalt  }
0x41: {  	_ =	shalt  }
0x42: {  	_ =	shalt  }
0x43: {  	_ =	shalt  }
0x44: {  	_ =	shalt  }
0x45: {  	_ =	shalt  }
0x46: {  	_ =	shalt  }
0x47: {  	_ =	shalt  }
0x48: {  	_ =	shalt  }
0x49: {  	_ =	shalt  }
0x4a: {  	_ =	shalt  }
0x4b: {  	_ =	shalt  }
0x4c: {  	_ =	shalt  }
0x4d: {  	_ =	shalt  }
0x4e: {  	_ =	shalt  }
0x4f: {  	_ =	shalt  }
0x50: {  	_ =	shalt  }
0x51: {  	_ =	shalt  }
0x52: {  	_ =	shalt  }
0x53: {  	_ =	shalt  }
0x54: {  	_ =	shalt  }
0x55: {  	_ =	shalt  }
0x56: {  	_ =	shalt  }
0x57: {  	_ =	shalt  }
0x58: {  	_ =	shalt  }
0x59: {  	_ =	shalt  }
0x5a: {  	_ =	shalt  }
0x5b: {  	_ =	shalt  }
0x5c: {  	_ =	shalt  }
0x5d: {  	_ =	shalt  }
0x5e: {  	_ =	shalt  }
0x5f: {  	_ =	shalt  }
0x60: {  	_ =	shalt  }
0x61: {  	_ =	shalt  }
0x62: {  	_ =	shalt  }
0x63: {  	_ =	shalt  }
0x64: {  	_ =	shalt  }
0x65: {  	_ =	shalt  }
0x66: {  	_ =	shalt  }
0x67: {  	_ =	shalt  }
0x68: {  	_ =	shalt  }
0x69: {  	_ =	shalt  }
0x6a: {  	_ =	shalt  }
0x6b: {  	_ =	shalt  }
0x6c: {  	_ =	shalt  }
0x6d: {  	_ =	shalt  }
0x6e: {  	_ =	shalt  }
0x6f: {  	_ =	shalt  }
0x70: {  	_ =	shalt  }
0x71: {  	_ =	shalt  }
0x72: {  	_ =	shalt  }
0x73: {  	_ =	shalt  }
0x74: {  	_ =	shalt  }
0x75: {  	_ =	shalt  }
0x76: {  	_ =	shalt  }
0x77: {  	_ =	shalt  }
0x78: {  	_ =	shalt  }
0x79: {  	_ =	shalt  }
0x7a: {  	_ =	shalt  }
0x7b: {  	_ =	shalt  }
0x7c: {  	_ =	shalt  }
0x7d: {  	_ =	shalt  }
0x7e: {  	_ =	shalt  }
0x7f: {  	_ =	shalt  }
0x80: {  	_ =	shalt  }
0x81: {  	_ =	shalt  }
0x82: {  	_ =	shalt  }
0x83: {  	_ =	shalt  }
0x84: {  	_ =	shalt  }
0x85: {  	_ =	shalt  }
0x86: {  	_ =	shalt  }
0x87: {  	_ =	shalt  }
.Lfunc_end0:
.L_simem_size_0:
called_computation.3_lowered:
.L_overlay_start_0:
0x88: {  	s2 =	sld [smem:$0x3FD9]  }
0x89: {  	s3 =	sld [smem:$0x3FFE];
	_ =	sdelay $0x1  }
0x8a: {  	s1 =	srdreg.scid  }
0x8b: {  	s0 =	sand.u32 $0x1, s1  }
0x8c: {  	s14 =	sshll.u32 s0, $0xA;
	s2 =	sadd.s32 s3, s2  }
0x8d: {  	s2 =	sadd.s32 s2, s14  }
0x8e: {  	[smem:$0x3FBA] =	sst s2  }
0x8f: {  	_ = 	snop  }
0x90: {  	s2 =	sld [smem:$0x3FD0];
	_ =	sdelay $0x2  }
0x91: {  	s15 =	simm.s32 $0xB;
	s4 =	simm.s32 $0x10  }
0x92: {  	[smem:s4], [sflag:s15] =	dma.local [hbm:s2], $0x1  }
0x93: {  	_ =	swait.eq [sflag:s15], $0x1  }
0x94: {  	[sflag:s15] =	ssyncset.done $0x0  }
0x95: {  	[sflag:s15] =	ssyncadd.s32 $0xFFFFFFFF  }
0x96: {  	s16 =	sld [smem:$0x10];
	(tm) =	ssettm $0x1  }
0x97: {  	s17 =	sld [smem:$0x3FFB];
	_ =	sdelay $0x3  }
0x98: {  	_ =	strace s17  }
0x99: {  	s3 =	sld [smem:$0x3FFC];
	_ =	sdelay $0x3  }
0x9a: {  	_ =	strace s3  }
0x9b: {  	s3 =	sld [smem:$0x3FFD];
	_ =	sdelay $0x3  }
0x9c: {  	_ =	strace s3  }
0x9d: {  	_ =	strace $0x8FFFFFFF  }
0x9e: {  	s18 =	sld [smem:$0x3FDB];
	_ =	sdelay $0x1  }
0x9f: {  	s19 =	simm.s32 $_scs_section_size  }
0xa0: {  	s5 =	simm.s32 $_size__tile_overlayer_lowered;
	s6 =	simm.s32 $_tile_overlayer_lowered  }
0xa1: {  	s22 =	simm.s32 $0x1BFF;
	s21 =	sshll.u32 s6, $0x1;
	s3 =	sadd.s32 s19, s18  }
0xa2: {  	s7 =	simm.s32 $0x0;
	s20 =	sshll.u32 s5, $0x1;
	s5 =	sadd.s32 s21, s3  }
0xa3: {  	[timem:s7], [sflag:s22] =	dma.local [hbm:s5], s20  }
0xa4: {  	_ =	swait.ge [sflag:s22], s20  }
0xa5: {  	s4 =	ssub.s32 $0x0, s20;
	[sflag:s22] =	ssyncset.done $0x0  }
0xa6: {  	[sflag:s22] =	ssyncadd.s32 s4;
	_ =	sdelay $0x1  }
0xa7: {  	s23 =	simm.s32 $0x1B8B  }
0xa8: {  	_ =	swait.ge [sflag:s23], $0x1  }
0xa9: {  	[sflag:s23] =	ssyncset.done $0x0  }
0xaa: {  	s25 =	simm.s32 $0x1B8E;
	s24 =	sld [smem:$0x3FFE];
	[sflag:s23] =	ssyncadd.s32 $0xFFFFFFFF  }
0xab: {  	s26 =	simm.s32 $execute0_lowered;
	[smem:$0x3FD2] =	sst s25  }
0xac: {  	s5 =	sshll.u32 s26, $0x1;
	_ =	strace $0x8000004F;
	[dreg:$0x1] =	wrdreg $0xFFFFFFFF  }
0xad: {  	s28 =	simm.s32 $_size_execute0_lowered;
	s3 =	sadd.s32 s3, s5;
	[dreg:$0x0] =	wrdreg $0x0  }
0xae: {  	s5 =	sshll.u32 s28, $0x1;
	[dreg:$0x2] =	wrdreg s3  }
0xaf: {  	[dreg:$0x3] =	wrdreg s5  }
0xb0: {  	[dreg:$0x4] =	wrdreg $0xC0  }
0xb1: {  	_ =	task [dreg:s7], $0x5FFFF  }
0xb2: {  	[dreg:$0x1] =	wrdreg $0xFFFFFFFF  }
0xb3: {  	[dreg:$0x0] =	wrdreg $0x60  }
0xb4: {  	[dreg:$0x2] =	wrdreg s24  }
0xb5: {  	[dreg:$0x3] =	wrdreg s16  }
0xb6: {  	[dreg:$0x4] =	wrdreg $0x5B880  }
0xb7: {  	[dreg:$0x5] =	wrdreg $0x194080  }
0xb8: {  	[dreg:$0x6] =	wrdreg $0x9  }
0xb9: {  	_ =	task.clear_ibuf [dreg:s7], $0x7FFFF;
	_ =	strace $0x9000004F  }
0xba: {  	s29 =	simm.s32 $0x9;
	_ =	strace $0x80000051  }
0xbb: {  	_ =	swait.ge [sflag:s29], $0x1  }
0xbc: {  	[sflag:s29] =	ssyncadd.s32 $0xFFFFFFFF  }
0xbd: {  	_ =	strace $0x90000051  }
0xbe: {  	_ =	sfence  }
0xbf: {  	s30 =	sld [smem:$0x0];
	_ =	sdelay $0x2  }
0xc0: {  	s31 =	sshll.u32 s1, $0xD;
	s1 =	sshrl.u32 s1, $0x2  }
0xc1: {  	s3 =	sand.u32 $0x4000, s31;
	s1 =	sadd.s32 s1, s30  }
0xc2: {  	s0 =	sor.u32 s3, s0;
	s1 =	sshll.u32 s1, $0x11  }
0xc3: {  	s0 =	sor.u32 s1, s0  }
0xc4: {  	s0 =	sadd.s32 $0x8F2B, s0  }
0xc5: {  	[sflag:s0] =	ssyncadd.remote.s32 $0x1  }
0xc6: {  	_ =	sfence.sel $0xFFFF  }
0xc7: {  	[dreg:$0x0] =	wrdreg $0xFFFFFFFF;
	(pc) =	sbr.abs _section_cstart, $3  }
0xc8: {  	[dreg:$0x1] =	wrdreg $0xFFFFFFFF  }
0xc9: {  	_ =	task.clear_ibuf [dreg:s7], $0x2FFFF;
	_ =	strace $0x9FFFFFFF  }
0xca: {  	(tm) =	ssettm $0x7FFFFFFF  }
0xcb: {  	_ =	shalt  }
tec
execute0_lowered:
.L_overlay_start_1:
0x0: {  	(tag) =	ssettag $0x1  }
0x1: {  	s5 =	rddreg [dreg:$0x0]  }
0x2: {  	s10 =	rddreg [dreg:$0x1]  }
0x3: {  	s1 =	rddreg [dreg:$0x2]  }
0x4: {  	s2 =	rddreg [dreg:$0x3];
	s3 =	srdreg.scid  }
0x5: {  	s0 =	rddreg [dreg:$0x4];
	s11 =	sand.u32 $0x1, s3  }
0x6: {  	s4 =	simm.s32 $0x0;
	s3 =	stileid.u32;
	s13 =	smul.u32 $0x4E20, s11  }
0x7: {  	[smem:$0x7FF] =	sst s4;
	s12 =	sadd.s32 $0x152EC00, s5;
	s15 =	smul.u32 $0x27100, s11  }
0x8: {  	s14 =	sadd.s32 $0x109AE00, s5;
	s6 =	sshll.u32 s11, $0x4;
	s17 =	smul.u32 $0x13880, s3  }
0x9: {  	_ =	strace $0x80000050;
	s7 =	ssub.s32 $0x2, s11;
	s19 =	smul.u32 $0x2710, s3  }
0xa: {  	s30 =	smul.u32 $0x138800, s11;
	s6 =	sor.u32 s3, s6;
	s28 =	sshrl.u32 s7, $0x1  }
0xb: {  	s8 =	smul.u32 $0x1388, s6;
	s9 =	sadd.s32 s13, s5;
	s16 =	sadd.s32 s15, s5  }
0xc: {  	s18 =	ssub.s32 s7, s28;
	s21 =	sshrl.u32 s17, $0x3;
	s7 =	sadd.s32 s19, s2  }
0xd: {  	s23 =	sshrl.u32 s19, $0x3;
	s26 =	sadd.s32 s10, s13;
	s31 =	sadd.s32 s15, s14  }
0xe: {  	s13 =	simm.s32 $0x1;
	s20 =	sadd.s32 $0xBBA00, s16;
	s22 =	sadd.s32 $0x109C00, s9  }
0xf: {  	s25 =	sadd.s32 $0x2D800, s16;
	s10 =	smax.u32 s18, $0x1;
	s11 =	sadd.s32 s19, s31  }
0x10: {  	s16 =	simm.s32 $0x1388;
	s18 =	simm.s32 $0x80;
	s19 =	simm.s32 $0x8  }
0x11: {  	s6 =	sshrl.u32 s8, $0x3;
	s8 =	sadd.s32 $0x1380, s8;
	s15 =	sadd.s32 s23, s22  }
0x12: {  	s22 =	sadd.s32 s23, s26;
	s23 =	simm.s32 $0x0;
	s6 =	sadd.s32 s6, s5  }
0x13: {  	s29 =	sshll.u32 s8, $0x4;
	s24 =	sshll.u32 s8, $0x1;
	s5 =	sadd.s32 $0x5E1E00, s6  }
0x14: {  	s6 =	sadd.s32 s17, s1;
	s8 =	sadd.s32 s12, s29;
	s9 =	sadd.s32 s14, s24  }
0x15: {  	s12 =	sadd.s32 s30, s12;
	s14 =	sadd.s32 s21, s20;
	s20 =	simm.s32 $0x1380  }
0x16: {  	s21 =	sadd.s32 s21, s25;
	s12 =	sadd.s32 s17, s12;
	s17 =	simm.s32 $0x5388  }
.LBB2_1:
0x17: {  	[tilespmem:s4], [sflag:$0x1] =	stream.linear.gather [hbm4b:s5+s4], $0x1388, $0x38;
	[tilespmem:$0x1BB18] =	vst v63  }
0x18: {  	_ =	swait.ge [sflag:s13], $0x1388  }
0x19: {  	s24 =	sshll.u32 s3, $0x6;
	[sflag:s13] =	ssyncset.done $0x0  }
0x1a: {  	s25 =	sshrl.u32 s6, $0x3;
	s24 =	sor.u32 $0x1C01, s24;
	[sflag:s13] =	ssyncadd.s32 $0xFFFFEC78  }
0x1b: {  	[spmem:s25], [sflag:s24] =	dma.local [hbm:s14], $0x2710  }
0x1c: {  	_ =	swait.ge [sflag:s13], $0x2710  }
0x1d: {  	[sflag:s13] =	ssyncset.done $0x0  }
0x1e: {  	s26 =	sshrl.u32 s7, $0x3;
	[sflag:s13] =	ssyncadd.s32 $0xFFFFD8F0  }
0x1f: {  	[spmem:s26], [sflag:s24] =	dma.local [hbm:s15], $0x4E2  }
0x20: {  	_ =	swait.ge [sflag:s13], $0x4E2  }
0x21: {  	[sflag:s13] =	ssyncset.done $0x0  }
0x22: {  	[sflag:s13] =	ssyncadd.s32 $0xFFFFFB1E  }
0x23: {  	[bflag:$0x0] =	sbarrier.arrive $0xFFFF  }
0x24: {  	[tilespmem:s16], [sflag:$0x1] =	stream.linear.gather [hbm4b:s12+s4], $0x4000, $0x38;
	[tilespmem:$0x1BB18] =	vst v63  }
0x25: {  	_ =	swait.ge [sflag:s13], $0x4000  }
0x26: {  	[sflag:s13] =	ssyncset.done $0x0  }
0x27: {  	s28 =	sadd.s32 $0x0, s11;
	[sflag:s13] =	ssyncadd.s32 $0xFFFFC000  }
0x28: {  	[tilespmem:s17], [sflag:$0x1] =	stream.linear.gather [hbm4b:s28+s4], $0x800, $0x38;
	[tilespmem:$0x1BB18] =	vst v63  }
0x29: {  	_ =	swait.ge [sflag:s13], $0x800  }
0x2a: {  	[sflag:s13] =	ssyncset.done $0x0  }
0x2b: {  	[sflag:s13] =	ssyncadd.s32 $0xFFFFF800  }
0x2c: {  	[spmem:s1] =	stream.indirect.scatter.add.f32 [tilespmem:s16], [sflag:$0x1], $0x80, s4, s18, $0xb8;
	[tilespmem:$0x1BB18] =	vst v63  }
0x2d: {  	_ =	swait.ge [sflag:s13], $0x4000  }
0x2e: {  	[sflag:s13] =	ssyncset.done $0x0  }
0x2f: {  	[sflag:s13] =	ssyncadd.s32 $0xFFFFC000  }
0x30: {  	[spmem:s2] =	stream.indirect.scatter.add.f32 [tilespmem:s17], [sflag:$0x1], $0x10, s4, s18, $0xb8;
	[tilespmem:$0x1BB18] =	vst v63  }
0x31: {  	s29 =	simm.s32 $0x0;
	_ =	swait.ge [sflag:s13], $0x800  }
0x32: {  	s30 =	smov.u32 s12;
	s28 =	simm.s32 $0x100;
	[sflag:s13] =	ssyncset.done $0x0  }
.LBB2_2:
0x33: {  	[sflag:s13] =	ssyncadd.s32 $0xFFFFF800  }
0x34: {  	s29 =	sadd.s32 $0x80, s29;
	s30 =	sadd.s32 $0x800, s30;
	s31 =	smov.u32 s28  }
0x35: {  	[tilespmem:s16], [sflag:$0x1] =	stream.linear.gather [hbm4b:s30+s4], $0x4000, $0x38;
	[tilespmem:$0x1BB18] =	vst v63  }
0x36: {  	p0 =	sne.s32 s28, $0x2600;
	s28 =	sadd.s32 $0x100, s28;
	_ =	swait.ge [sflag:s13], $0x4000  }
0x37: {  	[sflag:s13] =	ssyncset.done $0x0  }
0x38: {  	s31 =	sadd.s32 s31, s11;
	[sflag:s13] =	ssyncadd.s32 $0xFFFFC000  }
0x39: {  	[tilespmem:s17], [sflag:$0x1] =	stream.linear.gather [hbm4b:s31+s4], $0x800, $0x38;
	[tilespmem:$0x1BB18] =	vst v63  }
0x3a: {  	_ =	swait.ge [sflag:s13], $0x800  }
0x3b: {  	[sflag:s13] =	ssyncset.done $0x0  }
0x3c: {  	[sflag:s13] =	ssyncadd.s32 $0xFFFFF800  }
0x3d: {  	[spmem:s1] =	stream.indirect.scatter.add.f32 [tilespmem:s16], [sflag:$0x1], $0x80, s29, s18, $0xb8;
	[tilespmem:$0x1BB18] =	vst v63  }
0x3e: {  	_ =	swait.ge [sflag:s13], $0x4000  }
.Ltmp0:
0x3f: {  	[sflag:s13] =	ssyncset.done $0x0;
	(pc) =	sbr.rel @p0 .LBB2_2-.Ltmp0, $4  }
0x40: {  	[sflag:s13] =	ssyncadd.s32 $0xFFFFC000  }
0x41: {  	[spmem:s2] =	stream.indirect.scatter.add.f32 [tilespmem:s17], [sflag:$0x1], $0x10, s29, s18, $0xb8;
	[tilespmem:$0x1BB18] =	vst v63  }
0x42: {  	_ =	swait.ge [sflag:s13], $0x800  }
0x43: {  	[sflag:s13] =	ssyncset.done $0x0  }
0x44: {  	[sflag:s13] =	ssyncadd.s32 $0xFFFFF800  }
0x45: {  	[tilespmem:s16], [sflag:$0x1] =	stream.linear.gather [hbm4b:s8+s4], $0x400, $0x38;
	[tilespmem:$0x1BB18] =	vst v63  }
0x46: {  	_ =	swait.ge [sflag:s13], $0x400  }
0x47: {  	[sflag:s13] =	ssyncset.done $0x0  }
0x48: {  	[sflag:s13] =	ssyncadd.s32 $0xFFFFFC00  }
0x49: {  	[tilespmem:s17], [sflag:$0x1] =	stream.linear.gather [hbm4b:s9+s4], $0x80, $0x38;
	[tilespmem:$0x1BB18] =	vst v63  }
0x4a: {  	_ =	swait.ge [sflag:s13], $0x80  }
0x4b: {  	[sflag:s13] =	ssyncset.done $0x0  }
0x4c: {  	[sflag:s13] =	ssyncadd.s32 $0xFFFFFF80  }
0x4d: {  	[spmem:s1] =	stream.indirect.scatter.add.f32 [tilespmem:s16], [sflag:$0x1], $0x80, s20, s19, $0xb8;
	[tilespmem:$0x1BB18] =	vst v63  }
0x4e: {  	_ =	swait.ge [sflag:s13], $0x400  }
0x4f: {  	[sflag:s13] =	ssyncset.done $0x0  }
0x50: {  	[sflag:s13] =	ssyncadd.s32 $0xFFFFFC00  }
0x51: {  	[spmem:s2] =	stream.indirect.scatter.add.f32 [tilespmem:s17], [sflag:$0x1], $0x10, s20, s19, $0xb8;
	[tilespmem:$0x1BB18] =	vst v63  }
0x52: {  	_ =	swait.ge [sflag:s13], $0x80  }
0x53: {  	[sflag:s13] =	ssyncset.done $0x0  }
0x54: {  	[sflag:s13] =	ssyncadd.s32 $0xFFFFFF80  }
0x55: {  	[bflag:$0x0] =	sbarrier.arrive $0xFFFF  }
0x56: {  	[hbm:s21], [sflag:s24] =	dma.local [spmem:s25], $0x2710  }
0x57: {  	s23 =	sadd.s32 $0x1, s23;
	_ =	swait.ge [sflag:s13], $0x2710  }
0x58: {  	p0 =	sne.s32 s23, s10;
	[sflag:s13] =	ssyncset.done $0x0  }
.Ltmp1:
0x59: {  	[sflag:s13] =	ssyncadd.s32 $0xFFFFD8F0;
	(pc) =	sbr.rel @p0 .LBB2_1-.Ltmp1, $4  }
0x5a: {  	[hbm:s22], [sflag:s24] =	dma.local [spmem:s26], $0x4E2  }
0x5b: {  	_ =	swait.ge [sflag:s13], $0x4E2  }
0x5c: {  	[sflag:s13] =	ssyncset.done $0x0  }
0x5d: {  	[sflag:s13] =	ssyncadd.s32 $0xFFFFFB1E  }
0x5e: {  	_ =	sfence.sel $0x180000  }
0x5f: {  	[bflag:$0x0] =	sbarrier.arrive $0xFFFF  }
0x60: {  	p0 =	sne.s32 s3, $0x0;
	_ =	strace $0x90000050  }
0x61: {  	s0 =	sadd.s32 @!p0 $0x100000, s0;
	[bflag:$0x2] =	sbarrier.arrive $0xFFFF  }
0x62: {  	[sflag:s0] =	ssyncadd.tile.s32 @!p0 $0x1;
	_ =	shalt  }
.Lfunc_end2:
_tile_overlayer_lowered:
.L_overlay_start_2:
0x63: {  	(tag) =	ssettag $0x2  }
0x64: {  	s0 =	rddreg [dreg:$0x0];
	s2 =	stileid.u32  }
0x65: {  	s1 =	rddreg [dreg:$0x1];
	p0 =	sne.s32 s2, $0x0  }
0x66: {  	s3 =	rddreg [dreg:$0x2];
	[bflag:$0x3] =	sbarrier.arrive $0xFFFF;
	s2 =	simm.s32 @!p0 $0x1C01  }
0x67: {  	[timem:s3], [sflag:s2] =	dma.local @!p0 [hbm:s0], s1  }
0x68: {  	s0 =	simm.s32 @!p0 $0x1  }
0x69: {  	_ =	swait.ge @!p0 [sflag:s0], s1  }
0x6a: {  	s1 =	ssub.s32 @!p0 $0x0, s1;
	[sflag:s0] =	ssyncset.done @!p0 $0x0  }
0x6b: {  	[sflag:s0] =	ssyncadd.s32 @!p0 s1  }
0x6c: {  	[bflag:$0x3] =	sbarrier.arrive $0xFFFF  }
0x6d: {  	_ =	shalt  }

</sc_bundles>
